<compile_context>
chip_gen: v7x
topology: tpu7x:2x2x1
jax: 0.10.2.dev20260603
libtpu: 0.0.44.dev20260713+nightly
codegen_flags: <defaults>
</compile_context>

<pallas_src>
import functools
import jax
import jax.numpy as jnp
from jax import lax
from jax.experimental import pallas as pl
from jax.experimental.pallas import tpu as pltpu, tpu_sc as plsc

CHANNELS = 64
NVEC = CHANNELS // 16
EPS = 1e-5


def _rsqrt(x):
    i = lax.bitcast_convert_type(x, jnp.int32)
    i = jnp.int32(0x5F3759DF) - (i >> 1)
    y = lax.bitcast_convert_type(i, jnp.float32)
    for _ in range(3):
        y = y * (1.5 - 0.5 * x * y * y)
    return y


def _row_stats(vs):
    s = vs[0] + vs[1] + vs[2] + vs[3]
    q = vs[0] * vs[0] + vs[1] * vs[1] + vs[2] * vs[2] + vs[3] * vs[3]
    hs = jnp.sum(s)
    hq = jnp.sum(q)
    mu = hs * (1.0 / CHANNELS)
    var = hq * (1.0 / CHANNELS) - mu * mu
    return mu, _rsqrt(var + EPS)


POS_ROWS = 2048


def _main_kernel(tok_idx, pos_idx, token_table, pos_table,
                 tok_gamma, tok_beta, pos_gamma, pos_beta):
    NC, NS = 2, 16
    NW = NC * NS
    PPW = POS_ROWS // NS
    N = tok_idx.shape[0]
    GROUP = 128
    rpw = N // NW
    ngroups = rpw // GROUP

    @functools.partial(
        pl.kernel,
        out_type=jax.ShapeDtypeStruct((N, CHANNELS), jnp.float32),
        mesh=plsc.VectorSubcoreMesh(core_axis_name="c", subcore_axis_name="s"),
        compiler_params=pltpu.CompilerParams(needs_layout_passes=False, use_tc_tiling_on_sc=False),
        scratch_types=[
            pltpu.VMEM((rpw,), jnp.int32),
            pltpu.VMEM((rpw,), jnp.int32),
            pltpu.VMEM((2, GROUP, CHANNELS), jnp.float32),
            pltpu.VMEM((2, GROUP, CHANNELS), jnp.float32),
            pltpu.VMEM((2, GROUP, CHANNELS), jnp.float32),
            pltpu.VMEM((PPW, CHANNELS), jnp.float32),
            pltpu.VMEM((CHANNELS,), jnp.float32),
            pltpu.VMEM((CHANNELS,), jnp.float32),
            pltpu.VMEM_SHARED((POS_ROWS, CHANNELS), jnp.float32),
            pltpu.SemaphoreType.DMA((2,)),
            pltpu.SemaphoreType.DMA((2,)),
            pltpu.SemaphoreType.DMA((2,)),
        ],
    )
    def k(ti_hbm, pi_hbm, tab_hbm, ptab_hbm, tg_hbm, tb_hbm, pg_hbm, pb_hbm,
          out_hbm, idx_t, idx_p, tok_buf, pos_buf, out_buf, pstage, gv, bv,
          pos_sp, sem_t, sem_p, sem_o):
        sid = lax.axis_index("s")
        wid = sid * NC + lax.axis_index("c")
        base = wid * rpw

        pltpu.sync_copy(pg_hbm, gv)
        pltpu.sync_copy(pb_hbm, bv)
        pltpu.sync_copy(ptab_hbm.at[pl.ds(sid * PPW, PPW)], pstage)
        pg = [gv[pl.ds(16 * k, 16)] for k in range(NVEC)]
        pb = [bv[pl.ds(16 * k, 16)] for k in range(NVEC)]

        def prow(r, _):
            vs = [pstage[r, pl.ds(16 * k, 16)] for k in range(NVEC)]
            mu, inv = _row_stats(vs)
            for k in range(NVEC):
                pstage[r, pl.ds(16 * k, 16)] = (vs[k] - mu) * inv * pg[k] + pb[k]
            return 0

        lax.fori_loop(0, PPW, prow, 0)
        pltpu.sync_copy(pstage, pos_sp.at[pl.ds(sid * PPW, PPW)])

        pltpu.sync_copy(ti_hbm.at[pl.ds(base, rpw)], idx_t)
        pltpu.sync_copy(pi_hbm.at[pl.ds(base, rpw)], idx_p)
        pltpu.sync_copy(tg_hbm, gv)
        pltpu.sync_copy(tb_hbm, bv)
        g = [gv[pl.ds(16 * k, 16)] for k in range(NVEC)]
        b = [bv[pl.ds(16 * k, 16)] for k in range(NVEC)]
        plsc.subcore_barrier()

        def fire_gather(gi, nb):
            pltpu.async_copy(
                tab_hbm.at[idx_t.at[pl.ds(gi * GROUP, GROUP)]],
                tok_buf.at[nb], sem_t.at[nb])
            pltpu.async_copy(
                pos_sp.at[idx_p.at[pl.ds(gi * GROUP, GROUP)]],
                pos_buf.at[nb], sem_p.at[nb])

        def wait_gather(gi, nb):
            pltpu.make_async_copy(tab_hbm.at[idx_t.at[pl.ds(gi * GROUP, GROUP)]],
                                  tok_buf.at[nb], sem_t.at[nb]).wait()
            pltpu.make_async_copy(pos_sp.at[idx_p.at[pl.ds(gi * GROUP, GROUP)]],
                                  pos_buf.at[nb], sem_p.at[nb]).wait()

        def fire_out(gi, nb):
            pltpu.async_copy(out_buf.at[nb],
                             out_hbm.at[pl.ds(base + gi * GROUP, GROUP)],
                             sem_o.at[nb])

        def wait_out(gi, nb):
            pltpu.make_async_copy(out_buf.at[nb],
                                  out_hbm.at[pl.ds(base + gi * GROUP, GROUP)],
                                  sem_o.at[nb]).wait()

        def compute(nb):
            def row(r, _):
                vs = [tok_buf[nb, r, pl.ds(16 * k, 16)] for k in range(NVEC)]
                mu, inv = _row_stats(vs)
                for k in range(NVEC):
                    out_buf[nb, r, pl.ds(16 * k, 16)] = (
                        (vs[k] - mu) * inv * g[k] + b[k]
                        + pos_buf[nb, r, pl.ds(16 * k, 16)]
                    )
                return 0

            lax.fori_loop(0, GROUP, row, 0)

        fire_gather(0, 0)
        fire_gather(1, 1)
        for nb in (0, 1):
            wait_gather(nb, nb)
            compute(nb)
            fire_out(nb, nb)
            fire_gather(nb + 2, nb)

        def pair(i, _):
            for nb in (0, 1):
                gi = 2 * i + nb
                wait_gather(gi, nb)
                wait_out(gi - 2, nb)
                compute(nb)
                fire_out(gi, nb)
                fire_gather(gi + 2, nb)
            return 0

        lax.fori_loop(1, ngroups // 2 - 1, pair, 0)

        for nb in (0, 1):
            gi = ngroups - 2 + nb
            wait_gather(gi, nb)
            wait_out(gi - 2, nb)
            compute(nb)
            fire_out(gi, nb)
        for nb in (0, 1):
            wait_out(ngroups - 2 + nb, nb)

    return k(tok_idx, pos_idx, token_table, pos_table,
             tok_gamma, tok_beta, pos_gamma, pos_beta)


@jax.jit
def kernel(token_x, time_step, token_table, pos_table,
           tok_gamma, tok_beta, pos_gamma, pos_beta):
    B, S = token_x.shape
    out = _main_kernel(
        token_x.reshape(-1), time_step.reshape(-1),
        token_table, pos_table, tok_gamma, tok_beta, pos_gamma, pos_beta,
    )
    return out.reshape(B, S, CHANNELS)

# --- scband reference (transcript-rebuilt; emitter-appended) ---
"""Pipeline reference for scband-auto-embedding-27230092656865 (READ-ONLY COPY).

The authoritative reference and input builder live on the scoring server;
editing this copy changes nothing except your own understanding.
"""

import jax, jax.numpy as jnp
import numpy as np

CHANNELS = 64
TOKEN_VOCAB = 1000000
MAX_STEPS = 2048
BATCH = 4096
SEQ = 200


def layer_norm(x, gamma, beta, eps=1e-5):
    mu = jnp.mean(x, axis=-1, keepdims=True)
    var = jnp.var(x, axis=-1, keepdims=True)
    return (x - mu) / jnp.sqrt(var + eps) * gamma + beta


def setup_inputs(seed: int = 0) -> dict:
    key = jax.random.key(seed)
    k1, k2, k3, k4 = jax.random.split(key, 4)
    token_x = jax.random.randint(k1, (BATCH, SEQ), 0, TOKEN_VOCAB, dtype=jnp.int64 if jax.config.read('jax_enable_x64') else jnp.int32).astype(jnp.int32)
    time_step = jax.random.randint(k2, (BATCH, SEQ), 0, MAX_STEPS).astype(jnp.int32)
    token_table = jax.random.normal(k3, (TOKEN_VOCAB, CHANNELS), dtype=jnp.float32) * 0.02
    pos_table = jax.random.normal(k4, (MAX_STEPS, CHANNELS), dtype=jnp.float32) * 0.02
    tok_gamma = jnp.ones((CHANNELS,), dtype=jnp.float32)
    tok_beta = jnp.zeros((CHANNELS,), dtype=jnp.float32)
    pos_gamma = jnp.ones((CHANNELS,), dtype=jnp.float32)
    pos_beta = jnp.zeros((CHANNELS,), dtype=jnp.float32)
    return {
        'token_x': token_x,
        'time_step': time_step,
        'token_table': token_table,
        'pos_table': pos_table,
        'tok_gamma': tok_gamma,
        'tok_beta': tok_beta,
        'pos_gamma': pos_gamma,
        'pos_beta': pos_beta,
    }


def reference(token_x, time_step, token_table, pos_table, tok_gamma, tok_beta, pos_gamma, pos_beta):
    # TokenEmbedding lookup (dropout is identity in eval) followed by token_norm
    tok = jnp.take(token_table, token_x, axis=0)
    tok = layer_norm(tok, tok_gamma, tok_beta)
    # LearnedPositionalEncoding lookup by time step followed by temporal_norm
    pos = jnp.take(pos_table, time_step, axis=0)
    pos = layer_norm(pos, pos_gamma, pos_beta)
    return tok + pos

if __name__ == "__main__":
    import jax
    _d = setup_inputs()
    print(jax.jit(kernel)(*tuple(_d.values())))

</pallas_src>

<mosaic_0001>
#map = affine_map<(d0, d1) -> (0)>
#map1 = affine_map<(d0, d1) -> (0, 0)>
module attributes {stable_mosaic.version = 14 : i64} {
  func.func @k(%arg0: i32, %arg1: i32, %arg2: memref<819200xi32, #tpu.memory_space<hbm>>, %arg3: memref<819200xi32, #tpu.memory_space<hbm>>, %arg4: memref<1000000x64xf32, #tpu.memory_space<hbm>>, %arg5: memref<2048x64xf32, #tpu.memory_space<hbm>>, %arg6: memref<64xf32, #tpu.memory_space<hbm>>, %arg7: memref<64xf32, #tpu.memory_space<hbm>>, %arg8: memref<64xf32, #tpu.memory_space<hbm>>, %arg9: memref<64xf32, #tpu.memory_space<hbm>>, %arg10: memref<819200x64xf32, #tpu.memory_space<hbm>>, %arg11: memref<25600xi32, #tpu.memory_space<vmem>>, %arg12: memref<25600xi32, #tpu.memory_space<vmem>>, %arg13: memref<2x128x64xf32, #tpu.memory_space<vmem>>, %arg14: memref<2x128x64xf32, #tpu.memory_space<vmem>>, %arg15: memref<2x128x64xf32, #tpu.memory_space<vmem>>, %arg16: memref<128x64xf32, #tpu.memory_space<vmem>>, %arg17: memref<64xf32, #tpu.memory_space<vmem>>, %arg18: memref<64xf32, #tpu.memory_space<vmem>>, %arg19: memref<2048x64xf32, #tpu.memory_space<vmem_shared>>, %arg20: memref<2x!tpu.dma_semaphore, #tpu.memory_space<semaphore_mem>>, %arg21: memref<2x!tpu.dma_semaphore, #tpu.memory_space<semaphore_mem>>, %arg22: memref<2x!tpu.dma_semaphore, #tpu.memory_space<semaphore_mem>>) attributes {dimension_semantics = [#tpu.dimension_semantics<core_parallel>, #tpu.dimension_semantics<subcore_parallel>], iteration_bounds = array<i64: 2, 16>, scalar_prefetch = 0 : i64, scratch_operands = 12 : i64, tpu.core_type = #tpu.core_type<sc_vector_subcore>, window_params = [{transform_indices = #map}, {transform_indices = #map}, {transform_indices = #map1}, {transform_indices = #map1}, {transform_indices = #map}, {transform_indices = #map}, {transform_indices = #map}, {transform_indices = #map}, {transform_indices = #map1}]} {
    %mul3A = arith.constant 2 : i32
    %mul3A_0 = arith.muli %arg1, %mul3A : i32
    %add3A = arith.addi %mul3A_0, %arg0 : i32
    %mul3A_1 = arith.constant 25600 : i32
    %mul3A_2 = arith.muli %add3A, %mul3A_1 : i32
    "tpu.region"() ({
      %run_scoped3A = tpu.sem_alloc : memref<!tpu.dma_semaphore, #tpu.memory_space<semaphore_mem>>
      tpu.enqueue_dma source(%arg8 : memref<64xf32, #tpu.memory_space<hbm>>) target(%arg17 : memref<64xf32, #tpu.memory_space<vmem>>) target_semaphore(%run_scoped3A : memref<!tpu.dma_semaphore, #tpu.memory_space<semaphore_mem>>)
      tpu.wait_dma2 semaphore(%run_scoped3A : memref<!tpu.dma_semaphore, #tpu.memory_space<semaphore_mem>>) src(%arg8 : memref<64xf32, #tpu.memory_space<hbm>>) dst(%arg17 : memref<64xf32, #tpu.memory_space<vmem>>)
      tpu.yield
    }) : () -> ()
    "tpu.region"() ({
      %run_scoped3A = tpu.sem_alloc : memref<!tpu.dma_semaphore, #tpu.memory_space<semaphore_mem>>
      tpu.enqueue_dma source(%arg9 : memref<64xf32, #tpu.memory_space<hbm>>) target(%arg18 : memref<64xf32, #tpu.memory_space<vmem>>) target_semaphore(%run_scoped3A : memref<!tpu.dma_semaphore, #tpu.memory_space<semaphore_mem>>)
      tpu.wait_dma2 semaphore(%run_scoped3A : memref<!tpu.dma_semaphore, #tpu.memory_space<semaphore_mem>>) src(%arg9 : memref<64xf32, #tpu.memory_space<hbm>>) dst(%arg18 : memref<64xf32, #tpu.memory_space<vmem>>)
      tpu.yield
    }) : () -> ()
    %mul3A_3 = arith.constant 128 : i32
    %mul3A_4 = arith.muli %arg1, %mul3A_3 : i32
    "tpu.region"() ({
      %run_scoped3A = tpu.sem_alloc : memref<!tpu.dma_semaphore, #tpu.memory_space<semaphore_mem>>
      %dma_start3A_429 = arith.constant 0 : i32
      %dma_start3A_430 = tpu.memref_slice %arg5[%mul3A_4, %dma_start3A_429] : memref<2048x64xf32, #tpu.memory_space<hbm>> -> memref<128x64xf32, #tpu.memory_space<hbm>>
      %dma_start3A_431 = arith.constant 0 : i32
      %dma_start3A_432 = tpu.memref_slice %arg5[%mul3A_4, %dma_start3A_431] : memref<2048x64xf32, #tpu.memory_space<hbm>> -> memref<128x64xf32, #tpu.memory_space<hbm>>
      tpu.enqueue_dma source(%dma_start3A_432 : memref<128x64xf32, #tpu.memory_space<hbm>>) target(%arg16 : memref<128x64xf32, #tpu.memory_space<vmem>>) target_semaphore(%run_scoped3A : memref<!tpu.dma_semaphore, #tpu.memory_space<semaphore_mem>>)
      %dma_wait3A_433 = arith.constant 0 : i32
      %dma_wait3A_434 = tpu.memref_slice %arg5[%mul3A_4, %dma_wait3A_433] : memref<2048x64xf32, #tpu.memory_space<hbm>> -> memref<128x64xf32, #tpu.memory_space<hbm>>
      %dma_wait3A_435 = arith.constant 0 : i32
      %dma_wait3A_436 = tpu.memref_slice %arg5[%mul3A_4, %dma_wait3A_435] : memref<2048x64xf32, #tpu.memory_space<hbm>> -> memref<128x64xf32, #tpu.memory_space<hbm>>
      tpu.wait_dma2 semaphore(%run_scoped3A : memref<!tpu.dma_semaphore, #tpu.memory_space<semaphore_mem>>) src(%dma_wait3A_436 : memref<128x64xf32, #tpu.memory_space<hbm>>) dst(%arg16 : memref<128x64xf32, #tpu.memory_space<vmem>>)
      tpu.yield
    }) : () -> ()
    %get3A = arith.constant 0 : index
    %get3A_5 = tpu.vector_load %arg17[%get3A] {strides = array<i32>} : memref<64xf32, #tpu.memory_space<vmem>>, vector<16xf32>,
    %get3A_6 = arith.constant 16 : index
    %get3A_7 = tpu.vector_load %arg17[%get3A_6] {strides = array<i32>} : memref<64xf32, #tpu.memory_space<vmem>>, vector<16xf32>,
    %get3A_8 = arith.constant 32 : index
    %get3A_9 = tpu.vector_load %arg17[%get3A_8] {strides = array<i32>} : memref<64xf32, #tpu.memory_space<vmem>>, vector<16xf32>,
    %get3A_10 = arith.constant 48 : index
    %get3A_11 = tpu.vector_load %arg17[%get3A_10] {strides = array<i32>} : memref<64xf32, #tpu.memory_space<vmem>>, vector<16xf32>,
    %get3A_12 = arith.constant 0 : index
    %get3A_13 = tpu.vector_load %arg18[%get3A_12] {strides = array<i32>} : memref<64xf32, #tpu.memory_space<vmem>>, vector<16xf32>,
    %get3A_14 = arith.constant 16 : index
    %get3A_15 = tpu.vector_load %arg18[%get3A_14] {strides = array<i32>} : memref<64xf32, #tpu.memory_space<vmem>>, vector<16xf32>,
    %get3A_16 = arith.constant 32 : index
    %get3A_17 = tpu.vector_load %arg18[%get3A_16] {strides = array<i32>} : memref<64xf32, #tpu.memory_space<vmem>>, vector<16xf32>,
    %get3A_18 = arith.constant 48 : index
    %get3A_19 = tpu.vector_load %arg18[%get3A_18] {strides = array<i32>} : memref<64xf32, #tpu.memory_space<vmem>>, vector<16xf32>,
    %scan3A = arith.constant 0 : i32
    %scan3A_20 = arith.constant 0 : i32
    %scan3A_21 = arith.constant 128 : i32
    %scan3A_22 = arith.addi %scan3A_20, %scan3A_21 : i32
    %scan3A_23 = arith.constant 1 : i32
    %scan3A_24 = scf.for %scan3A_429 = %scan3A_20 to %scan3A_22 step %scan3A_23 iter_args(%scan3A_430 = %scan3A) -> (i32)  : i32 {
      %get3A_431 = arith.index_cast %scan3A_429 : i32 to index
      %get3A_432 = arith.constant 0 : index
      %get3A_433 = tpu.vector_load %arg16[%get3A_431, %get3A_432] {strides = array<i32>} : memref<128x64xf32, #tpu.memory_space<vmem>>, vector<16xf32>,
      %get3A_434 = arith.index_cast %scan3A_429 : i32 to index
      %get3A_435 = arith.constant 16 : index
      %get3A_436 = tpu.vector_load %arg16[%get3A_434, %get3A_435] {strides = array<i32>} : memref<128x64xf32, #tpu.memory_space<vmem>>, vector<16xf32>,
      %get3A_437 = arith.index_cast %scan3A_429 : i32 to index
      %get3A_438 = arith.constant 32 : index
      %get3A_439 = tpu.vector_load %arg16[%get3A_437, %get3A_438] {strides = array<i32>} : memref<128x64xf32, #tpu.memory_space<vmem>>, vector<16xf32>,
      %get3A_440 = arith.index_cast %scan3A_429 : i32 to index
      %get3A_441 = arith.constant 48 : index
      %get3A_442 = tpu.vector_load %arg16[%get3A_440, %get3A_441] {strides = array<i32>} : memref<128x64xf32, #tpu.memory_space<vmem>>, vector<16xf32>,
      %add3A_443 = arith.addf %get3A_433, %get3A_436 : vector<16xf32>
      %add3A_444 = arith.addf %add3A_443, %get3A_439 : vector<16xf32>
      %add3A_445 = arith.addf %add3A_444, %get3A_442 : vector<16xf32>
      %mul3A_446 = arith.mulf %get3A_433, %get3A_433 : vector<16xf32>
      %mul3A_447 = arith.mulf %get3A_436, %get3A_436 : vector<16xf32>
      %add3A_448 = arith.addf %mul3A_446, %mul3A_447 : vector<16xf32>
      %mul3A_449 = arith.mulf %get3A_439, %get3A_439 : vector<16xf32>
      %add3A_450 = arith.addf %add3A_448, %mul3A_449 : vector<16xf32>
      %mul3A_451 = arith.mulf %get3A_442, %get3A_442 : vector<16xf32>
      %add3A_452 = arith.addf %add3A_450, %mul3A_451 : vector<16xf32>
      %reduce_sum3A = arith.constant true
      %reduce_sum3A_453 = vector.broadcast %reduce_sum3A : i1 to vector<16xi1>
      %reduce_sum3A_454 = tpu.scan <sum>, %add3A_445 masked %reduce_sum3A_453 : vector<16xf32>, vector<16xi1> -> vector<16xf32>
      %reduce_sum3A_455 = vector.extract %reduce_sum3A_454[15] : f32 from vector<16xf32>
      %reduce_sum3A_456 = arith.constant true
      %reduce_sum3A_457 = vector.broadcast %reduce_sum3A_456 : i1 to vector<16xi1>
      %reduce_sum3A_458 = tpu.scan <sum>, %add3A_452 masked %reduce_sum3A_457 : vector<16xf32>, vector<16xi1> -> vector<16xf32>
      %reduce_sum3A_459 = vector.extract %reduce_sum3A_458[15] : f32 from vector<16xf32>
      %mul3A_460 = arith.constant 1.562500e-02 : f32
      %mul3A_461 = arith.mulf %reduce_sum3A_455, %mul3A_460 : f32
      %mul3A_462 = arith.constant 1.562500e-02 : f32
      %mul3A_463 = arith.mulf %reduce_sum3A_459, %mul3A_462 : f32
      %mul3A_464 = arith.mulf %mul3A_461, %mul3A_461 : f32
      %sub3A = arith.subf %mul3A_463, %mul3A_464 : f32
      %add3A_465 = arith.constant 9.99999974E-6 : f32
      %add3A_466 = arith.addf %sub3A, %add3A_465 : f32
      %bitcast_convert_type3A = arith.bitcast %add3A_466 : f32 to i32
      %shift_right_arithmetic3A = arith.constant 1 : i32
      %shift_right_arithmetic3A_467 = arith.shrsi %bitcast_convert_type3A, %shift_right_arithmetic3A : i32
      %sub3A_468 = arith.constant 1597463007 : i32
      %sub3A_469 = arith.subi %sub3A_468, %shift_right_arithmetic3A_467 : i32
      %bitcast_convert_type3A_470 = arith.bitcast %sub3A_469 : i32 to f32
      %mul3A_471 = arith.constant 5.000000e-01 : f32
      %mul3A_472 = arith.mulf %mul3A_471, %add3A_466 : f32
      %mul3A_473 = arith.mulf %mul3A_472, %bitcast_convert_type3A_470 : f32
      %mul3A_474 = arith.mulf %mul3A_473, %bitcast_convert_type3A_470 : f32
      %sub3A_475 = arith.constant 1.500000e+00 : f32
      %sub3A_476 = arith.subf %sub3A_475, %mul3A_474 : f32
      %mul3A_477 = arith.mulf %bitcast_convert_type3A_470, %sub3A_476 : f32
      %mul3A_478 = arith.constant 5.000000e-01 : f32
      %mul3A_479 = arith.mulf %mul3A_478, %add3A_466 : f32
      %mul3A_480 = arith.mulf %mul3A_479, %mul3A_477 : f32
      %mul3A_481 = arith.mulf %mul3A_480, %mul3A_477 : f32
      %sub3A_482 = arith.constant 1.500000e+00 : f32
      %sub3A_483 = arith.subf %sub3A_482, %mul3A_481 : f32
      %mul3A_484 = arith.mulf %mul3A_477, %sub3A_483 : f32
      %mul3A_485 = arith.constant 5.000000e-01 : f32
      %mul3A_486 = arith.mulf %mul3A_485, %add3A_466 : f32
      %mul3A_487 = arith.mulf %mul3A_486, %mul3A_484 : f32
      %mul3A_488 = arith.mulf %mul3A_487, %mul3A_484 : f32
      %sub3A_489 = arith.constant 1.500000e+00 : f32
      %sub3A_490 = arith.subf %sub3A_489, %mul3A_488 : f32
      %mul3A_491 = arith.mulf %mul3A_484, %sub3A_490 : f32
      %sub3A_492 = vector.broadcast %mul3A_461 : f32 to vector<16xf32>
      %sub3A_493 = arith.subf %get3A_433, %sub3A_492 : vector<16xf32>
      %mul3A_494 = vector.broadcast %mul3A_491 : f32 to vector<16xf32>
      %mul3A_495 = arith.mulf %sub3A_493, %mul3A_494 : vector<16xf32>
      %mul3A_496 = arith.mulf %mul3A_495, %get3A_5 : vector<16xf32>
      %add3A_497 = arith.addf %mul3A_496, %get3A_13 : vector<16xf32>
      %swap3A = arith.index_cast %scan3A_429 : i32 to index
      %swap3A_498 = arith.constant 0 : index
      %swap3A_499 = tpu.vector_load %arg16[%swap3A, %swap3A_498] {strides = array<i32>} : memref<128x64xf32, #tpu.memory_space<vmem>>, vector<16xf32>,
      tpu.vector_store %arg16[%swap3A, %swap3A_498], %add3A_497 {strides = array<i32>} : memref<128x64xf32, #tpu.memory_space<vmem>>, vector<16xf32>,
      %sub3A_500 = vector.broadcast %mul3A_461 : f32 to vector<16xf32>
      %sub3A_501 = arith.subf %get3A_436, %sub3A_500 : vector<16xf32>
      %mul3A_502 = vector.broadcast %mul3A_491 : f32 to vector<16xf32>
      %mul3A_503 = arith.mulf %sub3A_501, %mul3A_502 : vector<16xf32>
      %mul3A_504 = arith.mulf %mul3A_503, %get3A_7 : vector<16xf32>
      %add3A_505 = arith.addf %mul3A_504, %get3A_15 : vector<16xf32>
      %swap3A_506 = arith.index_cast %scan3A_429 : i32 to index
      %swap3A_507 = arith.constant 16 : index
      %swap3A_508 = tpu.vector_load %arg16[%swap3A_506, %swap3A_507] {strides = array<i32>} : memref<128x64xf32, #tpu.memory_space<vmem>>, vector<16xf32>,
      tpu.vector_store %arg16[%swap3A_506, %swap3A_507], %add3A_505 {strides = array<i32>} : memref<128x64xf32, #tpu.memory_space<vmem>>, vector<16xf32>,
      %sub3A_509 = vector.broadcast %mul3A_461 : f32 to vector<16xf32>
      %sub3A_510 = arith.subf %get3A_439, %sub3A_509 : vector<16xf32>
      %mul3A_511 = vector.broadcast %mul3A_491 : f32 to vector<16xf32>
      %mul3A_512 = arith.mulf %sub3A_510, %mul3A_511 : vector<16xf32>
      %mul3A_513 = arith.mulf %mul3A_512, %get3A_9 : vector<16xf32>
      %add3A_514 = arith.addf %mul3A_513, %get3A_17 : vector<16xf32>
      %swap3A_515 = arith.index_cast %scan3A_429 : i32 to index
      %swap3A_516 = arith.constant 32 : index
      %swap3A_517 = tpu.vector_load %arg16[%swap3A_515, %swap3A_516] {strides = array<i32>} : memref<128x64xf32, #tpu.memory_space<vmem>>, vector<16xf32>,
      tpu.vector_store %arg16[%swap3A_515, %swap3A_516], %add3A_514 {strides = array<i32>} : memref<128x64xf32, #tpu.memory_space<vmem>>, vector<16xf32>,
      %sub3A_518 = vector.broadcast %mul3A_461 : f32 to vector<16xf32>
      %sub3A_519 = arith.subf %get3A_442, %sub3A_518 : vector<16xf32>
      %mul3A_520 = vector.broadcast %mul3A_491 : f32 to vector<16xf32>
      %mul3A_521 = arith.mulf %sub3A_519, %mul3A_520 : vector<16xf32>
      %mul3A_522 = arith.mulf %mul3A_521, %get3A_11 : vector<16xf32>
      %add3A_523 = arith.addf %mul3A_522, %get3A_19 : vector<16xf32>
      %swap3A_524 = arith.index_cast %scan3A_429 : i32 to index
      %swap3A_525 = arith.constant 48 : index
      %swap3A_526 = tpu.vector_load %arg16[%swap3A_524, %swap3A_525] {strides = array<i32>} : memref<128x64xf32, #tpu.memory_space<vmem>>, vector<16xf32>,
      tpu.vector_store %arg16[%swap3A_524, %swap3A_525], %add3A_523 {strides = array<i32>} : memref<128x64xf32, #tpu.memory_space<vmem>>, vector<16xf32>,
      %scan3A_527 = arith.constant 0 : i32
      scf.yield %scan3A_527 : i32
    }
    %scan3A_25 = arith.constant 128 : i32
    %mul3A_26 = arith.constant 128 : i32
    %mul3A_27 = arith.muli %arg1, %mul3A_26 : i32
    "tpu.region"() ({
      %run_scoped3A = tpu.sem_alloc : memref<!tpu.dma_semaphore, #tpu.memory_space<semaphore_mem>>
      %dma_start3A_429 = arith.constant 0 : i32
      %dma_start3A_430 = tpu.memref_slice %arg19[%mul3A_27, %dma_start3A_429] : memref<2048x64xf32, #tpu.memory_space<vmem_shared>> -> memref<128x64xf32, #tpu.memory_space<vmem_shared>>
      %dma_start3A_431 = arith.constant 0 : i32
      %dma_start3A_432 = tpu.memref_slice %arg19[%mul3A_27, %dma_start3A_431] : memref<2048x64xf32, #tpu.memory_space<vmem_shared>> -> memref<128x64xf32, #tpu.memory_space<vmem_shared>>
      tpu.enqueue_dma source(%arg16 : memref<128x64xf32, #tpu.memory_space<vmem>>) target(%dma_start3A_432 : memref<128x64xf32, #tpu.memory_space<vmem_shared>>) target_semaphore(%run_scoped3A : memref<!tpu.dma_semaphore, #tpu.memory_space<semaphore_mem>>)
      %dma_wait3A_433 = arith.constant 0 : i32
      %dma_wait3A_434 = tpu.memref_slice %arg19[%mul3A_27, %dma_wait3A_433] : memref<2048x64xf32, #tpu.memory_space<vmem_shared>> -> memref<128x64xf32, #tpu.memory_space<vmem_shared>>
      %dma_wait3A_435 = arith.constant 0 : i32
      %dma_wait3A_436 = tpu.memref_slice %arg19[%mul3A_27, %dma_wait3A_435] : memref<2048x64xf32, #tpu.memory_space<vmem_shared>> -> memref<128x64xf32, #tpu.memory_space<vmem_shared>>
      tpu.wait_dma2 semaphore(%run_scoped3A : memref<!tpu.dma_semaphore, #tpu.memory_space<semaphore_mem>>) src(%arg16 : memref<128x64xf32, #tpu.memory_space<vmem>>) dst(%dma_wait3A_436 : memref<128x64xf32, #tpu.memory_space<vmem_shared>>)
      tpu.yield
    }) : () -> ()
    "tpu.region"() ({
      %run_scoped3A = tpu.sem_alloc : memref<!tpu.dma_semaphore, #tpu.memory_space<semaphore_mem>>
      %dma_start3A_429 = tpu.memref_slice %arg2[%mul3A_2] : memref<819200xi32, #tpu.memory_space<hbm>> -> memref<25600xi32, #tpu.memory_space<hbm>>
      %dma_start3A_430 = tpu.memref_slice %arg2[%mul3A_2] : memref<819200xi32, #tpu.memory_space<hbm>> -> memref<25600xi32, #tpu.memory_space<hbm>>
      tpu.enqueue_dma source(%dma_start3A_430 : memref<25600xi32, #tpu.memory_space<hbm>>) target(%arg11 : memref<25600xi32, #tpu.memory_space<vmem>>) target_semaphore(%run_scoped3A : memref<!tpu.dma_semaphore, #tpu.memory_space<semaphore_mem>>)
      %dma_wait3A_431 = tpu.memref_slice %arg2[%mul3A_2] : memref<819200xi32, #tpu.memory_space<hbm>> -> memref<25600xi32, #tpu.memory_space<hbm>>
      %dma_wait3A_432 = tpu.memref_slice %arg2[%mul3A_2] : memref<819200xi32, #tpu.memory_space<hbm>> -> memref<25600xi32, #tpu.memory_space<hbm>>
      tpu.wait_dma2 semaphore(%run_scoped3A : memref<!tpu.dma_semaphore, #tpu.memory_space<semaphore_mem>>) src(%dma_wait3A_432 : memref<25600xi32, #tpu.memory_space<hbm>>) dst(%arg11 : memref<25600xi32, #tpu.memory_space<vmem>>)
      tpu.yield
    }) : () -> ()
    "tpu.region"() ({
      %run_scoped3A = tpu.sem_alloc : memref<!tpu.dma_semaphore, #tpu.memory_space<semaphore_mem>>
      %dma_start3A_429 = tpu.memref_slice %arg3[%mul3A_2] : memref<819200xi32, #tpu.memory_space<hbm>> -> memref<25600xi32, #tpu.memory_space<hbm>>
      %dma_start3A_430 = tpu.memref_slice %arg3[%mul3A_2] : memref<819200xi32, #tpu.memory_space<hbm>> -> memref<25600xi32, #tpu.memory_space<hbm>>
      tpu.enqueue_dma source(%dma_start3A_430 : memref<25600xi32, #tpu.memory_space<hbm>>) target(%arg12 : memref<25600xi32, #tpu.memory_space<vmem>>) target_semaphore(%run_scoped3A : memref<!tpu.dma_semaphore, #tpu.memory_space<semaphore_mem>>)
      %dma_wait3A_431 = tpu.memref_slice %arg3[%mul3A_2] : memref<819200xi32, #tpu.memory_space<hbm>> -> memref<25600xi32, #tpu.memory_space<hbm>>
      %dma_wait3A_432 = tpu.memref_slice %arg3[%mul3A_2] : memref<819200xi32, #tpu.memory_space<hbm>> -> memref<25600xi32, #tpu.memory_space<hbm>>
      tpu.wait_dma2 semaphore(%run_scoped3A : memref<!tpu.dma_semaphore, #tpu.memory_space<semaphore_mem>>) src(%dma_wait3A_432 : memref<25600xi32, #tpu.memory_space<hbm>>) dst(%arg12 : memref<25600xi32, #tpu.memory_space<vmem>>)
      tpu.yield
    }) : () -> ()
    "tpu.region"() ({
      %run_scoped3A = tpu.sem_alloc : memref<!tpu.dma_semaphore, #tpu.memory_space<semaphore_mem>>
      tpu.enqueue_dma source(%arg6 : memref<64xf32, #tpu.memory_space<hbm>>) target(%arg17 : memref<64xf32, #tpu.memory_space<vmem>>) target_semaphore(%run_scoped3A : memref<!tpu.dma_semaphore, #tpu.memory_space<semaphore_mem>>)
      tpu.wait_dma2 semaphore(%run_scoped3A : memref<!tpu.dma_semaphore, #tpu.memory_space<semaphore_mem>>) src(%arg6 : memref<64xf32, #tpu.memory_space<hbm>>) dst(%arg17 : memref<64xf32, #tpu.memory_space<vmem>>)
      tpu.yield
    }) : () -> ()
    "tpu.region"() ({
      %run_scoped3A = tpu.sem_alloc : memref<!tpu.dma_semaphore, #tpu.memory_space<semaphore_mem>>
      tpu.enqueue_dma source(%arg7 : memref<64xf32, #tpu.memory_space<hbm>>) target(%arg18 : memref<64xf32, #tpu.memory_space<vmem>>) target_semaphore(%run_scoped3A : memref<!tpu.dma_semaphore, #tpu.memory_space<semaphore_mem>>)
      tpu.wait_dma2 semaphore(%run_scoped3A : memref<!tpu.dma_semaphore, #tpu.memory_space<semaphore_mem>>) src(%arg7 : memref<64xf32, #tpu.memory_space<hbm>>) dst(%arg18 : memref<64xf32, #tpu.memory_space<vmem>>)
      tpu.yield
    }) : () -> ()
    %get3A_28 = arith.constant 0 : index
    %get3A_29 = tpu.vector_load %arg17[%get3A_28] {strides = array<i32>} : memref<64xf32, #tpu.memory_space<vmem>>, vector<16xf32>,
    %get3A_30 = arith.constant 16 : index
    %get3A_31 = tpu.vector_load %arg17[%get3A_30] {strides = array<i32>} : memref<64xf32, #tpu.memory_space<vmem>>, vector<16xf32>,
    %get3A_32 = arith.constant 32 : index
    %get3A_33 = tpu.vector_load %arg17[%get3A_32] {strides = array<i32>} : memref<64xf32, #tpu.memory_space<vmem>>, vector<16xf32>,
    %get3A_34 = arith.constant 48 : index
    %get3A_35 = tpu.vector_load %arg17[%get3A_34] {strides = array<i32>} : memref<64xf32, #tpu.memory_space<vmem>>, vector<16xf32>,
    %get3A_36 = arith.constant 0 : index
    %get3A_37 = tpu.vector_load %arg18[%get3A_36] {strides = array<i32>} : memref<64xf32, #tpu.memory_space<vmem>>, vector<16xf32>,
    %get3A_38 = arith.constant 16 : index
    %get3A_39 = tpu.vector_load %arg18[%get3A_38] {strides = array<i32>} : memref<64xf32, #tpu.memory_space<vmem>>, vector<16xf32>,
    %get3A_40 = arith.constant 32 : index
    %get3A_41 = tpu.vector_load %arg18[%get3A_40] {strides = array<i32>} : memref<64xf32, #tpu.memory_space<vmem>>, vector<16xf32>,
    %get3A_42 = arith.constant 48 : index
    %get3A_43 = tpu.vector_load %arg18[%get3A_42] {strides = array<i32>} : memref<64xf32, #tpu.memory_space<vmem>>, vector<16xf32>,
    %barrier3A = arith.constant 0 : index
    tpu.barrier barrier_id(%barrier3A)
    %dma_start3A = arith.constant 0 : i32
    %dma_start3A_44 = arith.constant 0 : i32
    %dma_start3A_45 = arith.constant 0 : i32
    %dma_start3A_46 = arith.constant 0 : i32
    %dma_start3A_47 = tpu.memref_slice %arg13[%dma_start3A, %dma_start3A_45, %dma_start3A_46] : memref<2x128x64xf32, #tpu.memory_space<vmem>> -> memref<1x128x64xf32, #tpu.memory_space<vmem>>
    %dma_start3A_48 = tpu.memref_squeeze %dma_start3A_47 : memref<1x128x64xf32, #tpu.memory_space<vmem>> -> memref<128x64xf32, #tpu.memory_space<vmem>>
    %dma_start3A_49 = arith.constant 0 : i32
    %dma_start3A_50 = tpu.memref_slice %arg11[%dma_start3A_49] : memref<25600xi32, #tpu.memory_space<vmem>> -> memref<128xi32, #tpu.memory_space<vmem>>
    %dma_start3A_51 = arith.constant 0 : i32
    %dma_start3A_52 = arith.constant 0 : i32
    %dma_start3A_53 = tpu.memref_slice %arg4[%dma_start3A_51, %dma_start3A_52] : memref<1000000x64xf32, #tpu.memory_space<hbm>> -> memref<1000000x64xf32, #tpu.memory_space<hbm>>
    %dma_start3A_54 = tpu.memref_slice %arg20[%dma_start3A_44] : memref<2x!tpu.dma_semaphore, #tpu.memory_space<semaphore_mem>> -> memref<1x!tpu.dma_semaphore, #tpu.memory_space<semaphore_mem>>
    %dma_start3A_55 = tpu.memref_squeeze %dma_start3A_54 : memref<1x!tpu.dma_semaphore, #tpu.memory_space<semaphore_mem>> -> memref<!tpu.dma_semaphore, #tpu.memory_space<semaphore_mem>>
    tpu.enqueue_indirect_dma source(%dma_start3A_53 : memref<1000000x64xf32, #tpu.memory_space<hbm>>) target(%dma_start3A_48 : memref<128x64xf32, #tpu.memory_space<vmem>>) offsets(%dma_start3A_50 : memref<128xi32, #tpu.memory_space<vmem>>) semaphore(%dma_start3A_55 : memref<!tpu.dma_semaphore, #tpu.memory_space<semaphore_mem>>)
    %dma_start3A_56 = arith.constant 0 : i32
    %dma_start3A_57 = arith.constant 0 : i32
    %dma_start3A_58 = arith.constant 0 : i32
    %dma_start3A_59 = arith.constant 0 : i32
    %dma_start3A_60 = tpu.memref_slice %arg14[%dma_start3A_56, %dma_start3A_58, %dma_start3A_59] : memref<2x128x64xf32, #tpu.memory_space<vmem>> -> memref<1x128x64xf32, #tpu.memory_space<vmem>>
    %dma_start3A_61 = tpu.memref_squeeze %dma_start3A_60 : memref<1x128x64xf32, #tpu.memory_space<vmem>> -> memref<128x64xf32, #tpu.memory_space<vmem>>
    %dma_start3A_62 = arith.constant 0 : i32
    %dma_start3A_63 = tpu.memref_slice %arg12[%dma_start3A_62] : memref<25600xi32, #tpu.memory_space<vmem>> -> memref<128xi32, #tpu.memory_space<vmem>>
    %dma_start3A_64 = arith.constant 0 : i32
    %dma_start3A_65 = arith.constant 0 : i32
    %dma_start3A_66 = tpu.memref_slice %arg19[%dma_start3A_64, %dma_start3A_65] : memref<2048x64xf32, #tpu.memory_space<vmem_shared>> -> memref<2048x64xf32, #tpu.memory_space<vmem_shared>>
    %dma_start3A_67 = tpu.memref_slice %arg21[%dma_start3A_57] : memref<2x!tpu.dma_semaphore, #tpu.memory_space<semaphore_mem>> -> memref<1x!tpu.dma_semaphore, #tpu.memory_space<semaphore_mem>>
    %dma_start3A_68 = tpu.memref_squeeze %dma_start3A_67 : memref<1x!tpu.dma_semaphore, #tpu.memory_space<semaphore_mem>> -> memref<!tpu.dma_semaphore, #tpu.memory_space<semaphore_mem>>
    tpu.enqueue_indirect_dma source(%dma_start3A_66 : memref<2048x64xf32, #tpu.memory_space<vmem_shared>>) target(%dma_start3A_61 : memref<128x64xf32, #tpu.memory_space<vmem>>) offsets(%dma_start3A_63 : memref<128xi32, #tpu.memory_space<vmem>>) semaphore(%dma_start3A_68 : memref<!tpu.dma_semaphore, #tpu.memory_space<semaphore_mem>>)
    %dma_start3A_69 = arith.constant 1 : i32
    %dma_start3A_70 = arith.constant 1 : i32
    %dma_start3A_71 = arith.constant 0 : i32
    %dma_start3A_72 = arith.constant 0 : i32
    %dma_start3A_73 = tpu.memref_slice %arg13[%dma_start3A_69, %dma_start3A_71, %dma_start3A_72] : memref<2x128x64xf32, #tpu.memory_space<vmem>> -> memref<1x128x64xf32, #tpu.memory_space<vmem>>
    %dma_start3A_74 = tpu.memref_squeeze %dma_start3A_73 : memref<1x128x64xf32, #tpu.memory_space<vmem>> -> memref<128x64xf32, #tpu.memory_space<vmem>>
    %dma_start3A_75 = arith.constant 128 : i32
    %dma_start3A_76 = tpu.memref_slice %arg11[%dma_start3A_75] : memref<25600xi32, #tpu.memory_space<vmem>> -> memref<128xi32, #tpu.memory_space<vmem>>
    %dma_start3A_77 = arith.constant 0 : i32
    %dma_start3A_78 = arith.constant 0 : i32
    %dma_start3A_79 = tpu.memref_slice %arg4[%dma_start3A_77, %dma_start3A_78] : memref<1000000x64xf32, #tpu.memory_space<hbm>> -> memref<1000000x64xf32, #tpu.memory_space<hbm>>
    %dma_start3A_80 = tpu.memref_slice %arg20[%dma_start3A_70] : memref<2x!tpu.dma_semaphore, #tpu.memory_space<semaphore_mem>> -> memref<1x!tpu.dma_semaphore, #tpu.memory_space<semaphore_mem>>
    %dma_start3A_81 = tpu.memref_squeeze %dma_start3A_80 : memref<1x!tpu.dma_semaphore, #tpu.memory_space<semaphore_mem>> -> memref<!tpu.dma_semaphore, #tpu.memory_space<semaphore_mem>>
    tpu.enqueue_indirect_dma source(%dma_start3A_79 : memref<1000000x64xf32, #tpu.memory_space<hbm>>) target(%dma_start3A_74 : memref<128x64xf32, #tpu.memory_space<vmem>>) offsets(%dma_start3A_76 : memref<128xi32, #tpu.memory_space<vmem>>) semaphore(%dma_start3A_81 : memref<!tpu.dma_semaphore, #tpu.memory_space<semaphore_mem>>)
    %dma_start3A_82 = arith.constant 1 : i32
    %dma_start3A_83 = arith.constant 1 : i32
    %dma_start3A_84 = arith.constant 0 : i32
    %dma_start3A_85 = arith.constant 0 : i32
    %dma_start3A_86 = tpu.memref_slice %arg14[%dma_start3A_82, %dma_start3A_84, %dma_start3A_85] : memref<2x128x64xf32, #tpu.memory_space<vmem>> -> memref<1x128x64xf32, #tpu.memory_space<vmem>>
    %dma_start3A_87 = tpu.memref_squeeze %dma_start3A_86 : memref<1x128x64xf32, #tpu.memory_space<vmem>> -> memref<128x64xf32, #tpu.memory_space<vmem>>
    %dma_start3A_88 = arith.constant 128 : i32
    %dma_start3A_89 = tpu.memref_slice %arg12[%dma_start3A_88] : memref<25600xi32, #tpu.memory_space<vmem>> -> memref<128xi32, #tpu.memory_space<vmem>>
    %dma_start3A_90 = arith.constant 0 : i32
    %dma_start3A_91 = arith.constant 0 : i32
    %dma_start3A_92 = tpu.memref_slice %arg19[%dma_start3A_90, %dma_start3A_91] : memref<2048x64xf32, #tpu.memory_space<vmem_shared>> -> memref<2048x64xf32, #tpu.memory_space<vmem_shared>>
    %dma_start3A_93 = tpu.memref_slice %arg21[%dma_start3A_83] : memref<2x!tpu.dma_semaphore, #tpu.memory_space<semaphore_mem>> -> memref<1x!tpu.dma_semaphore, #tpu.memory_space<semaphore_mem>>
    %dma_start3A_94 = tpu.memref_squeeze %dma_start3A_93 : memref<1x!tpu.dma_semaphore, #tpu.memory_space<semaphore_mem>> -> memref<!tpu.dma_semaphore, #tpu.memory_space<semaphore_mem>>
    tpu.enqueue_indirect_dma source(%dma_start3A_92 : memref<2048x64xf32, #tpu.memory_space<vmem_shared>>) target(%dma_start3A_87 : memref<128x64xf32, #tpu.memory_space<vmem>>) offsets(%dma_start3A_89 : memref<128xi32, #tpu.memory_space<vmem>>) semaphore(%dma_start3A_94 : memref<!tpu.dma_semaphore, #tpu.memory_space<semaphore_mem>>)
    %dma_wait3A = arith.constant 0 : i32
    %dma_wait3A_95 = arith.constant 0 : i32
    %dma_wait3A_96 = arith.constant 0 : i32
    %dma_wait3A_97 = arith.constant 0 : i32
    %dma_wait3A_98 = tpu.memref_slice %arg13[%dma_wait3A, %dma_wait3A_96, %dma_wait3A_97] : memref<2x128x64xf32, #tpu.memory_space<vmem>> -> memref<1x128x64xf32, #tpu.memory_space<vmem>>
    %dma_wait3A_99 = tpu.memref_squeeze %dma_wait3A_98 : memref<1x128x64xf32, #tpu.memory_space<vmem>> -> memref<128x64xf32, #tpu.memory_space<vmem>>
    %dma_wait3A_100 = arith.constant 0 : i32
    %dma_wait3A_101 = tpu.memref_slice %arg11[%dma_wait3A_100] : memref<25600xi32, #tpu.memory_space<vmem>> -> memref<128xi32, #tpu.memory_space<vmem>>
    %dma_wait3A_102 = arith.constant 0 : i32
    %dma_wait3A_103 = arith.constant 0 : i32
    %dma_wait3A_104 = tpu.memref_slice %arg4[%dma_wait3A_102, %dma_wait3A_103] : memref<1000000x64xf32, #tpu.memory_space<hbm>> -> memref<1000000x64xf32, #tpu.memory_space<hbm>>
    %dma_wait3A_105 = tpu.memref_slice %arg20[%dma_wait3A_95] : memref<2x!tpu.dma_semaphore, #tpu.memory_space<semaphore_mem>> -> memref<1x!tpu.dma_semaphore, #tpu.memory_space<semaphore_mem>>
    %dma_wait3A_106 = tpu.memref_squeeze %dma_wait3A_105 : memref<1x!tpu.dma_semaphore, #tpu.memory_space<semaphore_mem>> -> memref<!tpu.dma_semaphore, #tpu.memory_space<semaphore_mem>>
    tpu.wait_indirect_dma semaphore(%dma_wait3A_106 : memref<!tpu.dma_semaphore, #tpu.memory_space<semaphore_mem>>) src(%dma_wait3A_104 : memref<1000000x64xf32, #tpu.memory_space<hbm>>) dst(%dma_wait3A_99 : memref<128x64xf32, #tpu.memory_space<vmem>>)
    %dma_wait3A_107 = arith.constant 0 : i32
    %dma_wait3A_108 = arith.constant 0 : i32
    %dma_wait3A_109 = arith.constant 0 : i32
    %dma_wait3A_110 = arith.constant 0 : i32
    %dma_wait3A_111 = tpu.memref_slice %arg14[%dma_wait3A_107, %dma_wait3A_109, %dma_wait3A_110] : memref<2x128x64xf32, #tpu.memory_space<vmem>> -> memref<1x128x64xf32, #tpu.memory_space<vmem>>
    %dma_wait3A_112 = tpu.memref_squeeze %dma_wait3A_111 : memref<1x128x64xf32, #tpu.memory_space<vmem>> -> memref<128x64xf32, #tpu.memory_space<vmem>>
    %dma_wait3A_113 = arith.constant 0 : i32
    %dma_wait3A_114 = tpu.memref_slice %arg12[%dma_wait3A_113] : memref<25600xi32, #tpu.memory_space<vmem>> -> memref<128xi32, #tpu.memory_space<vmem>>
    %dma_wait3A_115 = arith.constant 0 : i32
    %dma_wait3A_116 = arith.constant 0 : i32
    %dma_wait3A_117 = tpu.memref_slice %arg19[%dma_wait3A_115, %dma_wait3A_116] : memref<2048x64xf32, #tpu.memory_space<vmem_shared>> -> memref<2048x64xf32, #tpu.memory_space<vmem_shared>>
    %dma_wait3A_118 = tpu.memref_slice %arg21[%dma_wait3A_108] : memref<2x!tpu.dma_semaphore, #tpu.memory_space<semaphore_mem>> -> memref<1x!tpu.dma_semaphore, #tpu.memory_space<semaphore_mem>>
    %dma_wait3A_119 = tpu.memref_squeeze %dma_wait3A_118 : memref<1x!tpu.dma_semaphore, #tpu.memory_space<semaphore_mem>> -> memref<!tpu.dma_semaphore, #tpu.memory_space<semaphore_mem>>
    tpu.wait_indirect_dma semaphore(%dma_wait3A_119 : memref<!tpu.dma_semaphore, #tpu.memory_space<semaphore_mem>>) src(%dma_wait3A_117 : memref<2048x64xf32, #tpu.memory_space<vmem_shared>>) dst(%dma_wait3A_112 : memref<128x64xf32, #tpu.memory_space<vmem>>)
    %scan3A_120 = arith.constant 0 : i32
    %scan3A_121 = arith.constant 0 : i32
    %scan3A_122 = arith.constant 128 : i32
    %scan3A_123 = arith.addi %scan3A_121, %scan3A_122 : i32
    %scan3A_124 = arith.constant 1 : i32
    %scan3A_125 = scf.for %scan3A_429 = %scan3A_121 to %scan3A_123 step %scan3A_124 iter_args(%scan3A_430 = %scan3A_120) -> (i32)  : i32 {
      %get3A_431 = arith.constant 0 : i32
      %get3A_432 = arith.index_cast %get3A_431 : i32 to index
      %get3A_433 = arith.index_cast %scan3A_429 : i32 to index
      %get3A_434 = arith.constant 0 : index
      %get3A_435 = tpu.vector_load %arg13[%get3A_432, %get3A_433, %get3A_434] {strides = array<i32>} : memref<2x128x64xf32, #tpu.memory_space<vmem>>, vector<16xf32>,
      %get3A_436 = arith.constant 0 : i32
      %get3A_437 = arith.index_cast %get3A_436 : i32 to index
      %get3A_438 = arith.index_cast %scan3A_429 : i32 to index
      %get3A_439 = arith.constant 16 : index
      %get3A_440 = tpu.vector_load %arg13[%get3A_437, %get3A_438, %get3A_439] {strides = array<i32>} : memref<2x128x64xf32, #tpu.memory_space<vmem>>, vector<16xf32>,
      %get3A_441 = arith.constant 0 : i32
      %get3A_442 = arith.index_cast %get3A_441 : i32 to index
      %get3A_443 = arith.index_cast %scan3A_429 : i32 to index
      %get3A_444 = arith.constant 32 : index
      %get3A_445 = tpu.vector_load %arg13[%get3A_442, %get3A_443, %get3A_444] {strides = array<i32>} : memref<2x128x64xf32, #tpu.memory_space<vmem>>, vector<16xf32>,
      %get3A_446 = arith.constant 0 : i32
      %get3A_447 = arith.index_cast %get3A_446 : i32 to index
      %get3A_448 = arith.index_cast %scan3A_429 : i32 to index
      %get3A_449 = arith.constant 48 : index
      %get3A_450 = tpu.vector_load %arg13[%get3A_447, %get3A_448, %get3A_449] {strides = array<i32>} : memref<2x128x64xf32, #tpu.memory_space<vmem>>, vector<16xf32>,
      %add3A_451 = arith.addf %get3A_435, %get3A_440 : vector<16xf32>
      %add3A_452 = arith.addf %add3A_451, %get3A_445 : vector<16xf32>
      %add3A_453 = arith.addf %add3A_452, %get3A_450 : vector<16xf32>
      %mul3A_454 = arith.mulf %get3A_435, %get3A_435 : vector<16xf32>
      %mul3A_455 = arith.mulf %get3A_440, %get3A_440 : vector<16xf32>
      %add3A_456 = arith.addf %mul3A_454, %mul3A_455 : vector<16xf32>
      %mul3A_457 = arith.mulf %get3A_445, %get3A_445 : vector<16xf32>
      %add3A_458 = arith.addf %add3A_456, %mul3A_457 : vector<16xf32>
      %mul3A_459 = arith.mulf %get3A_450, %get3A_450 : vector<16xf32>
      %add3A_460 = arith.addf %add3A_458, %mul3A_459 : vector<16xf32>
      %reduce_sum3A = arith.constant true
      %reduce_sum3A_461 = vector.broadcast %reduce_sum3A : i1 to vector<16xi1>
      %reduce_sum3A_462 = tpu.scan <sum>, %add3A_453 masked %reduce_sum3A_461 : vector<16xf32>, vector<16xi1> -> vector<16xf32>
      %reduce_sum3A_463 = vector.extract %reduce_sum3A_462[15] : f32 from vector<16xf32>
      %reduce_sum3A_464 = arith.constant true
      %reduce_sum3A_465 = vector.broadcast %reduce_sum3A_464 : i1 to vector<16xi1>
      %reduce_sum3A_466 = tpu.scan <sum>, %add3A_460 masked %reduce_sum3A_465 : vector<16xf32>, vector<16xi1> -> vector<16xf32>
      %reduce_sum3A_467 = vector.extract %reduce_sum3A_466[15] : f32 from vector<16xf32>
      %mul3A_468 = arith.constant 1.562500e-02 : f32
      %mul3A_469 = arith.mulf %reduce_sum3A_463, %mul3A_468 : f32
      %mul3A_470 = arith.constant 1.562500e-02 : f32
      %mul3A_471 = arith.mulf %reduce_sum3A_467, %mul3A_470 : f32
      %mul3A_472 = arith.mulf %mul3A_469, %mul3A_469 : f32
      %sub3A = arith.subf %mul3A_471, %mul3A_472 : f32
      %add3A_473 = arith.constant 9.99999974E-6 : f32
      %add3A_474 = arith.addf %sub3A, %add3A_473 : f32
      %bitcast_convert_type3A = arith.bitcast %add3A_474 : f32 to i32
      %shift_right_arithmetic3A = arith.constant 1 : i32
      %shift_right_arithmetic3A_475 = arith.shrsi %bitcast_convert_type3A, %shift_right_arithmetic3A : i32
      %sub3A_476 = arith.constant 1597463007 : i32
      %sub3A_477 = arith.subi %sub3A_476, %shift_right_arithmetic3A_475 : i32
      %bitcast_convert_type3A_478 = arith.bitcast %sub3A_477 : i32 to f32
      %mul3A_479 = arith.constant 5.000000e-01 : f32
      %mul3A_480 = arith.mulf %mul3A_479, %add3A_474 : f32
      %mul3A_481 = arith.mulf %mul3A_480, %bitcast_convert_type3A_478 : f32
      %mul3A_482 = arith.mulf %mul3A_481, %bitcast_convert_type3A_478 : f32
      %sub3A_483 = arith.constant 1.500000e+00 : f32
      %sub3A_484 = arith.subf %sub3A_483, %mul3A_482 : f32
      %mul3A_485 = arith.mulf %bitcast_convert_type3A_478, %sub3A_484 : f32
      %mul3A_486 = arith.constant 5.000000e-01 : f32
      %mul3A_487 = arith.mulf %mul3A_486, %add3A_474 : f32
      %mul3A_488 = arith.mulf %mul3A_487, %mul3A_485 : f32
      %mul3A_489 = arith.mulf %mul3A_488, %mul3A_485 : f32
      %sub3A_490 = arith.constant 1.500000e+00 : f32
      %sub3A_491 = arith.subf %sub3A_490, %mul3A_489 : f32
      %mul3A_492 = arith.mulf %mul3A_485, %sub3A_491 : f32
      %mul3A_493 = arith.constant 5.000000e-01 : f32
      %mul3A_494 = arith.mulf %mul3A_493, %add3A_474 : f32
      %mul3A_495 = arith.mulf %mul3A_494, %mul3A_492 : f32
      %mul3A_496 = arith.mulf %mul3A_495, %mul3A_492 : f32
      %sub3A_497 = arith.constant 1.500000e+00 : f32
      %sub3A_498 = arith.subf %sub3A_497, %mul3A_496 : f32
      %mul3A_499 = arith.mulf %mul3A_492, %sub3A_498 : f32
      %sub3A_500 = vector.broadcast %mul3A_469 : f32 to vector<16xf32>
      %sub3A_501 = arith.subf %get3A_435, %sub3A_500 : vector<16xf32>
      %mul3A_502 = vector.broadcast %mul3A_499 : f32 to vector<16xf32>
      %mul3A_503 = arith.mulf %sub3A_501, %mul3A_502 : vector<16xf32>
      %mul3A_504 = arith.mulf %mul3A_503, %get3A_29 : vector<16xf32>
      %add3A_505 = arith.addf %mul3A_504, %get3A_37 : vector<16xf32>
      %get3A_506 = arith.constant 0 : i32
      %get3A_507 = arith.index_cast %get3A_506 : i32 to index
      %get3A_508 = arith.index_cast %scan3A_429 : i32 to index
      %get3A_509 = arith.constant 0 : index
      %get3A_510 = tpu.vector_load %arg14[%get3A_507, %get3A_508, %get3A_509] {strides = array<i32>} : memref<2x128x64xf32, #tpu.memory_space<vmem>>, vector<16xf32>,
      %add3A_511 = arith.addf %add3A_505, %get3A_510 : vector<16xf32>
      %swap3A = arith.constant 0 : i32
      %swap3A_512 = arith.index_cast %swap3A : i32 to index
      %swap3A_513 = arith.index_cast %scan3A_429 : i32 to index
      %swap3A_514 = arith.constant 0 : index
      %swap3A_515 = tpu.vector_load %arg15[%swap3A_512, %swap3A_513, %swap3A_514] {strides = array<i32>} : memref<2x128x64xf32, #tpu.memory_space<vmem>>, vector<16xf32>,
      tpu.vector_store %arg15[%swap3A_512, %swap3A_513, %swap3A_514], %add3A_511 {strides = array<i32>} : memref<2x128x64xf32, #tpu.memory_space<vmem>>, vector<16xf32>,
      %sub3A_516 = vector.broadcast %mul3A_469 : f32 to vector<16xf32>
      %sub3A_517 = arith.subf %get3A_440, %sub3A_516 : vector<16xf32>
      %mul3A_518 = vector.broadcast %mul3A_499 : f32 to vector<16xf32>
      %mul3A_519 = arith.mulf %sub3A_517, %mul3A_518 : vector<16xf32>
      %mul3A_520 = arith.mulf %mul3A_519, %get3A_31 : vector<16xf32>
      %add3A_521 = arith.addf %mul3A_520, %get3A_39 : vector<16xf32>
      %get3A_522 = arith.constant 0 : i32
      %get3A_523 = arith.index_cast %get3A_522 : i32 to index
      %get3A_524 = arith.index_cast %scan3A_429 : i32 to index
      %get3A_525 = arith.constant 16 : index
      %get3A_526 = tpu.vector_load %arg14[%get3A_523, %get3A_524, %get3A_525] {strides = array<i32>} : memref<2x128x64xf32, #tpu.memory_space<vmem>>, vector<16xf32>,
      %add3A_527 = arith.addf %add3A_521, %get3A_526 : vector<16xf32>
      %swap3A_528 = arith.constant 0 : i32
      %swap3A_529 = arith.index_cast %swap3A_528 : i32 to index
      %swap3A_530 = arith.index_cast %scan3A_429 : i32 to index
      %swap3A_531 = arith.constant 16 : index
      %swap3A_532 = tpu.vector_load %arg15[%swap3A_529, %swap3A_530, %swap3A_531] {strides = array<i32>} : memref<2x128x64xf32, #tpu.memory_space<vmem>>, vector<16xf32>,
      tpu.vector_store %arg15[%swap3A_529, %swap3A_530, %swap3A_531], %add3A_527 {strides = array<i32>} : memref<2x128x64xf32, #tpu.memory_space<vmem>>, vector<16xf32>,
      %sub3A_533 = vector.broadcast %mul3A_469 : f32 to vector<16xf32>
      %sub3A_534 = arith.subf %get3A_445, %sub3A_533 : vector<16xf32>
      %mul3A_535 = vector.broadcast %mul3A_499 : f32 to vector<16xf32>
      %mul3A_536 = arith.mulf %sub3A_534, %mul3A_535 : vector<16xf32>
      %mul3A_537 = arith.mulf %mul3A_536, %get3A_33 : vector<16xf32>
      %add3A_538 = arith.addf %mul3A_537, %get3A_41 : vector<16xf32>
      %get3A_539 = arith.constant 0 : i32
      %get3A_540 = arith.index_cast %get3A_539 : i32 to index
      %get3A_541 = arith.index_cast %scan3A_429 : i32 to index
      %get3A_542 = arith.constant 32 : index
      %get3A_543 = tpu.vector_load %arg14[%get3A_540, %get3A_541, %get3A_542] {strides = array<i32>} : memref<2x128x64xf32, #tpu.memory_space<vmem>>, vector<16xf32>,
      %add3A_544 = arith.addf %add3A_538, %get3A_543 : vector<16xf32>
      %swap3A_545 = arith.constant 0 : i32
      %swap3A_546 = arith.index_cast %swap3A_545 : i32 to index
      %swap3A_547 = arith.index_cast %scan3A_429 : i32 to index
      %swap3A_548 = arith.constant 32 : index
      %swap3A_549 = tpu.vector_load %arg15[%swap3A_546, %swap3A_547, %swap3A_548] {strides = array<i32>} : memref<2x128x64xf32, #tpu.memory_space<vmem>>, vector<16xf32>,
      tpu.vector_store %arg15[%swap3A_546, %swap3A_547, %swap3A_548], %add3A_544 {strides = array<i32>} : memref<2x128x64xf32, #tpu.memory_space<vmem>>, vector<16xf32>,
      %sub3A_550 = vector.broadcast %mul3A_469 : f32 to vector<16xf32>
      %sub3A_551 = arith.subf %get3A_450, %sub3A_550 : vector<16xf32>
      %mul3A_552 = vector.broadcast %mul3A_499 : f32 to vector<16xf32>
      %mul3A_553 = arith.mulf %sub3A_551, %mul3A_552 : vector<16xf32>
      %mul3A_554 = arith.mulf %mul3A_553, %get3A_35 : vector<16xf32>
      %add3A_555 = arith.addf %mul3A_554, %get3A_43 : vector<16xf32>
      %get3A_556 = arith.constant 0 : i32
      %get3A_557 = arith.index_cast %get3A_556 : i32 to index
      %get3A_558 = arith.index_cast %scan3A_429 : i32 to index
      %get3A_559 = arith.constant 48 : index
      %get3A_560 = tpu.vector_load %arg14[%get3A_557, %get3A_558, %get3A_559] {strides = array<i32>} : memref<2x128x64xf32, #tpu.memory_space<vmem>>, vector<16xf32>,
      %add3A_561 = arith.addf %add3A_555, %get3A_560 : vector<16xf32>
      %swap3A_562 = arith.constant 0 : i32
      %swap3A_563 = arith.index_cast %swap3A_562 : i32 to index
      %swap3A_564 = arith.index_cast %scan3A_429 : i32 to index
      %swap3A_565 = arith.constant 48 : index
      %swap3A_566 = tpu.vector_load %arg15[%swap3A_563, %swap3A_564, %swap3A_565] {strides = array<i32>} : memref<2x128x64xf32, #tpu.memory_space<vmem>>, vector<16xf32>,
      tpu.vector_store %arg15[%swap3A_563, %swap3A_564, %swap3A_565], %add3A_561 {strides = array<i32>} : memref<2x128x64xf32, #tpu.memory_space<vmem>>, vector<16xf32>,
      %scan3A_567 = arith.constant 0 : i32
      scf.yield %scan3A_567 : i32
    }
    %scan3A_126 = arith.constant 128 : i32
    %add3A_127 = arith.constant 0 : i32
    %add3A_128 = arith.addi %mul3A_2, %add3A_127 : i32
    %dma_start3A_129 = arith.constant 0 : i32
    %dma_start3A_130 = arith.constant 0 : i32
    %dma_start3A_131 = arith.constant 0 : i32
    %dma_start3A_132 = arith.constant 0 : i32
    %dma_start3A_133 = tpu.memref_slice %arg15[%dma_start3A_129, %dma_start3A_131, %dma_start3A_132] : memref<2x128x64xf32, #tpu.memory_space<vmem>> -> memref<1x128x64xf32, #tpu.memory_space<vmem>>
    %dma_start3A_134 = tpu.memref_squeeze %dma_start3A_133 : memref<1x128x64xf32, #tpu.memory_space<vmem>> -> memref<128x64xf32, #tpu.memory_space<vmem>>
    %dma_start3A_135 = arith.constant 0 : i32
    %dma_start3A_136 = tpu.memref_slice %arg10[%add3A_128, %dma_start3A_135] : memref<819200x64xf32, #tpu.memory_space<hbm>> -> memref<128x64xf32, #tpu.memory_space<hbm>>
    %dma_start3A_137 = tpu.memref_slice %arg22[%dma_start3A_130] : memref<2x!tpu.dma_semaphore, #tpu.memory_space<semaphore_mem>> -> memref<1x!tpu.dma_semaphore, #tpu.memory_space<semaphore_mem>>
    %dma_start3A_138 = tpu.memref_squeeze %dma_start3A_137 : memref<1x!tpu.dma_semaphore, #tpu.memory_space<semaphore_mem>> -> memref<!tpu.dma_semaphore, #tpu.memory_space<semaphore_mem>>
    %dma_start3A_139 = arith.constant 0 : i32
    %dma_start3A_140 = tpu.memref_slice %arg10[%add3A_128, %dma_start3A_139] : memref<819200x64xf32, #tpu.memory_space<hbm>> -> memref<128x64xf32, #tpu.memory_space<hbm>>
    %dma_start3A_141 = arith.constant 0 : i32
    %dma_start3A_142 = arith.constant 0 : i32
    %dma_start3A_143 = tpu.memref_slice %arg15[%dma_start3A_129, %dma_start3A_141, %dma_start3A_142] : memref<2x128x64xf32, #tpu.memory_space<vmem>> -> memref<1x128x64xf32, #tpu.memory_space<vmem>>
    %dma_start3A_144 = tpu.memref_squeeze %dma_start3A_143 : memref<1x128x64xf32, #tpu.memory_space<vmem>> -> memref<128x64xf32, #tpu.memory_space<vmem>>
    tpu.enqueue_dma source(%dma_start3A_144 : memref<128x64xf32, #tpu.memory_space<vmem>>) target(%dma_start3A_140 : memref<128x64xf32, #tpu.memory_space<hbm>>) target_semaphore(%dma_start3A_138 : memref<!tpu.dma_semaphore, #tpu.memory_space<semaphore_mem>>)
    %dma_start3A_145 = arith.constant 0 : i32
    %dma_start3A_146 = arith.constant 0 : i32
    %dma_start3A_147 = arith.constant 0 : i32
    %dma_start3A_148 = arith.constant 0 : i32
    %dma_start3A_149 = tpu.memref_slice %arg13[%dma_start3A_145, %dma_start3A_147, %dma_start3A_148] : memref<2x128x64xf32, #tpu.memory_space<vmem>> -> memref<1x128x64xf32, #tpu.memory_space<vmem>>
    %dma_start3A_150 = tpu.memref_squeeze %dma_start3A_149 : memref<1x128x64xf32, #tpu.memory_space<vmem>> -> memref<128x64xf32, #tpu.memory_space<vmem>>
    %dma_start3A_151 = arith.constant 256 : i32
    %dma_start3A_152 = tpu.memref_slice %arg11[%dma_start3A_151] : memref<25600xi32, #tpu.memory_space<vmem>> -> memref<128xi32, #tpu.memory_space<vmem>>
    %dma_start3A_153 = arith.constant 0 : i32
    %dma_start3A_154 = arith.constant 0 : i32
    %dma_start3A_155 = tpu.memref_slice %arg4[%dma_start3A_153, %dma_start3A_154] : memref<1000000x64xf32, #tpu.memory_space<hbm>> -> memref<1000000x64xf32, #tpu.memory_space<hbm>>
    %dma_start3A_156 = tpu.memref_slice %arg20[%dma_start3A_146] : memref<2x!tpu.dma_semaphore, #tpu.memory_space<semaphore_mem>> -> memref<1x!tpu.dma_semaphore, #tpu.memory_space<semaphore_mem>>
    %dma_start3A_157 = tpu.memref_squeeze %dma_start3A_156 : memref<1x!tpu.dma_semaphore, #tpu.memory_space<semaphore_mem>> -> memref<!tpu.dma_semaphore, #tpu.memory_space<semaphore_mem>>
    tpu.enqueue_indirect_dma source(%dma_start3A_155 : memref<1000000x64xf32, #tpu.memory_space<hbm>>) target(%dma_start3A_150 : memref<128x64xf32, #tpu.memory_space<vmem>>) offsets(%dma_start3A_152 : memref<128xi32, #tpu.memory_space<vmem>>) semaphore(%dma_start3A_157 : memref<!tpu.dma_semaphore, #tpu.memory_space<semaphore_mem>>)
    %dma_start3A_158 = arith.constant 0 : i32
    %dma_start3A_159 = arith.constant 0 : i32
    %dma_start3A_160 = arith.constant 0 : i32
    %dma_start3A_161 = arith.constant 0 : i32
    %dma_start3A_162 = tpu.memref_slice %arg14[%dma_start3A_158, %dma_start3A_160, %dma_start3A_161] : memref<2x128x64xf32, #tpu.memory_space<vmem>> -> memref<1x128x64xf32, #tpu.memory_space<vmem>>
    %dma_start3A_163 = tpu.memref_squeeze %dma_start3A_162 : memref<1x128x64xf32, #tpu.memory_space<vmem>> -> memref<128x64xf32, #tpu.memory_space<vmem>>
    %dma_start3A_164 = arith.constant 256 : i32
    %dma_start3A_165 = tpu.memref_slice %arg12[%dma_start3A_164] : memref<25600xi32, #tpu.memory_space<vmem>> -> memref<128xi32, #tpu.memory_space<vmem>>
    %dma_start3A_166 = arith.constant 0 : i32
    %dma_start3A_167 = arith.constant 0 : i32
    %dma_start3A_168 = tpu.memref_slice %arg19[%dma_start3A_166, %dma_start3A_167] : memref<2048x64xf32, #tpu.memory_space<vmem_shared>> -> memref<2048x64xf32, #tpu.memory_space<vmem_shared>>
    %dma_start3A_169 = tpu.memref_slice %arg21[%dma_start3A_159] : memref<2x!tpu.dma_semaphore, #tpu.memory_space<semaphore_mem>> -> memref<1x!tpu.dma_semaphore, #tpu.memory_space<semaphore_mem>>
    %dma_start3A_170 = tpu.memref_squeeze %dma_start3A_169 : memref<1x!tpu.dma_semaphore, #tpu.memory_space<semaphore_mem>> -> memref<!tpu.dma_semaphore, #tpu.memory_space<semaphore_mem>>
    tpu.enqueue_indirect_dma source(%dma_start3A_168 : memref<2048x64xf32, #tpu.memory_space<vmem_shared>>) target(%dma_start3A_163 : memref<128x64xf32, #tpu.memory_space<vmem>>) offsets(%dma_start3A_165 : memref<128xi32, #tpu.memory_space<vmem>>) semaphore(%dma_start3A_170 : memref<!tpu.dma_semaphore, #tpu.memory_space<semaphore_mem>>)
    %dma_wait3A_171 = arith.constant 1 : i32
    %dma_wait3A_172 = arith.constant 1 : i32
    %dma_wait3A_173 = arith.constant 0 : i32
    %dma_wait3A_174 = arith.constant 0 : i32
    %dma_wait3A_175 = tpu.memref_slice %arg13[%dma_wait3A_171, %dma_wait3A_173, %dma_wait3A_174] : memref<2x128x64xf32, #tpu.memory_space<vmem>> -> memref<1x128x64xf32, #tpu.memory_space<vmem>>
    %dma_wait3A_176 = tpu.memref_squeeze %dma_wait3A_175 : memref<1x128x64xf32, #tpu.memory_space<vmem>> -> memref<128x64xf32, #tpu.memory_space<vmem>>
    %dma_wait3A_177 = arith.constant 128 : i32
    %dma_wait3A_178 = tpu.memref_slice %arg11[%dma_wait3A_177] : memref<25600xi32, #tpu.memory_space<vmem>> -> memref<128xi32, #tpu.memory_space<vmem>>
    %dma_wait3A_179 = arith.constant 0 : i32
    %dma_wait3A_180 = arith.constant 0 : i32
    %dma_wait3A_181 = tpu.memref_slice %arg4[%dma_wait3A_179, %dma_wait3A_180] : memref<1000000x64xf32, #tpu.memory_space<hbm>> -> memref<1000000x64xf32, #tpu.memory_space<hbm>>
    %dma_wait3A_182 = tpu.memref_slice %arg20[%dma_wait3A_172] : memref<2x!tpu.dma_semaphore, #tpu.memory_space<semaphore_mem>> -> memref<1x!tpu.dma_semaphore, #tpu.memory_space<semaphore_mem>>
    %dma_wait3A_183 = tpu.memref_squeeze %dma_wait3A_182 : memref<1x!tpu.dma_semaphore, #tpu.memory_space<semaphore_mem>> -> memref<!tpu.dma_semaphore, #tpu.memory_space<semaphore_mem>>
    tpu.wait_indirect_dma semaphore(%dma_wait3A_183 : memref<!tpu.dma_semaphore, #tpu.memory_space<semaphore_mem>>) src(%dma_wait3A_181 : memref<1000000x64xf32, #tpu.memory_space<hbm>>) dst(%dma_wait3A_176 : memref<128x64xf32, #tpu.memory_space<vmem>>)
    %dma_wait3A_184 = arith.constant 1 : i32
    %dma_wait3A_185 = arith.constant 1 : i32
    %dma_wait3A_186 = arith.constant 0 : i32
    %dma_wait3A_187 = arith.constant 0 : i32
    %dma_wait3A_188 = tpu.memref_slice %arg14[%dma_wait3A_184, %dma_wait3A_186, %dma_wait3A_187] : memref<2x128x64xf32, #tpu.memory_space<vmem>> -> memref<1x128x64xf32, #tpu.memory_space<vmem>>
    %dma_wait3A_189 = tpu.memref_squeeze %dma_wait3A_188 : memref<1x128x64xf32, #tpu.memory_space<vmem>> -> memref<128x64xf32, #tpu.memory_space<vmem>>
    %dma_wait3A_190 = arith.constant 128 : i32
    %dma_wait3A_191 = tpu.memref_slice %arg12[%dma_wait3A_190] : memref<25600xi32, #tpu.memory_space<vmem>> -> memref<128xi32, #tpu.memory_space<vmem>>
    %dma_wait3A_192 = arith.constant 0 : i32
    %dma_wait3A_193 = arith.constant 0 : i32
    %dma_wait3A_194 = tpu.memref_slice %arg19[%dma_wait3A_192, %dma_wait3A_193] : memref<2048x64xf32, #tpu.memory_space<vmem_shared>> -> memref<2048x64xf32, #tpu.memory_space<vmem_shared>>
    %dma_wait3A_195 = tpu.memref_slice %arg21[%dma_wait3A_185] : memref<2x!tpu.dma_semaphore, #tpu.memory_space<semaphore_mem>> -> memref<1x!tpu.dma_semaphore, #tpu.memory_space<semaphore_mem>>
    %dma_wait3A_196 = tpu.memref_squeeze %dma_wait3A_195 : memref<1x!tpu.dma_semaphore, #tpu.memory_space<semaphore_mem>> -> memref<!tpu.dma_semaphore, #tpu.memory_space<semaphore_mem>>
    tpu.wait_indirect_dma semaphore(%dma_wait3A_196 : memref<!tpu.dma_semaphore, #tpu.memory_space<semaphore_mem>>) src(%dma_wait3A_194 : memref<2048x64xf32, #tpu.memory_space<vmem_shared>>) dst(%dma_wait3A_189 : memref<128x64xf32, #tpu.memory_space<vmem>>)
    %scan3A_197 = arith.constant 0 : i32
    %scan3A_198 = arith.constant 0 : i32
    %scan3A_199 = arith.constant 128 : i32
    %scan3A_200 = arith.addi %scan3A_198, %scan3A_199 : i32
    %scan3A_201 = arith.constant 1 : i32
    %scan3A_202 = scf.for %scan3A_429 = %scan3A_198 to %scan3A_200 step %scan3A_201 iter_args(%scan3A_430 = %scan3A_197) -> (i32)  : i32 {
      %get3A_431 = arith.constant 1 : i32
      %get3A_432 = arith.index_cast %get3A_431 : i32 to index
      %get3A_433 = arith.index_cast %scan3A_429 : i32 to index
      %get3A_434 = arith.constant 0 : index
      %get3A_435 = tpu.vector_load %arg13[%get3A_432, %get3A_433, %get3A_434] {strides = array<i32>} : memref<2x128x64xf32, #tpu.memory_space<vmem>>, vector<16xf32>,
      %get3A_436 = arith.constant 1 : i32
      %get3A_437 = arith.index_cast %get3A_436 : i32 to index
      %get3A_438 = arith.index_cast %scan3A_429 : i32 to index
      %get3A_439 = arith.constant 16 : index
      %get3A_440 = tpu.vector_load %arg13[%get3A_437, %get3A_438, %get3A_439] {strides = array<i32>} : memref<2x128x64xf32, #tpu.memory_space<vmem>>, vector<16xf32>,
      %get3A_441 = arith.constant 1 : i32
      %get3A_442 = arith.index_cast %get3A_441 : i32 to index
      %get3A_443 = arith.index_cast %scan3A_429 : i32 to index
      %get3A_444 = arith.constant 32 : index
      %get3A_445 = tpu.vector_load %arg13[%get3A_442, %get3A_443, %get3A_444] {strides = array<i32>} : memref<2x128x64xf32, #tpu.memory_space<vmem>>, vector<16xf32>,
      %get3A_446 = arith.constant 1 : i32
      %get3A_447 = arith.index_cast %get3A_446 : i32 to index
      %get3A_448 = arith.index_cast %scan3A_429 : i32 to index
      %get3A_449 = arith.constant 48 : index
      %get3A_450 = tpu.vector_load %arg13[%get3A_447, %get3A_448, %get3A_449] {strides = array<i32>} : memref<2x128x64xf32, #tpu.memory_space<vmem>>, vector<16xf32>,
      %add3A_451 = arith.addf %get3A_435, %get3A_440 : vector<16xf32>
      %add3A_452 = arith.addf %add3A_451, %get3A_445 : vector<16xf32>
      %add3A_453 = arith.addf %add3A_452, %get3A_450 : vector<16xf32>
      %mul3A_454 = arith.mulf %get3A_435, %get3A_435 : vector<16xf32>
      %mul3A_455 = arith.mulf %get3A_440, %get3A_440 : vector<16xf32>
      %add3A_456 = arith.addf %mul3A_454, %mul3A_455 : vector<16xf32>
      %mul3A_457 = arith.mulf %get3A_445, %get3A_445 : vector<16xf32>
      %add3A_458 = arith.addf %add3A_456, %mul3A_457 : vector<16xf32>
      %mul3A_459 = arith.mulf %get3A_450, %get3A_450 : vector<16xf32>
      %add3A_460 = arith.addf %add3A_458, %mul3A_459 : vector<16xf32>
      %reduce_sum3A = arith.constant true
      %reduce_sum3A_461 = vector.broadcast %reduce_sum3A : i1 to vector<16xi1>
      %reduce_sum3A_462 = tpu.scan <sum>, %add3A_453 masked %reduce_sum3A_461 : vector<16xf32>, vector<16xi1> -> vector<16xf32>
      %reduce_sum3A_463 = vector.extract %reduce_sum3A_462[15] : f32 from vector<16xf32>
      %reduce_sum3A_464 = arith.constant true
      %reduce_sum3A_465 = vector.broadcast %reduce_sum3A_464 : i1 to vector<16xi1>
      %reduce_sum3A_466 = tpu.scan <sum>, %add3A_460 masked %reduce_sum3A_465 : vector<16xf32>, vector<16xi1> -> vector<16xf32>
      %reduce_sum3A_467 = vector.extract %reduce_sum3A_466[15] : f32 from vector<16xf32>
      %mul3A_468 = arith.constant 1.562500e-02 : f32
      %mul3A_469 = arith.mulf %reduce_sum3A_463, %mul3A_468 : f32
      %mul3A_470 = arith.constant 1.562500e-02 : f32
      %mul3A_471 = arith.mulf %reduce_sum3A_467, %mul3A_470 : f32
      %mul3A_472 = arith.mulf %mul3A_469, %mul3A_469 : f32
      %sub3A = arith.subf %mul3A_471, %mul3A_472 : f32
      %add3A_473 = arith.constant 9.99999974E-6 : f32
      %add3A_474 = arith.addf %sub3A, %add3A_473 : f32
      %bitcast_convert_type3A = arith.bitcast %add3A_474 : f32 to i32
      %shift_right_arithmetic3A = arith.constant 1 : i32
      %shift_right_arithmetic3A_475 = arith.shrsi %bitcast_convert_type3A, %shift_right_arithmetic3A : i32
      %sub3A_476 = arith.constant 1597463007 : i32
      %sub3A_477 = arith.subi %sub3A_476, %shift_right_arithmetic3A_475 : i32
      %bitcast_convert_type3A_478 = arith.bitcast %sub3A_477 : i32 to f32
      %mul3A_479 = arith.constant 5.000000e-01 : f32
      %mul3A_480 = arith.mulf %mul3A_479, %add3A_474 : f32
      %mul3A_481 = arith.mulf %mul3A_480, %bitcast_convert_type3A_478 : f32
      %mul3A_482 = arith.mulf %mul3A_481, %bitcast_convert_type3A_478 : f32
      %sub3A_483 = arith.constant 1.500000e+00 : f32
      %sub3A_484 = arith.subf %sub3A_483, %mul3A_482 : f32
      %mul3A_485 = arith.mulf %bitcast_convert_type3A_478, %sub3A_484 : f32
      %mul3A_486 = arith.constant 5.000000e-01 : f32
      %mul3A_487 = arith.mulf %mul3A_486, %add3A_474 : f32
      %mul3A_488 = arith.mulf %mul3A_487, %mul3A_485 : f32
      %mul3A_489 = arith.mulf %mul3A_488, %mul3A_485 : f32
      %sub3A_490 = arith.constant 1.500000e+00 : f32
      %sub3A_491 = arith.subf %sub3A_490, %mul3A_489 : f32
      %mul3A_492 = arith.mulf %mul3A_485, %sub3A_491 : f32
      %mul3A_493 = arith.constant 5.000000e-01 : f32
      %mul3A_494 = arith.mulf %mul3A_493, %add3A_474 : f32
      %mul3A_495 = arith.mulf %mul3A_494, %mul3A_492 : f32
      %mul3A_496 = arith.mulf %mul3A_495, %mul3A_492 : f32
      %sub3A_497 = arith.constant 1.500000e+00 : f32
      %sub3A_498 = arith.subf %sub3A_497, %mul3A_496 : f32
      %mul3A_499 = arith.mulf %mul3A_492, %sub3A_498 : f32
      %sub3A_500 = vector.broadcast %mul3A_469 : f32 to vector<16xf32>
      %sub3A_501 = arith.subf %get3A_435, %sub3A_500 : vector<16xf32>
      %mul3A_502 = vector.broadcast %mul3A_499 : f32 to vector<16xf32>
      %mul3A_503 = arith.mulf %sub3A_501, %mul3A_502 : vector<16xf32>
      %mul3A_504 = arith.mulf %mul3A_503, %get3A_29 : vector<16xf32>
      %add3A_505 = arith.addf %mul3A_504, %get3A_37 : vector<16xf32>
      %get3A_506 = arith.constant 1 : i32
      %get3A_507 = arith.index_cast %get3A_506 : i32 to index
      %get3A_508 = arith.index_cast %scan3A_429 : i32 to index
      %get3A_509 = arith.constant 0 : index
      %get3A_510 = tpu.vector_load %arg14[%get3A_507, %get3A_508, %get3A_509] {strides = array<i32>} : memref<2x128x64xf32, #tpu.memory_space<vmem>>, vector<16xf32>,
      %add3A_511 = arith.addf %add3A_505, %get3A_510 : vector<16xf32>
      %swap3A = arith.constant 1 : i32
      %swap3A_512 = arith.index_cast %swap3A : i32 to index
      %swap3A_513 = arith.index_cast %scan3A_429 : i32 to index
      %swap3A_514 = arith.constant 0 : index
      %swap3A_515 = tpu.vector_load %arg15[%swap3A_512, %swap3A_513, %swap3A_514] {strides = array<i32>} : memref<2x128x64xf32, #tpu.memory_space<vmem>>, vector<16xf32>,
      tpu.vector_store %arg15[%swap3A_512, %swap3A_513, %swap3A_514], %add3A_511 {strides = array<i32>} : memref<2x128x64xf32, #tpu.memory_space<vmem>>, vector<16xf32>,
      %sub3A_516 = vector.broadcast %mul3A_469 : f32 to vector<16xf32>
      %sub3A_517 = arith.subf %get3A_440, %sub3A_516 : vector<16xf32>
      %mul3A_518 = vector.broadcast %mul3A_499 : f32 to vector<16xf32>
      %mul3A_519 = arith.mulf %sub3A_517, %mul3A_518 : vector<16xf32>
      %mul3A_520 = arith.mulf %mul3A_519, %get3A_31 : vector<16xf32>
      %add3A_521 = arith.addf %mul3A_520, %get3A_39 : vector<16xf32>
      %get3A_522 = arith.constant 1 : i32
      %get3A_523 = arith.index_cast %get3A_522 : i32 to index
      %get3A_524 = arith.index_cast %scan3A_429 : i32 to index
      %get3A_525 = arith.constant 16 : index
      %get3A_526 = tpu.vector_load %arg14[%get3A_523, %get3A_524, %get3A_525] {strides = array<i32>} : memref<2x128x64xf32, #tpu.memory_space<vmem>>, vector<16xf32>,
      %add3A_527 = arith.addf %add3A_521, %get3A_526 : vector<16xf32>
      %swap3A_528 = arith.constant 1 : i32
      %swap3A_529 = arith.index_cast %swap3A_528 : i32 to index
      %swap3A_530 = arith.index_cast %scan3A_429 : i32 to index
      %swap3A_531 = arith.constant 16 : index
      %swap3A_532 = tpu.vector_load %arg15[%swap3A_529, %swap3A_530, %swap3A_531] {strides = array<i32>} : memref<2x128x64xf32, #tpu.memory_space<vmem>>, vector<16xf32>,
      tpu.vector_store %arg15[%swap3A_529, %swap3A_530, %swap3A_531], %add3A_527 {strides = array<i32>} : memref<2x128x64xf32, #tpu.memory_space<vmem>>, vector<16xf32>,
      %sub3A_533 = vector.broadcast %mul3A_469 : f32 to vector<16xf32>
      %sub3A_534 = arith.subf %get3A_445, %sub3A_533 : vector<16xf32>
      %mul3A_535 = vector.broadcast %mul3A_499 : f32 to vector<16xf32>
      %mul3A_536 = arith.mulf %sub3A_534, %mul3A_535 : vector<16xf32>
      %mul3A_537 = arith.mulf %mul3A_536, %get3A_33 : vector<16xf32>
      %add3A_538 = arith.addf %mul3A_537, %get3A_41 : vector<16xf32>
      %get3A_539 = arith.constant 1 : i32
      %get3A_540 = arith.index_cast %get3A_539 : i32 to index
      %get3A_541 = arith.index_cast %scan3A_429 : i32 to index
      %get3A_542 = arith.constant 32 : index
      %get3A_543 = tpu.vector_load %arg14[%get3A_540, %get3A_541, %get3A_542] {strides = array<i32>} : memref<2x128x64xf32, #tpu.memory_space<vmem>>, vector<16xf32>,
      %add3A_544 = arith.addf %add3A_538, %get3A_543 : vector<16xf32>
      %swap3A_545 = arith.constant 1 : i32
      %swap3A_546 = arith.index_cast %swap3A_545 : i32 to index
      %swap3A_547 = arith.index_cast %scan3A_429 : i32 to index
      %swap3A_548 = arith.constant 32 : index
      %swap3A_549 = tpu.vector_load %arg15[%swap3A_546, %swap3A_547, %swap3A_548] {strides = array<i32>} : memref<2x128x64xf32, #tpu.memory_space<vmem>>, vector<16xf32>,
      tpu.vector_store %arg15[%swap3A_546, %swap3A_547, %swap3A_548], %add3A_544 {strides = array<i32>} : memref<2x128x64xf32, #tpu.memory_space<vmem>>, vector<16xf32>,
      %sub3A_550 = vector.broadcast %mul3A_469 : f32 to vector<16xf32>
      %sub3A_551 = arith.subf %get3A_450, %sub3A_550 : vector<16xf32>
      %mul3A_552 = vector.broadcast %mul3A_499 : f32 to vector<16xf32>
      %mul3A_553 = arith.mulf %sub3A_551, %mul3A_552 : vector<16xf32>
      %mul3A_554 = arith.mulf %mul3A_553, %get3A_35 : vector<16xf32>
      %add3A_555 = arith.addf %mul3A_554, %get3A_43 : vector<16xf32>
      %get3A_556 = arith.constant 1 : i32
      %get3A_557 = arith.index_cast %get3A_556 : i32 to index
      %get3A_558 = arith.index_cast %scan3A_429 : i32 to index
      %get3A_559 = arith.constant 48 : index
      %get3A_560 = tpu.vector_load %arg14[%get3A_557, %get3A_558, %get3A_559] {strides = array<i32>} : memref<2x128x64xf32, #tpu.memory_space<vmem>>, vector<16xf32>,
      %add3A_561 = arith.addf %add3A_555, %get3A_560 : vector<16xf32>
      %swap3A_562 = arith.constant 1 : i32
      %swap3A_563 = arith.index_cast %swap3A_562 : i32 to index
      %swap3A_564 = arith.index_cast %scan3A_429 : i32 to index
      %swap3A_565 = arith.constant 48 : index
      %swap3A_566 = tpu.vector_load %arg15[%swap3A_563, %swap3A_564, %swap3A_565] {strides = array<i32>} : memref<2x128x64xf32, #tpu.memory_space<vmem>>, vector<16xf32>,
      tpu.vector_store %arg15[%swap3A_563, %swap3A_564, %swap3A_565], %add3A_561 {strides = array<i32>} : memref<2x128x64xf32, #tpu.memory_space<vmem>>, vector<16xf32>,
      %scan3A_567 = arith.constant 0 : i32
      scf.yield %scan3A_567 : i32
    }
    %scan3A_203 = arith.constant 128 : i32
    %add3A_204 = arith.constant 128 : i32
    %add3A_205 = arith.addi %mul3A_2, %add3A_204 : i32
    %dma_start3A_206 = arith.constant 1 : i32
    %dma_start3A_207 = arith.constant 1 : i32
    %dma_start3A_208 = arith.constant 0 : i32
    %dma_start3A_209 = arith.constant 0 : i32
    %dma_start3A_210 = tpu.memref_slice %arg15[%dma_start3A_206, %dma_start3A_208, %dma_start3A_209] : memref<2x128x64xf32, #tpu.memory_space<vmem>> -> memref<1x128x64xf32, #tpu.memory_space<vmem>>
    %dma_start3A_211 = tpu.memref_squeeze %dma_start3A_210 : memref<1x128x64xf32, #tpu.memory_space<vmem>> -> memref<128x64xf32, #tpu.memory_space<vmem>>
    %dma_start3A_212 = arith.constant 0 : i32
    %dma_start3A_213 = tpu.memref_slice %arg10[%add3A_205, %dma_start3A_212] : memref<819200x64xf32, #tpu.memory_space<hbm>> -> memref<128x64xf32, #tpu.memory_space<hbm>>
    %dma_start3A_214 = tpu.memref_slice %arg22[%dma_start3A_207] : memref<2x!tpu.dma_semaphore, #tpu.memory_space<semaphore_mem>> -> memref<1x!tpu.dma_semaphore, #tpu.memory_space<semaphore_mem>>
    %dma_start3A_215 = tpu.memref_squeeze %dma_start3A_214 : memref<1x!tpu.dma_semaphore, #tpu.memory_space<semaphore_mem>> -> memref<!tpu.dma_semaphore, #tpu.memory_space<semaphore_mem>>
    %dma_start3A_216 = arith.constant 0 : i32
    %dma_start3A_217 = tpu.memref_slice %arg10[%add3A_205, %dma_start3A_216] : memref<819200x64xf32, #tpu.memory_space<hbm>> -> memref<128x64xf32, #tpu.memory_space<hbm>>
    %dma_start3A_218 = arith.constant 0 : i32
    %dma_start3A_219 = arith.constant 0 : i32
    %dma_start3A_220 = tpu.memref_slice %arg15[%dma_start3A_206, %dma_start3A_218, %dma_start3A_219] : memref<2x128x64xf32, #tpu.memory_space<vmem>> -> memref<1x128x64xf32, #tpu.memory_space<vmem>>
    %dma_start3A_221 = tpu.memref_squeeze %dma_start3A_220 : memref<1x128x64xf32, #tpu.memory_space<vmem>> -> memref<128x64xf32, #tpu.memory_space<vmem>>
    tpu.enqueue_dma source(%dma_start3A_221 : memref<128x64xf32, #tpu.memory_space<vmem>>) target(%dma_start3A_217 : memref<128x64xf32, #tpu.memory_space<hbm>>) target_semaphore(%dma_start3A_215 : memref<!tpu.dma_semaphore, #tpu.memory_space<semaphore_mem>>)
    %dma_start3A_222 = arith.constant 1 : i32
    %dma_start3A_223 = arith.constant 1 : i32
    %dma_start3A_224 = arith.constant 0 : i32
    %dma_start3A_225 = arith.constant 0 : i32
    %dma_start3A_226 = tpu.memref_slice %arg13[%dma_start3A_222, %dma_start3A_224, %dma_start3A_225] : memref<2x128x64xf32, #tpu.memory_space<vmem>> -> memref<1x128x64xf32, #tpu.memory_space<vmem>>
    %dma_start3A_227 = tpu.memref_squeeze %dma_start3A_226 : memref<1x128x64xf32, #tpu.memory_space<vmem>> -> memref<128x64xf32, #tpu.memory_space<vmem>>
    %dma_start3A_228 = arith.constant 384 : i32
    %dma_start3A_229 = tpu.memref_slice %arg11[%dma_start3A_228] : memref<25600xi32, #tpu.memory_space<vmem>> -> memref<128xi32, #tpu.memory_space<vmem>>
    %dma_start3A_230 = arith.constant 0 : i32
    %dma_start3A_231 = arith.constant 0 : i32
    %dma_start3A_232 = tpu.memref_slice %arg4[%dma_start3A_230, %dma_start3A_231] : memref<1000000x64xf32, #tpu.memory_space<hbm>> -> memref<1000000x64xf32, #tpu.memory_space<hbm>>
    %dma_start3A_233 = tpu.memref_slice %arg20[%dma_start3A_223] : memref<2x!tpu.dma_semaphore, #tpu.memory_space<semaphore_mem>> -> memref<1x!tpu.dma_semaphore, #tpu.memory_space<semaphore_mem>>
    %dma_start3A_234 = tpu.memref_squeeze %dma_start3A_233 : memref<1x!tpu.dma_semaphore, #tpu.memory_space<semaphore_mem>> -> memref<!tpu.dma_semaphore, #tpu.memory_space<semaphore_mem>>
    tpu.enqueue_indirect_dma source(%dma_start3A_232 : memref<1000000x64xf32, #tpu.memory_space<hbm>>) target(%dma_start3A_227 : memref<128x64xf32, #tpu.memory_space<vmem>>) offsets(%dma_start3A_229 : memref<128xi32, #tpu.memory_space<vmem>>) semaphore(%dma_start3A_234 : memref<!tpu.dma_semaphore, #tpu.memory_space<semaphore_mem>>)
    %dma_start3A_235 = arith.constant 1 : i32
    %dma_start3A_236 = arith.constant 1 : i32
    %dma_start3A_237 = arith.constant 0 : i32
    %dma_start3A_238 = arith.constant 0 : i32
    %dma_start3A_239 = tpu.memref_slice %arg14[%dma_start3A_235, %dma_start3A_237, %dma_start3A_238] : memref<2x128x64xf32, #tpu.memory_space<vmem>> -> memref<1x128x64xf32, #tpu.memory_space<vmem>>
    %dma_start3A_240 = tpu.memref_squeeze %dma_start3A_239 : memref<1x128x64xf32, #tpu.memory_space<vmem>> -> memref<128x64xf32, #tpu.memory_space<vmem>>
    %dma_start3A_241 = arith.constant 384 : i32
    %dma_start3A_242 = tpu.memref_slice %arg12[%dma_start3A_241] : memref<25600xi32, #tpu.memory_space<vmem>> -> memref<128xi32, #tpu.memory_space<vmem>>
    %dma_start3A_243 = arith.constant 0 : i32
    %dma_start3A_244 = arith.constant 0 : i32
    %dma_start3A_245 = tpu.memref_slice %arg19[%dma_start3A_243, %dma_start3A_244] : memref<2048x64xf32, #tpu.memory_space<vmem_shared>> -> memref<2048x64xf32, #tpu.memory_space<vmem_shared>>
    %dma_start3A_246 = tpu.memref_slice %arg21[%dma_start3A_236] : memref<2x!tpu.dma_semaphore, #tpu.memory_space<semaphore_mem>> -> memref<1x!tpu.dma_semaphore, #tpu.memory_space<semaphore_mem>>
    %dma_start3A_247 = tpu.memref_squeeze %dma_start3A_246 : memref<1x!tpu.dma_semaphore, #tpu.memory_space<semaphore_mem>> -> memref<!tpu.dma_semaphore, #tpu.memory_space<semaphore_mem>>
    tpu.enqueue_indirect_dma source(%dma_start3A_245 : memref<2048x64xf32, #tpu.memory_space<vmem_shared>>) target(%dma_start3A_240 : memref<128x64xf32, #tpu.memory_space<vmem>>) offsets(%dma_start3A_242 : memref<128xi32, #tpu.memory_space<vmem>>) semaphore(%dma_start3A_247 : memref<!tpu.dma_semaphore, #tpu.memory_space<semaphore_mem>>)
    %scan3A_248 = arith.constant 0 : i32
    %scan3A_249 = arith.constant 1 : i32
    %scan3A_250 = arith.constant 98 : i32
    %scan3A_251 = arith.addi %scan3A_249, %scan3A_250 : i32
    %scan3A_252 = arith.constant 1 : i32
    %scan3A_253 = scf.for %scan3A_429 = %scan3A_249 to %scan3A_251 step %scan3A_252 iter_args(%scan3A_430 = %scan3A_248) -> (i32)  : i32 {
      %mul3A_431 = arith.constant 2 : i32
      %mul3A_432 = arith.muli %mul3A_431, %scan3A_429 : i32
      %add3A_433 = arith.constant 0 : i32
      %add3A_434 = arith.addi %mul3A_432, %add3A_433 : i32
      %mul3A_435 = arith.constant 128 : i32
      %mul3A_436 = arith.muli %add3A_434, %mul3A_435 : i32
      %dma_wait3A_437 = arith.constant 0 : i32
      %dma_wait3A_438 = arith.constant 0 : i32
      %dma_wait3A_439 = arith.constant 0 : i32
      %dma_wait3A_440 = arith.constant 0 : i32
      %dma_wait3A_441 = tpu.memref_slice %arg13[%dma_wait3A_437, %dma_wait3A_439, %dma_wait3A_440] : memref<2x128x64xf32, #tpu.memory_space<vmem>> -> memref<1x128x64xf32, #tpu.memory_space<vmem>>
      %dma_wait3A_442 = tpu.memref_squeeze %dma_wait3A_441 : memref<1x128x64xf32, #tpu.memory_space<vmem>> -> memref<128x64xf32, #tpu.memory_space<vmem>>
      %dma_wait3A_443 = tpu.memref_slice %arg11[%mul3A_436] : memref<25600xi32, #tpu.memory_space<vmem>> -> memref<128xi32, #tpu.memory_space<vmem>>
      %dma_wait3A_444 = arith.constant 0 : i32
      %dma_wait3A_445 = arith.constant 0 : i32
      %dma_wait3A_446 = tpu.memref_slice %arg4[%dma_wait3A_444, %dma_wait3A_445] : memref<1000000x64xf32, #tpu.memory_space<hbm>> -> memref<1000000x64xf32, #tpu.memory_space<hbm>>
      %dma_wait3A_447 = tpu.memref_slice %arg20[%dma_wait3A_438] : memref<2x!tpu.dma_semaphore, #tpu.memory_space<semaphore_mem>> -> memref<1x!tpu.dma_semaphore, #tpu.memory_space<semaphore_mem>>
      %dma_wait3A_448 = tpu.memref_squeeze %dma_wait3A_447 : memref<1x!tpu.dma_semaphore, #tpu.memory_space<semaphore_mem>> -> memref<!tpu.dma_semaphore, #tpu.memory_space<semaphore_mem>>
      tpu.wait_indirect_dma semaphore(%dma_wait3A_448 : memref<!tpu.dma_semaphore, #tpu.memory_space<semaphore_mem>>) src(%dma_wait3A_446 : memref<1000000x64xf32, #tpu.memory_space<hbm>>) dst(%dma_wait3A_442 : memref<128x64xf32, #tpu.memory_space<vmem>>)
      %mul3A_449 = arith.constant 128 : i32
      %mul3A_450 = arith.muli %add3A_434, %mul3A_449 : i32
      %dma_wait3A_451 = arith.constant 0 : i32
      %dma_wait3A_452 = arith.constant 0 : i32
      %dma_wait3A_453 = arith.constant 0 : i32
      %dma_wait3A_454 = arith.constant 0 : i32
      %dma_wait3A_455 = tpu.memref_slice %arg14[%dma_wait3A_451, %dma_wait3A_453, %dma_wait3A_454] : memref<2x128x64xf32, #tpu.memory_space<vmem>> -> memref<1x128x64xf32, #tpu.memory_space<vmem>>
      %dma_wait3A_456 = tpu.memref_squeeze %dma_wait3A_455 : memref<1x128x64xf32, #tpu.memory_space<vmem>> -> memref<128x64xf32, #tpu.memory_space<vmem>>
      %dma_wait3A_457 = tpu.memref_slice %arg12[%mul3A_450] : memref<25600xi32, #tpu.memory_space<vmem>> -> memref<128xi32, #tpu.memory_space<vmem>>
      %dma_wait3A_458 = arith.constant 0 : i32
      %dma_wait3A_459 = arith.constant 0 : i32
      %dma_wait3A_460 = tpu.memref_slice %arg19[%dma_wait3A_458, %dma_wait3A_459] : memref<2048x64xf32, #tpu.memory_space<vmem_shared>> -> memref<2048x64xf32, #tpu.memory_space<vmem_shared>>
      %dma_wait3A_461 = tpu.memref_slice %arg21[%dma_wait3A_452] : memref<2x!tpu.dma_semaphore, #tpu.memory_space<semaphore_mem>> -> memref<1x!tpu.dma_semaphore, #tpu.memory_space<semaphore_mem>>
      %dma_wait3A_462 = tpu.memref_squeeze %dma_wait3A_461 : memref<1x!tpu.dma_semaphore, #tpu.memory_space<semaphore_mem>> -> memref<!tpu.dma_semaphore, #tpu.memory_space<semaphore_mem>>
      tpu.wait_indirect_dma semaphore(%dma_wait3A_462 : memref<!tpu.dma_semaphore, #tpu.memory_space<semaphore_mem>>) src(%dma_wait3A_460 : memref<2048x64xf32, #tpu.memory_space<vmem_shared>>) dst(%dma_wait3A_456 : memref<128x64xf32, #tpu.memory_space<vmem>>)
      %sub3A = arith.constant 2 : i32
      %sub3A_463 = arith.subi %add3A_434, %sub3A : i32
      %mul3A_464 = arith.constant 128 : i32
      %mul3A_465 = arith.muli %sub3A_463, %mul3A_464 : i32
      %add3A_466 = arith.addi %mul3A_2, %mul3A_465 : i32
      %dma_wait3A_467 = arith.constant 0 : i32
      %dma_wait3A_468 = arith.constant 0 : i32
      %dma_wait3A_469 = arith.constant 0 : i32
      %dma_wait3A_470 = arith.constant 0 : i32
      %dma_wait3A_471 = tpu.memref_slice %arg15[%dma_wait3A_467, %dma_wait3A_469, %dma_wait3A_470] : memref<2x128x64xf32, #tpu.memory_space<vmem>> -> memref<1x128x64xf32, #tpu.memory_space<vmem>>
      %dma_wait3A_472 = tpu.memref_squeeze %dma_wait3A_471 : memref<1x128x64xf32, #tpu.memory_space<vmem>> -> memref<128x64xf32, #tpu.memory_space<vmem>>
      %dma_wait3A_473 = arith.constant 0 : i32
      %dma_wait3A_474 = tpu.memref_slice %arg10[%add3A_466, %dma_wait3A_473] : memref<819200x64xf32, #tpu.memory_space<hbm>> -> memref<128x64xf32, #tpu.memory_space<hbm>>
      %dma_wait3A_475 = tpu.memref_slice %arg22[%dma_wait3A_468] : memref<2x!tpu.dma_semaphore, #tpu.memory_space<semaphore_mem>> -> memref<1x!tpu.dma_semaphore, #tpu.memory_space<semaphore_mem>>
      %dma_wait3A_476 = tpu.memref_squeeze %dma_wait3A_475 : memref<1x!tpu.dma_semaphore, #tpu.memory_space<semaphore_mem>> -> memref<!tpu.dma_semaphore, #tpu.memory_space<semaphore_mem>>
      %dma_wait3A_477 = arith.constant 0 : i32
      %dma_wait3A_478 = tpu.memref_slice %arg10[%add3A_466, %dma_wait3A_477] : memref<819200x64xf32, #tpu.memory_space<hbm>> -> memref<128x64xf32, #tpu.memory_space<hbm>>
      %dma_wait3A_479 = arith.constant 0 : i32
      %dma_wait3A_480 = arith.constant 0 : i32
      %dma_wait3A_481 = tpu.memref_slice %arg15[%dma_wait3A_467, %dma_wait3A_479, %dma_wait3A_480] : memref<2x128x64xf32, #tpu.memory_space<vmem>> -> memref<1x128x64xf32, #tpu.memory_space<vmem>>
      %dma_wait3A_482 = tpu.memref_squeeze %dma_wait3A_481 : memref<1x128x64xf32, #tpu.memory_space<vmem>> -> memref<128x64xf32, #tpu.memory_space<vmem>>
      tpu.wait_dma2 semaphore(%dma_wait3A_476 : memref<!tpu.dma_semaphore, #tpu.memory_space<semaphore_mem>>) src(%dma_wait3A_482 : memref<128x64xf32, #tpu.memory_space<vmem>>) dst(%dma_wait3A_478 : memref<128x64xf32, #tpu.memory_space<hbm>>)
      %scan3A_483 = arith.constant 0 : i32
      %scan3A_484 = arith.constant 0 : i32
      %scan3A_485 = arith.constant 128 : i32
      %scan3A_486 = arith.addi %scan3A_484, %scan3A_485 : i32
      %scan3A_487 = arith.constant 1 : i32
      %scan3A_488 = scf.for %scan3A_649 = %scan3A_484 to %scan3A_486 step %scan3A_487 iter_args(%scan3A_650 = %scan3A_483) -> (i32)  : i32 {
        %get3A_651 = arith.constant 0 : i32
        %get3A_652 = arith.index_cast %get3A_651 : i32 to index
        %get3A_653 = arith.index_cast %scan3A_649 : i32 to index
        %get3A_654 = arith.constant 0 : index
        %get3A_655 = tpu.vector_load %arg13[%get3A_652, %get3A_653, %get3A_654] {strides = array<i32>} : memref<2x128x64xf32, #tpu.memory_space<vmem>>, vector<16xf32>,
        %get3A_656 = arith.constant 0 : i32
        %get3A_657 = arith.index_cast %get3A_656 : i32 to index
        %get3A_658 = arith.index_cast %scan3A_649 : i32 to index
        %get3A_659 = arith.constant 16 : index
        %get3A_660 = tpu.vector_load %arg13[%get3A_657, %get3A_658, %get3A_659] {strides = array<i32>} : memref<2x128x64xf32, #tpu.memory_space<vmem>>, vector<16xf32>,
        %get3A_661 = arith.constant 0 : i32
        %get3A_662 = arith.index_cast %get3A_661 : i32 to index
        %get3A_663 = arith.index_cast %scan3A_649 : i32 to index
        %get3A_664 = arith.constant 32 : index
        %get3A_665 = tpu.vector_load %arg13[%get3A_662, %get3A_663, %get3A_664] {strides = array<i32>} : memref<2x128x64xf32, #tpu.memory_space<vmem>>, vector<16xf32>,
        %get3A_666 = arith.constant 0 : i32
        %get3A_667 = arith.index_cast %get3A_666 : i32 to index
        %get3A_668 = arith.index_cast %scan3A_649 : i32 to index
        %get3A_669 = arith.constant 48 : index
        %get3A_670 = tpu.vector_load %arg13[%get3A_667, %get3A_668, %get3A_669] {strides = array<i32>} : memref<2x128x64xf32, #tpu.memory_space<vmem>>, vector<16xf32>,
        %add3A_671 = arith.addf %get3A_655, %get3A_660 : vector<16xf32>
        %add3A_672 = arith.addf %add3A_671, %get3A_665 : vector<16xf32>
        %add3A_673 = arith.addf %add3A_672, %get3A_670 : vector<16xf32>
        %mul3A_674 = arith.mulf %get3A_655, %get3A_655 : vector<16xf32>
        %mul3A_675 = arith.mulf %get3A_660, %get3A_660 : vector<16xf32>
        %add3A_676 = arith.addf %mul3A_674, %mul3A_675 : vector<16xf32>
        %mul3A_677 = arith.mulf %get3A_665, %get3A_665 : vector<16xf32>
        %add3A_678 = arith.addf %add3A_676, %mul3A_677 : vector<16xf32>
        %mul3A_679 = arith.mulf %get3A_670, %get3A_670 : vector<16xf32>
        %add3A_680 = arith.addf %add3A_678, %mul3A_679 : vector<16xf32>
        %reduce_sum3A = arith.constant true
        %reduce_sum3A_681 = vector.broadcast %reduce_sum3A : i1 to vector<16xi1>
        %reduce_sum3A_682 = tpu.scan <sum>, %add3A_673 masked %reduce_sum3A_681 : vector<16xf32>, vector<16xi1> -> vector<16xf32>
        %reduce_sum3A_683 = vector.extract %reduce_sum3A_682[15] : f32 from vector<16xf32>
        %reduce_sum3A_684 = arith.constant true
        %reduce_sum3A_685 = vector.broadcast %reduce_sum3A_684 : i1 to vector<16xi1>
        %reduce_sum3A_686 = tpu.scan <sum>, %add3A_680 masked %reduce_sum3A_685 : vector<16xf32>, vector<16xi1> -> vector<16xf32>
        %reduce_sum3A_687 = vector.extract %reduce_sum3A_686[15] : f32 from vector<16xf32>
        %mul3A_688 = arith.constant 1.562500e-02 : f32
        %mul3A_689 = arith.mulf %reduce_sum3A_683, %mul3A_688 : f32
        %mul3A_690 = arith.constant 1.562500e-02 : f32
        %mul3A_691 = arith.mulf %reduce_sum3A_687, %mul3A_690 : f32
        %mul3A_692 = arith.mulf %mul3A_689, %mul3A_689 : f32
        %sub3A_693 = arith.subf %mul3A_691, %mul3A_692 : f32
        %add3A_694 = arith.constant 9.99999974E-6 : f32
        %add3A_695 = arith.addf %sub3A_693, %add3A_694 : f32
        %bitcast_convert_type3A = arith.bitcast %add3A_695 : f32 to i32
        %shift_right_arithmetic3A = arith.constant 1 : i32
        %shift_right_arithmetic3A_696 = arith.shrsi %bitcast_convert_type3A, %shift_right_arithmetic3A : i32
        %sub3A_697 = arith.constant 1597463007 : i32
        %sub3A_698 = arith.subi %sub3A_697, %shift_right_arithmetic3A_696 : i32
        %bitcast_convert_type3A_699 = arith.bitcast %sub3A_698 : i32 to f32
        %mul3A_700 = arith.constant 5.000000e-01 : f32
        %mul3A_701 = arith.mulf %mul3A_700, %add3A_695 : f32
        %mul3A_702 = arith.mulf %mul3A_701, %bitcast_convert_type3A_699 : f32
        %mul3A_703 = arith.mulf %mul3A_702, %bitcast_convert_type3A_699 : f32
        %sub3A_704 = arith.constant 1.500000e+00 : f32
        %sub3A_705 = arith.subf %sub3A_704, %mul3A_703 : f32
        %mul3A_706 = arith.mulf %bitcast_convert_type3A_699, %sub3A_705 : f32
        %mul3A_707 = arith.constant 5.000000e-01 : f32
        %mul3A_708 = arith.mulf %mul3A_707, %add3A_695 : f32
        %mul3A_709 = arith.mulf %mul3A_708, %mul3A_706 : f32
        %mul3A_710 = arith.mulf %mul3A_709, %mul3A_706 : f32
        %sub3A_711 = arith.constant 1.500000e+00 : f32
        %sub3A_712 = arith.subf %sub3A_711, %mul3A_710 : f32
        %mul3A_713 = arith.mulf %mul3A_706, %sub3A_712 : f32
        %mul3A_714 = arith.constant 5.000000e-01 : f32
        %mul3A_715 = arith.mulf %mul3A_714, %add3A_695 : f32
        %mul3A_716 = arith.mulf %mul3A_715, %mul3A_713 : f32
        %mul3A_717 = arith.mulf %mul3A_716, %mul3A_713 : f32
        %sub3A_718 = arith.constant 1.500000e+00 : f32
        %sub3A_719 = arith.subf %sub3A_718, %mul3A_717 : f32
        %mul3A_720 = arith.mulf %mul3A_713, %sub3A_719 : f32
        %sub3A_721 = vector.broadcast %mul3A_689 : f32 to vector<16xf32>
        %sub3A_722 = arith.subf %get3A_655, %sub3A_721 : vector<16xf32>
        %mul3A_723 = vector.broadcast %mul3A_720 : f32 to vector<16xf32>
        %mul3A_724 = arith.mulf %sub3A_722, %mul3A_723 : vector<16xf32>
        %mul3A_725 = arith.mulf %mul3A_724, %get3A_29 : vector<16xf32>
        %add3A_726 = arith.addf %mul3A_725, %get3A_37 : vector<16xf32>
        %get3A_727 = arith.constant 0 : i32
        %get3A_728 = arith.index_cast %get3A_727 : i32 to index
        %get3A_729 = arith.index_cast %scan3A_649 : i32 to index
        %get3A_730 = arith.constant 0 : index
        %get3A_731 = tpu.vector_load %arg14[%get3A_728, %get3A_729, %get3A_730] {strides = array<i32>} : memref<2x128x64xf32, #tpu.memory_space<vmem>>, vector<16xf32>,
        %add3A_732 = arith.addf %add3A_726, %get3A_731 : vector<16xf32>
        %swap3A = arith.constant 0 : i32
        %swap3A_733 = arith.index_cast %swap3A : i32 to index
        %swap3A_734 = arith.index_cast %scan3A_649 : i32 to index
        %swap3A_735 = arith.constant 0 : index
        %swap3A_736 = tpu.vector_load %arg15[%swap3A_733, %swap3A_734, %swap3A_735] {strides = array<i32>} : memref<2x128x64xf32, #tpu.memory_space<vmem>>, vector<16xf32>,
        tpu.vector_store %arg15[%swap3A_733, %swap3A_734, %swap3A_735], %add3A_732 {strides = array<i32>} : memref<2x128x64xf32, #tpu.memory_space<vmem>>, vector<16xf32>,
        %sub3A_737 = vector.broadcast %mul3A_689 : f32 to vector<16xf32>
        %sub3A_738 = arith.subf %get3A_660, %sub3A_737 : vector<16xf32>
        %mul3A_739 = vector.broadcast %mul3A_720 : f32 to vector<16xf32>
        %mul3A_740 = arith.mulf %sub3A_738, %mul3A_739 : vector<16xf32>
        %mul3A_741 = arith.mulf %mul3A_740, %get3A_31 : vector<16xf32>
        %add3A_742 = arith.addf %mul3A_741, %get3A_39 : vector<16xf32>
        %get3A_743 = arith.constant 0 : i32
        %get3A_744 = arith.index_cast %get3A_743 : i32 to index
        %get3A_745 = arith.index_cast %scan3A_649 : i32 to index
        %get3A_746 = arith.constant 16 : index
        %get3A_747 = tpu.vector_load %arg14[%get3A_744, %get3A_745, %get3A_746] {strides = array<i32>} : memref<2x128x64xf32, #tpu.memory_space<vmem>>, vector<16xf32>,
        %add3A_748 = arith.addf %add3A_742, %get3A_747 : vector<16xf32>
        %swap3A_749 = arith.constant 0 : i32
        %swap3A_750 = arith.index_cast %swap3A_749 : i32 to index
        %swap3A_751 = arith.index_cast %scan3A_649 : i32 to index
        %swap3A_752 = arith.constant 16 : index
        %swap3A_753 = tpu.vector_load %arg15[%swap3A_750, %swap3A_751, %swap3A_752] {strides = array<i32>} : memref<2x128x64xf32, #tpu.memory_space<vmem>>, vector<16xf32>,
        tpu.vector_store %arg15[%swap3A_750, %swap3A_751, %swap3A_752], %add3A_748 {strides = array<i32>} : memref<2x128x64xf32, #tpu.memory_space<vmem>>, vector<16xf32>,
        %sub3A_754 = vector.broadcast %mul3A_689 : f32 to vector<16xf32>
        %sub3A_755 = arith.subf %get3A_665, %sub3A_754 : vector<16xf32>
        %mul3A_756 = vector.broadcast %mul3A_720 : f32 to vector<16xf32>
        %mul3A_757 = arith.mulf %sub3A_755, %mul3A_756 : vector<16xf32>
        %mul3A_758 = arith.mulf %mul3A_757, %get3A_33 : vector<16xf32>
        %add3A_759 = arith.addf %mul3A_758, %get3A_41 : vector<16xf32>
        %get3A_760 = arith.constant 0 : i32
        %get3A_761 = arith.index_cast %get3A_760 : i32 to index
        %get3A_762 = arith.index_cast %scan3A_649 : i32 to index
        %get3A_763 = arith.constant 32 : index
        %get3A_764 = tpu.vector_load %arg14[%get3A_761, %get3A_762, %get3A_763] {strides = array<i32>} : memref<2x128x64xf32, #tpu.memory_space<vmem>>, vector<16xf32>,
        %add3A_765 = arith.addf %add3A_759, %get3A_764 : vector<16xf32>
        %swap3A_766 = arith.constant 0 : i32
        %swap3A_767 = arith.index_cast %swap3A_766 : i32 to index
        %swap3A_768 = arith.index_cast %scan3A_649 : i32 to index
        %swap3A_769 = arith.constant 32 : index
        %swap3A_770 = tpu.vector_load %arg15[%swap3A_767, %swap3A_768, %swap3A_769] {strides = array<i32>} : memref<2x128x64xf32, #tpu.memory_space<vmem>>, vector<16xf32>,
        tpu.vector_store %arg15[%swap3A_767, %swap3A_768, %swap3A_769], %add3A_765 {strides = array<i32>} : memref<2x128x64xf32, #tpu.memory_space<vmem>>, vector<16xf32>,
        %sub3A_771 = vector.broadcast %mul3A_689 : f32 to vector<16xf32>
        %sub3A_772 = arith.subf %get3A_670, %sub3A_771 : vector<16xf32>
        %mul3A_773 = vector.broadcast %mul3A_720 : f32 to vector<16xf32>
        %mul3A_774 = arith.mulf %sub3A_772, %mul3A_773 : vector<16xf32>
        %mul3A_775 = arith.mulf %mul3A_774, %get3A_35 : vector<16xf32>
        %add3A_776 = arith.addf %mul3A_775, %get3A_43 : vector<16xf32>
        %get3A_777 = arith.constant 0 : i32
        %get3A_778 = arith.index_cast %get3A_777 : i32 to index
        %get3A_779 = arith.index_cast %scan3A_649 : i32 to index
        %get3A_780 = arith.constant 48 : index
        %get3A_781 = tpu.vector_load %arg14[%get3A_778, %get3A_779, %get3A_780] {strides = array<i32>} : memref<2x128x64xf32, #tpu.memory_space<vmem>>, vector<16xf32>,
        %add3A_782 = arith.addf %add3A_776, %get3A_781 : vector<16xf32>
        %swap3A_783 = arith.constant 0 : i32
        %swap3A_784 = arith.index_cast %swap3A_783 : i32 to index
        %swap3A_785 = arith.index_cast %scan3A_649 : i32 to index
        %swap3A_786 = arith.constant 48 : index
        %swap3A_787 = tpu.vector_load %arg15[%swap3A_784, %swap3A_785, %swap3A_786] {strides = array<i32>} : memref<2x128x64xf32, #tpu.memory_space<vmem>>, vector<16xf32>,
        tpu.vector_store %arg15[%swap3A_784, %swap3A_785, %swap3A_786], %add3A_782 {strides = array<i32>} : memref<2x128x64xf32, #tpu.memory_space<vmem>>, vector<16xf32>,
        %scan3A_788 = arith.constant 0 : i32
        scf.yield %scan3A_788 : i32
      }
      %scan3A_489 = arith.constant 128 : i32
      %mul3A_490 = arith.constant 128 : i32
      %mul3A_491 = arith.muli %add3A_434, %mul3A_490 : i32
      %add3A_492 = arith.addi %mul3A_2, %mul3A_491 : i32
      %dma_start3A_493 = arith.constant 0 : i32
      %dma_start3A_494 = arith.constant 0 : i32
      %dma_start3A_495 = arith.constant 0 : i32
      %dma_start3A_496 = arith.constant 0 : i32
      %dma_start3A_497 = tpu.memref_slice %arg15[%dma_start3A_493, %dma_start3A_495, %dma_start3A_496] : memref<2x128x64xf32, #tpu.memory_space<vmem>> -> memref<1x128x64xf32, #tpu.memory_space<vmem>>
      %dma_start3A_498 = tpu.memref_squeeze %dma_start3A_497 : memref<1x128x64xf32, #tpu.memory_space<vmem>> -> memref<128x64xf32, #tpu.memory_space<vmem>>
      %dma_start3A_499 = arith.constant 0 : i32
      %dma_start3A_500 = tpu.memref_slice %arg10[%add3A_492, %dma_start3A_499] : memref<819200x64xf32, #tpu.memory_space<hbm>> -> memref<128x64xf32, #tpu.memory_space<hbm>>
      %dma_start3A_501 = tpu.memref_slice %arg22[%dma_start3A_494] : memref<2x!tpu.dma_semaphore, #tpu.memory_space<semaphore_mem>> -> memref<1x!tpu.dma_semaphore, #tpu.memory_space<semaphore_mem>>
      %dma_start3A_502 = tpu.memref_squeeze %dma_start3A_501 : memref<1x!tpu.dma_semaphore, #tpu.memory_space<semaphore_mem>> -> memref<!tpu.dma_semaphore, #tpu.memory_space<semaphore_mem>>
      %dma_start3A_503 = arith.constant 0 : i32
      %dma_start3A_504 = tpu.memref_slice %arg10[%add3A_492, %dma_start3A_503] : memref<819200x64xf32, #tpu.memory_space<hbm>> -> memref<128x64xf32, #tpu.memory_space<hbm>>
      %dma_start3A_505 = arith.constant 0 : i32
      %dma_start3A_506 = arith.constant 0 : i32
      %dma_start3A_507 = tpu.memref_slice %arg15[%dma_start3A_493, %dma_start3A_505, %dma_start3A_506] : memref<2x128x64xf32, #tpu.memory_space<vmem>> -> memref<1x128x64xf32, #tpu.memory_space<vmem>>
      %dma_start3A_508 = tpu.memref_squeeze %dma_start3A_507 : memref<1x128x64xf32, #tpu.memory_space<vmem>> -> memref<128x64xf32, #tpu.memory_space<vmem>>
      tpu.enqueue_dma source(%dma_start3A_508 : memref<128x64xf32, #tpu.memory_space<vmem>>) target(%dma_start3A_504 : memref<128x64xf32, #tpu.memory_space<hbm>>) target_semaphore(%dma_start3A_502 : memref<!tpu.dma_semaphore, #tpu.memory_space<semaphore_mem>>)
      %add3A_509 = arith.constant 2 : i32
      %add3A_510 = arith.addi %add3A_434, %add3A_509 : i32
      %mul3A_511 = arith.constant 128 : i32
      %mul3A_512 = arith.muli %add3A_510, %mul3A_511 : i32
      %dma_start3A_513 = arith.constant 0 : i32
      %dma_start3A_514 = arith.constant 0 : i32
      %dma_start3A_515 = arith.constant 0 : i32
      %dma_start3A_516 = arith.constant 0 : i32
      %dma_start3A_517 = tpu.memref_slice %arg13[%dma_start3A_513, %dma_start3A_515, %dma_start3A_516] : memref<2x128x64xf32, #tpu.memory_space<vmem>> -> memref<1x128x64xf32, #tpu.memory_space<vmem>>
      %dma_start3A_518 = tpu.memref_squeeze %dma_start3A_517 : memref<1x128x64xf32, #tpu.memory_space<vmem>> -> memref<128x64xf32, #tpu.memory_space<vmem>>
      %dma_start3A_519 = tpu.memref_slice %arg11[%mul3A_512] : memref<25600xi32, #tpu.memory_space<vmem>> -> memref<128xi32, #tpu.memory_space<vmem>>
      %dma_start3A_520 = arith.constant 0 : i32
      %dma_start3A_521 = arith.constant 0 : i32
      %dma_start3A_522 = tpu.memref_slice %arg4[%dma_start3A_520, %dma_start3A_521] : memref<1000000x64xf32, #tpu.memory_space<hbm>> -> memref<1000000x64xf32, #tpu.memory_space<hbm>>
      %dma_start3A_523 = tpu.memref_slice %arg20[%dma_start3A_514] : memref<2x!tpu.dma_semaphore, #tpu.memory_space<semaphore_mem>> -> memref<1x!tpu.dma_semaphore, #tpu.memory_space<semaphore_mem>>
      %dma_start3A_524 = tpu.memref_squeeze %dma_start3A_523 : memref<1x!tpu.dma_semaphore, #tpu.memory_space<semaphore_mem>> -> memref<!tpu.dma_semaphore, #tpu.memory_space<semaphore_mem>>
      tpu.enqueue_indirect_dma source(%dma_start3A_522 : memref<1000000x64xf32, #tpu.memory_space<hbm>>) target(%dma_start3A_518 : memref<128x64xf32, #tpu.memory_space<vmem>>) offsets(%dma_start3A_519 : memref<128xi32, #tpu.memory_space<vmem>>) semaphore(%dma_start3A_524 : memref<!tpu.dma_semaphore, #tpu.memory_space<semaphore_mem>>)
      %mul3A_525 = arith.constant 128 : i32
      %mul3A_526 = arith.muli %add3A_510, %mul3A_525 : i32
      %dma_start3A_527 = arith.constant 0 : i32
      %dma_start3A_528 = arith.constant 0 : i32
      %dma_start3A_529 = arith.constant 0 : i32
      %dma_start3A_530 = arith.constant 0 : i32
      %dma_start3A_531 = tpu.memref_slice %arg14[%dma_start3A_527, %dma_start3A_529, %dma_start3A_530] : memref<2x128x64xf32, #tpu.memory_space<vmem>> -> memref<1x128x64xf32, #tpu.memory_space<vmem>>
      %dma_start3A_532 = tpu.memref_squeeze %dma_start3A_531 : memref<1x128x64xf32, #tpu.memory_space<vmem>> -> memref<128x64xf32, #tpu.memory_space<vmem>>
      %dma_start3A_533 = tpu.memref_slice %arg12[%mul3A_526] : memref<25600xi32, #tpu.memory_space<vmem>> -> memref<128xi32, #tpu.memory_space<vmem>>
      %dma_start3A_534 = arith.constant 0 : i32
      %dma_start3A_535 = arith.constant 0 : i32
      %dma_start3A_536 = tpu.memref_slice %arg19[%dma_start3A_534, %dma_start3A_535] : memref<2048x64xf32, #tpu.memory_space<vmem_shared>> -> memref<2048x64xf32, #tpu.memory_space<vmem_shared>>
      %dma_start3A_537 = tpu.memref_slice %arg21[%dma_start3A_528] : memref<2x!tpu.dma_semaphore, #tpu.memory_space<semaphore_mem>> -> memref<1x!tpu.dma_semaphore, #tpu.memory_space<semaphore_mem>>
      %dma_start3A_538 = tpu.memref_squeeze %dma_start3A_537 : memref<1x!tpu.dma_semaphore, #tpu.memory_space<semaphore_mem>> -> memref<!tpu.dma_semaphore, #tpu.memory_space<semaphore_mem>>
      tpu.enqueue_indirect_dma source(%dma_start3A_536 : memref<2048x64xf32, #tpu.memory_space<vmem_shared>>) target(%dma_start3A_532 : memref<128x64xf32, #tpu.memory_space<vmem>>) offsets(%dma_start3A_533 : memref<128xi32, #tpu.memory_space<vmem>>) semaphore(%dma_start3A_538 : memref<!tpu.dma_semaphore, #tpu.memory_space<semaphore_mem>>)
      %mul3A_539 = arith.constant 2 : i32
      %mul3A_540 = arith.muli %mul3A_539, %scan3A_429 : i32
      %add3A_541 = arith.constant 1 : i32
      %add3A_542 = arith.addi %mul3A_540, %add3A_541 : i32
      %mul3A_543 = arith.constant 128 : i32
      %mul3A_544 = arith.muli %add3A_542, %mul3A_543 : i32
      %dma_wait3A_545 = arith.constant 1 : i32
      %dma_wait3A_546 = arith.constant 1 : i32
      %dma_wait3A_547 = arith.constant 0 : i32
      %dma_wait3A_548 = arith.constant 0 : i32
      %dma_wait3A_549 = tpu.memref_slice %arg13[%dma_wait3A_545, %dma_wait3A_547, %dma_wait3A_548] : memref<2x128x64xf32, #tpu.memory_space<vmem>> -> memref<1x128x64xf32, #tpu.memory_space<vmem>>
      %dma_wait3A_550 = tpu.memref_squeeze %dma_wait3A_549 : memref<1x128x64xf32, #tpu.memory_space<vmem>> -> memref<128x64xf32, #tpu.memory_space<vmem>>
      %dma_wait3A_551 = tpu.memref_slice %arg11[%mul3A_544] : memref<25600xi32, #tpu.memory_space<vmem>> -> memref<128xi32, #tpu.memory_space<vmem>>
      %dma_wait3A_552 = arith.constant 0 : i32
      %dma_wait3A_553 = arith.constant 0 : i32
      %dma_wait3A_554 = tpu.memref_slice %arg4[%dma_wait3A_552, %dma_wait3A_553] : memref<1000000x64xf32, #tpu.memory_space<hbm>> -> memref<1000000x64xf32, #tpu.memory_space<hbm>>
      %dma_wait3A_555 = tpu.memref_slice %arg20[%dma_wait3A_546] : memref<2x!tpu.dma_semaphore, #tpu.memory_space<semaphore_mem>> -> memref<1x!tpu.dma_semaphore, #tpu.memory_space<semaphore_mem>>
      %dma_wait3A_556 = tpu.memref_squeeze %dma_wait3A_555 : memref<1x!tpu.dma_semaphore, #tpu.memory_space<semaphore_mem>> -> memref<!tpu.dma_semaphore, #tpu.memory_space<semaphore_mem>>
      tpu.wait_indirect_dma semaphore(%dma_wait3A_556 : memref<!tpu.dma_semaphore, #tpu.memory_space<semaphore_mem>>) src(%dma_wait3A_554 : memref<1000000x64xf32, #tpu.memory_space<hbm>>) dst(%dma_wait3A_550 : memref<128x64xf32, #tpu.memory_space<vmem>>)
      %mul3A_557 = arith.constant 128 : i32
      %mul3A_558 = arith.muli %add3A_542, %mul3A_557 : i32
      %dma_wait3A_559 = arith.constant 1 : i32
      %dma_wait3A_560 = arith.constant 1 : i32
      %dma_wait3A_561 = arith.constant 0 : i32
      %dma_wait3A_562 = arith.constant 0 : i32
      %dma_wait3A_563 = tpu.memref_slice %arg14[%dma_wait3A_559, %dma_wait3A_561, %dma_wait3A_562] : memref<2x128x64xf32, #tpu.memory_space<vmem>> -> memref<1x128x64xf32, #tpu.memory_space<vmem>>
      %dma_wait3A_564 = tpu.memref_squeeze %dma_wait3A_563 : memref<1x128x64xf32, #tpu.memory_space<vmem>> -> memref<128x64xf32, #tpu.memory_space<vmem>>
      %dma_wait3A_565 = tpu.memref_slice %arg12[%mul3A_558] : memref<25600xi32, #tpu.memory_space<vmem>> -> memref<128xi32, #tpu.memory_space<vmem>>
      %dma_wait3A_566 = arith.constant 0 : i32
      %dma_wait3A_567 = arith.constant 0 : i32
      %dma_wait3A_568 = tpu.memref_slice %arg19[%dma_wait3A_566, %dma_wait3A_567] : memref<2048x64xf32, #tpu.memory_space<vmem_shared>> -> memref<2048x64xf32, #tpu.memory_space<vmem_shared>>
      %dma_wait3A_569 = tpu.memref_slice %arg21[%dma_wait3A_560] : memref<2x!tpu.dma_semaphore, #tpu.memory_space<semaphore_mem>> -> memref<1x!tpu.dma_semaphore, #tpu.memory_space<semaphore_mem>>
      %dma_wait3A_570 = tpu.memref_squeeze %dma_wait3A_569 : memref<1x!tpu.dma_semaphore, #tpu.memory_space<semaphore_mem>> -> memref<!tpu.dma_semaphore, #tpu.memory_space<semaphore_mem>>
      tpu.wait_indirect_dma semaphore(%dma_wait3A_570 : memref<!tpu.dma_semaphore, #tpu.memory_space<semaphore_mem>>) src(%dma_wait3A_568 : memref<2048x64xf32, #tpu.memory_space<vmem_shared>>) dst(%dma_wait3A_564 : memref<128x64xf32, #tpu.memory_space<vmem>>)
      %sub3A_571 = arith.constant 2 : i32
      %sub3A_572 = arith.subi %add3A_542, %sub3A_571 : i32
      %mul3A_573 = arith.constant 128 : i32
      %mul3A_574 = arith.muli %sub3A_572, %mul3A_573 : i32
      %add3A_575 = arith.addi %mul3A_2, %mul3A_574 : i32
      %dma_wait3A_576 = arith.constant 1 : i32
      %dma_wait3A_577 = arith.constant 1 : i32
      %dma_wait3A_578 = arith.constant 0 : i32
      %dma_wait3A_579 = arith.constant 0 : i32
      %dma_wait3A_580 = tpu.memref_slice %arg15[%dma_wait3A_576, %dma_wait3A_578, %dma_wait3A_579] : memref<2x128x64xf32, #tpu.memory_space<vmem>> -> memref<1x128x64xf32, #tpu.memory_space<vmem>>
      %dma_wait3A_581 = tpu.memref_squeeze %dma_wait3A_580 : memref<1x128x64xf32, #tpu.memory_space<vmem>> -> memref<128x64xf32, #tpu.memory_space<vmem>>
      %dma_wait3A_582 = arith.constant 0 : i32
      %dma_wait3A_583 = tpu.memref_slice %arg10[%add3A_575, %dma_wait3A_582] : memref<819200x64xf32, #tpu.memory_space<hbm>> -> memref<128x64xf32, #tpu.memory_space<hbm>>
      %dma_wait3A_584 = tpu.memref_slice %arg22[%dma_wait3A_577] : memref<2x!tpu.dma_semaphore, #tpu.memory_space<semaphore_mem>> -> memref<1x!tpu.dma_semaphore, #tpu.memory_space<semaphore_mem>>
      %dma_wait3A_585 = tpu.memref_squeeze %dma_wait3A_584 : memref<1x!tpu.dma_semaphore, #tpu.memory_space<semaphore_mem>> -> memref<!tpu.dma_semaphore, #tpu.memory_space<semaphore_mem>>
      %dma_wait3A_586 = arith.constant 0 : i32
      %dma_wait3A_587 = tpu.memref_slice %arg10[%add3A_575, %dma_wait3A_586] : memref<819200x64xf32, #tpu.memory_space<hbm>> -> memref<128x64xf32, #tpu.memory_space<hbm>>
      %dma_wait3A_588 = arith.constant 0 : i32
      %dma_wait3A_589 = arith.constant 0 : i32
      %dma_wait3A_590 = tpu.memref_slice %arg15[%dma_wait3A_576, %dma_wait3A_588, %dma_wait3A_589] : memref<2x128x64xf32, #tpu.memory_space<vmem>> -> memref<1x128x64xf32, #tpu.memory_space<vmem>>
      %dma_wait3A_591 = tpu.memref_squeeze %dma_wait3A_590 : memref<1x128x64xf32, #tpu.memory_space<vmem>> -> memref<128x64xf32, #tpu.memory_space<vmem>>
      tpu.wait_dma2 semaphore(%dma_wait3A_585 : memref<!tpu.dma_semaphore, #tpu.memory_space<semaphore_mem>>) src(%dma_wait3A_591 : memref<128x64xf32, #tpu.memory_space<vmem>>) dst(%dma_wait3A_587 : memref<128x64xf32, #tpu.memory_space<hbm>>)
      %scan3A_592 = arith.constant 0 : i32
      %scan3A_593 = arith.constant 0 : i32
      %scan3A_594 = arith.constant 128 : i32
      %scan3A_595 = arith.addi %scan3A_593, %scan3A_594 : i32
      %scan3A_596 = arith.constant 1 : i32
      %scan3A_597 = scf.for %scan3A_649 = %scan3A_593 to %scan3A_595 step %scan3A_596 iter_args(%scan3A_650 = %scan3A_592) -> (i32)  : i32 {
        %get3A_651 = arith.constant 1 : i32
        %get3A_652 = arith.index_cast %get3A_651 : i32 to index
        %get3A_653 = arith.index_cast %scan3A_649 : i32 to index
        %get3A_654 = arith.constant 0 : index
        %get3A_655 = tpu.vector_load %arg13[%get3A_652, %get3A_653, %get3A_654] {strides = array<i32>} : memref<2x128x64xf32, #tpu.memory_space<vmem>>, vector<16xf32>,
        %get3A_656 = arith.constant 1 : i32
        %get3A_657 = arith.index_cast %get3A_656 : i32 to index
        %get3A_658 = arith.index_cast %scan3A_649 : i32 to index
        %get3A_659 = arith.constant 16 : index
        %get3A_660 = tpu.vector_load %arg13[%get3A_657, %get3A_658, %get3A_659] {strides = array<i32>} : memref<2x128x64xf32, #tpu.memory_space<vmem>>, vector<16xf32>,
        %get3A_661 = arith.constant 1 : i32
        %get3A_662 = arith.index_cast %get3A_661 : i32 to index
        %get3A_663 = arith.index_cast %scan3A_649 : i32 to index
        %get3A_664 = arith.constant 32 : index
        %get3A_665 = tpu.vector_load %arg13[%get3A_662, %get3A_663, %get3A_664] {strides = array<i32>} : memref<2x128x64xf32, #tpu.memory_space<vmem>>, vector<16xf32>,
        %get3A_666 = arith.constant 1 : i32
        %get3A_667 = arith.index_cast %get3A_666 : i32 to index
        %get3A_668 = arith.index_cast %scan3A_649 : i32 to index
        %get3A_669 = arith.constant 48 : index
        %get3A_670 = tpu.vector_load %arg13[%get3A_667, %get3A_668, %get3A_669] {strides = array<i32>} : memref<2x128x64xf32, #tpu.memory_space<vmem>>, vector<16xf32>,
        %add3A_671 = arith.addf %get3A_655, %get3A_660 : vector<16xf32>
        %add3A_672 = arith.addf %add3A_671, %get3A_665 : vector<16xf32>
        %add3A_673 = arith.addf %add3A_672, %get3A_670 : vector<16xf32>
        %mul3A_674 = arith.mulf %get3A_655, %get3A_655 : vector<16xf32>
        %mul3A_675 = arith.mulf %get3A_660, %get3A_660 : vector<16xf32>
        %add3A_676 = arith.addf %mul3A_674, %mul3A_675 : vector<16xf32>
        %mul3A_677 = arith.mulf %get3A_665, %get3A_665 : vector<16xf32>
        %add3A_678 = arith.addf %add3A_676, %mul3A_677 : vector<16xf32>
        %mul3A_679 = arith.mulf %get3A_670, %get3A_670 : vector<16xf32>
        %add3A_680 = arith.addf %add3A_678, %mul3A_679 : vector<16xf32>
        %reduce_sum3A = arith.constant true
        %reduce_sum3A_681 = vector.broadcast %reduce_sum3A : i1 to vector<16xi1>
        %reduce_sum3A_682 = tpu.scan <sum>, %add3A_673 masked %reduce_sum3A_681 : vector<16xf32>, vector<16xi1> -> vector<16xf32>
        %reduce_sum3A_683 = vector.extract %reduce_sum3A_682[15] : f32 from vector<16xf32>
        %reduce_sum3A_684 = arith.constant true
        %reduce_sum3A_685 = vector.broadcast %reduce_sum3A_684 : i1 to vector<16xi1>
        %reduce_sum3A_686 = tpu.scan <sum>, %add3A_680 masked %reduce_sum3A_685 : vector<16xf32>, vector<16xi1> -> vector<16xf32>
        %reduce_sum3A_687 = vector.extract %reduce_sum3A_686[15] : f32 from vector<16xf32>
        %mul3A_688 = arith.constant 1.562500e-02 : f32
        %mul3A_689 = arith.mulf %reduce_sum3A_683, %mul3A_688 : f32
        %mul3A_690 = arith.constant 1.562500e-02 : f32
        %mul3A_691 = arith.mulf %reduce_sum3A_687, %mul3A_690 : f32
        %mul3A_692 = arith.mulf %mul3A_689, %mul3A_689 : f32
        %sub3A_693 = arith.subf %mul3A_691, %mul3A_692 : f32
        %add3A_694 = arith.constant 9.99999974E-6 : f32
        %add3A_695 = arith.addf %sub3A_693, %add3A_694 : f32
        %bitcast_convert_type3A = arith.bitcast %add3A_695 : f32 to i32
        %shift_right_arithmetic3A = arith.constant 1 : i32
        %shift_right_arithmetic3A_696 = arith.shrsi %bitcast_convert_type3A, %shift_right_arithmetic3A : i32
        %sub3A_697 = arith.constant 1597463007 : i32
        %sub3A_698 = arith.subi %sub3A_697, %shift_right_arithmetic3A_696 : i32
        %bitcast_convert_type3A_699 = arith.bitcast %sub3A_698 : i32 to f32
        %mul3A_700 = arith.constant 5.000000e-01 : f32
        %mul3A_701 = arith.mulf %mul3A_700, %add3A_695 : f32
        %mul3A_702 = arith.mulf %mul3A_701, %bitcast_convert_type3A_699 : f32
        %mul3A_703 = arith.mulf %mul3A_702, %bitcast_convert_type3A_699 : f32
        %sub3A_704 = arith.constant 1.500000e+00 : f32
        %sub3A_705 = arith.subf %sub3A_704, %mul3A_703 : f32
        %mul3A_706 = arith.mulf %bitcast_convert_type3A_699, %sub3A_705 : f32
        %mul3A_707 = arith.constant 5.000000e-01 : f32
        %mul3A_708 = arith.mulf %mul3A_707, %add3A_695 : f32
        %mul3A_709 = arith.mulf %mul3A_708, %mul3A_706 : f32
        %mul3A_710 = arith.mulf %mul3A_709, %mul3A_706 : f32
        %sub3A_711 = arith.constant 1.500000e+00 : f32
        %sub3A_712 = arith.subf %sub3A_711, %mul3A_710 : f32
        %mul3A_713 = arith.mulf %mul3A_706, %sub3A_712 : f32
        %mul3A_714 = arith.constant 5.000000e-01 : f32
        %mul3A_715 = arith.mulf %mul3A_714, %add3A_695 : f32
        %mul3A_716 = arith.mulf %mul3A_715, %mul3A_713 : f32
        %mul3A_717 = arith.mulf %mul3A_716, %mul3A_713 : f32
        %sub3A_718 = arith.constant 1.500000e+00 : f32
        %sub3A_719 = arith.subf %sub3A_718, %mul3A_717 : f32
        %mul3A_720 = arith.mulf %mul3A_713, %sub3A_719 : f32
        %sub3A_721 = vector.broadcast %mul3A_689 : f32 to vector<16xf32>
        %sub3A_722 = arith.subf %get3A_655, %sub3A_721 : vector<16xf32>
        %mul3A_723 = vector.broadcast %mul3A_720 : f32 to vector<16xf32>
        %mul3A_724 = arith.mulf %sub3A_722, %mul3A_723 : vector<16xf32>
        %mul3A_725 = arith.mulf %mul3A_724, %get3A_29 : vector<16xf32>
        %add3A_726 = arith.addf %mul3A_725, %get3A_37 : vector<16xf32>
        %get3A_727 = arith.constant 1 : i32
        %get3A_728 = arith.index_cast %get3A_727 : i32 to index
        %get3A_729 = arith.index_cast %scan3A_649 : i32 to index
        %get3A_730 = arith.constant 0 : index
        %get3A_731 = tpu.vector_load %arg14[%get3A_728, %get3A_729, %get3A_730] {strides = array<i32>} : memref<2x128x64xf32, #tpu.memory_space<vmem>>, vector<16xf32>,
        %add3A_732 = arith.addf %add3A_726, %get3A_731 : vector<16xf32>
        %swap3A = arith.constant 1 : i32
        %swap3A_733 = arith.index_cast %swap3A : i32 to index
        %swap3A_734 = arith.index_cast %scan3A_649 : i32 to index
        %swap3A_735 = arith.constant 0 : index
        %swap3A_736 = tpu.vector_load %arg15[%swap3A_733, %swap3A_734, %swap3A_735] {strides = array<i32>} : memref<2x128x64xf32, #tpu.memory_space<vmem>>, vector<16xf32>,
        tpu.vector_store %arg15[%swap3A_733, %swap3A_734, %swap3A_735], %add3A_732 {strides = array<i32>} : memref<2x128x64xf32, #tpu.memory_space<vmem>>, vector<16xf32>,
        %sub3A_737 = vector.broadcast %mul3A_689 : f32 to vector<16xf32>
        %sub3A_738 = arith.subf %get3A_660, %sub3A_737 : vector<16xf32>
        %mul3A_739 = vector.broadcast %mul3A_720 : f32 to vector<16xf32>
        %mul3A_740 = arith.mulf %sub3A_738, %mul3A_739 : vector<16xf32>
        %mul3A_741 = arith.mulf %mul3A_740, %get3A_31 : vector<16xf32>
        %add3A_742 = arith.addf %mul3A_741, %get3A_39 : vector<16xf32>
        %get3A_743 = arith.constant 1 : i32
        %get3A_744 = arith.index_cast %get3A_743 : i32 to index
        %get3A_745 = arith.index_cast %scan3A_649 : i32 to index
        %get3A_746 = arith.constant 16 : index
        %get3A_747 = tpu.vector_load %arg14[%get3A_744, %get3A_745, %get3A_746] {strides = array<i32>} : memref<2x128x64xf32, #tpu.memory_space<vmem>>, vector<16xf32>,
        %add3A_748 = arith.addf %add3A_742, %get3A_747 : vector<16xf32>
        %swap3A_749 = arith.constant 1 : i32
        %swap3A_750 = arith.index_cast %swap3A_749 : i32 to index
        %swap3A_751 = arith.index_cast %scan3A_649 : i32 to index
        %swap3A_752 = arith.constant 16 : index
        %swap3A_753 = tpu.vector_load %arg15[%swap3A_750, %swap3A_751, %swap3A_752] {strides = array<i32>} : memref<2x128x64xf32, #tpu.memory_space<vmem>>, vector<16xf32>,
        tpu.vector_store %arg15[%swap3A_750, %swap3A_751, %swap3A_752], %add3A_748 {strides = array<i32>} : memref<2x128x64xf32, #tpu.memory_space<vmem>>, vector<16xf32>,
        %sub3A_754 = vector.broadcast %mul3A_689 : f32 to vector<16xf32>
        %sub3A_755 = arith.subf %get3A_665, %sub3A_754 : vector<16xf32>
        %mul3A_756 = vector.broadcast %mul3A_720 : f32 to vector<16xf32>
        %mul3A_757 = arith.mulf %sub3A_755, %mul3A_756 : vector<16xf32>
        %mul3A_758 = arith.mulf %mul3A_757, %get3A_33 : vector<16xf32>
        %add3A_759 = arith.addf %mul3A_758, %get3A_41 : vector<16xf32>
        %get3A_760 = arith.constant 1 : i32
        %get3A_761 = arith.index_cast %get3A_760 : i32 to index
        %get3A_762 = arith.index_cast %scan3A_649 : i32 to index
        %get3A_763 = arith.constant 32 : index
        %get3A_764 = tpu.vector_load %arg14[%get3A_761, %get3A_762, %get3A_763] {strides = array<i32>} : memref<2x128x64xf32, #tpu.memory_space<vmem>>, vector<16xf32>,
        %add3A_765 = arith.addf %add3A_759, %get3A_764 : vector<16xf32>
        %swap3A_766 = arith.constant 1 : i32
        %swap3A_767 = arith.index_cast %swap3A_766 : i32 to index
        %swap3A_768 = arith.index_cast %scan3A_649 : i32 to index
        %swap3A_769 = arith.constant 32 : index
        %swap3A_770 = tpu.vector_load %arg15[%swap3A_767, %swap3A_768, %swap3A_769] {strides = array<i32>} : memref<2x128x64xf32, #tpu.memory_space<vmem>>, vector<16xf32>,
        tpu.vector_store %arg15[%swap3A_767, %swap3A_768, %swap3A_769], %add3A_765 {strides = array<i32>} : memref<2x128x64xf32, #tpu.memory_space<vmem>>, vector<16xf32>,
        %sub3A_771 = vector.broadcast %mul3A_689 : f32 to vector<16xf32>
        %sub3A_772 = arith.subf %get3A_670, %sub3A_771 : vector<16xf32>
        %mul3A_773 = vector.broadcast %mul3A_720 : f32 to vector<16xf32>
        %mul3A_774 = arith.mulf %sub3A_772, %mul3A_773 : vector<16xf32>
        %mul3A_775 = arith.mulf %mul3A_774, %get3A_35 : vector<16xf32>
        %add3A_776 = arith.addf %mul3A_775, %get3A_43 : vector<16xf32>
        %get3A_777 = arith.constant 1 : i32
        %get3A_778 = arith.index_cast %get3A_777 : i32 to index
        %get3A_779 = arith.index_cast %scan3A_649 : i32 to index
        %get3A_780 = arith.constant 48 : index
        %get3A_781 = tpu.vector_load %arg14[%get3A_778, %get3A_779, %get3A_780] {strides = array<i32>} : memref<2x128x64xf32, #tpu.memory_space<vmem>>, vector<16xf32>,
        %add3A_782 = arith.addf %add3A_776, %get3A_781 : vector<16xf32>
        %swap3A_783 = arith.constant 1 : i32
        %swap3A_784 = arith.index_cast %swap3A_783 : i32 to index
        %swap3A_785 = arith.index_cast %scan3A_649 : i32 to index
        %swap3A_786 = arith.constant 48 : index
        %swap3A_787 = tpu.vector_load %arg15[%swap3A_784, %swap3A_785, %swap3A_786] {strides = array<i32>} : memref<2x128x64xf32, #tpu.memory_space<vmem>>, vector<16xf32>,
        tpu.vector_store %arg15[%swap3A_784, %swap3A_785, %swap3A_786], %add3A_782 {strides = array<i32>} : memref<2x128x64xf32, #tpu.memory_space<vmem>>, vector<16xf32>,
        %scan3A_788 = arith.constant 0 : i32
        scf.yield %scan3A_788 : i32
      }
      %scan3A_598 = arith.constant 128 : i32
      %mul3A_599 = arith.constant 128 : i32
      %mul3A_600 = arith.muli %add3A_542, %mul3A_599 : i32
      %add3A_601 = arith.addi %mul3A_2, %mul3A_600 : i32
      %dma_start3A_602 = arith.constant 1 : i32
      %dma_start3A_603 = arith.constant 1 : i32
      %dma_start3A_604 = arith.constant 0 : i32
      %dma_start3A_605 = arith.constant 0 : i32
      %dma_start3A_606 = tpu.memref_slice %arg15[%dma_start3A_602, %dma_start3A_604, %dma_start3A_605] : memref<2x128x64xf32, #tpu.memory_space<vmem>> -> memref<1x128x64xf32, #tpu.memory_space<vmem>>
      %dma_start3A_607 = tpu.memref_squeeze %dma_start3A_606 : memref<1x128x64xf32, #tpu.memory_space<vmem>> -> memref<128x64xf32, #tpu.memory_space<vmem>>
      %dma_start3A_608 = arith.constant 0 : i32
      %dma_start3A_609 = tpu.memref_slice %arg10[%add3A_601, %dma_start3A_608] : memref<819200x64xf32, #tpu.memory_space<hbm>> -> memref<128x64xf32, #tpu.memory_space<hbm>>
      %dma_start3A_610 = tpu.memref_slice %arg22[%dma_start3A_603] : memref<2x!tpu.dma_semaphore, #tpu.memory_space<semaphore_mem>> -> memref<1x!tpu.dma_semaphore, #tpu.memory_space<semaphore_mem>>
      %dma_start3A_611 = tpu.memref_squeeze %dma_start3A_610 : memref<1x!tpu.dma_semaphore, #tpu.memory_space<semaphore_mem>> -> memref<!tpu.dma_semaphore, #tpu.memory_space<semaphore_mem>>
      %dma_start3A_612 = arith.constant 0 : i32
      %dma_start3A_613 = tpu.memref_slice %arg10[%add3A_601, %dma_start3A_612] : memref<819200x64xf32, #tpu.memory_space<hbm>> -> memref<128x64xf32, #tpu.memory_space<hbm>>
      %dma_start3A_614 = arith.constant 0 : i32
      %dma_start3A_615 = arith.constant 0 : i32
      %dma_start3A_616 = tpu.memref_slice %arg15[%dma_start3A_602, %dma_start3A_614, %dma_start3A_615] : memref<2x128x64xf32, #tpu.memory_space<vmem>> -> memref<1x128x64xf32, #tpu.memory_space<vmem>>
      %dma_start3A_617 = tpu.memref_squeeze %dma_start3A_616 : memref<1x128x64xf32, #tpu.memory_space<vmem>> -> memref<128x64xf32, #tpu.memory_space<vmem>>
      tpu.enqueue_dma source(%dma_start3A_617 : memref<128x64xf32, #tpu.memory_space<vmem>>) target(%dma_start3A_613 : memref<128x64xf32, #tpu.memory_space<hbm>>) target_semaphore(%dma_start3A_611 : memref<!tpu.dma_semaphore, #tpu.memory_space<semaphore_mem>>)
      %add3A_618 = arith.constant 2 : i32
      %add3A_619 = arith.addi %add3A_542, %add3A_618 : i32
      %mul3A_620 = arith.constant 128 : i32
      %mul3A_621 = arith.muli %add3A_619, %mul3A_620 : i32
      %dma_start3A_622 = arith.constant 1 : i32
      %dma_start3A_623 = arith.constant 1 : i32
      %dma_start3A_624 = arith.constant 0 : i32
      %dma_start3A_625 = arith.constant 0 : i32
      %dma_start3A_626 = tpu.memref_slice %arg13[%dma_start3A_622, %dma_start3A_624, %dma_start3A_625] : memref<2x128x64xf32, #tpu.memory_space<vmem>> -> memref<1x128x64xf32, #tpu.memory_space<vmem>>
      %dma_start3A_627 = tpu.memref_squeeze %dma_start3A_626 : memref<1x128x64xf32, #tpu.memory_space<vmem>> -> memref<128x64xf32, #tpu.memory_space<vmem>>
      %dma_start3A_628 = tpu.memref_slice %arg11[%mul3A_621] : memref<25600xi32, #tpu.memory_space<vmem>> -> memref<128xi32, #tpu.memory_space<vmem>>
      %dma_start3A_629 = arith.constant 0 : i32
      %dma_start3A_630 = arith.constant 0 : i32
      %dma_start3A_631 = tpu.memref_slice %arg4[%dma_start3A_629, %dma_start3A_630] : memref<1000000x64xf32, #tpu.memory_space<hbm>> -> memref<1000000x64xf32, #tpu.memory_space<hbm>>
      %dma_start3A_632 = tpu.memref_slice %arg20[%dma_start3A_623] : memref<2x!tpu.dma_semaphore, #tpu.memory_space<semaphore_mem>> -> memref<1x!tpu.dma_semaphore, #tpu.memory_space<semaphore_mem>>
      %dma_start3A_633 = tpu.memref_squeeze %dma_start3A_632 : memref<1x!tpu.dma_semaphore, #tpu.memory_space<semaphore_mem>> -> memref<!tpu.dma_semaphore, #tpu.memory_space<semaphore_mem>>
      tpu.enqueue_indirect_dma source(%dma_start3A_631 : memref<1000000x64xf32, #tpu.memory_space<hbm>>) target(%dma_start3A_627 : memref<128x64xf32, #tpu.memory_space<vmem>>) offsets(%dma_start3A_628 : memref<128xi32, #tpu.memory_space<vmem>>) semaphore(%dma_start3A_633 : memref<!tpu.dma_semaphore, #tpu.memory_space<semaphore_mem>>)
      %mul3A_634 = arith.constant 128 : i32
      %mul3A_635 = arith.muli %add3A_619, %mul3A_634 : i32
      %dma_start3A_636 = arith.constant 1 : i32
      %dma_start3A_637 = arith.constant 1 : i32
      %dma_start3A_638 = arith.constant 0 : i32
      %dma_start3A_639 = arith.constant 0 : i32
      %dma_start3A_640 = tpu.memref_slice %arg14[%dma_start3A_636, %dma_start3A_638, %dma_start3A_639] : memref<2x128x64xf32, #tpu.memory_space<vmem>> -> memref<1x128x64xf32, #tpu.memory_space<vmem>>
      %dma_start3A_641 = tpu.memref_squeeze %dma_start3A_640 : memref<1x128x64xf32, #tpu.memory_space<vmem>> -> memref<128x64xf32, #tpu.memory_space<vmem>>
      %dma_start3A_642 = tpu.memref_slice %arg12[%mul3A_635] : memref<25600xi32, #tpu.memory_space<vmem>> -> memref<128xi32, #tpu.memory_space<vmem>>
      %dma_start3A_643 = arith.constant 0 : i32
      %dma_start3A_644 = arith.constant 0 : i32
      %dma_start3A_645 = tpu.memref_slice %arg19[%dma_start3A_643, %dma_start3A_644] : memref<2048x64xf32, #tpu.memory_space<vmem_shared>> -> memref<2048x64xf32, #tpu.memory_space<vmem_shared>>
      %dma_start3A_646 = tpu.memref_slice %arg21[%dma_start3A_637] : memref<2x!tpu.dma_semaphore, #tpu.memory_space<semaphore_mem>> -> memref<1x!tpu.dma_semaphore, #tpu.memory_space<semaphore_mem>>
      %dma_start3A_647 = tpu.memref_squeeze %dma_start3A_646 : memref<1x!tpu.dma_semaphore, #tpu.memory_space<semaphore_mem>> -> memref<!tpu.dma_semaphore, #tpu.memory_space<semaphore_mem>>
      tpu.enqueue_indirect_dma source(%dma_start3A_645 : memref<2048x64xf32, #tpu.memory_space<vmem_shared>>) target(%dma_start3A_641 : memref<128x64xf32, #tpu.memory_space<vmem>>) offsets(%dma_start3A_642 : memref<128xi32, #tpu.memory_space<vmem>>) semaphore(%dma_start3A_647 : memref<!tpu.dma_semaphore, #tpu.memory_space<semaphore_mem>>)
      %scan3A_648 = arith.constant 0 : i32
      scf.yield %scan3A_648 : i32
    }
    %scan3A_254 = arith.constant 98 : i32
    %dma_wait3A_255 = arith.constant 0 : i32
    %dma_wait3A_256 = arith.constant 0 : i32
    %dma_wait3A_257 = arith.constant 0 : i32
    %dma_wait3A_258 = arith.constant 0 : i32
    %dma_wait3A_259 = tpu.memref_slice %arg13[%dma_wait3A_255, %dma_wait3A_257, %dma_wait3A_258] : memref<2x128x64xf32, #tpu.memory_space<vmem>> -> memref<1x128x64xf32, #tpu.memory_space<vmem>>
    %dma_wait3A_260 = tpu.memref_squeeze %dma_wait3A_259 : memref<1x128x64xf32, #tpu.memory_space<vmem>> -> memref<128x64xf32, #tpu.memory_space<vmem>>
    %dma_wait3A_261 = arith.constant 25344 : i32
    %dma_wait3A_262 = tpu.memref_slice %arg11[%dma_wait3A_261] : memref<25600xi32, #tpu.memory_space<vmem>> -> memref<128xi32, #tpu.memory_space<vmem>>
    %dma_wait3A_263 = arith.constant 0 : i32
    %dma_wait3A_264 = arith.constant 0 : i32
    %dma_wait3A_265 = tpu.memref_slice %arg4[%dma_wait3A_263, %dma_wait3A_264] : memref<1000000x64xf32, #tpu.memory_space<hbm>> -> memref<1000000x64xf32, #tpu.memory_space<hbm>>
    %dma_wait3A_266 = tpu.memref_slice %arg20[%dma_wait3A_256] : memref<2x!tpu.dma_semaphore, #tpu.memory_space<semaphore_mem>> -> memref<1x!tpu.dma_semaphore, #tpu.memory_space<semaphore_mem>>
    %dma_wait3A_267 = tpu.memref_squeeze %dma_wait3A_266 : memref<1x!tpu.dma_semaphore, #tpu.memory_space<semaphore_mem>> -> memref<!tpu.dma_semaphore, #tpu.memory_space<semaphore_mem>>
    tpu.wait_indirect_dma semaphore(%dma_wait3A_267 : memref<!tpu.dma_semaphore, #tpu.memory_space<semaphore_mem>>) src(%dma_wait3A_265 : memref<1000000x64xf32, #tpu.memory_space<hbm>>) dst(%dma_wait3A_260 : memref<128x64xf32, #tpu.memory_space<vmem>>)
    %dma_wait3A_268 = arith.constant 0 : i32
    %dma_wait3A_269 = arith.constant 0 : i32
    %dma_wait3A_270 = arith.constant 0 : i32
    %dma_wait3A_271 = arith.constant 0 : i32
    %dma_wait3A_272 = tpu.memref_slice %arg14[%dma_wait3A_268, %dma_wait3A_270, %dma_wait3A_271] : memref<2x128x64xf32, #tpu.memory_space<vmem>> -> memref<1x128x64xf32, #tpu.memory_space<vmem>>
    %dma_wait3A_273 = tpu.memref_squeeze %dma_wait3A_272 : memref<1x128x64xf32, #tpu.memory_space<vmem>> -> memref<128x64xf32, #tpu.memory_space<vmem>>
    %dma_wait3A_274 = arith.constant 25344 : i32
    %dma_wait3A_275 = tpu.memref_slice %arg12[%dma_wait3A_274] : memref<25600xi32, #tpu.memory_space<vmem>> -> memref<128xi32, #tpu.memory_space<vmem>>
    %dma_wait3A_276 = arith.constant 0 : i32
    %dma_wait3A_277 = arith.constant 0 : i32
    %dma_wait3A_278 = tpu.memref_slice %arg19[%dma_wait3A_276, %dma_wait3A_277] : memref<2048x64xf32, #tpu.memory_space<vmem_shared>> -> memref<2048x64xf32, #tpu.memory_space<vmem_shared>>
    %dma_wait3A_279 = tpu.memref_slice %arg21[%dma_wait3A_269] : memref<2x!tpu.dma_semaphore, #tpu.memory_space<semaphore_mem>> -> memref<1x!tpu.dma_semaphore, #tpu.memory_space<semaphore_mem>>
    %dma_wait3A_280 = tpu.memref_squeeze %dma_wait3A_279 : memref<1x!tpu.dma_semaphore, #tpu.memory_space<semaphore_mem>> -> memref<!tpu.dma_semaphore, #tpu.memory_space<semaphore_mem>>
    tpu.wait_indirect_dma semaphore(%dma_wait3A_280 : memref<!tpu.dma_semaphore, #tpu.memory_space<semaphore_mem>>) src(%dma_wait3A_278 : memref<2048x64xf32, #tpu.memory_space<vmem_shared>>) dst(%dma_wait3A_273 : memref<128x64xf32, #tpu.memory_space<vmem>>)
    %add3A_281 = arith.constant 25088 : i32
    %add3A_282 = arith.addi %mul3A_2, %add3A_281 : i32
    %dma_wait3A_283 = arith.constant 0 : i32
    %dma_wait3A_284 = arith.constant 0 : i32
    %dma_wait3A_285 = arith.constant 0 : i32
    %dma_wait3A_286 = arith.constant 0 : i32
    %dma_wait3A_287 = tpu.memref_slice %arg15[%dma_wait3A_283, %dma_wait3A_285, %dma_wait3A_286] : memref<2x128x64xf32, #tpu.memory_space<vmem>> -> memref<1x128x64xf32, #tpu.memory_space<vmem>>
    %dma_wait3A_288 = tpu.memref_squeeze %dma_wait3A_287 : memref<1x128x64xf32, #tpu.memory_space<vmem>> -> memref<128x64xf32, #tpu.memory_space<vmem>>
    %dma_wait3A_289 = arith.constant 0 : i32
    %dma_wait3A_290 = tpu.memref_slice %arg10[%add3A_282, %dma_wait3A_289] : memref<819200x64xf32, #tpu.memory_space<hbm>> -> memref<128x64xf32, #tpu.memory_space<hbm>>
    %dma_wait3A_291 = tpu.memref_slice %arg22[%dma_wait3A_284] : memref<2x!tpu.dma_semaphore, #tpu.memory_space<semaphore_mem>> -> memref<1x!tpu.dma_semaphore, #tpu.memory_space<semaphore_mem>>
    %dma_wait3A_292 = tpu.memref_squeeze %dma_wait3A_291 : memref<1x!tpu.dma_semaphore, #tpu.memory_space<semaphore_mem>> -> memref<!tpu.dma_semaphore, #tpu.memory_space<semaphore_mem>>
    %dma_wait3A_293 = arith.constant 0 : i32
    %dma_wait3A_294 = tpu.memref_slice %arg10[%add3A_282, %dma_wait3A_293] : memref<819200x64xf32, #tpu.memory_space<hbm>> -> memref<128x64xf32, #tpu.memory_space<hbm>>
    %dma_wait3A_295 = arith.constant 0 : i32
    %dma_wait3A_296 = arith.constant 0 : i32
    %dma_wait3A_297 = tpu.memref_slice %arg15[%dma_wait3A_283, %dma_wait3A_295, %dma_wait3A_296] : memref<2x128x64xf32, #tpu.memory_space<vmem>> -> memref<1x128x64xf32, #tpu.memory_space<vmem>>
    %dma_wait3A_298 = tpu.memref_squeeze %dma_wait3A_297 : memref<1x128x64xf32, #tpu.memory_space<vmem>> -> memref<128x64xf32, #tpu.memory_space<vmem>>
    tpu.wait_dma2 semaphore(%dma_wait3A_292 : memref<!tpu.dma_semaphore, #tpu.memory_space<semaphore_mem>>) src(%dma_wait3A_298 : memref<128x64xf32, #tpu.memory_space<vmem>>) dst(%dma_wait3A_294 : memref<128x64xf32, #tpu.memory_space<hbm>>)
    %scan3A_299 = arith.constant 0 : i32
    %scan3A_300 = arith.constant 0 : i32
    %scan3A_301 = arith.constant 128 : i32
    %scan3A_302 = arith.addi %scan3A_300, %scan3A_301 : i32
    %scan3A_303 = arith.constant 1 : i32
    %scan3A_304 = scf.for %scan3A_429 = %scan3A_300 to %scan3A_302 step %scan3A_303 iter_args(%scan3A_430 = %scan3A_299) -> (i32)  : i32 {
      %get3A_431 = arith.constant 0 : i32
      %get3A_432 = arith.index_cast %get3A_431 : i32 to index
      %get3A_433 = arith.index_cast %scan3A_429 : i32 to index
      %get3A_434 = arith.constant 0 : index
      %get3A_435 = tpu.vector_load %arg13[%get3A_432, %get3A_433, %get3A_434] {strides = array<i32>} : memref<2x128x64xf32, #tpu.memory_space<vmem>>, vector<16xf32>,
      %get3A_436 = arith.constant 0 : i32
      %get3A_437 = arith.index_cast %get3A_436 : i32 to index
      %get3A_438 = arith.index_cast %scan3A_429 : i32 to index
      %get3A_439 = arith.constant 16 : index
      %get3A_440 = tpu.vector_load %arg13[%get3A_437, %get3A_438, %get3A_439] {strides = array<i32>} : memref<2x128x64xf32, #tpu.memory_space<vmem>>, vector<16xf32>,
      %get3A_441 = arith.constant 0 : i32
      %get3A_442 = arith.index_cast %get3A_441 : i32 to index
      %get3A_443 = arith.index_cast %scan3A_429 : i32 to index
      %get3A_444 = arith.constant 32 : index
      %get3A_445 = tpu.vector_load %arg13[%get3A_442, %get3A_443, %get3A_444] {strides = array<i32>} : memref<2x128x64xf32, #tpu.memory_space<vmem>>, vector<16xf32>,
      %get3A_446 = arith.constant 0 : i32
      %get3A_447 = arith.index_cast %get3A_446 : i32 to index
      %get3A_448 = arith.index_cast %scan3A_429 : i32 to index
      %get3A_449 = arith.constant 48 : index
      %get3A_450 = tpu.vector_load %arg13[%get3A_447, %get3A_448, %get3A_449] {strides = array<i32>} : memref<2x128x64xf32, #tpu.memory_space<vmem>>, vector<16xf32>,
      %add3A_451 = arith.addf %get3A_435, %get3A_440 : vector<16xf32>
      %add3A_452 = arith.addf %add3A_451, %get3A_445 : vector<16xf32>
      %add3A_453 = arith.addf %add3A_452, %get3A_450 : vector<16xf32>
      %mul3A_454 = arith.mulf %get3A_435, %get3A_435 : vector<16xf32>
      %mul3A_455 = arith.mulf %get3A_440, %get3A_440 : vector<16xf32>
      %add3A_456 = arith.addf %mul3A_454, %mul3A_455 : vector<16xf32>
      %mul3A_457 = arith.mulf %get3A_445, %get3A_445 : vector<16xf32>
      %add3A_458 = arith.addf %add3A_456, %mul3A_457 : vector<16xf32>
      %mul3A_459 = arith.mulf %get3A_450, %get3A_450 : vector<16xf32>
      %add3A_460 = arith.addf %add3A_458, %mul3A_459 : vector<16xf32>
      %reduce_sum3A = arith.constant true
      %reduce_sum3A_461 = vector.broadcast %reduce_sum3A : i1 to vector<16xi1>
      %reduce_sum3A_462 = tpu.scan <sum>, %add3A_453 masked %reduce_sum3A_461 : vector<16xf32>, vector<16xi1> -> vector<16xf32>
      %reduce_sum3A_463 = vector.extract %reduce_sum3A_462[15] : f32 from vector<16xf32>
      %reduce_sum3A_464 = arith.constant true
      %reduce_sum3A_465 = vector.broadcast %reduce_sum3A_464 : i1 to vector<16xi1>
      %reduce_sum3A_466 = tpu.scan <sum>, %add3A_460 masked %reduce_sum3A_465 : vector<16xf32>, vector<16xi1> -> vector<16xf32>
      %reduce_sum3A_467 = vector.extract %reduce_sum3A_466[15] : f32 from vector<16xf32>
      %mul3A_468 = arith.constant 1.562500e-02 : f32
      %mul3A_469 = arith.mulf %reduce_sum3A_463, %mul3A_468 : f32
      %mul3A_470 = arith.constant 1.562500e-02 : f32
      %mul3A_471 = arith.mulf %reduce_sum3A_467, %mul3A_470 : f32
      %mul3A_472 = arith.mulf %mul3A_469, %mul3A_469 : f32
      %sub3A = arith.subf %mul3A_471, %mul3A_472 : f32
      %add3A_473 = arith.constant 9.99999974E-6 : f32
      %add3A_474 = arith.addf %sub3A, %add3A_473 : f32
      %bitcast_convert_type3A = arith.bitcast %add3A_474 : f32 to i32
      %shift_right_arithmetic3A = arith.constant 1 : i32
      %shift_right_arithmetic3A_475 = arith.shrsi %bitcast_convert_type3A, %shift_right_arithmetic3A : i32
      %sub3A_476 = arith.constant 1597463007 : i32
      %sub3A_477 = arith.subi %sub3A_476, %shift_right_arithmetic3A_475 : i32
      %bitcast_convert_type3A_478 = arith.bitcast %sub3A_477 : i32 to f32
      %mul3A_479 = arith.constant 5.000000e-01 : f32
      %mul3A_480 = arith.mulf %mul3A_479, %add3A_474 : f32
      %mul3A_481 = arith.mulf %mul3A_480, %bitcast_convert_type3A_478 : f32
      %mul3A_482 = arith.mulf %mul3A_481, %bitcast_convert_type3A_478 : f32
      %sub3A_483 = arith.constant 1.500000e+00 : f32
      %sub3A_484 = arith.subf %sub3A_483, %mul3A_482 : f32
      %mul3A_485 = arith.mulf %bitcast_convert_type3A_478, %sub3A_484 : f32
      %mul3A_486 = arith.constant 5.000000e-01 : f32
      %mul3A_487 = arith.mulf %mul3A_486, %add3A_474 : f32
      %mul3A_488 = arith.mulf %mul3A_487, %mul3A_485 : f32
      %mul3A_489 = arith.mulf %mul3A_488, %mul3A_485 : f32
      %sub3A_490 = arith.constant 1.500000e+00 : f32
      %sub3A_491 = arith.subf %sub3A_490, %mul3A_489 : f32
      %mul3A_492 = arith.mulf %mul3A_485, %sub3A_491 : f32
      %mul3A_493 = arith.constant 5.000000e-01 : f32
      %mul3A_494 = arith.mulf %mul3A_493, %add3A_474 : f32
      %mul3A_495 = arith.mulf %mul3A_494, %mul3A_492 : f32
      %mul3A_496 = arith.mulf %mul3A_495, %mul3A_492 : f32
      %sub3A_497 = arith.constant 1.500000e+00 : f32
      %sub3A_498 = arith.subf %sub3A_497, %mul3A_496 : f32
      %mul3A_499 = arith.mulf %mul3A_492, %sub3A_498 : f32
      %sub3A_500 = vector.broadcast %mul3A_469 : f32 to vector<16xf32>
      %sub3A_501 = arith.subf %get3A_435, %sub3A_500 : vector<16xf32>
      %mul3A_502 = vector.broadcast %mul3A_499 : f32 to vector<16xf32>
      %mul3A_503 = arith.mulf %sub3A_501, %mul3A_502 : vector<16xf32>
      %mul3A_504 = arith.mulf %mul3A_503, %get3A_29 : vector<16xf32>
      %add3A_505 = arith.addf %mul3A_504, %get3A_37 : vector<16xf32>
      %get3A_506 = arith.constant 0 : i32
      %get3A_507 = arith.index_cast %get3A_506 : i32 to index
      %get3A_508 = arith.index_cast %scan3A_429 : i32 to index
      %get3A_509 = arith.constant 0 : index
      %get3A_510 = tpu.vector_load %arg14[%get3A_507, %get3A_508, %get3A_509] {strides = array<i32>} : memref<2x128x64xf32, #tpu.memory_space<vmem>>, vector<16xf32>,
      %add3A_511 = arith.addf %add3A_505, %get3A_510 : vector<16xf32>
      %swap3A = arith.constant 0 : i32
      %swap3A_512 = arith.index_cast %swap3A : i32 to index
      %swap3A_513 = arith.index_cast %scan3A_429 : i32 to index
      %swap3A_514 = arith.constant 0 : index
      %swap3A_515 = tpu.vector_load %arg15[%swap3A_512, %swap3A_513, %swap3A_514] {strides = array<i32>} : memref<2x128x64xf32, #tpu.memory_space<vmem>>, vector<16xf32>,
      tpu.vector_store %arg15[%swap3A_512, %swap3A_513, %swap3A_514], %add3A_511 {strides = array<i32>} : memref<2x128x64xf32, #tpu.memory_space<vmem>>, vector<16xf32>,
      %sub3A_516 = vector.broadcast %mul3A_469 : f32 to vector<16xf32>
      %sub3A_517 = arith.subf %get3A_440, %sub3A_516 : vector<16xf32>
      %mul3A_518 = vector.broadcast %mul3A_499 : f32 to vector<16xf32>
      %mul3A_519 = arith.mulf %sub3A_517, %mul3A_518 : vector<16xf32>
      %mul3A_520 = arith.mulf %mul3A_519, %get3A_31 : vector<16xf32>
      %add3A_521 = arith.addf %mul3A_520, %get3A_39 : vector<16xf32>
      %get3A_522 = arith.constant 0 : i32
      %get3A_523 = arith.index_cast %get3A_522 : i32 to index
      %get3A_524 = arith.index_cast %scan3A_429 : i32 to index
      %get3A_525 = arith.constant 16 : index
      %get3A_526 = tpu.vector_load %arg14[%get3A_523, %get3A_524, %get3A_525] {strides = array<i32>} : memref<2x128x64xf32, #tpu.memory_space<vmem>>, vector<16xf32>,
      %add3A_527 = arith.addf %add3A_521, %get3A_526 : vector<16xf32>
      %swap3A_528 = arith.constant 0 : i32
      %swap3A_529 = arith.index_cast %swap3A_528 : i32 to index
      %swap3A_530 = arith.index_cast %scan3A_429 : i32 to index
      %swap3A_531 = arith.constant 16 : index
      %swap3A_532 = tpu.vector_load %arg15[%swap3A_529, %swap3A_530, %swap3A_531] {strides = array<i32>} : memref<2x128x64xf32, #tpu.memory_space<vmem>>, vector<16xf32>,
      tpu.vector_store %arg15[%swap3A_529, %swap3A_530, %swap3A_531], %add3A_527 {strides = array<i32>} : memref<2x128x64xf32, #tpu.memory_space<vmem>>, vector<16xf32>,
      %sub3A_533 = vector.broadcast %mul3A_469 : f32 to vector<16xf32>
      %sub3A_534 = arith.subf %get3A_445, %sub3A_533 : vector<16xf32>
      %mul3A_535 = vector.broadcast %mul3A_499 : f32 to vector<16xf32>
      %mul3A_536 = arith.mulf %sub3A_534, %mul3A_535 : vector<16xf32>
      %mul3A_537 = arith.mulf %mul3A_536, %get3A_33 : vector<16xf32>
      %add3A_538 = arith.addf %mul3A_537, %get3A_41 : vector<16xf32>
      %get3A_539 = arith.constant 0 : i32
      %get3A_540 = arith.index_cast %get3A_539 : i32 to index
      %get3A_541 = arith.index_cast %scan3A_429 : i32 to index
      %get3A_542 = arith.constant 32 : index
      %get3A_543 = tpu.vector_load %arg14[%get3A_540, %get3A_541, %get3A_542] {strides = array<i32>} : memref<2x128x64xf32, #tpu.memory_space<vmem>>, vector<16xf32>,
      %add3A_544 = arith.addf %add3A_538, %get3A_543 : vector<16xf32>
      %swap3A_545 = arith.constant 0 : i32
      %swap3A_546 = arith.index_cast %swap3A_545 : i32 to index
      %swap3A_547 = arith.index_cast %scan3A_429 : i32 to index
      %swap3A_548 = arith.constant 32 : index
      %swap3A_549 = tpu.vector_load %arg15[%swap3A_546, %swap3A_547, %swap3A_548] {strides = array<i32>} : memref<2x128x64xf32, #tpu.memory_space<vmem>>, vector<16xf32>,
      tpu.vector_store %arg15[%swap3A_546, %swap3A_547, %swap3A_548], %add3A_544 {strides = array<i32>} : memref<2x128x64xf32, #tpu.memory_space<vmem>>, vector<16xf32>,
      %sub3A_550 = vector.broadcast %mul3A_469 : f32 to vector<16xf32>
      %sub3A_551 = arith.subf %get3A_450, %sub3A_550 : vector<16xf32>
      %mul3A_552 = vector.broadcast %mul3A_499 : f32 to vector<16xf32>
      %mul3A_553 = arith.mulf %sub3A_551, %mul3A_552 : vector<16xf32>
      %mul3A_554 = arith.mulf %mul3A_553, %get3A_35 : vector<16xf32>
      %add3A_555 = arith.addf %mul3A_554, %get3A_43 : vector<16xf32>
      %get3A_556 = arith.constant 0 : i32
      %get3A_557 = arith.index_cast %get3A_556 : i32 to index
      %get3A_558 = arith.index_cast %scan3A_429 : i32 to index
      %get3A_559 = arith.constant 48 : index
      %get3A_560 = tpu.vector_load %arg14[%get3A_557, %get3A_558, %get3A_559] {strides = array<i32>} : memref<2x128x64xf32, #tpu.memory_space<vmem>>, vector<16xf32>,
      %add3A_561 = arith.addf %add3A_555, %get3A_560 : vector<16xf32>
      %swap3A_562 = arith.constant 0 : i32
      %swap3A_563 = arith.index_cast %swap3A_562 : i32 to index
      %swap3A_564 = arith.index_cast %scan3A_429 : i32 to index
      %swap3A_565 = arith.constant 48 : index
      %swap3A_566 = tpu.vector_load %arg15[%swap3A_563, %swap3A_564, %swap3A_565] {strides = array<i32>} : memref<2x128x64xf32, #tpu.memory_space<vmem>>, vector<16xf32>,
      tpu.vector_store %arg15[%swap3A_563, %swap3A_564, %swap3A_565], %add3A_561 {strides = array<i32>} : memref<2x128x64xf32, #tpu.memory_space<vmem>>, vector<16xf32>,
      %scan3A_567 = arith.constant 0 : i32
      scf.yield %scan3A_567 : i32
    }
    %scan3A_305 = arith.constant 128 : i32
    %add3A_306 = arith.constant 25344 : i32
    %add3A_307 = arith.addi %mul3A_2, %add3A_306 : i32
    %dma_start3A_308 = arith.constant 0 : i32
    %dma_start3A_309 = arith.constant 0 : i32
    %dma_start3A_310 = arith.constant 0 : i32
    %dma_start3A_311 = arith.constant 0 : i32
    %dma_start3A_312 = tpu.memref_slice %arg15[%dma_start3A_308, %dma_start3A_310, %dma_start3A_311] : memref<2x128x64xf32, #tpu.memory_space<vmem>> -> memref<1x128x64xf32, #tpu.memory_space<vmem>>
    %dma_start3A_313 = tpu.memref_squeeze %dma_start3A_312 : memref<1x128x64xf32, #tpu.memory_space<vmem>> -> memref<128x64xf32, #tpu.memory_space<vmem>>
    %dma_start3A_314 = arith.constant 0 : i32
    %dma_start3A_315 = tpu.memref_slice %arg10[%add3A_307, %dma_start3A_314] : memref<819200x64xf32, #tpu.memory_space<hbm>> -> memref<128x64xf32, #tpu.memory_space<hbm>>
    %dma_start3A_316 = tpu.memref_slice %arg22[%dma_start3A_309] : memref<2x!tpu.dma_semaphore, #tpu.memory_space<semaphore_mem>> -> memref<1x!tpu.dma_semaphore, #tpu.memory_space<semaphore_mem>>
    %dma_start3A_317 = tpu.memref_squeeze %dma_start3A_316 : memref<1x!tpu.dma_semaphore, #tpu.memory_space<semaphore_mem>> -> memref<!tpu.dma_semaphore, #tpu.memory_space<semaphore_mem>>
    %dma_start3A_318 = arith.constant 0 : i32
    %dma_start3A_319 = tpu.memref_slice %arg10[%add3A_307, %dma_start3A_318] : memref<819200x64xf32, #tpu.memory_space<hbm>> -> memref<128x64xf32, #tpu.memory_space<hbm>>
    %dma_start3A_320 = arith.constant 0 : i32
    %dma_start3A_321 = arith.constant 0 : i32
    %dma_start3A_322 = tpu.memref_slice %arg15[%dma_start3A_308, %dma_start3A_320, %dma_start3A_321] : memref<2x128x64xf32, #tpu.memory_space<vmem>> -> memref<1x128x64xf32, #tpu.memory_space<vmem>>
    %dma_start3A_323 = tpu.memref_squeeze %dma_start3A_322 : memref<1x128x64xf32, #tpu.memory_space<vmem>> -> memref<128x64xf32, #tpu.memory_space<vmem>>
    tpu.enqueue_dma source(%dma_start3A_323 : memref<128x64xf32, #tpu.memory_space<vmem>>) target(%dma_start3A_319 : memref<128x64xf32, #tpu.memory_space<hbm>>) target_semaphore(%dma_start3A_317 : memref<!tpu.dma_semaphore, #tpu.memory_space<semaphore_mem>>)
    %dma_wait3A_324 = arith.constant 1 : i32
    %dma_wait3A_325 = arith.constant 1 : i32
    %dma_wait3A_326 = arith.constant 0 : i32
    %dma_wait3A_327 = arith.constant 0 : i32
    %dma_wait3A_328 = tpu.memref_slice %arg13[%dma_wait3A_324, %dma_wait3A_326, %dma_wait3A_327] : memref<2x128x64xf32, #tpu.memory_space<vmem>> -> memref<1x128x64xf32, #tpu.memory_space<vmem>>
    %dma_wait3A_329 = tpu.memref_squeeze %dma_wait3A_328 : memref<1x128x64xf32, #tpu.memory_space<vmem>> -> memref<128x64xf32, #tpu.memory_space<vmem>>
    %dma_wait3A_330 = arith.constant 25472 : i32
    %dma_wait3A_331 = tpu.memref_slice %arg11[%dma_wait3A_330] : memref<25600xi32, #tpu.memory_space<vmem>> -> memref<128xi32, #tpu.memory_space<vmem>>
    %dma_wait3A_332 = arith.constant 0 : i32
    %dma_wait3A_333 = arith.constant 0 : i32
    %dma_wait3A_334 = tpu.memref_slice %arg4[%dma_wait3A_332, %dma_wait3A_333] : memref<1000000x64xf32, #tpu.memory_space<hbm>> -> memref<1000000x64xf32, #tpu.memory_space<hbm>>
    %dma_wait3A_335 = tpu.memref_slice %arg20[%dma_wait3A_325] : memref<2x!tpu.dma_semaphore, #tpu.memory_space<semaphore_mem>> -> memref<1x!tpu.dma_semaphore, #tpu.memory_space<semaphore_mem>>
    %dma_wait3A_336 = tpu.memref_squeeze %dma_wait3A_335 : memref<1x!tpu.dma_semaphore, #tpu.memory_space<semaphore_mem>> -> memref<!tpu.dma_semaphore, #tpu.memory_space<semaphore_mem>>
    tpu.wait_indirect_dma semaphore(%dma_wait3A_336 : memref<!tpu.dma_semaphore, #tpu.memory_space<semaphore_mem>>) src(%dma_wait3A_334 : memref<1000000x64xf32, #tpu.memory_space<hbm>>) dst(%dma_wait3A_329 : memref<128x64xf32, #tpu.memory_space<vmem>>)
    %dma_wait3A_337 = arith.constant 1 : i32
    %dma_wait3A_338 = arith.constant 1 : i32
    %dma_wait3A_339 = arith.constant 0 : i32
    %dma_wait3A_340 = arith.constant 0 : i32
    %dma_wait3A_341 = tpu.memref_slice %arg14[%dma_wait3A_337, %dma_wait3A_339, %dma_wait3A_340] : memref<2x128x64xf32, #tpu.memory_space<vmem>> -> memref<1x128x64xf32, #tpu.memory_space<vmem>>
    %dma_wait3A_342 = tpu.memref_squeeze %dma_wait3A_341 : memref<1x128x64xf32, #tpu.memory_space<vmem>> -> memref<128x64xf32, #tpu.memory_space<vmem>>
    %dma_wait3A_343 = arith.constant 25472 : i32
    %dma_wait3A_344 = tpu.memref_slice %arg12[%dma_wait3A_343] : memref<25600xi32, #tpu.memory_space<vmem>> -> memref<128xi32, #tpu.memory_space<vmem>>
    %dma_wait3A_345 = arith.constant 0 : i32
    %dma_wait3A_346 = arith.constant 0 : i32
    %dma_wait3A_347 = tpu.memref_slice %arg19[%dma_wait3A_345, %dma_wait3A_346] : memref<2048x64xf32, #tpu.memory_space<vmem_shared>> -> memref<2048x64xf32, #tpu.memory_space<vmem_shared>>
    %dma_wait3A_348 = tpu.memref_slice %arg21[%dma_wait3A_338] : memref<2x!tpu.dma_semaphore, #tpu.memory_space<semaphore_mem>> -> memref<1x!tpu.dma_semaphore, #tpu.memory_space<semaphore_mem>>
    %dma_wait3A_349 = tpu.memref_squeeze %dma_wait3A_348 : memref<1x!tpu.dma_semaphore, #tpu.memory_space<semaphore_mem>> -> memref<!tpu.dma_semaphore, #tpu.memory_space<semaphore_mem>>
    tpu.wait_indirect_dma semaphore(%dma_wait3A_349 : memref<!tpu.dma_semaphore, #tpu.memory_space<semaphore_mem>>) src(%dma_wait3A_347 : memref<2048x64xf32, #tpu.memory_space<vmem_shared>>) dst(%dma_wait3A_342 : memref<128x64xf32, #tpu.memory_space<vmem>>)
    %add3A_350 = arith.constant 25216 : i32
    %add3A_351 = arith.addi %mul3A_2, %add3A_350 : i32
    %dma_wait3A_352 = arith.constant 1 : i32
    %dma_wait3A_353 = arith.constant 1 : i32
    %dma_wait3A_354 = arith.constant 0 : i32
    %dma_wait3A_355 = arith.constant 0 : i32
    %dma_wait3A_356 = tpu.memref_slice %arg15[%dma_wait3A_352, %dma_wait3A_354, %dma_wait3A_355] : memref<2x128x64xf32, #tpu.memory_space<vmem>> -> memref<1x128x64xf32, #tpu.memory_space<vmem>>
    %dma_wait3A_357 = tpu.memref_squeeze %dma_wait3A_356 : memref<1x128x64xf32, #tpu.memory_space<vmem>> -> memref<128x64xf32, #tpu.memory_space<vmem>>
    %dma_wait3A_358 = arith.constant 0 : i32
    %dma_wait3A_359 = tpu.memref_slice %arg10[%add3A_351, %dma_wait3A_358] : memref<819200x64xf32, #tpu.memory_space<hbm>> -> memref<128x64xf32, #tpu.memory_space<hbm>>
    %dma_wait3A_360 = tpu.memref_slice %arg22[%dma_wait3A_353] : memref<2x!tpu.dma_semaphore, #tpu.memory_space<semaphore_mem>> -> memref<1x!tpu.dma_semaphore, #tpu.memory_space<semaphore_mem>>
    %dma_wait3A_361 = tpu.memref_squeeze %dma_wait3A_360 : memref<1x!tpu.dma_semaphore, #tpu.memory_space<semaphore_mem>> -> memref<!tpu.dma_semaphore, #tpu.memory_space<semaphore_mem>>
    %dma_wait3A_362 = arith.constant 0 : i32
    %dma_wait3A_363 = tpu.memref_slice %arg10[%add3A_351, %dma_wait3A_362] : memref<819200x64xf32, #tpu.memory_space<hbm>> -> memref<128x64xf32, #tpu.memory_space<hbm>>
    %dma_wait3A_364 = arith.constant 0 : i32
    %dma_wait3A_365 = arith.constant 0 : i32
    %dma_wait3A_366 = tpu.memref_slice %arg15[%dma_wait3A_352, %dma_wait3A_364, %dma_wait3A_365] : memref<2x128x64xf32, #tpu.memory_space<vmem>> -> memref<1x128x64xf32, #tpu.memory_space<vmem>>
    %dma_wait3A_367 = tpu.memref_squeeze %dma_wait3A_366 : memref<1x128x64xf32, #tpu.memory_space<vmem>> -> memref<128x64xf32, #tpu.memory_space<vmem>>
    tpu.wait_dma2 semaphore(%dma_wait3A_361 : memref<!tpu.dma_semaphore, #tpu.memory_space<semaphore_mem>>) src(%dma_wait3A_367 : memref<128x64xf32, #tpu.memory_space<vmem>>) dst(%dma_wait3A_363 : memref<128x64xf32, #tpu.memory_space<hbm>>)
    %scan3A_368 = arith.constant 0 : i32
    %scan3A_369 = arith.constant 0 : i32
    %scan3A_370 = arith.constant 128 : i32
    %scan3A_371 = arith.addi %scan3A_369, %scan3A_370 : i32
    %scan3A_372 = arith.constant 1 : i32
    %scan3A_373 = scf.for %scan3A_429 = %scan3A_369 to %scan3A_371 step %scan3A_372 iter_args(%scan3A_430 = %scan3A_368) -> (i32)  : i32 {
      %get3A_431 = arith.constant 1 : i32
      %get3A_432 = arith.index_cast %get3A_431 : i32 to index
      %get3A_433 = arith.index_cast %scan3A_429 : i32 to index
      %get3A_434 = arith.constant 0 : index
      %get3A_435 = tpu.vector_load %arg13[%get3A_432, %get3A_433, %get3A_434] {strides = array<i32>} : memref<2x128x64xf32, #tpu.memory_space<vmem>>, vector<16xf32>,
      %get3A_436 = arith.constant 1 : i32
      %get3A_437 = arith.index_cast %get3A_436 : i32 to index
      %get3A_438 = arith.index_cast %scan3A_429 : i32 to index
      %get3A_439 = arith.constant 16 : index
      %get3A_440 = tpu.vector_load %arg13[%get3A_437, %get3A_438, %get3A_439] {strides = array<i32>} : memref<2x128x64xf32, #tpu.memory_space<vmem>>, vector<16xf32>,
      %get3A_441 = arith.constant 1 : i32
      %get3A_442 = arith.index_cast %get3A_441 : i32 to index
      %get3A_443 = arith.index_cast %scan3A_429 : i32 to index
      %get3A_444 = arith.constant 32 : index
      %get3A_445 = tpu.vector_load %arg13[%get3A_442, %get3A_443, %get3A_444] {strides = array<i32>} : memref<2x128x64xf32, #tpu.memory_space<vmem>>, vector<16xf32>,
      %get3A_446 = arith.constant 1 : i32
      %get3A_447 = arith.index_cast %get3A_446 : i32 to index
      %get3A_448 = arith.index_cast %scan3A_429 : i32 to index
      %get3A_449 = arith.constant 48 : index
      %get3A_450 = tpu.vector_load %arg13[%get3A_447, %get3A_448, %get3A_449] {strides = array<i32>} : memref<2x128x64xf32, #tpu.memory_space<vmem>>, vector<16xf32>,
      %add3A_451 = arith.addf %get3A_435, %get3A_440 : vector<16xf32>
      %add3A_452 = arith.addf %add3A_451, %get3A_445 : vector<16xf32>
      %add3A_453 = arith.addf %add3A_452, %get3A_450 : vector<16xf32>
      %mul3A_454 = arith.mulf %get3A_435, %get3A_435 : vector<16xf32>
      %mul3A_455 = arith.mulf %get3A_440, %get3A_440 : vector<16xf32>
      %add3A_456 = arith.addf %mul3A_454, %mul3A_455 : vector<16xf32>
      %mul3A_457 = arith.mulf %get3A_445, %get3A_445 : vector<16xf32>
      %add3A_458 = arith.addf %add3A_456, %mul3A_457 : vector<16xf32>
      %mul3A_459 = arith.mulf %get3A_450, %get3A_450 : vector<16xf32>
      %add3A_460 = arith.addf %add3A_458, %mul3A_459 : vector<16xf32>
      %reduce_sum3A = arith.constant true
      %reduce_sum3A_461 = vector.broadcast %reduce_sum3A : i1 to vector<16xi1>
      %reduce_sum3A_462 = tpu.scan <sum>, %add3A_453 masked %reduce_sum3A_461 : vector<16xf32>, vector<16xi1> -> vector<16xf32>
      %reduce_sum3A_463 = vector.extract %reduce_sum3A_462[15] : f32 from vector<16xf32>
      %reduce_sum3A_464 = arith.constant true
      %reduce_sum3A_465 = vector.broadcast %reduce_sum3A_464 : i1 to vector<16xi1>
      %reduce_sum3A_466 = tpu.scan <sum>, %add3A_460 masked %reduce_sum3A_465 : vector<16xf32>, vector<16xi1> -> vector<16xf32>
      %reduce_sum3A_467 = vector.extract %reduce_sum3A_466[15] : f32 from vector<16xf32>
      %mul3A_468 = arith.constant 1.562500e-02 : f32
      %mul3A_469 = arith.mulf %reduce_sum3A_463, %mul3A_468 : f32
      %mul3A_470 = arith.constant 1.562500e-02 : f32
      %mul3A_471 = arith.mulf %reduce_sum3A_467, %mul3A_470 : f32
      %mul3A_472 = arith.mulf %mul3A_469, %mul3A_469 : f32
      %sub3A = arith.subf %mul3A_471, %mul3A_472 : f32
      %add3A_473 = arith.constant 9.99999974E-6 : f32
      %add3A_474 = arith.addf %sub3A, %add3A_473 : f32
      %bitcast_convert_type3A = arith.bitcast %add3A_474 : f32 to i32
      %shift_right_arithmetic3A = arith.constant 1 : i32
      %shift_right_arithmetic3A_475 = arith.shrsi %bitcast_convert_type3A, %shift_right_arithmetic3A : i32
      %sub3A_476 = arith.constant 1597463007 : i32
      %sub3A_477 = arith.subi %sub3A_476, %shift_right_arithmetic3A_475 : i32
      %bitcast_convert_type3A_478 = arith.bitcast %sub3A_477 : i32 to f32
      %mul3A_479 = arith.constant 5.000000e-01 : f32
      %mul3A_480 = arith.mulf %mul3A_479, %add3A_474 : f32
      %mul3A_481 = arith.mulf %mul3A_480, %bitcast_convert_type3A_478 : f32
      %mul3A_482 = arith.mulf %mul3A_481, %bitcast_convert_type3A_478 : f32
      %sub3A_483 = arith.constant 1.500000e+00 : f32
      %sub3A_484 = arith.subf %sub3A_483, %mul3A_482 : f32
      %mul3A_485 = arith.mulf %bitcast_convert_type3A_478, %sub3A_484 : f32
      %mul3A_486 = arith.constant 5.000000e-01 : f32
      %mul3A_487 = arith.mulf %mul3A_486, %add3A_474 : f32
      %mul3A_488 = arith.mulf %mul3A_487, %mul3A_485 : f32
      %mul3A_489 = arith.mulf %mul3A_488, %mul3A_485 : f32
      %sub3A_490 = arith.constant 1.500000e+00 : f32
      %sub3A_491 = arith.subf %sub3A_490, %mul3A_489 : f32
      %mul3A_492 = arith.mulf %mul3A_485, %sub3A_491 : f32
      %mul3A_493 = arith.constant 5.000000e-01 : f32
      %mul3A_494 = arith.mulf %mul3A_493, %add3A_474 : f32
      %mul3A_495 = arith.mulf %mul3A_494, %mul3A_492 : f32
      %mul3A_496 = arith.mulf %mul3A_495, %mul3A_492 : f32
      %sub3A_497 = arith.constant 1.500000e+00 : f32
      %sub3A_498 = arith.subf %sub3A_497, %mul3A_496 : f32
      %mul3A_499 = arith.mulf %mul3A_492, %sub3A_498 : f32
      %sub3A_500 = vector.broadcast %mul3A_469 : f32 to vector<16xf32>
      %sub3A_501 = arith.subf %get3A_435, %sub3A_500 : vector<16xf32>
      %mul3A_502 = vector.broadcast %mul3A_499 : f32 to vector<16xf32>
      %mul3A_503 = arith.mulf %sub3A_501, %mul3A_502 : vector<16xf32>
      %mul3A_504 = arith.mulf %mul3A_503, %get3A_29 : vector<16xf32>
      %add3A_505 = arith.addf %mul3A_504, %get3A_37 : vector<16xf32>
      %get3A_506 = arith.constant 1 : i32
      %get3A_507 = arith.index_cast %get3A_506 : i32 to index
      %get3A_508 = arith.index_cast %scan3A_429 : i32 to index
      %get3A_509 = arith.constant 0 : index
      %get3A_510 = tpu.vector_load %arg14[%get3A_507, %get3A_508, %get3A_509] {strides = array<i32>} : memref<2x128x64xf32, #tpu.memory_space<vmem>>, vector<16xf32>,
      %add3A_511 = arith.addf %add3A_505, %get3A_510 : vector<16xf32>
      %swap3A = arith.constant 1 : i32
      %swap3A_512 = arith.index_cast %swap3A : i32 to index
      %swap3A_513 = arith.index_cast %scan3A_429 : i32 to index
      %swap3A_514 = arith.constant 0 : index
      %swap3A_515 = tpu.vector_load %arg15[%swap3A_512, %swap3A_513, %swap3A_514] {strides = array<i32>} : memref<2x128x64xf32, #tpu.memory_space<vmem>>, vector<16xf32>,
      tpu.vector_store %arg15[%swap3A_512, %swap3A_513, %swap3A_514], %add3A_511 {strides = array<i32>} : memref<2x128x64xf32, #tpu.memory_space<vmem>>, vector<16xf32>,
      %sub3A_516 = vector.broadcast %mul3A_469 : f32 to vector<16xf32>
      %sub3A_517 = arith.subf %get3A_440, %sub3A_516 : vector<16xf32>
      %mul3A_518 = vector.broadcast %mul3A_499 : f32 to vector<16xf32>
      %mul3A_519 = arith.mulf %sub3A_517, %mul3A_518 : vector<16xf32>
      %mul3A_520 = arith.mulf %mul3A_519, %get3A_31 : vector<16xf32>
      %add3A_521 = arith.addf %mul3A_520, %get3A_39 : vector<16xf32>
      %get3A_522 = arith.constant 1 : i32
      %get3A_523 = arith.index_cast %get3A_522 : i32 to index
      %get3A_524 = arith.index_cast %scan3A_429 : i32 to index
      %get3A_525 = arith.constant 16 : index
      %get3A_526 = tpu.vector_load %arg14[%get3A_523, %get3A_524, %get3A_525] {strides = array<i32>} : memref<2x128x64xf32, #tpu.memory_space<vmem>>, vector<16xf32>,
      %add3A_527 = arith.addf %add3A_521, %get3A_526 : vector<16xf32>
      %swap3A_528 = arith.constant 1 : i32
      %swap3A_529 = arith.index_cast %swap3A_528 : i32 to index
      %swap3A_530 = arith.index_cast %scan3A_429 : i32 to index
      %swap3A_531 = arith.constant 16 : index
      %swap3A_532 = tpu.vector_load %arg15[%swap3A_529, %swap3A_530, %swap3A_531] {strides = array<i32>} : memref<2x128x64xf32, #tpu.memory_space<vmem>>, vector<16xf32>,
      tpu.vector_store %arg15[%swap3A_529, %swap3A_530, %swap3A_531], %add3A_527 {strides = array<i32>} : memref<2x128x64xf32, #tpu.memory_space<vmem>>, vector<16xf32>,
      %sub3A_533 = vector.broadcast %mul3A_469 : f32 to vector<16xf32>
      %sub3A_534 = arith.subf %get3A_445, %sub3A_533 : vector<16xf32>
      %mul3A_535 = vector.broadcast %mul3A_499 : f32 to vector<16xf32>
      %mul3A_536 = arith.mulf %sub3A_534, %mul3A_535 : vector<16xf32>
      %mul3A_537 = arith.mulf %mul3A_536, %get3A_33 : vector<16xf32>
      %add3A_538 = arith.addf %mul3A_537, %get3A_41 : vector<16xf32>
      %get3A_539 = arith.constant 1 : i32
      %get3A_540 = arith.index_cast %get3A_539 : i32 to index
      %get3A_541 = arith.index_cast %scan3A_429 : i32 to index
      %get3A_542 = arith.constant 32 : index
      %get3A_543 = tpu.vector_load %arg14[%get3A_540, %get3A_541, %get3A_542] {strides = array<i32>} : memref<2x128x64xf32, #tpu.memory_space<vmem>>, vector<16xf32>,
      %add3A_544 = arith.addf %add3A_538, %get3A_543 : vector<16xf32>
      %swap3A_545 = arith.constant 1 : i32
      %swap3A_546 = arith.index_cast %swap3A_545 : i32 to index
      %swap3A_547 = arith.index_cast %scan3A_429 : i32 to index
      %swap3A_548 = arith.constant 32 : index
      %swap3A_549 = tpu.vector_load %arg15[%swap3A_546, %swap3A_547, %swap3A_548] {strides = array<i32>} : memref<2x128x64xf32, #tpu.memory_space<vmem>>, vector<16xf32>,
      tpu.vector_store %arg15[%swap3A_546, %swap3A_547, %swap3A_548], %add3A_544 {strides = array<i32>} : memref<2x128x64xf32, #tpu.memory_space<vmem>>, vector<16xf32>,
      %sub3A_550 = vector.broadcast %mul3A_469 : f32 to vector<16xf32>
      %sub3A_551 = arith.subf %get3A_450, %sub3A_550 : vector<16xf32>
      %mul3A_552 = vector.broadcast %mul3A_499 : f32 to vector<16xf32>
      %mul3A_553 = arith.mulf %sub3A_551, %mul3A_552 : vector<16xf32>
      %mul3A_554 = arith.mulf %mul3A_553, %get3A_35 : vector<16xf32>
      %add3A_555 = arith.addf %mul3A_554, %get3A_43 : vector<16xf32>
      %get3A_556 = arith.constant 1 : i32
      %get3A_557 = arith.index_cast %get3A_556 : i32 to index
      %get3A_558 = arith.index_cast %scan3A_429 : i32 to index
      %get3A_559 = arith.constant 48 : index
      %get3A_560 = tpu.vector_load %arg14[%get3A_557, %get3A_558, %get3A_559] {strides = array<i32>} : memref<2x128x64xf32, #tpu.memory_space<vmem>>, vector<16xf32>,
      %add3A_561 = arith.addf %add3A_555, %get3A_560 : vector<16xf32>
      %swap3A_562 = arith.constant 1 : i32
      %swap3A_563 = arith.index_cast %swap3A_562 : i32 to index
      %swap3A_564 = arith.index_cast %scan3A_429 : i32 to index
      %swap3A_565 = arith.constant 48 : index
      %swap3A_566 = tpu.vector_load %arg15[%swap3A_563, %swap3A_564, %swap3A_565] {strides = array<i32>} : memref<2x128x64xf32, #tpu.memory_space<vmem>>, vector<16xf32>,
      tpu.vector_store %arg15[%swap3A_563, %swap3A_564, %swap3A_565], %add3A_561 {strides = array<i32>} : memref<2x128x64xf32, #tpu.memory_space<vmem>>, vector<16xf32>,
      %scan3A_567 = arith.constant 0 : i32
      scf.yield %scan3A_567 : i32
    }
    %scan3A_374 = arith.constant 128 : i32
    %add3A_375 = arith.constant 25472 : i32
    %add3A_376 = arith.addi %mul3A_2, %add3A_375 : i32
    %dma_start3A_377 = arith.constant 1 : i32
    %dma_start3A_378 = arith.constant 1 : i32
    %dma_start3A_379 = arith.constant 0 : i32
    %dma_start3A_380 = arith.constant 0 : i32
    %dma_start3A_381 = tpu.memref_slice %arg15[%dma_start3A_377, %dma_start3A_379, %dma_start3A_380] : memref<2x128x64xf32, #tpu.memory_space<vmem>> -> memref<1x128x64xf32, #tpu.memory_space<vmem>>
    %dma_start3A_382 = tpu.memref_squeeze %dma_start3A_381 : memref<1x128x64xf32, #tpu.memory_space<vmem>> -> memref<128x64xf32, #tpu.memory_space<vmem>>
    %dma_start3A_383 = arith.constant 0 : i32
    %dma_start3A_384 = tpu.memref_slice %arg10[%add3A_376, %dma_start3A_383] : memref<819200x64xf32, #tpu.memory_space<hbm>> -> memref<128x64xf32, #tpu.memory_space<hbm>>
    %dma_start3A_385 = tpu.memref_slice %arg22[%dma_start3A_378] : memref<2x!tpu.dma_semaphore, #tpu.memory_space<semaphore_mem>> -> memref<1x!tpu.dma_semaphore, #tpu.memory_space<semaphore_mem>>
    %dma_start3A_386 = tpu.memref_squeeze %dma_start3A_385 : memref<1x!tpu.dma_semaphore, #tpu.memory_space<semaphore_mem>> -> memref<!tpu.dma_semaphore, #tpu.memory_space<semaphore_mem>>
    %dma_start3A_387 = arith.constant 0 : i32
    %dma_start3A_388 = tpu.memref_slice %arg10[%add3A_376, %dma_start3A_387] : memref<819200x64xf32, #tpu.memory_space<hbm>> -> memref<128x64xf32, #tpu.memory_space<hbm>>
    %dma_start3A_389 = arith.constant 0 : i32
    %dma_start3A_390 = arith.constant 0 : i32
    %dma_start3A_391 = tpu.memref_slice %arg15[%dma_start3A_377, %dma_start3A_389, %dma_start3A_390] : memref<2x128x64xf32, #tpu.memory_space<vmem>> -> memref<1x128x64xf32, #tpu.memory_space<vmem>>
    %dma_start3A_392 = tpu.memref_squeeze %dma_start3A_391 : memref<1x128x64xf32, #tpu.memory_space<vmem>> -> memref<128x64xf32, #tpu.memory_space<vmem>>
    tpu.enqueue_dma source(%dma_start3A_392 : memref<128x64xf32, #tpu.memory_space<vmem>>) target(%dma_start3A_388 : memref<128x64xf32, #tpu.memory_space<hbm>>) target_semaphore(%dma_start3A_386 : memref<!tpu.dma_semaphore, #tpu.memory_space<semaphore_mem>>)
    %add3A_393 = arith.constant 25344 : i32
    %add3A_394 = arith.addi %mul3A_2, %add3A_393 : i32
    %dma_wait3A_395 = arith.constant 0 : i32
    %dma_wait3A_396 = arith.constant 0 : i32
    %dma_wait3A_397 = arith.constant 0 : i32
    %dma_wait3A_398 = arith.constant 0 : i32
    %dma_wait3A_399 = tpu.memref_slice %arg15[%dma_wait3A_395, %dma_wait3A_397, %dma_wait3A_398] : memref<2x128x64xf32, #tpu.memory_space<vmem>> -> memref<1x128x64xf32, #tpu.memory_space<vmem>>
    %dma_wait3A_400 = tpu.memref_squeeze %dma_wait3A_399 : memref<1x128x64xf32, #tpu.memory_space<vmem>> -> memref<128x64xf32, #tpu.memory_space<vmem>>
    %dma_wait3A_401 = arith.constant 0 : i32
    %dma_wait3A_402 = tpu.memref_slice %arg10[%add3A_394, %dma_wait3A_401] : memref<819200x64xf32, #tpu.memory_space<hbm>> -> memref<128x64xf32, #tpu.memory_space<hbm>>
    %dma_wait3A_403 = tpu.memref_slice %arg22[%dma_wait3A_396] : memref<2x!tpu.dma_semaphore, #tpu.memory_space<semaphore_mem>> -> memref<1x!tpu.dma_semaphore, #tpu.memory_space<semaphore_mem>>
    %dma_wait3A_404 = tpu.memref_squeeze %dma_wait3A_403 : memref<1x!tpu.dma_semaphore, #tpu.memory_space<semaphore_mem>> -> memref<!tpu.dma_semaphore, #tpu.memory_space<semaphore_mem>>
    %dma_wait3A_405 = arith.constant 0 : i32
    %dma_wait3A_406 = tpu.memref_slice %arg10[%add3A_394, %dma_wait3A_405] : memref<819200x64xf32, #tpu.memory_space<hbm>> -> memref<128x64xf32, #tpu.memory_space<hbm>>
    %dma_wait3A_407 = arith.constant 0 : i32
    %dma_wait3A_408 = arith.constant 0 : i32
    %dma_wait3A_409 = tpu.memref_slice %arg15[%dma_wait3A_395, %dma_wait3A_407, %dma_wait3A_408] : memref<2x128x64xf32, #tpu.memory_space<vmem>> -> memref<1x128x64xf32, #tpu.memory_space<vmem>>
    %dma_wait3A_410 = tpu.memref_squeeze %dma_wait3A_409 : memref<1x128x64xf32, #tpu.memory_space<vmem>> -> memref<128x64xf32, #tpu.memory_space<vmem>>
    tpu.wait_dma2 semaphore(%dma_wait3A_404 : memref<!tpu.dma_semaphore, #tpu.memory_space<semaphore_mem>>) src(%dma_wait3A_410 : memref<128x64xf32, #tpu.memory_space<vmem>>) dst(%dma_wait3A_406 : memref<128x64xf32, #tpu.memory_space<hbm>>)
    %add3A_411 = arith.constant 25472 : i32
    %add3A_412 = arith.addi %mul3A_2, %add3A_411 : i32
    %dma_wait3A_413 = arith.constant 1 : i32
    %dma_wait3A_414 = arith.constant 1 : i32
    %dma_wait3A_415 = arith.constant 0 : i32
    %dma_wait3A_416 = arith.constant 0 : i32
    %dma_wait3A_417 = tpu.memref_slice %arg15[%dma_wait3A_413, %dma_wait3A_415, %dma_wait3A_416] : memref<2x128x64xf32, #tpu.memory_space<vmem>> -> memref<1x128x64xf32, #tpu.memory_space<vmem>>
    %dma_wait3A_418 = tpu.memref_squeeze %dma_wait3A_417 : memref<1x128x64xf32, #tpu.memory_space<vmem>> -> memref<128x64xf32, #tpu.memory_space<vmem>>
    %dma_wait3A_419 = arith.constant 0 : i32
    %dma_wait3A_420 = tpu.memref_slice %arg10[%add3A_412, %dma_wait3A_419] : memref<819200x64xf32, #tpu.memory_space<hbm>> -> memref<128x64xf32, #tpu.memory_space<hbm>>
    %dma_wait3A_421 = tpu.memref_slice %arg22[%dma_wait3A_414] : memref<2x!tpu.dma_semaphore, #tpu.memory_space<semaphore_mem>> -> memref<1x!tpu.dma_semaphore, #tpu.memory_space<semaphore_mem>>
    %dma_wait3A_422 = tpu.memref_squeeze %dma_wait3A_421 : memref<1x!tpu.dma_semaphore, #tpu.memory_space<semaphore_mem>> -> memref<!tpu.dma_semaphore, #tpu.memory_space<semaphore_mem>>
    %dma_wait3A_423 = arith.constant 0 : i32
    %dma_wait3A_424 = tpu.memref_slice %arg10[%add3A_412, %dma_wait3A_423] : memref<819200x64xf32, #tpu.memory_space<hbm>> -> memref<128x64xf32, #tpu.memory_space<hbm>>
    %dma_wait3A_425 = arith.constant 0 : i32
    %dma_wait3A_426 = arith.constant 0 : i32
    %dma_wait3A_427 = tpu.memref_slice %arg15[%dma_wait3A_413, %dma_wait3A_425, %dma_wait3A_426] : memref<2x128x64xf32, #tpu.memory_space<vmem>> -> memref<1x128x64xf32, #tpu.memory_space<vmem>>
    %dma_wait3A_428 = tpu.memref_squeeze %dma_wait3A_427 : memref<1x128x64xf32, #tpu.memory_space<vmem>> -> memref<128x64xf32, #tpu.memory_space<vmem>>
    tpu.wait_dma2 semaphore(%dma_wait3A_422 : memref<!tpu.dma_semaphore, #tpu.memory_space<semaphore_mem>>) src(%dma_wait3A_428 : memref<128x64xf32, #tpu.memory_space<vmem>>) dst(%dma_wait3A_424 : memref<128x64xf32, #tpu.memory_space<hbm>>)
    return
  }
}

</mosaic_0001>

<sc_bundles>
// kernel: kernel.3.cloned.1.call-start
scs
__scs_entry_jumppad:
0x0: {  	(pc) =	sbr.rel $0x88, $3  }
0x1: {  	(tag) =	ssettag $0x0;
	lr =	simm.s32 $0x1  }
0x2: {  	[smem:$0x3F99] =	sst lr;
	_ =	strace $0xD0000000  }
0x3: {  	_ = 	snop  }
0x4: {  	_ = 	snop  }
0x5: {  	_ = 	snop  }
0x6: {  	_ = 	snop  }
0x7: {  	_ = 	snop  }
__scs_overlays_trampoline_lowered:
0x8: {  	[smem:$0x3FA8] =	sst s0  }
0x9: {  	[smem:$0x3FA9] =	sst s1  }
0xa: {  	[smem:$0x3FAA] =	sst s2  }
0xb: {  	[smem:$0x3FAB] =	sst s3  }
0xc: {  	[smem:$0x3FAC] =	sst s4  }
0xd: {  	[smem:$0x3FAD] =	sst s5  }
0xe: {  	[smem:$0x3FAE] =	sst s6  }
0xf: {  	[smem:$0x3FAF] =	sst s7  }
0x10: {  	[smem:$0x3FB0] =	sst s8  }
0x11: {  	[smem:$0x3FB1] =	sst s9;
	s0 =	simm.s32 @!p0 $0x0  }
0x12: {  	s1 =	sld [smem:$0x3F97];
	s0 =	simm.s32 @p0 $0x1  }
0x13: {  	[smem:$0x3FB2] =	sst s0;
	s0 =	simm.s32 @!p1 $0x0  }
0x14: {  	s2 =	sld [smem:$0x3F96];
	s0 =	simm.s32 @p1 $0x1  }
0x15: {  	[smem:$0x3FB3] =	sst s0;
	s0 =	simm.s32 @!p2 $0x0  }
0x16: {  	s3 =	sld [smem:$0x3FDB];
	s0 =	simm.s32 @p2 $0x1  }
0x17: {  	s4 =	simm.s32 $0x1BF5;
	[smem:$0x3FB5] =	sst s0  }
0x18: {  	s0 =	sld [smem:$0x3F98];
	_ =	swait.ge [sflag:s4], $0x0  }
0x19: {  	s7 =	sld [smem:$0x3F99]  }
0x1a: {  	s8 =	sadd.s32 $0xFFFFE003, lr  }
0x1b: {  	s9 =	sadd.s32 $0xFFFFFEF7, lr;
	s5 =	simm.s32 $0xFFFFFFFF;
	p2 =	slt.u32 s8, $0xFFFFF086  }
0x1c: {  	p1 =	slt.u32 s9, $0xF7A;
	s5 =	simm.s32 @!p2 $0x0  }
0x1d: {  	s5 =	simm.s32 @p1 $0x1;
	p0 =	seq.s32 s7, s2  }
0x1e: {  	s7 =	smul.u32 @!p0 $0xF7A, s2;
	p2 =	seq.s32 @!p0 s5, $0x0  }
0x1f: {  	s9 =	smul.u32 $0xF7A, s1;
	s8 =	simm.s32 @!p0 $0x1BF5;
	p2 =	por !p2, p0  }
0x20: {  	[sflag:s8] =	ssyncset.s32 @!p0 $0xFFFFF086;
	s6 =	sadd.s32 @!p0 s3, s7;
	s7 =	simm.s32 @!p0 $0x108  }
0x21: {  	s3 =	sadd.s32 s3, s9;
	s6 =	sadd.s32 @!p0 $0x88, s6;
	s7 =	simm.s32 @p2 $0x1082  }
0x22: {  	[simem:s7], [sflag:s8] =	dma.local @!p0 [hbm:s6], $0xF7A  }
0x23: {  	s9 =	sor.u32 $0xD0000000, s2;
	s6 =	simm.s32 $0x108;
	_ =	swait.ge @!p0 [sflag:s8], $0x0  }
0x24: {  	s3 =	sadd.s32 $0x88, s3;
	s6 =	simm.s32 @!p1 $0x1082;
	[sflag:s4] =	ssyncset.s32 $0xFFFFF086  }
0x25: {  	[simem:s6], [sflag:s4] =	dma.local [hbm:s3], $0xF7A  }
0x26: {  	[smem:$0x3F99] =	sst s1;
	(tag) =	ssettag s2;
	_ =	strace s9  }
0x27: {  	s1 =	sld [smem:$0x3FA9]  }
0x28: {  	s2 =	sld [smem:$0x3FAA]  }
0x29: {  	s4 =	sld [smem:$0x3FAC]  }
0x2a: {  	p0 =	seq.s32 s5, $0x0;
	s5 =	sld [smem:$0x3FAD]  }
0x2b: {  	s6 =	sld [smem:$0x3FAE]  }
0x2c: {  	s7 =	sld [smem:$0x3FAF]  }
0x2d: {  	s3 =	simm.s32 $0x108;
	s8 =	sld [smem:$0x3FB0]  }
0x2e: {  	s3 =	simm.s32 @!p0 $0x1082;
	s9 =	sld [smem:$0x3FB1]  }
0x2f: {  	lr =	sadd.s32 s0, s3;
	s0 =	sld [smem:$0x3FA8]  }
0x30: {  	s3 =	sld [smem:$0x3FAB]  }
0x31: {  	[smem:$0x3FB4] =	sst s10  }
0x32: {  	s10 =	sld [smem:$0x3FB2];
	_ =	sdelay $0x3  }
0x33: {  	p0 =	seq.s32 s10, $0x1;
	s10 =	sld [smem:$0x3FB4];
	_ =	sdelay $0x3  }
0x34: {  	[smem:$0x3FB4] =	sst s10  }
0x35: {  	s10 =	sld [smem:$0x3FB3];
	_ =	sdelay $0x3  }
0x36: {  	p1 =	seq.s32 s10, $0x1;
	s10 =	sld [smem:$0x3FB4];
	_ =	sdelay $0x3  }
0x37: {  	[smem:$0x3FB4] =	sst s10  }
0x38: {  	s10 =	sld [smem:$0x3FB5]  }
0x39: {  	_ = 	snop;
	(pc) =	sbr.ind lr, $3  }
0x3a: {  	_ = 	snop  }
0x3b: {  	_ = 	snop  }
0x3c: {  	p2 =	seq.s32 s10, $0x1;
	s10 =	sld [smem:$0x3FB4]  }
0x3d: {  	_ =	shalt  }
0x3e: {  	_ =	shalt  }
0x3f: {  	_ =	shalt  }
0x40: {  	_ =	shalt  }
0x41: {  	_ =	shalt  }
0x42: {  	_ =	shalt  }
0x43: {  	_ =	shalt  }
0x44: {  	_ =	shalt  }
0x45: {  	_ =	shalt  }
0x46: {  	_ =	shalt  }
0x47: {  	_ =	shalt  }
0x48: {  	_ =	shalt  }
0x49: {  	_ =	shalt  }
0x4a: {  	_ =	shalt  }
0x4b: {  	_ =	shalt  }
0x4c: {  	_ =	shalt  }
0x4d: {  	_ =	shalt  }
0x4e: {  	_ =	shalt  }
0x4f: {  	_ =	shalt  }
0x50: {  	_ =	shalt  }
0x51: {  	_ =	shalt  }
0x52: {  	_ =	shalt  }
0x53: {  	_ =	shalt  }
0x54: {  	_ =	shalt  }
0x55: {  	_ =	shalt  }
0x56: {  	_ =	shalt  }
0x57: {  	_ =	shalt  }
0x58: {  	_ =	shalt  }
0x59: {  	_ =	shalt  }
0x5a: {  	_ =	shalt  }
0x5b: {  	_ =	shalt  }
0x5c: {  	_ =	shalt  }
0x5d: {  	_ =	shalt  }
0x5e: {  	_ =	shalt  }
0x5f: {  	_ =	shalt  }
0x60: {  	_ =	shalt  }
0x61: {  	_ =	shalt  }
0x62: {  	_ =	shalt  }
0x63: {  	_ =	shalt  }
0x64: {  	_ =	shalt  }
0x65: {  	_ =	shalt  }
0x66: {  	_ =	shalt  }
0x67: {  	_ =	shalt  }
0x68: {  	_ =	shalt  }
0x69: {  	_ =	shalt  }
0x6a: {  	_ =	shalt  }
0x6b: {  	_ =	shalt  }
0x6c: {  	_ =	shalt  }
0x6d: {  	_ =	shalt  }
0x6e: {  	_ =	shalt  }
0x6f: {  	_ =	shalt  }
0x70: {  	_ =	shalt  }
0x71: {  	_ =	shalt  }
0x72: {  	_ =	shalt  }
0x73: {  	_ =	shalt  }
0x74: {  	_ =	shalt  }
0x75: {  	_ =	shalt  }
0x76: {  	_ =	shalt  }
0x77: {  	_ =	shalt  }
0x78: {  	_ =	shalt  }
0x79: {  	_ =	shalt  }
0x7a: {  	_ =	shalt  }
0x7b: {  	_ =	shalt  }
0x7c: {  	_ =	shalt  }
0x7d: {  	_ =	shalt  }
0x7e: {  	_ =	shalt  }
0x7f: {  	_ =	shalt  }
0x80: {  	_ =	shalt  }
0x81: {  	_ =	shalt  }
0x82: {  	_ =	shalt  }
0x83: {  	_ =	shalt  }
0x84: {  	_ =	shalt  }
0x85: {  	_ =	shalt  }
0x86: {  	_ =	shalt  }
0x87: {  	_ =	shalt  }
.Lfunc_end0:
.L_simem_size_0:
called_computation.1_lowered:
.L_overlay_start_0:
0x88: {  	s2 =	sld [smem:$0x3FD9]  }
0x89: {  	s3 =	sld [smem:$0x3FFE];
	_ =	sdelay $0x1  }
0x8a: {  	s1 =	srdreg.scid  }
0x8b: {  	s0 =	sand.u32 $0x1, s1  }
0x8c: {  	s17 =	sshll.u32 s0, $0xA;
	s2 =	sadd.s32 s3, s2  }
0x8d: {  	s2 =	sadd.s32 s2, s17  }
0x8e: {  	[smem:$0x3FC0] =	sst s2  }
0x8f: {  	_ = 	snop  }
0x90: {  	s2 =	sld [smem:$0x3FC5]  }
0x91: {  	s18 =	sld [smem:$0x3FC4]  }
0x92: {  	s4 =	sld [smem:$0x3FC3]  }
0x93: {  	s5 =	sld [smem:$0x3FC2]  }
0x94: {  	s6 =	sld [smem:$0x3FD0];
	(tm) =	ssettm $0x1  }
0x95: {  	s7 =	sld [smem:$0x3FFB];
	_ =	sdelay $0x3  }
0x96: {  	_ =	strace s7  }
0x97: {  	s7 =	sld [smem:$0x3FFC];
	_ =	sdelay $0x3  }
0x98: {  	_ =	strace s7  }
0x99: {  	s7 =	sld [smem:$0x3FFD];
	_ =	sdelay $0x3  }
0x9a: {  	_ =	strace s7  }
0x9b: {  	_ =	strace $0x8FFFFFFF  }
0x9c: {  	s19 =	sld [smem:$0x3FDB];
	_ =	sdelay $0x1  }
0x9d: {  	s8 =	simm.s32 $_scs_section_size  }
0x9e: {  	s9 =	simm.s32 $_size__tile_overlayer_lowered;
	s10 =	simm.s32 $_tile_overlayer_lowered  }
0x9f: {  	s22 =	simm.s32 $0x1BFF;
	s21 =	sshll.u32 s10, $0x1;
	s7 =	sadd.s32 s8, s19  }
0xa0: {  	s11 =	simm.s32 $0x0;
	s20 =	sshll.u32 s9, $0x1;
	s9 =	sadd.s32 s21, s7  }
0xa1: {  	[timem:s11], [sflag:s22] =	dma.local [hbm:s9], s20  }
0xa2: {  	_ =	swait.ge [sflag:s22], s20  }
0xa3: {  	s8 =	ssub.s32 $0x0, s20;
	[sflag:s22] =	ssyncset.done $0x0  }
0xa4: {  	[sflag:s22] =	ssyncadd.s32 s8;
	_ =	sdelay $0x1  }
0xa5: {  	s23 =	simm.s32 $0x1B8B  }
0xa6: {  	_ =	swait.ge [sflag:s23], $0x1  }
0xa7: {  	[sflag:s23] =	ssyncset.done $0x0  }
0xa8: {  	s25 =	simm.s32 $0x1B8E;
	s24 =	sld [smem:$0x3FFE];
	[sflag:s23] =	ssyncadd.s32 $0xFFFFFFFF  }
0xa9: {  	s26 =	simm.s32 $execute0_lowered;
	[smem:$0x3FD2] =	sst s25  }
0xaa: {  	s9 =	sshll.u32 s26, $0x1;
	_ =	strace $0x80000046;
	[dreg:$0x1] =	wrdreg $0xFFFFFFFF  }
0xab: {  	s28 =	simm.s32 $_size_execute0_lowered;
	s7 =	sadd.s32 s7, s9;
	[dreg:$0x0] =	wrdreg $0x0  }
0xac: {  	s9 =	sshll.u32 s28, $0x1;
	[dreg:$0x2] =	wrdreg s7  }
0xad: {  	[dreg:$0x3] =	wrdreg s9  }
0xae: {  	[dreg:$0x4] =	wrdreg $0xC0  }
0xaf: {  	_ =	task [dreg:s11], $0x5FFFF  }
0xb0: {  	[dreg:$0x1] =	wrdreg $0xFFFFFFFF  }
0xb1: {  	[dreg:$0x0] =	wrdreg $0x60  }
0xb2: {  	[dreg:$0x2] =	wrdreg s24  }
0xb3: {  	[dreg:$0x3] =	wrdreg s2  }
0xb4: {  	[dreg:$0x4] =	wrdreg s18  }
0xb5: {  	[dreg:$0x5] =	wrdreg s4  }
0xb6: {  	[dreg:$0x6] =	wrdreg s5  }
0xb7: {  	[dreg:$0x7] =	wrdreg s6  }
0xb8: {  	[dreg:$0x8] =	wrdreg $0x1A8800  }
0xb9: {  	[dreg:$0x9] =	wrdreg $0x9  }
0xba: {  	_ =	task.clear_ibuf [dreg:s11], $0xAFFFF;
	_ =	strace $0x90000046  }
0xbb: {  	s29 =	simm.s32 $0x9;
	_ =	strace $0x80000048  }
0xbc: {  	_ =	swait.ge [sflag:s29], $0x1  }
0xbd: {  	[sflag:s29] =	ssyncadd.s32 $0xFFFFFFFF  }
0xbe: {  	_ =	strace $0x90000048  }
0xbf: {  	_ =	sfence  }
0xc0: {  	s30 =	sld [smem:$0x0];
	_ =	sdelay $0x2  }
0xc1: {  	s31 =	sshll.u32 s1, $0xD;
	s1 =	sshrl.u32 s1, $0x2  }
0xc2: {  	s3 =	sand.u32 $0x4000, s31;
	s1 =	sadd.s32 s1, s30  }
0xc3: {  	s0 =	sor.u32 s3, s0;
	s1 =	sshll.u32 s1, $0x11  }
0xc4: {  	s0 =	sor.u32 s1, s0  }
0xc5: {  	s0 =	sadd.s32 $0x8F2B, s0  }
0xc6: {  	[sflag:s0] =	ssyncadd.remote.s32 $0x1  }
0xc7: {  	_ =	sfence.sel $0xFFFF  }
0xc8: {  	[dreg:$0x0] =	wrdreg $0xFFFFFFFF;
	(pc) =	sbr.abs _section_cstart, $3  }
0xc9: {  	[dreg:$0x1] =	wrdreg $0xFFFFFFFF  }
0xca: {  	_ =	task.clear_ibuf [dreg:s11], $0x2FFFF;
	_ =	strace $0x9FFFFFFF  }
0xcb: {  	(tm) =	ssettm $0x7FFFFFFF  }
tec
execute0_lowered:
.L_overlay_start_1:
0x0: {  	(tag) =	ssettag $0x1  }
0x1: {  	s0 =	rddreg [dreg:$0x0]  }
0x2: {  	s1 =	srdreg.scid;
	s8 =	rddreg [dreg:$0x5]  }
0x3: {  	s6 =	stileid.u32;
	s7 =	rddreg [dreg:$0x6]  }
0x4: {  	s10 =	simm.s32 $0x0;
	s16 =	simm.s32 $0x18800;
	s31 =	simm.s32 $0x2  }
0x5: {  	s1 =	sand.u32 $0x1, s1;
	s2 =	sshll.u32 s6, $0x1;
	[smem:$0x7FF] =	sst s10  }
0x6: {  	s9 =	sadd.s32 $0xF43200, s0;
	s5 =	sshll.u32 s6, $0xA;
	s20 =	sshll.u32 s6, $0xD  }
0x7: {  	s17 =	smov.u32 s8;
	s6 =	simm.s32 $0x7;
	s2 =	sor.u32 s1, s2  }
0x8: {  	_ =	strace $0x80000047;
	s1 =	ssub.s32 $0x2, s1;
	s3 =	smul.u32 $0x6400, s2  }
0x9: {  	s21 =	sadd.s32 s20, s7;
	s19 =	sshrl.u32 s1, $0x1;
	s11 =	smul.u32 $0x32000, s2  }
0xa: {  	s2 =	smul.u32 $0x190000, s2;
	[dreg:$0xa] =	wrdreg s21;
	s21 =	simm.s32 $0x5  }
0xb: {  	s1 =	ssub.s32 s1, s19;
	s4 =	sshrl.u32 s3, $0x3;
	s24 =	sadd.s32 s8, s11  }
0xc: {  	[dreg:$0x8] =	wrdreg s2;
	s25 =	sshrl.u32 s2, $0x3;
	s28 =	sor.u32 $0x80, s3  }
0xd: {  	s30 =	smax.u32 s1, $0x1;
	s1 =	simm.s32 $0x3;
	[dreg:$0xd] =	wrdreg s24  }
0xe: {  	s3 =	simm.s32 $0x4;
	s4 =	sadd.s32 s4, s0;
	[dreg:$0xf] =	wrdreg s28  }
0xf: {  	s0 =	sadd.s32 s5, s0;
	s26 =	sadd.s32 $0x400, s24;
	[dreg:$0x12] =	wrdreg s30  }
0x10: {  	s5 =	simm.s32 $0x0;
	s0 =	sadd.s32 $0x32E00, s0;
	[dreg:$0xe] =	wrdreg s26  }
0x11: {  	s22 =	sadd.s32 $0x19E00, s4;
	s23 =	sadd.s32 $0xE00, s4;
	[dreg:$0x9] =	wrdreg s0  }
0x12: {  	s4 =	simm.s32 $0x1A800;
	[dreg:$0xb] =	wrdreg s22;
	s0 =	sadd.s32 s8, s25  }
0x13: {  	s26 =	simm.s32 $0x80;
	[dreg:$0xc] =	wrdreg s23;
	s29 =	sadd.s32 $0x31800, s0  }
0x14: {  	s8 =	simm.s32 $0x1A840;
	s0 =	sadd.s32 $0x31C00, s0;
	[dreg:$0x10] =	wrdreg s29  }
0x15: {  	s23 =	simm.s32 $0x6;
	[dreg:$0x11] =	wrdreg s0;
	s0 =	simm.s32 $0x1  }
.LBB2_1:
0x16: {  	[dreg:$0x13] =	wrdreg s5  }
0x17: {  	s2 =	rddreg [dreg:$0x3]  }
0x18: {  	[tilespmem:s4], [sflag:$0x7] =	stream.linear.gather [hbm4b:s2+s10], $0x40, $0x38;
	[tilespmem:$0x1C880] =	vst v63  }
0x19: {  	_ =	swait.ge [sflag:s6], $0x40  }
0x1a: {  	[sflag:s6] =	ssyncset.done $0x0  }
0x1b: {  	[sflag:s6] =	ssyncadd.s32 $0xFFFFFFC0  }
0x1c: {  	s24 =	rddreg [dreg:$0x4]  }
0x1d: {  	[tilespmem:s8], [sflag:$0x7] =	stream.linear.gather [hbm4b:s24+s10], $0x40, $0x38;
	[tilespmem:$0x1C880] =	vst v63  }
0x1e: {  	_ =	swait.ge [sflag:s6], $0x40  }
0x1f: {  	[sflag:s6] =	ssyncset.done $0x0  }
0x20: {  	s25 =	rddreg [dreg:$0x9];
	[sflag:s6] =	ssyncadd.s32 $0xFFFFFFC0  }
0x21: {  	[tilespmem:s16], [sflag:$0x7] =	stream.linear.gather [hbm4b:s25+s10], $0x2000, $0x38;
	[tilespmem:$0x1C880] =	vst v63  }
0x22: {  	_ =	swait.ge [sflag:s6], $0x2000  }
0x23: {  	[sflag:s6] =	ssyncset.done $0x0  }
0x24: {  	s11 =	simm.s32 $0x0;
	[sflag:s6] =	ssyncadd.s32 $0xFFFFE000  }
0x25: {  	v4 =	vld [tilespmem:s11+$0x18800]  }
0x26: {  	v5 =	vld [tilespmem:s11+$0x18810];
	_ =	sdelay $0x1  }
0x27: {  	v6 =	vld [tilespmem:s11+$0x18820];
	_ =	sdelay $0x1  }
0x28: {  	v7 =	vld [tilespmem:s11+$0x18830]  }
0x29: {  	v0 =	vadd.f32 v5, v4  }
0x2a: {  	v1 =	vmul.f32 v4, v4;
	v2 =	vmul.f32 v5, v5  }
0x2b: {  	v0 =	vadd.f32 v6, v0  }
0x2c: {  	v3 =	vmul.f32 v6, v6;
	v1 =	vadd.f32 v2, v1  }
0x2d: {  	v0 =	vadd.f32 v7, v0  }
0x2e: {  	v2 =	vmul.f32 v7, v7;
	v1 =	vadd.f32 v3, v1  }
0x2f: {  	(xrf2) =	vadd.scan.msk.f32 $0xffff, v0  }
0x30: {  	v0 =	vadd.f32 v2, v1;
	_ =	sdelay $0x1  }
0x31: {  	(xrf2) =	vadd.scan.msk.f32 $0xffff, v0;
	_ =	sdelay $0x6  }
0x32: {  	v0, _, _ =	vpop (xrf2)  }
0x33: {  	(v2sf) =	vpush v0, $0xF;
	_ =	sdelay $0x1  }
0x34: {  	v0, _, _ =	vpop (xrf2)  }
0x35: {  	(v2sf) =	vpush v0, $0xF;
	_ =	sdelay $0xb  }
0x36: {  	s28 =	spop (v2sf)  }
0x37: {  	s5 =	smul.f32 $1.562500000e-02, s28;
	_ =	sdelay $0x1  }
0x38: {  	s13 =	spop (v2sf);
	s12 =	smul.f32 s5, s5  }
0x39: {  	s13 =	smul.f32 $1.562500000e-02, s13;
	_ =	sdelay $0x1  }
0x3a: {  	s12 =	ssub.f32 s13, s12;
	_ =	sdelay $0x1  }
0x3b: {  	s12 =	sadd.f32 $9.999999740e-06, s12;
	_ =	sdelay $0x1  }
0x3c: {  	s29 =	sshra.s32 s12, $0x1;
	s12 =	smul.f32 $5.000000000e-01, s12  }
0x3d: {  	s13 =	ssub.s32 $0x5F3759DF, s29  }
0x3e: {  	s14 =	smul.f32 s13, s12;
	_ =	sdelay $0x1  }
0x3f: {  	s14 =	smul.f32 s13, s14;
	_ =	sdelay $0x1  }
0x40: {  	s14 =	ssub.f32 $1.500000000e+00, s14;
	_ =	sdelay $0x1  }
0x41: {  	s13 =	smul.f32 s13, s14;
	_ =	sdelay $0x1  }
0x42: {  	s14 =	smul.f32 s13, s12;
	_ =	sdelay $0x1  }
0x43: {  	s14 =	smul.f32 s14, s13;
	_ =	sdelay $0x1  }
0x44: {  	s14 =	ssub.f32 $1.500000000e+00, s14;
	_ =	sdelay $0x1  }
0x45: {  	s13 =	smul.f32 s14, s13;
	_ =	sdelay $0x1  }
0x46: {  	s12 =	smul.f32 s13, s12;
	_ =	sdelay $0x1  }
0x47: {  	s12 =	smul.f32 s12, s13;
	_ =	sdelay $0x1  }
0x48: {  	v3 =	vld [tilespmem:$0x1A820];
	s12 =	ssub.f32 $1.500000000e+00, s12  }
0x49: {  	v2 =	vld [tilespmem:$0x1A830];
	v8 =	vmov s5  }
0x4a: {  	v1 =	vld [tilespmem:$0x1A810];
	v7 =	vsub.f32 v7, v8;
	s30 =	smul.f32 s12, s13  }
0x4b: {  	v0 =	vld [tilespmem:$0x1A800]  }
0x4c: {  	v9 =	vsub.f32 v4, v8;
	v4 =	vld [tilespmem:$0x1A840];
	v7 =	vmul.f32 s30, v7  }
0x4d: {  	v10 =	vsub.f32 v5, v8;
	v6 =	vsub.f32 v6, v8;
	v5 =	vld [tilespmem:$0x1A850]  }
0x4e: {  	v11 =	vmul.f32 v7, v2;
	v7 =	vld [tilespmem:$0x1A870]  }
0x4f: {  	v8 =	vmul.f32 s30, v9;
	v12 =	vmul.f32 s30, v6;
	v6 =	vld [tilespmem:$0x1A860]  }
0x50: {  	v9 =	vmul.f32 s30, v10  }
0x51: {  	v8 =	vmul.f32 v8, v0  }
0x52: {  	s12 =	simm.s32 $0x100;
	v10 =	vmul.f32 v9, v1;
	v9 =	vmul.f32 v12, v3  }
.LBB2_2:
0x53: {  	p0 =	sne.s32 s12, $0x7F00;
	v8 =	vadd.f32 v8, v4;
	v11 =	vadd.f32 v11, v7;
	s5 =	smov.u32 s12;
	s12 =	sadd.s32 $0x100, s12  }
0x54: {  	v10 =	vadd.f32 v10, v5;
	v9 =	vadd.f32 v9, v6  }
0x55: {  	[tilespmem:s11+$0x18830] =	vst v11  }
0x56: {  	s5 =	sshra.s32 s5, $0x2;
	[tilespmem:s11+$0x18800] =	vst v8  }
0x57: {  	v8 =	vld [tilespmem:s5+$0x18800];
	[tilespmem:s11+$0x18810] =	vst v10  }
0x58: {  	v10 =	vld [tilespmem:s5+$0x18810];
	[tilespmem:s11+$0x18820] =	vst v9;
	s11 =	smov.u32 s5  }
0x59: {  	v9 =	vld [tilespmem:s11+$0x18820];
	_ =	sdelay $0x1  }
0x5a: {  	v11 =	vld [tilespmem:s11+$0x18830]  }
0x5b: {  	v12 =	vmul.f32 v8, v8  }
0x5c: {  	v13 =	vadd.f32 v10, v8;
	v14 =	vmul.f32 v10, v10  }
0x5d: {  	v15 =	vmul.f32 v9, v9  }
0x5e: {  	v13 =	vadd.f32 v9, v13;
	v12 =	vadd.f32 v14, v12  }
0x5f: {  	v14 =	vmul.f32 v11, v11  }
0x60: {  	v13 =	vadd.f32 v11, v13;
	v12 =	vadd.f32 v15, v12;
	_ =	sdelay $0x1  }
0x61: {  	v12 =	vadd.f32 v14, v12;
	(xrf2) =	vadd.scan.msk.f32 $0xffff, v13;
	_ =	sdelay $0x2  }
0x62: {  	(xrf2) =	vadd.scan.msk.f32 $0xffff, v12;
	_ =	sdelay $0x6  }
0x63: {  	v12, _, _ =	vpop (xrf2)  }
0x64: {  	(v2sf) =	vpush v12, $0xF;
	_ =	sdelay $0x1  }
0x65: {  	v12, _, _ =	vpop (xrf2)  }
0x66: {  	(v2sf) =	vpush v12, $0xF;
	_ =	sdelay $0xb  }
0x67: {  	s5 =	spop (v2sf)  }
0x68: {  	s5 =	smul.f32 $1.562500000e-02, s5;
	_ =	sdelay $0x1  }
0x69: {  	s13 =	smul.f32 s5, s5;
	s14 =	spop (v2sf)  }
0x6a: {  	s14 =	smul.f32 $1.562500000e-02, s14;
	_ =	sdelay $0x1  }
0x6b: {  	s13 =	ssub.f32 s14, s13;
	_ =	sdelay $0x1  }
0x6c: {  	s13 =	sadd.f32 $9.999999740e-06, s13;
	_ =	sdelay $0x1  }
0x6d: {  	s14 =	sshra.s32 s13, $0x1;
	s13 =	smul.f32 $5.000000000e-01, s13  }
0x6e: {  	s14 =	ssub.s32 $0x5F3759DF, s14  }
0x6f: {  	s15 =	smul.f32 s14, s13;
	_ =	sdelay $0x1  }
0x70: {  	s15 =	smul.f32 s14, s15;
	_ =	sdelay $0x1  }
0x71: {  	s15 =	ssub.f32 $1.500000000e+00, s15;
	_ =	sdelay $0x1  }
0x72: {  	s14 =	smul.f32 s14, s15;
	_ =	sdelay $0x1  }
0x73: {  	s15 =	smul.f32 s14, s13;
	_ =	sdelay $0x1  }
0x74: {  	s15 =	smul.f32 s15, s14;
	_ =	sdelay $0x1  }
0x75: {  	s15 =	ssub.f32 $1.500000000e+00, s15;
	_ =	sdelay $0x1  }
0x76: {  	s14 =	smul.f32 s15, s14;
	_ =	sdelay $0x1  }
0x77: {  	s13 =	smul.f32 s14, s13;
	_ =	sdelay $0x1  }
0x78: {  	s13 =	smul.f32 s13, s14  }
0x79: {  	v12 =	vmov s5  }
0x7a: {  	v8 =	vsub.f32 v8, v12;
	v11 =	vsub.f32 v11, v12;
	s5 =	ssub.f32 $1.500000000e+00, s13  }
0x7b: {  	v10 =	vsub.f32 v10, v12;
	v9 =	vsub.f32 v9, v12  }
0x7c: {  	s5 =	smul.f32 s5, s14  }
.Ltmp0:
0x7d: {  	(pc) =	sbr.rel @p0 .LBB2_2-.Ltmp0, $4  }
0x7e: {  	v8 =	vmul.f32 s5, v8;
	v11 =	vmul.f32 s5, v11  }
0x7f: {  	v10 =	vmul.f32 s5, v10;
	v9 =	vmul.f32 s5, v9  }
0x80: {  	v8 =	vmul.f32 v8, v0;
	v11 =	vmul.f32 v11, v2  }
0x81: {  	v10 =	vmul.f32 v10, v1;
	v9 =	vmul.f32 v9, v3  }
0x82: {  	v0 =	vadd.f32 v11, v7  }
0x83: {  	v1 =	vadd.f32 v8, v4  }
0x84: {  	v2 =	vadd.f32 v10, v5;
	[tilespmem:s11+$0x18830] =	vst v0  }
0x85: {  	v0 =	vadd.f32 v9, v6;
	[tilespmem:s11+$0x18800] =	vst v1  }
0x86: {  	[tilespmem:s11+$0x18810] =	vst v2  }
0x87: {  	s2 =	rddreg [dreg:$0xa];
	[tilespmem:s11+$0x18820] =	vst v0  }
0x88: {  	[spmem:s2] =	stream.linear.scatter [tilespmem:s16], [sflag:$0x7], $0x2000, $0x38;
	[tilespmem:$0x1C880] =	vst v63  }
0x89: {  	_ =	swait.ge [sflag:s6], $0x2000  }
0x8a: {  	[sflag:s6] =	ssyncset.done $0x0  }
0x8b: {  	s5 =	simm.s32 $0x0;
	s30 =	rddreg [dreg:$0xb];
	[sflag:s6] =	ssyncadd.s32 $0xFFFFE000  }
0x8c: {  	[tilespmem:s5], [sflag:$0x7] =	stream.linear.gather [hbm4b:s30+s5], $0x6400, $0x38;
	[tilespmem:$0x1C880] =	vst v63  }
0x8d: {  	_ =	swait.ge [sflag:s6], $0x6400  }
0x8e: {  	[sflag:s6] =	ssyncset.done $0x0  }
0x8f: {  	s12 =	simm.s32 $0x6400;
	s11 =	rddreg [dreg:$0xc];
	[sflag:s6] =	ssyncadd.s32 $0xFFFF9C00  }
0x90: {  	[tilespmem:s12], [sflag:$0x7] =	stream.linear.gather [hbm4b:s11+s5], $0x6400, $0x38;
	[tilespmem:$0x1C880] =	vst v63  }
0x91: {  	_ =	swait.ge [sflag:s6], $0x6400  }
0x92: {  	[sflag:s6] =	ssyncset.done $0x0  }
0x93: {  	[sflag:s6] =	ssyncadd.s32 $0xFFFF9C00  }
0x94: {  	s13 =	rddreg [dreg:$0x1]  }
0x95: {  	[tilespmem:s4], [sflag:$0x7] =	stream.linear.gather [hbm4b:s13+s5], $0x40, $0x38;
	[tilespmem:$0x1C880] =	vst v63  }
0x96: {  	_ =	swait.ge [sflag:s6], $0x40  }
0x97: {  	[sflag:s6] =	ssyncset.done $0x0  }
0x98: {  	[sflag:s6] =	ssyncadd.s32 $0xFFFFFFC0  }
0x99: {  	s14 =	rddreg [dreg:$0x2]  }
0x9a: {  	[tilespmem:s8], [sflag:$0x7] =	stream.linear.gather [hbm4b:s14+s5], $0x40, $0x38;
	[tilespmem:$0x1C880] =	vst v63  }
0x9b: {  	_ =	swait.ge [sflag:s6], $0x40  }
0x9c: {  	[sflag:s6] =	ssyncset.done $0x0  }
0x9d: {  	[sflag:s6] =	ssyncadd.s32 $0xFFFFFFC0  }
0x9e: {  	v2 =	vld [tilespmem:$0x1A800]  }
0x9f: {  	v3 =	vld [tilespmem:$0x1A810]  }
0xa0: {  	v0 =	vld [tilespmem:$0x1A820]  }
0xa1: {  	v6 =	vld [tilespmem:$0x1A830]  }
0xa2: {  	v4 =	vld [tilespmem:$0x1A840]  }
0xa3: {  	v5 =	vld [tilespmem:$0x1A850]  }
0xa4: {  	v1 =	vld [tilespmem:$0x1A860]  }
0xa5: {  	s15 =	simm.s32 $0xC800;
	v7 =	vld [tilespmem:$0x1A870];
	[bflag:$0x0] =	sbarrier.arrive $0xFFFF  }
0xa6: {  	[tilespmem:s15], [sflag:$0x1] =	stream.indirect.gather [hbm4b:s9+s26], $0x40, s5, s26, $0xb8;
	[tilespmem:$0x1C880] =	vst v63  }
0xa7: {  	s16 =	simm.s32 $0x10800  }
0xa8: {  	[tilespmem:s16], [sflag:$0x3] =	stream.indirect.gather [spmem:s7], $0x40, s12, s26, $0xb8;
	[tilespmem:$0x1C880] =	vst v63  }
0xa9: {  	s18 =	simm.s32 $0xE800  }
0xaa: {  	[tilespmem:s18], [sflag:$0x2] =	stream.indirect.gather [hbm4b:s9+s26], $0x40, s26, s26, $0xb8;
	[tilespmem:$0x1C880] =	vst v63  }
0xab: {  	s19 =	simm.s32 $0x6480;
	s20 =	simm.s32 $0x12800  }
0xac: {  	[tilespmem:s20], [sflag:$0x4] =	stream.indirect.gather [spmem:s7], $0x40, s19, s26, $0xb8;
	[tilespmem:$0x1C880] =	vst v63  }
0xad: {  	_ =	swait.ge [sflag:s0], $0x2000  }
0xae: {  	[sflag:s0] =	ssyncset.done $0x0  }
0xaf: {  	[sflag:s0] =	ssyncadd.s32 $0xFFFFE000  }
0xb0: {  	_ =	swait.ge [sflag:s1], $0x2000  }
0xb1: {  	[sflag:s1] =	ssyncset.done $0x0  }
0xb2: {  	s18 =	simm.s32 $0x0;
	[sflag:s1] =	ssyncadd.s32 $0xFFFFE000  }
0xb3: {  	v23 =	vld [tilespmem:s18+$0xC800]  }
0xb4: {  	v29 =	vld [tilespmem:s18+$0xC810];
	_ =	sdelay $0x1  }
0xb5: {  	v39 =	vld [tilespmem:s18+$0xC820];
	_ =	sdelay $0x1  }
0xb6: {  	v46 =	vld [tilespmem:s18+$0xC830]  }
0xb7: {  	v8 =	vadd.f32 v29, v23  }
0xb8: {  	v9 =	vmul.f32 v23, v23;
	v10 =	vmul.f32 v29, v29  }
0xb9: {  	v8 =	vadd.f32 v39, v8  }
0xba: {  	v9 =	vadd.f32 v10, v9;
	v10 =	vmul.f32 v39, v39  }
0xbb: {  	s16 =	simm.s32 $0x40;
	v8 =	vadd.f32 v46, v8  }
0xbc: {  	v31 =	vld [tilespmem:s16+$0xC800];
	v9 =	vadd.f32 v10, v9;
	v10 =	vmul.f32 v46, v46  }
0xbd: {  	v34 =	vld [tilespmem:s16+$0xC810];
	(xrf2) =	vadd.scan.msk.f32 $0xffff, v8  }
0xbe: {  	v8 =	vadd.f32 v10, v9  }
0xbf: {  	v26 =	vld [tilespmem:s16+$0xC820]  }
0xc0: {  	(xrf2) =	vadd.scan.msk.f32 $0xffff, v8  }
0xc1: {  	v33 =	vld [tilespmem:s16+$0xC830]  }
0xc2: {  	v8 =	vadd.f32 v34, v31;
	_ =	sdelay $0x1  }
0xc3: {  	v8 =	vadd.f32 v26, v8;
	_ =	sdelay $0x1  }
0xc4: {  	v9 =	vmul.f32 v31, v31;
	v10 =	vmul.f32 v34, v34;
	v8 =	vadd.f32 v33, v8  }
0xc5: {  	v11, _, _ =	vpop (xrf2)  }
0xc6: {  	v9 =	vadd.f32 v10, v9;
	v10 =	vmul.f32 v26, v26;
	(v2sf) =	vpush v11, $0xF;
	_ =	sdelay $0x1  }
0xc7: {  	v9 =	vadd.f32 v10, v9;
	v10 =	vmul.f32 v33, v33;
	(xrf2) =	vadd.scan.msk.f32 $0xffff, v8;
	v8, _, _ =	vpop (xrf2)  }
0xc8: {  	(v2sf) =	vpush v8, $0xF  }
0xc9: {  	v9 =	vadd.f32 v10, v9  }
0xca: {  	s13 =	simm.s32 $0x80  }
0xcb: {  	v21 =	vld [tilespmem:s13+$0xC800];
	(xrf2) =	vadd.scan.msk.f32 $0xffff, v9  }
0xcc: {  	v24 =	vld [tilespmem:s13+$0xC810];
	_ =	sdelay $0x1  }
0xcd: {  	v17 =	vld [tilespmem:s13+$0xC820];
	_ =	sdelay $0x1  }
0xce: {  	v25 =	vld [tilespmem:s13+$0xC830]  }
0xcf: {  	v8 =	vadd.f32 v24, v21;
	v9, _, _ =	vpop (xrf2)  }
0xd0: {  	v10 =	vmul.f32 v24, v24;
	(v2sf) =	vpush v9, $0xF;
	v9 =	vmul.f32 v21, v21  }
0xd1: {  	v8 =	vadd.f32 v17, v8  }
0xd2: {  	s11 =	simm.s32 $0xC0;
	v11 =	vmul.f32 v17, v17;
	v10 =	vadd.f32 v10, v9;
	s22 =	spop (v2sf)  }
0xd3: {  	v8 =	vadd.f32 v25, v8;
	v12, _, _ =	vpop (xrf2);
	v9 =	vld [tilespmem:s11+$0xC800];
	s22 =	smul.f32 $1.562500000e-02, s22  }
0xd4: {  	(v2sf) =	vpush v12, $0xF;
	v12 =	vmul.f32 v25, v25;
	v10 =	vadd.f32 v11, v10;
	v11 =	vld [tilespmem:s11+$0xC810]  }
0xd5: {  	(xrf2) =	vadd.scan.msk.f32 $0xffff, v8;
	s24 =	spop (v2sf);
	s12 =	smul.f32 s22, s22  }
0xd6: {  	v8 =	vadd.f32 v12, v10;
	v12 =	vld [tilespmem:s11+$0xC820];
	s5 =	smul.f32 $1.562500000e-02, s24;
	_ =	sdelay $0x1  }
0xd7: {  	v18 =	vld [tilespmem:s11+$0xC830];
	s5 =	ssub.f32 s5, s12  }
0xd8: {  	(xrf2) =	vadd.scan.msk.f32 $0xffff, v8;
	v8 =	vadd.f32 v11, v9  }
0xd9: {  	s5 =	sadd.f32 $9.999999740e-06, s5  }
0xda: {  	v8 =	vadd.f32 v12, v8  }
0xdb: {  	s25 =	sshra.s32 s5, $0x1;
	s5 =	smul.f32 $5.000000000e-01, s5  }
0xdc: {  	v8 =	vadd.f32 v18, v8;
	s14 =	ssub.s32 $0x5F3759DF, s25  }
0xdd: {  	s15 =	smul.f32 s14, s5  }
0xde: {  	v10, _, _ =	vpop (xrf2);
	(xrf2) =	vadd.scan.msk.f32 $0xffff, v8  }
0xdf: {  	v43 =	vld [tilespmem:s18+$0x10800];
	s29 =	spop (v2sf);
	s15 =	smul.f32 s14, s15  }
0xe0: {  	v45 =	vld [tilespmem:s18+$0x10810];
	v14 =	vmul.f32 v9, v9;
	v15 =	vmul.f32 v11, v11;
	s19 =	smul.f32 $1.562500000e-02, s29  }
0xe1: {  	v44 =	vld [tilespmem:s18+$0x10820];
	s12 =	simm.s32 $0x100;
	(v2sf) =	vpush v10, $0xF;
	s15 =	ssub.f32 $1.500000000e+00, s15  }
0xe2: {  	v13 =	vld [tilespmem:s12+$0xC800];
	v15 =	vadd.f32 v15, v14;
	v16 =	vmul.f32 v12, v12;
	v8, _, _ =	vpop (xrf2);
	s24 =	smul.f32 s19, s19  }
0xe3: {  	s20 =	spop (v2sf);
	(v2sf) =	vpush v8, $0xF;
	v8 =	vld [tilespmem:s12+$0xC810];
	s14 =	smul.f32 s14, s15  }
0xe4: {  	v41 =	vld [tilespmem:s16+$0x10800];
	v15 =	vadd.f32 v16, v15;
	v16 =	vmul.f32 v18, v18;
	s20 =	smul.f32 $1.562500000e-02, s20  }
0xe5: {  	v10 =	vld [tilespmem:s12+$0xC820];
	s2 =	smul.f32 s14, s5  }
0xe6: {  	v40 =	vld [tilespmem:s16+$0x10810];
	v15 =	vadd.f32 v16, v15;
	s30 =	ssub.f32 s20, s24  }
0xe7: {  	v14 =	vld [tilespmem:s12+$0xC830];
	s20 =	smul.f32 s2, s14  }
0xe8: {  	v42 =	vld [tilespmem:s16+$0x10820];
	s15 =	sadd.f32 $9.999999740e-06, s30;
	v19 =	vadd.f32 v8, v13;
	v20, _, _ =	vpop (xrf2);
	(xrf2) =	vadd.scan.msk.f32 $0xffff, v15  }
0xe9: {  	v35 =	vld [tilespmem:s13+$0x10800];
	s20 =	ssub.f32 $1.500000000e+00, s20  }
0xea: {  	v38 =	vld [tilespmem:s13+$0x10810];
	s4 =	sshra.s32 s15, $0x1;
	s15 =	smul.f32 $5.000000000e-01, s15;
	v19 =	vadd.f32 v10, v19;
	(v2sf) =	vpush v20, $0xF  }
0xeb: {  	v36 =	vld [tilespmem:s13+$0x10820];
	s24 =	ssub.s32 $0x5F3759DF, s4;
	s28 =	smul.f32 s20, s14  }
0xec: {  	v30 =	vld [tilespmem:s11+$0x10800];
	s25 =	smul.f32 s24, s15;
	v16 =	vadd.f32 v14, v19  }
0xed: {  	v28 =	vld [tilespmem:s11+$0x10810];
	v22 =	vmul.f32 v8, v8;
	v15 =	vmul.f32 v13, v13;
	s5 =	smul.f32 s28, s5  }
0xee: {  	v27 =	vld [tilespmem:s11+$0x10820];
	s25 =	smul.f32 s24, s25;
	(xrf2) =	vadd.scan.msk.f32 $0xffff, v16  }
0xef: {  	v20 =	vld [tilespmem:s12+$0x10810];
	v15 =	vadd.f32 v22, v15;
	v22 =	vmul.f32 v10, v10;
	s14 =	simm.s32 $0x140;
	s5 =	smul.f32 s5, s28  }
0xf0: {  	s6 =	spop (v2sf);
	s25 =	ssub.f32 $1.500000000e+00, s25;
	v16 =	vld [tilespmem:s14+$0xC800]  }
0xf1: {  	v47 =	vmov s22;
	v37 =	vmul.f32 v14, v14;
	v15 =	vadd.f32 v22, v15;
	s20 =	smul.f32 $1.562500000e-02, s6;
	v32 =	vld [tilespmem:s14+$0xC810];
	s5 =	ssub.f32 $1.500000000e+00, s5  }
0xf2: {  	v46 =	vsub.f32 v46, v47;
	v49 =	vsub.f32 v29, v47;
	v19 =	vld [tilespmem:s12+$0x10800];
	s25 =	smul.f32 s24, s25;
	v29, _, _ =	vpop (xrf2)  }
0xf3: {  	v51 =	vadd.f32 v37, v15;
	v37 =	vld [tilespmem:s14+$0xC820];
	(v2sf) =	vpush v29, $0xF;
	s28 =	smul.f32 s5, s28  }
0xf4: {  	v22 =	vld [tilespmem:s12+$0x10820];
	s8 =	smul.f32 s20, s20;
	s29 =	spop (v2sf)  }
0xf5: {  	v15 =	vld [tilespmem:s14+$0x10800];
	s29 =	smul.f32 $1.562500000e-02, s29;
	v46 =	vmul.f32 s28, v46  }
0xf6: {  	v48 =	vsub.f32 v23, v47;
	v23 =	vld [tilespmem:s14+$0x10810];
	s30 =	smul.f32 s25, s15;
	v52 =	vadd.f32 v32, v16  }
0xf7: {  	v47 =	vsub.f32 v39, v47;
	v39 =	vld [tilespmem:s14+$0xC830];
	(xrf2) =	vadd.scan.msk.f32 $0xffff, v51;
	s29 =	ssub.f32 s29, s8  }
0xf8: {  	v29 =	vld [tilespmem:s14+$0x10820];
	s5 =	smul.f32 s30, s25;
	v52 =	vadd.f32 v37, v52;
	v48 =	vmul.f32 s28, v48;
	v53, _, _ =	vpop (xrf2);
	v50 =	vmul.f32 s28, v49  }
0xf9: {  	s24 =	simm.s32 $0x600;
	v49 =	vmul.f32 s28, v47;
	v47 =	vld [tilespmem:s18+$0x10830];
	s28 =	sadd.f32 $9.999999740e-06, s29;
	(v2sf) =	vpush v53, $0xF;
	s22 =	spop (v2sf);
	v51 =	vmul.f32 v46, v6;
	v46 =	vmovc v16  }
.LBB2_4:
0xfa: {  	s22 =	smul.f32 $1.562500000e-02, s22;
	s5 =	ssub.f32 $1.500000000e+00, s5  }
0xfb: {  	v48 =	vmul.f32 v48, v2;
	v50 =	vmul.f32 v50, v3;
	v53 =	vmovc v8;
	v8 =	vmovc v32;
	v54 =	vmov v26;
	s29 =	sshra.s32 s28, $0x1;
	s28 =	smul.f32 $5.000000000e-01, s28  }
0xfc: {  	p0 =	sne.s32 s24, $0x7F00;
	v26 =	vmovc v17;
	v17 =	vmovc v12;
	v12 =	vmov v10;
	v10 =	vmov v37;
	v55 =	vmov v33;
	s30 =	ssub.s32 $0x5F3759DF, s29;
	s29 =	smul.f32 s5, s25  }
0xfd: {  	v49 =	vmul.f32 v49, v0;
	v33 =	vmovc v25;
	v52 =	vadd.f32 v39, v52;
	v51 =	vadd.f32 v51, v7;
	s4 =	smul.f32 s22, s22  }
0xfe: {  	v46 =	vmul.f32 v46, v16;
	v25 =	vmovc v18;
	v32 =	vmul.f32 v32, v8;
	v48 =	vadd.f32 v48, v4;
	s5 =	smul.f32 s30, s28  }
0xff: {  	v18 =	vmovc v14;
	v14 =	vmov v39;
	v50 =	vadd.f32 v50, v5;
	(xrf2) =	vadd.scan.msk.f32 $0xffff, v52;
	v47 =	vadd.f32 v51, v47;
	s25 =	smul.f32 s29, s15  }
0x100: {  	v37 =	vmul.f32 v37, v10;
	v49 =	vadd.f32 v49, v1;
	v32 =	vadd.f32 v32, v46;
	s15 =	smov.u32 s28;
	s5 =	smul.f32 s30, s5  }
0x101: {  	s28 =	sshra.s32 s24, $0x2;
	v48 =	vadd.f32 v48, v43;
	v50 =	vadd.f32 v50, v45;
	v43 =	vmov v41;
	v51, _, _ =	vpop (xrf2);
	[tilespmem:s18+$0x14830] =	vst v47;
	s25 =	smul.f32 s25, s29  }
0x102: {  	v39 =	vmul.f32 v39, v14;
	v41 =	vmovc v35;
	v35 =	vmovc v30;
	v37 =	vadd.f32 v37, v32;
	v46 =	vld [tilespmem:s28+$0xC800];
	(v2sf) =	vpush v51, $0xF;
	s2 =	spop (v2sf);
	s5 =	ssub.f32 $1.500000000e+00, s5  }
0x103: {  	v30 =	vmovc v19;
	v19 =	vmovc v15;
	v45 =	vmov v40;
	v40 =	vmov v38;
	v47 =	vadd.f32 v49, v44;
	v32 =	vld [tilespmem:s28+$0xC810];
	[tilespmem:s18+$0x14800] =	vst v48;
	s2 =	smul.f32 $1.562500000e-02, s2;
	s8 =	ssub.f32 $1.500000000e+00, s25  }
0x104: {  	v38 =	vmovc v28;
	v28 =	vmovc v20;
	v20 =	vmov v23;
	v44 =	vmov v42;
	v39 =	vadd.f32 v39, v37;
	v15 =	vld [tilespmem:s28+$0x10800];
	[tilespmem:s18+$0x14810] =	vst v50;
	s25 =	smul.f32 s30, s5  }
0x105: {  	v42 =	vmovc v36;
	v36 =	vmovc v27;
	v27 =	vmov v22;
	v22 =	vmov v29;
	v48 =	vmov s19;
	s19 =	smov.u32 s20;
	s20 =	smov.u32 s22;
	v37 =	vld [tilespmem:s28+$0xC820];
	[tilespmem:s18+$0x14820] =	vst v47;
	s8 =	smul.f32 s8, s29  }
.Ltmp1:
0x106: {  	v49 =	vsub.f32 v55, v48;
	v47 =	vsub.f32 v31, v48;
	v23 =	vld [tilespmem:s28+$0x10810];
	(xrf2) =	vadd.scan.msk.f32 $0xffff, v39;
	(pc) =	sbr.rel @p0 .LBB2_4-.Ltmp1, $4  }
0x107: {  	v56 =	vsub.f32 v34, v48;
	v51 =	vsub.f32 v54, v48;
	v31 =	vmovc v21;
	v21 =	vmovc v9;
	v9 =	vmov v13;
	s18 =	smov.u32 s16;
	s16 =	smov.u32 s13;
	v39 =	vld [tilespmem:s28+$0xC830];
	s5 =	smul.f32 s25, s15  }
0x108: {  	s2 =	ssub.f32 s2, s4;
	v13 =	vmovc v16;
	s13 =	smov.u32 s11;
	s11 =	smov.u32 s12;
	v16 =	vmovc v46;
	v52 =	vadd.f32 v32, v46;
	v29 =	vld [tilespmem:s28+$0x10820];
	v48 =	vmul.f32 s8, v47;
	v54 =	vmul.f32 s8, v49  }
0x109: {  	v34 =	vmov v24;
	s12 =	smov.u32 s14;
	s14 =	smov.u32 s28;
	v50 =	vmul.f32 s8, v56;
	v49 =	vmul.f32 s8, v51;
	v55, _, _ =	vpop (xrf2);
	s5 =	smul.f32 s5, s25;
	v47 =	vld [tilespmem:s18+$0x10830]  }
0x10a: {  	s24 =	sadd.s32 $0x100, s24;
	v24 =	vmovc v11;
	v11 =	vmovc v53;
	s28 =	sadd.f32 $9.999999740e-06, s2;
	v52 =	vadd.f32 v37, v52;
	(v2sf) =	vpush v55, $0xF;
	s22 =	spop (v2sf);
	v51 =	vmul.f32 v54, v6  }
0x10b: {  	s22 =	smul.f32 $1.562500000e-02, s22;
	s5 =	ssub.f32 $1.500000000e+00, s5  }
0x10c: {  	s2 =	sshra.s32 s28, $0x1;
	s4 =	smul.f32 $5.000000000e-01, s28  }
0x10d: {  	s2 =	ssub.s32 $0x5F3759DF, s2;
	s5 =	smul.f32 s5, s25  }
0x10e: {  	v46 =	vmul.f32 v46, v16;
	v53 =	vmul.f32 v32, v32;
	v52 =	vadd.f32 v39, v52;
	s8 =	smul.f32 s2, s4  }
0x10f: {  	s30 =	smul.f32 s22, s22  }
0x110: {  	v56 =	vmul.f32 v37, v37;
	v46 =	vadd.f32 v53, v46;
	(xrf2) =	vadd.scan.msk.f32 $0xffff, v52;
	s8 =	smul.f32 s2, s8  }
0x111: {  	s15 =	smul.f32 s5, s15  }
0x112: {  	v57 =	vmul.f32 v39, v39;
	v46 =	vadd.f32 v56, v46;
	v58, _, _ =	vpop (xrf2);
	s24 =	spop (v2sf);
	s8 =	ssub.f32 $1.500000000e+00, s8  }
0x113: {  	(v2sf) =	vpush v58, $0xF;
	s24 =	smul.f32 $1.562500000e-02, s24  }
0x114: {  	v46 =	vadd.f32 v57, v46;
	s2 =	smul.f32 s2, s8  }
0x115: {  	s6 =	smul.f32 s15, s5;
	s29 =	ssub.f32 s24, s30  }
0x116: {  	(xrf2) =	vadd.scan.msk.f32 $0xffff, v46;
	s30 =	smul.f32 s2, s4  }
0x117: {  	s15 =	sadd.f32 $9.999999740e-06, s29  }
0x118: {  	s8 =	ssub.f32 $1.500000000e+00, s6;
	s6 =	smul.f32 s30, s2  }
0x119: {  	s28 =	sshra.s32 s15, $0x1;
	s24 =	smul.f32 $5.000000000e-01, s15  }
0x11a: {  	s5 =	smul.f32 s8, s5;
	v59, _, _ =	vpop (xrf2);
	s29 =	ssub.s32 $0x5F3759DF, s28;
	s25 =	ssub.f32 $1.500000000e+00, s6  }
0x11b: {  	(v2sf) =	vpush v59, $0xF;
	s15 =	smul.f32 s29, s24  }
0x11c: {  	v61 =	vmul.f32 v50, v3;
	s2 =	smul.f32 s25, s2  }
0x11d: {  	v49 =	vmul.f32 v49, v0;
	s6 =	spop (v2sf);
	s30 =	smul.f32 s29, s15  }
0x11e: {  	v60 =	vmul.f32 v48, v2;
	v62 =	vadd.f32 v51, v7;
	v48 =	vadd.f32 v61, v5;
	s15 =	smul.f32 $1.562500000e-02, s6  }
0x11f: {  	v49 =	vadd.f32 v49, v1;
	s4 =	smul.f32 s2, s4  }
0x120: {  	v47 =	vadd.f32 v62, v47;
	v45 =	vadd.f32 v48, v45;
	v63, _, _ =	vpop (xrf2);
	s8 =	ssub.f32 $1.500000000e+00, s30;
	s30 =	smul.f32 s15, s15  }
0x121: {  	v46 =	vadd.f32 v60, v4;
	(v2sf) =	vpush v63, $0xF;
	s4 =	smul.f32 s4, s2  }
0x122: {  	v52 =	vmov s19;
	v53 =	vadd.f32 v49, v44;
	[tilespmem:s18+$0x14830] =	vst v47;
	s8 =	smul.f32 s29, s8;
	s29 =	spop (v2sf)  }
0x123: {  	v33 =	vsub.f32 v33, v52;
	[tilespmem:s18+$0x14810] =	vst v45;
	v43 =	vadd.f32 v46, v43;
	s19 =	smul.f32 $1.562500000e-02, s29  }
0x124: {  	v31 =	vsub.f32 v31, v52;
	[tilespmem:s18+$0x14820] =	vst v53;
	s4 =	ssub.f32 $1.500000000e+00, s4;
	s6 =	smul.f32 s8, s24  }
0x125: {  	v34 =	vsub.f32 v34, v52;
	[tilespmem:s18+$0x14800] =	vst v43;
	v33 =	vmul.f32 s5, v33;
	s25 =	ssub.f32 s19, s30  }
0x126: {  	v26 =	vsub.f32 v26, v52;
	v31 =	vmul.f32 s5, v31;
	v43 =	vld [tilespmem:s16+$0x10830];
	s29 =	smul.f32 s6, s8  }
0x127: {  	v34 =	vmul.f32 s5, v34;
	v33 =	vmul.f32 v33, v6;
	s2 =	smul.f32 s4, s2;
	s4 =	sadd.f32 $9.999999740e-06, s25  }
0x128: {  	v26 =	vmul.f32 s5, v26;
	v31 =	vmul.f32 v31, v2;
	s6 =	ssub.f32 $1.500000000e+00, s29  }
0x129: {  	v34 =	vmul.f32 v34, v3;
	v33 =	vadd.f32 v33, v7;
	s19 =	smul.f32 $5.000000000e-01, s4  }
0x12a: {  	v26 =	vmul.f32 v26, v0;
	v31 =	vadd.f32 v31, v4;
	s29 =	sshra.s32 s4, $0x1;
	s30 =	spop (v2sf);
	s5 =	smul.f32 s6, s8  }
0x12b: {  	v34 =	vadd.f32 v34, v5;
	v33 =	vadd.f32 v33, v43;
	s4 =	ssub.s32 $0x5F3759DF, s29;
	s18 =	smul.f32 $1.562500000e-02, s30  }
0x12c: {  	v26 =	vadd.f32 v26, v1;
	v31 =	vadd.f32 v31, v41;
	s30 =	smul.f32 s4, s19  }
0x12d: {  	v54 =	vmov s20;
	v34 =	vadd.f32 v34, v40;
	[tilespmem:s16+$0x14830] =	vst v33;
	s6 =	smul.f32 s5, s24  }
0x12e: {  	v25 =	vsub.f32 v25, v54;
	v26 =	vadd.f32 v26, v42;
	[tilespmem:s16+$0x14800] =	vst v31;
	s8 =	smul.f32 s4, s30  }
0x12f: {  	v21 =	vsub.f32 v21, v54;
	[tilespmem:s16+$0x14810] =	vst v34;
	s25 =	smul.f32 s18, s18  }
0x130: {  	v24 =	vsub.f32 v24, v54;
	[tilespmem:s16+$0x14820] =	vst v26;
	v25 =	vmul.f32 s2, v25;
	s20 =	smul.f32 s6, s5;
	s24 =	spop (v2sf)  }
0x131: {  	v17 =	vsub.f32 v17, v54;
	v26 =	vld [tilespmem:s13+$0x10830];
	v21 =	vmul.f32 s2, v21;
	s8 =	ssub.f32 $1.500000000e+00, s8;
	s16 =	smul.f32 $1.562500000e-02, s24  }
0x132: {  	v24 =	vmul.f32 s2, v24;
	v25 =	vmul.f32 v25, v6;
	s20 =	ssub.f32 $1.500000000e+00, s20  }
0x133: {  	v17 =	vmul.f32 s2, v17;
	v21 =	vmul.f32 v21, v2;
	s29 =	ssub.f32 s16, s25  }
0x134: {  	v24 =	vmul.f32 v24, v3;
	v25 =	vadd.f32 v25, v7;
	s4 =	smul.f32 s4, s8  }
0x135: {  	v17 =	vmul.f32 v17, v0;
	v21 =	vadd.f32 v21, v4;
	s5 =	smul.f32 s20, s5;
	s2 =	sadd.f32 $9.999999740e-06, s29  }
0x136: {  	v24 =	vadd.f32 v24, v5;
	v25 =	vadd.f32 v25, v26;
	s8 =	smul.f32 s4, s19  }
0x137: {  	v17 =	vadd.f32 v17, v1;
	v21 =	vadd.f32 v21, v35;
	s30 =	sshra.s32 s2, $0x1;
	s2 =	smul.f32 $5.000000000e-01, s2  }
0x138: {  	v24 =	vadd.f32 v24, v38;
	[tilespmem:s13+$0x14830] =	vst v25;
	v25 =	vmov s22;
	s8 =	smul.f32 s8, s4;
	s16 =	ssub.s32 $0x5F3759DF, s30  }
0x139: {  	v17 =	vadd.f32 v17, v36;
	[tilespmem:s13+$0x14800] =	vst v21;
	v18 =	vsub.f32 v18, v25;
	s6 =	smul.f32 s16, s2  }
0x13a: {  	[tilespmem:s13+$0x14810] =	vst v24;
	v9 =	vsub.f32 v9, v25;
	s8 =	ssub.f32 $1.500000000e+00, s8  }
0x13b: {  	[tilespmem:s13+$0x14820] =	vst v17;
	v11 =	vsub.f32 v11, v25;
	v17 =	vmul.f32 s5, v18;
	s22 =	smul.f32 s16, s6  }
0x13c: {  	v12 =	vsub.f32 v12, v25;
	v9 =	vmul.f32 s5, v9;
	v18 =	vld [tilespmem:s11+$0x10830];
	s4 =	smul.f32 s8, s4  }
0x13d: {  	v11 =	vmul.f32 s5, v11;
	v17 =	vmul.f32 v17, v6;
	s24 =	ssub.f32 $1.500000000e+00, s22  }
0x13e: {  	v12 =	vmul.f32 s5, v12;
	v9 =	vmul.f32 v9, v2;
	s25 =	smul.f32 s4, s19  }
0x13f: {  	v11 =	vmul.f32 v11, v3;
	v17 =	vadd.f32 v17, v7;
	s8 =	smul.f32 s16, s24  }
0x140: {  	v12 =	vmul.f32 v12, v0;
	v9 =	vadd.f32 v9, v4;
	s5 =	smul.f32 s25, s4  }
0x141: {  	v11 =	vadd.f32 v11, v5;
	v17 =	vadd.f32 v17, v18;
	s29 =	smul.f32 s8, s2  }
0x142: {  	v12 =	vadd.f32 v12, v1;
	v9 =	vadd.f32 v9, v30;
	s5 =	ssub.f32 $1.500000000e+00, s5  }
0x143: {  	v11 =	vadd.f32 v11, v28;
	[tilespmem:s11+$0x14830] =	vst v17;
	v17 =	vmov s15;
	s13 =	smul.f32 s29, s8  }
0x144: {  	[tilespmem:s11+$0x14800] =	vst v9;
	v9 =	vadd.f32 v12, v27;
	v12 =	vsub.f32 v14, v17;
	s4 =	smul.f32 s5, s4  }
0x145: {  	[tilespmem:s11+$0x14810] =	vst v11;
	v11 =	vsub.f32 v13, v17;
	s30 =	ssub.f32 $1.500000000e+00, s13  }
0x146: {  	v8 =	vsub.f32 v8, v17;
	[tilespmem:s11+$0x14820] =	vst v9;
	v9 =	vmul.f32 s4, v12  }
0x147: {  	v10 =	vsub.f32 v10, v17;
	v11 =	vmul.f32 s4, v11;
	v12 =	vld [tilespmem:s12+$0x10830];
	s5 =	smul.f32 s30, s8  }
0x148: {  	v8 =	vmul.f32 s4, v8;
	v9 =	vmul.f32 v9, v6  }
0x149: {  	v10 =	vmul.f32 s4, v10;
	v11 =	vmul.f32 v11, v2;
	s2 =	smul.f32 s5, s2  }
0x14a: {  	v8 =	vmul.f32 v8, v3;
	v9 =	vadd.f32 v9, v7  }
0x14b: {  	v10 =	vmul.f32 v10, v0;
	v11 =	vadd.f32 v11, v4;
	s2 =	smul.f32 s2, s5  }
0x14c: {  	v8 =	vadd.f32 v8, v5;
	v9 =	vadd.f32 v9, v12  }
0x14d: {  	v10 =	vadd.f32 v10, v1;
	v11 =	vadd.f32 v11, v19;
	s2 =	ssub.f32 $1.500000000e+00, s2  }
0x14e: {  	v8 =	vadd.f32 v8, v20;
	[tilespmem:s12+$0x14830] =	vst v9;
	v9 =	vmov s18  }
0x14f: {  	v10 =	vadd.f32 v10, v22;
	[tilespmem:s12+$0x14800] =	vst v11;
	v11 =	vsub.f32 v39, v9;
	s2 =	smul.f32 s2, s5  }
0x150: {  	[tilespmem:s12+$0x14810] =	vst v8;
	v8 =	vsub.f32 v16, v9  }
0x151: {  	[tilespmem:s12+$0x14820] =	vst v10;
	v10 =	vsub.f32 v32, v9;
	v11 =	vmul.f32 s2, v11  }
0x152: {  	v9 =	vsub.f32 v37, v9;
	v12 =	vld [tilespmem:s14+$0x10830];
	v8 =	vmul.f32 s2, v8  }
0x153: {  	v10 =	vmul.f32 s2, v10;
	v11 =	vmul.f32 v11, v6  }
0x154: {  	v9 =	vmul.f32 s2, v9;
	v8 =	vmul.f32 v8, v2  }
0x155: {  	v10 =	vmul.f32 v10, v3;
	v11 =	vadd.f32 v11, v7  }
0x156: {  	v9 =	vmul.f32 v9, v0;
	v8 =	vadd.f32 v8, v4  }
0x157: {  	v10 =	vadd.f32 v10, v5;
	v11 =	vadd.f32 v11, v12  }
0x158: {  	v9 =	vadd.f32 v9, v1;
	v8 =	vadd.f32 v8, v15  }
0x159: {  	v10 =	vadd.f32 v10, v23;
	[tilespmem:s14+$0x14830] =	vst v11  }
0x15a: {  	[tilespmem:s14+$0x14800] =	vst v8;
	v8 =	vadd.f32 v9, v29  }
0x15b: {  	[tilespmem:s14+$0x14810] =	vst v10  }
0x15c: {  	s6 =	simm.s32 $0x14800;
	s4 =	simm.s32 $0x0;
	s5 =	rddreg [dreg:$0xd];
	[tilespmem:s14+$0x14820] =	vst v8  }
0x15d: {  	[hbm4b:s5+s4] =	stream.linear.scatter [tilespmem:s6], [sflag:$0x5], $0x2000, $0x38;
	[tilespmem:$0x1C880] =	vst v63  }
0x15e: {  	s11 =	simm.s32 $0x100;
	s8 =	simm.s32 $0xC800  }
0x15f: {  	[tilespmem:s8], [sflag:$0x1] =	stream.indirect.gather [hbm4b:s9+s26], $0x40, s11, s26, $0xb8;
	[tilespmem:$0x1C880] =	vst v63  }
0x160: {  	s13 =	simm.s32 $0x6500;
	s12 =	simm.s32 $0x10800  }
0x161: {  	[tilespmem:s12], [sflag:$0x3] =	stream.indirect.gather [spmem:s7], $0x40, s13, s26, $0xb8;
	[tilespmem:$0x1C880] =	vst v63  }
0x162: {  	_ =	swait.ge [sflag:s31], $0x2000  }
0x163: {  	[sflag:s31] =	ssyncset.done $0x0  }
0x164: {  	[sflag:s31] =	ssyncadd.s32 $0xFFFFE000  }
0x165: {  	_ =	swait.ge [sflag:s3], $0x2000  }
0x166: {  	[sflag:s3] =	ssyncset.done $0x0  }
0x167: {  	s18 =	simm.s32 $0x0;
	[sflag:s3] =	ssyncadd.s32 $0xFFFFE000  }
0x168: {  	v23 =	vld [tilespmem:s18+$0xE800]  }
0x169: {  	v29 =	vld [tilespmem:s18+$0xE810];
	_ =	sdelay $0x1  }
0x16a: {  	v55 =	vld [tilespmem:s18+$0xE820];
	_ =	sdelay $0x1  }
0x16b: {  	v56 =	vld [tilespmem:s18+$0xE830]  }
0x16c: {  	v8 =	vadd.f32 v29, v23  }
0x16d: {  	v9 =	vmul.f32 v23, v23;
	v10 =	vmul.f32 v29, v29  }
0x16e: {  	v8 =	vadd.f32 v55, v8  }
0x16f: {  	v9 =	vadd.f32 v10, v9;
	v10 =	vmul.f32 v55, v55  }
0x170: {  	s16 =	simm.s32 $0x40;
	v8 =	vadd.f32 v56, v8  }
0x171: {  	v31 =	vld [tilespmem:s16+$0xE800];
	v9 =	vadd.f32 v10, v9;
	v10 =	vmul.f32 v56, v56  }
0x172: {  	v34 =	vld [tilespmem:s16+$0xE810];
	(xrf2) =	vadd.scan.msk.f32 $0xffff, v8  }
0x173: {  	v8 =	vadd.f32 v10, v9  }
0x174: {  	v26 =	vld [tilespmem:s16+$0xE820]  }
0x175: {  	(xrf2) =	vadd.scan.msk.f32 $0xffff, v8  }
0x176: {  	v33 =	vld [tilespmem:s16+$0xE830]  }
0x177: {  	v8 =	vadd.f32 v34, v31;
	_ =	sdelay $0x1  }
0x178: {  	v8 =	vadd.f32 v26, v8;
	_ =	sdelay $0x1  }
0x179: {  	v9 =	vmul.f32 v31, v31;
	v10 =	vmul.f32 v34, v34;
	v8 =	vadd.f32 v33, v8  }
0x17a: {  	v11, _, _ =	vpop (xrf2)  }
0x17b: {  	v9 =	vadd.f32 v10, v9;
	v10 =	vmul.f32 v26, v26;
	(v2sf) =	vpush v11, $0xF;
	_ =	sdelay $0x1  }
0x17c: {  	v9 =	vadd.f32 v10, v9;
	v10 =	vmul.f32 v33, v33;
	(xrf2) =	vadd.scan.msk.f32 $0xffff, v8;
	v8, _, _ =	vpop (xrf2)  }
0x17d: {  	(v2sf) =	vpush v8, $0xF  }
0x17e: {  	v9 =	vadd.f32 v10, v9  }
0x17f: {  	s13 =	simm.s32 $0x80  }
0x180: {  	v21 =	vld [tilespmem:s13+$0xE800];
	(xrf2) =	vadd.scan.msk.f32 $0xffff, v9  }
0x181: {  	v24 =	vld [tilespmem:s13+$0xE810];
	_ =	sdelay $0x1  }
0x182: {  	v17 =	vld [tilespmem:s13+$0xE820];
	_ =	sdelay $0x1  }
0x183: {  	v25 =	vld [tilespmem:s13+$0xE830]  }
0x184: {  	v8 =	vadd.f32 v24, v21;
	v9, _, _ =	vpop (xrf2)  }
0x185: {  	v10 =	vmul.f32 v24, v24;
	(v2sf) =	vpush v9, $0xF;
	v9 =	vmul.f32 v21, v21  }
0x186: {  	v8 =	vadd.f32 v17, v8  }
0x187: {  	s11 =	simm.s32 $0xC0;
	v11 =	vmul.f32 v17, v17;
	v10 =	vadd.f32 v10, v9;
	s14 =	spop (v2sf)  }
0x188: {  	v8 =	vadd.f32 v25, v8;
	v12, _, _ =	vpop (xrf2);
	v9 =	vld [tilespmem:s11+$0xE800];
	s22 =	smul.f32 $1.562500000e-02, s14  }
0x189: {  	v10 =	vadd.f32 v11, v10;
	v11 =	vld [tilespmem:s11+$0xE810];
	(v2sf) =	vpush v12, $0xF;
	v12 =	vmul.f32 v25, v25  }
0x18a: {  	(xrf2) =	vadd.scan.msk.f32 $0xffff, v8;
	s15 =	spop (v2sf);
	s19 =	smul.f32 s22, s22  }
0x18b: {  	v8 =	vadd.f32 v12, v10;
	v12 =	vld [tilespmem:s11+$0xE820];
	s2 =	smul.f32 $1.562500000e-02, s15;
	_ =	sdelay $0x1  }
0x18c: {  	v18 =	vld [tilespmem:s11+$0xE830];
	s2 =	ssub.f32 s2, s19  }
0x18d: {  	(xrf2) =	vadd.scan.msk.f32 $0xffff, v8;
	v8 =	vadd.f32 v11, v9  }
0x18e: {  	s2 =	sadd.f32 $9.999999740e-06, s2  }
0x18f: {  	v8 =	vadd.f32 v12, v8  }
0x190: {  	s20 =	sshra.s32 s2, $0x1;
	s2 =	smul.f32 $5.000000000e-01, s2  }
0x191: {  	v8 =	vadd.f32 v18, v8;
	s4 =	ssub.s32 $0x5F3759DF, s20  }
0x192: {  	s25 =	smul.f32 s4, s2  }
0x193: {  	v10, _, _ =	vpop (xrf2);
	(xrf2) =	vadd.scan.msk.f32 $0xffff, v8  }
0x194: {  	v43 =	vld [tilespmem:s18+$0x12800];
	s24 =	spop (v2sf);
	s29 =	smul.f32 s4, s25  }
0x195: {  	v45 =	vld [tilespmem:s18+$0x12810];
	v14 =	vmul.f32 v9, v9;
	v15 =	vmul.f32 v11, v11;
	(v2sf) =	vpush v10, $0xF;
	s19 =	smul.f32 $1.562500000e-02, s24  }
0x196: {  	s12 =	simm.s32 $0x100;
	v44 =	vld [tilespmem:s18+$0x12820];
	s5 =	ssub.f32 $1.500000000e+00, s29  }
0x197: {  	v13 =	vld [tilespmem:s12+$0xE800];
	v15 =	vadd.f32 v15, v14;
	v16 =	vmul.f32 v12, v12;
	s6 =	smul.f32 s19, s19;
	v8, _, _ =	vpop (xrf2)  }
0x198: {  	s30 =	spop (v2sf);
	(v2sf) =	vpush v8, $0xF;
	v8 =	vld [tilespmem:s12+$0xE810];
	s4 =	smul.f32 s4, s5  }
0x199: {  	v41 =	vld [tilespmem:s16+$0x12800];
	v15 =	vadd.f32 v16, v15;
	v16 =	vmul.f32 v18, v18;
	s8 =	smul.f32 $1.562500000e-02, s30  }
0x19a: {  	v10 =	vld [tilespmem:s12+$0xE820];
	s15 =	smul.f32 s4, s2  }
0x19b: {  	v40 =	vld [tilespmem:s16+$0x12810];
	v15 =	vadd.f32 v16, v15;
	s14 =	ssub.f32 s8, s6  }
0x19c: {  	v14 =	vld [tilespmem:s12+$0xE830];
	s8 =	smul.f32 s15, s4  }
0x19d: {  	v42 =	vld [tilespmem:s16+$0x12820];
	v19 =	vadd.f32 v8, v13;
	s5 =	sadd.f32 $9.999999740e-06, s14;
	v20, _, _ =	vpop (xrf2);
	(xrf2) =	vadd.scan.msk.f32 $0xffff, v15  }
0x19e: {  	v35 =	vld [tilespmem:s13+$0x12800];
	s24 =	ssub.f32 $1.500000000e+00, s8  }
0x19f: {  	v38 =	vld [tilespmem:s13+$0x12810];
	v19 =	vadd.f32 v10, v19;
	(v2sf) =	vpush v20, $0xF;
	s20 =	sshra.s32 s5, $0x1;
	s15 =	smul.f32 $5.000000000e-01, s5  }
0x1a0: {  	v36 =	vld [tilespmem:s13+$0x12820];
	s25 =	ssub.s32 $0x5F3759DF, s20;
	s4 =	smul.f32 s24, s4  }
0x1a1: {  	v30 =	vld [tilespmem:s11+$0x12800];
	v16 =	vadd.f32 v14, v19;
	s14 =	smul.f32 s25, s15  }
0x1a2: {  	v28 =	vld [tilespmem:s11+$0x12810];
	s2 =	smul.f32 s4, s2  }
0x1a3: {  	v27 =	vld [tilespmem:s11+$0x12820];
	(xrf2) =	vadd.scan.msk.f32 $0xffff, v16;
	s29 =	smul.f32 s25, s14  }
0x1a4: {  	v22 =	vmul.f32 v8, v8;
	v15 =	vmul.f32 v13, v13;
	v20 =	vld [tilespmem:s12+$0x12810];
	s30 =	spop (v2sf);
	s14 =	simm.s32 $0x140;
	s2 =	smul.f32 s2, s4  }
0x1a5: {  	s20 =	smul.f32 $1.562500000e-02, s30;
	v16 =	vld [tilespmem:s14+$0xE800]  }
0x1a6: {  	v58 =	vmov s22;
	v15 =	vadd.f32 v22, v15;
	v22 =	vmul.f32 v10, v10;
	v32 =	vld [tilespmem:s14+$0xE810];
	s2 =	ssub.f32 $1.500000000e+00, s2  }
0x1a7: {  	v46 =	vsub.f32 v56, v58;
	v61 =	vsub.f32 v29, v58;
	v19 =	vld [tilespmem:s12+$0x12800];
	s5 =	ssub.f32 $1.500000000e+00, s29;
	s8 =	smul.f32 s20, s20;
	v29, _, _ =	vpop (xrf2)  }
0x1a8: {  	v57 =	vmul.f32 v14, v14;
	v15 =	vadd.f32 v22, v15;
	v37 =	vld [tilespmem:s14+$0xE820];
	(v2sf) =	vpush v29, $0xF;
	s2 =	smul.f32 s2, s4  }
0x1a9: {  	v22 =	vld [tilespmem:s12+$0x12820];
	s6 =	spop (v2sf);
	s25 =	smul.f32 s25, s5  }
0x1aa: {  	v59 =	vadd.f32 v57, v15;
	v15 =	vld [tilespmem:s14+$0x12800];
	s29 =	smul.f32 $1.562500000e-02, s6;
	v46 =	vmul.f32 s2, v46  }
0x1ab: {  	v60 =	vsub.f32 v23, v58;
	v23 =	vld [tilespmem:s14+$0x12810];
	s30 =	smul.f32 s25, s15;
	v62 =	vadd.f32 v32, v16  }
0x1ac: {  	v47 =	vsub.f32 v55, v58;
	v39 =	vld [tilespmem:s14+$0xE830];
	(xrf2) =	vadd.scan.msk.f32 $0xffff, v59;
	s8 =	ssub.f32 s29, s8  }
0x1ad: {  	v29 =	vld [tilespmem:s14+$0x12820];
	s5 =	smul.f32 s30, s25;
	v52 =	vadd.f32 v37, v62;
	v48 =	vmul.f32 s2, v60;
	v50 =	vmul.f32 s2, v61;
	v63, _, _ =	vpop (xrf2)  }
0x1ae: {  	s24 =	simm.s32 $0x600;
	v49 =	vmul.f32 s2, v47;
	v47 =	vld [tilespmem:s18+$0x12830];
	s28 =	sadd.f32 $9.999999740e-06, s8;
	(v2sf) =	vpush v63, $0xF;
	s22 =	spop (v2sf);
	v51 =	vmul.f32 v46, v6;
	v46 =	vmovc v16  }
.LBB2_6:
0x1af: {  	s22 =	smul.f32 $1.562500000e-02, s22;
	s2 =	ssub.f32 $1.500000000e+00, s5  }
0x1b0: {  	v48 =	vmul.f32 v48, v2;
	v50 =	vmul.f32 v50, v3;
	v53 =	vmovc v8;
	v8 =	vmovc v32;
	v54 =	vmov v26;
	s5 =	smul.f32 $5.000000000e-01, s28  }
0x1b1: {  	p0 =	sne.s32 s24, $0x7F00;
	v26 =	vmovc v17;
	v17 =	vmovc v12;
	v12 =	vmov v10;
	v10 =	vmov v37;
	v55 =	vmov v33;
	s4 =	sshra.s32 s28, $0x1;
	s29 =	smul.f32 s2, s25  }
0x1b2: {  	v49 =	vmul.f32 v49, v0;
	v33 =	vmovc v25;
	v52 =	vadd.f32 v39, v52;
	v51 =	vadd.f32 v51, v7;
	s4 =	ssub.s32 $0x5F3759DF, s4;
	s30 =	smul.f32 s22, s22  }
0x1b3: {  	v46 =	vmul.f32 v46, v16;
	v25 =	vmovc v18;
	v32 =	vmul.f32 v32, v8;
	v48 =	vadd.f32 v48, v4;
	s2 =	smul.f32 s4, s5  }
0x1b4: {  	v18 =	vmovc v14;
	v14 =	vmov v39;
	v50 =	vadd.f32 v50, v5;
	(xrf2) =	vadd.scan.msk.f32 $0xffff, v52;
	v47 =	vadd.f32 v51, v47;
	s8 =	smul.f32 s29, s15  }
0x1b5: {  	v37 =	vmul.f32 v37, v10;
	v49 =	vadd.f32 v49, v1;
	v32 =	vadd.f32 v32, v46;
	s15 =	smov.u32 s5;
	s2 =	smul.f32 s4, s2  }
0x1b6: {  	s28 =	sshra.s32 s24, $0x2;
	v48 =	vadd.f32 v48, v43;
	v50 =	vadd.f32 v50, v45;
	v43 =	vmov v41;
	v51, _, _ =	vpop (xrf2);
	[tilespmem:s18+$0x16830] =	vst v47;
	s8 =	smul.f32 s8, s29  }
0x1b7: {  	v39 =	vmul.f32 v39, v14;
	v41 =	vmovc v35;
	v35 =	vmovc v30;
	v37 =	vadd.f32 v37, v32;
	v46 =	vld [tilespmem:s28+$0xE800];
	(v2sf) =	vpush v51, $0xF;
	s5 =	spop (v2sf);
	s2 =	ssub.f32 $1.500000000e+00, s2  }
0x1b8: {  	v30 =	vmovc v19;
	v19 =	vmovc v15;
	v45 =	vmov v40;
	v40 =	vmov v38;
	v47 =	vadd.f32 v49, v44;
	v32 =	vld [tilespmem:s28+$0xE810];
	[tilespmem:s18+$0x16800] =	vst v48;
	s5 =	smul.f32 $1.562500000e-02, s5;
	s8 =	ssub.f32 $1.500000000e+00, s8  }
0x1b9: {  	v38 =	vmovc v28;
	v28 =	vmovc v20;
	v20 =	vmov v23;
	v44 =	vmov v42;
	v39 =	vadd.f32 v39, v37;
	v15 =	vld [tilespmem:s28+$0x12800];
	[tilespmem:s18+$0x16810] =	vst v50;
	s25 =	smul.f32 s4, s2  }
0x1ba: {  	v42 =	vmovc v36;
	v36 =	vmovc v27;
	v27 =	vmov v22;
	v22 =	vmov v29;
	v48 =	vmov s19;
	s19 =	smov.u32 s20;
	s20 =	smov.u32 s22;
	v37 =	vld [tilespmem:s28+$0xE820];
	[tilespmem:s18+$0x16820] =	vst v47;
	s2 =	smul.f32 s8, s29  }
.Ltmp2:
0x1bb: {  	v49 =	vsub.f32 v55, v48;
	v47 =	vsub.f32 v31, v48;
	v23 =	vld [tilespmem:s28+$0x12810];
	(xrf2) =	vadd.scan.msk.f32 $0xffff, v39;
	(pc) =	sbr.rel @p0 .LBB2_6-.Ltmp2, $4  }
0x1bc: {  	v56 =	vsub.f32 v34, v48;
	v51 =	vsub.f32 v54, v48;
	v31 =	vmovc v21;
	v21 =	vmovc v9;
	v9 =	vmov v13;
	s18 =	smov.u32 s16;
	s16 =	smov.u32 s13;
	v39 =	vld [tilespmem:s28+$0xE830];
	s4 =	smul.f32 s25, s15  }
0x1bd: {  	v13 =	vmovc v16;
	s13 =	smov.u32 s11;
	s11 =	smov.u32 s12;
	s8 =	ssub.f32 s5, s30;
	v16 =	vmovc v46;
	v52 =	vadd.f32 v32, v46;
	v29 =	vld [tilespmem:s28+$0x12820];
	v48 =	vmul.f32 s2, v47;
	v54 =	vmul.f32 s2, v49  }
0x1be: {  	v34 =	vmov v24;
	s12 =	smov.u32 s14;
	s14 =	smov.u32 s28;
	v50 =	vmul.f32 s2, v56;
	v49 =	vmul.f32 s2, v51;
	v55, _, _ =	vpop (xrf2);
	s5 =	smul.f32 s4, s25;
	v47 =	vld [tilespmem:s18+$0x12830]  }
0x1bf: {  	s24 =	sadd.s32 $0x100, s24;
	v24 =	vmovc v11;
	v11 =	vmovc v53;
	s28 =	sadd.f32 $9.999999740e-06, s8;
	v52 =	vadd.f32 v37, v52;
	(v2sf) =	vpush v55, $0xF;
	s22 =	spop (v2sf);
	v51 =	vmul.f32 v54, v6  }
0x1c0: {  	s22 =	smul.f32 $1.562500000e-02, s22;
	s5 =	ssub.f32 $1.500000000e+00, s5  }
0x1c1: {  	s2 =	sshra.s32 s28, $0x1;
	s4 =	smul.f32 $5.000000000e-01, s28  }
0x1c2: {  	v52 =	vadd.f32 v39, v52;
	s2 =	ssub.s32 $0x5F3759DF, s2;
	s5 =	smul.f32 s5, s25  }
0x1c3: {  	v46 =	vmul.f32 v46, v16;
	v53 =	vmul.f32 v32, v32;
	s8 =	smul.f32 s2, s4  }
0x1c4: {  	s30 =	smul.f32 s22, s22;
	(xrf2) =	vadd.scan.msk.f32 $0xffff, v52  }
0x1c5: {  	v56 =	vmul.f32 v37, v37;
	v46 =	vadd.f32 v53, v46;
	s8 =	smul.f32 s2, s8  }
0x1c6: {  	s15 =	smul.f32 s5, s15  }
0x1c7: {  	v57 =	vmul.f32 v39, v39;
	v46 =	vadd.f32 v56, v46;
	v58, _, _ =	vpop (xrf2);
	s24 =	spop (v2sf);
	s8 =	ssub.f32 $1.500000000e+00, s8  }
0x1c8: {  	(v2sf) =	vpush v58, $0xF;
	s24 =	smul.f32 $1.562500000e-02, s24  }
0x1c9: {  	v46 =	vadd.f32 v57, v46;
	s2 =	smul.f32 s2, s8  }
0x1ca: {  	s6 =	smul.f32 s15, s5;
	s28 =	ssub.f32 s24, s30  }
0x1cb: {  	(xrf2) =	vadd.scan.msk.f32 $0xffff, v46;
	s29 =	smul.f32 s2, s4  }
0x1cc: {  	s15 =	sadd.f32 $9.999999740e-06, s28  }
0x1cd: {  	s8 =	ssub.f32 $1.500000000e+00, s6;
	s30 =	smul.f32 s29, s2  }
0x1ce: {  	v59, _, _ =	vpop (xrf2);
	s6 =	sshra.s32 s15, $0x1;
	s24 =	smul.f32 $5.000000000e-01, s15  }
0x1cf: {  	s5 =	smul.f32 s8, s5;
	(v2sf) =	vpush v59, $0xF;
	s29 =	ssub.f32 $1.500000000e+00, s30;
	s30 =	ssub.s32 $0x5F3759DF, s6  }
0x1d0: {  	s15 =	smul.f32 s30, s24  }
0x1d1: {  	v61 =	vmul.f32 v50, v3;
	s2 =	smul.f32 s29, s2  }
0x1d2: {  	v49 =	vmul.f32 v49, v0;
	s6 =	smul.f32 s30, s15  }
0x1d3: {  	v60 =	vmul.f32 v48, v2;
	v62 =	vadd.f32 v51, v7;
	v48 =	vadd.f32 v61, v5;
	s28 =	spop (v2sf);
	s4 =	smul.f32 s2, s4  }
0x1d4: {  	v49 =	vadd.f32 v49, v1;
	s15 =	smul.f32 $1.562500000e-02, s28;
	s8 =	ssub.f32 $1.500000000e+00, s6  }
0x1d5: {  	v47 =	vadd.f32 v62, v47;
	v45 =	vadd.f32 v48, v45;
	v63, _, _ =	vpop (xrf2);
	s4 =	smul.f32 s4, s2  }
0x1d6: {  	v46 =	vadd.f32 v60, v4;
	(v2sf) =	vpush v63, $0xF;
	s8 =	smul.f32 s30, s8  }
0x1d7: {  	v48 =	vmov s19;
	v49 =	vadd.f32 v49, v44;
	[tilespmem:s18+$0x16830] =	vst v47;
	s29 =	spop (v2sf);
	s30 =	smul.f32 s15, s15  }
0x1d8: {  	v33 =	vsub.f32 v33, v48;
	[tilespmem:s18+$0x16810] =	vst v45;
	v43 =	vadd.f32 v46, v43;
	s19 =	smul.f32 $1.562500000e-02, s29  }
0x1d9: {  	v31 =	vsub.f32 v31, v48;
	[tilespmem:s18+$0x16820] =	vst v49;
	s4 =	ssub.f32 $1.500000000e+00, s4;
	s6 =	smul.f32 s8, s24  }
0x1da: {  	v34 =	vsub.f32 v34, v48;
	[tilespmem:s18+$0x16800] =	vst v43;
	v33 =	vmul.f32 s5, v33;
	s25 =	ssub.f32 s19, s30  }
0x1db: {  	v26 =	vsub.f32 v26, v48;
	v31 =	vmul.f32 s5, v31;
	v43 =	vld [tilespmem:s16+$0x12830];
	s28 =	smul.f32 s6, s8  }
0x1dc: {  	v34 =	vmul.f32 s5, v34;
	v33 =	vmul.f32 v33, v6;
	s2 =	smul.f32 s4, s2;
	s4 =	sadd.f32 $9.999999740e-06, s25  }
0x1dd: {  	v26 =	vmul.f32 s5, v26;
	v31 =	vmul.f32 v31, v2;
	s30 =	ssub.f32 $1.500000000e+00, s28  }
0x1de: {  	v34 =	vmul.f32 v34, v3;
	v33 =	vadd.f32 v33, v7;
	s19 =	smul.f32 $5.000000000e-01, s4;
	s29 =	spop (v2sf)  }
0x1df: {  	v26 =	vmul.f32 v26, v0;
	v31 =	vadd.f32 v31, v4;
	s6 =	sshra.s32 s4, $0x1;
	s18 =	smul.f32 $1.562500000e-02, s29  }
0x1e0: {  	v34 =	vadd.f32 v34, v5;
	v33 =	vadd.f32 v33, v43;
	s4 =	ssub.s32 $0x5F3759DF, s6;
	s5 =	smul.f32 s30, s8  }
0x1e1: {  	v26 =	vadd.f32 v26, v1;
	v31 =	vadd.f32 v31, v41;
	s28 =	smul.f32 s4, s19  }
0x1e2: {  	v50 =	vmov s20;
	v34 =	vadd.f32 v34, v40;
	[tilespmem:s16+$0x16830] =	vst v33;
	s29 =	smul.f32 s5, s24  }
0x1e3: {  	v25 =	vsub.f32 v25, v50;
	v26 =	vadd.f32 v26, v42;
	[tilespmem:s16+$0x16800] =	vst v31;
	s8 =	smul.f32 s4, s28  }
0x1e4: {  	v21 =	vsub.f32 v21, v50;
	[tilespmem:s16+$0x16810] =	vst v34;
	s6 =	smul.f32 s18, s18  }
0x1e5: {  	v24 =	vsub.f32 v24, v50;
	[tilespmem:s16+$0x16820] =	vst v26;
	v25 =	vmul.f32 s2, v25;
	s20 =	smul.f32 s29, s5;
	s30 =	spop (v2sf)  }
0x1e6: {  	v17 =	vsub.f32 v17, v50;
	v26 =	vld [tilespmem:s13+$0x12830];
	v21 =	vmul.f32 s2, v21;
	s8 =	ssub.f32 $1.500000000e+00, s8;
	s16 =	smul.f32 $1.562500000e-02, s30  }
0x1e7: {  	v24 =	vmul.f32 s2, v24;
	v25 =	vmul.f32 v25, v6;
	s20 =	ssub.f32 $1.500000000e+00, s20  }
0x1e8: {  	v17 =	vmul.f32 s2, v17;
	v21 =	vmul.f32 v21, v2;
	s25 =	ssub.f32 s16, s6  }
0x1e9: {  	v24 =	vmul.f32 v24, v3;
	v25 =	vadd.f32 v25, v7;
	s4 =	smul.f32 s4, s8  }
0x1ea: {  	v17 =	vmul.f32 v17, v0;
	v21 =	vadd.f32 v21, v4;
	s5 =	smul.f32 s20, s5;
	s2 =	sadd.f32 $9.999999740e-06, s25  }
0x1eb: {  	v24 =	vadd.f32 v24, v5;
	v25 =	vadd.f32 v25, v26;
	s8 =	smul.f32 s4, s19  }
0x1ec: {  	v17 =	vadd.f32 v17, v1;
	v21 =	vadd.f32 v21, v35;
	s28 =	sshra.s32 s2, $0x1;
	s2 =	smul.f32 $5.000000000e-01, s2  }
0x1ed: {  	v51 =	vmov s22;
	v24 =	vadd.f32 v24, v38;
	[tilespmem:s13+$0x16830] =	vst v25;
	s8 =	smul.f32 s8, s4;
	s16 =	ssub.s32 $0x5F3759DF, s28  }
0x1ee: {  	v18 =	vsub.f32 v18, v51;
	v17 =	vadd.f32 v17, v36;
	[tilespmem:s13+$0x16800] =	vst v21;
	s29 =	smul.f32 s16, s2  }
0x1ef: {  	v9 =	vsub.f32 v9, v51;
	[tilespmem:s13+$0x16810] =	vst v24;
	s8 =	ssub.f32 $1.500000000e+00, s8  }
0x1f0: {  	v11 =	vsub.f32 v11, v51;
	[tilespmem:s13+$0x16820] =	vst v17;
	v52 =	vmul.f32 s5, v18;
	s30 =	smul.f32 s16, s29  }
0x1f1: {  	v12 =	vsub.f32 v12, v51;
	v53 =	vld [tilespmem:s11+$0x12830];
	v9 =	vmul.f32 s5, v9;
	s4 =	smul.f32 s8, s4  }
0x1f2: {  	v11 =	vmul.f32 s5, v11;
	v17 =	vmul.f32 v52, v6;
	s6 =	ssub.f32 $1.500000000e+00, s30  }
0x1f3: {  	v12 =	vmul.f32 s5, v12;
	v9 =	vmul.f32 v9, v2;
	s13 =	smul.f32 s4, s19  }
0x1f4: {  	v11 =	vmul.f32 v11, v3;
	v17 =	vadd.f32 v17, v7;
	s8 =	smul.f32 s16, s6  }
0x1f5: {  	v12 =	vmul.f32 v12, v0;
	v9 =	vadd.f32 v9, v4;
	s5 =	smul.f32 s13, s4  }
0x1f6: {  	v11 =	vadd.f32 v11, v5;
	v17 =	vadd.f32 v17, v53;
	s19 =	smul.f32 s8, s2  }
0x1f7: {  	v12 =	vadd.f32 v12, v1;
	v9 =	vadd.f32 v9, v30;
	s5 =	ssub.f32 $1.500000000e+00, s5  }
0x1f8: {  	v54 =	vmov s15;
	v11 =	vadd.f32 v11, v28;
	[tilespmem:s11+$0x16830] =	vst v17;
	s13 =	smul.f32 s19, s8  }
0x1f9: {  	v56 =	vsub.f32 v14, v54;
	v55 =	vadd.f32 v12, v27;
	[tilespmem:s11+$0x16800] =	vst v9;
	s4 =	smul.f32 s5, s4  }
0x1fa: {  	v57 =	vsub.f32 v13, v54;
	[tilespmem:s11+$0x16810] =	vst v11;
	s20 =	ssub.f32 $1.500000000e+00, s13  }
0x1fb: {  	v8 =	vsub.f32 v8, v54;
	[tilespmem:s11+$0x16820] =	vst v55;
	v58 =	vmul.f32 s4, v56  }
0x1fc: {  	v10 =	vsub.f32 v10, v54;
	v59 =	vld [tilespmem:s12+$0x12830];
	v11 =	vmul.f32 s4, v57;
	s5 =	smul.f32 s20, s8  }
0x1fd: {  	v8 =	vmul.f32 s4, v8;
	v9 =	vmul.f32 v58, v6  }
0x1fe: {  	v10 =	vmul.f32 s4, v10;
	v11 =	vmul.f32 v11, v2;
	s2 =	smul.f32 s5, s2  }
0x1ff: {  	v8 =	vmul.f32 v8, v3;
	v9 =	vadd.f32 v9, v7  }
0x200: {  	v10 =	vmul.f32 v10, v0;
	v11 =	vadd.f32 v11, v4;
	s2 =	smul.f32 s2, s5  }
0x201: {  	v8 =	vadd.f32 v8, v5;
	v9 =	vadd.f32 v9, v59  }
0x202: {  	v10 =	vadd.f32 v10, v1;
	v11 =	vadd.f32 v11, v19;
	s2 =	ssub.f32 $1.500000000e+00, s2  }
0x203: {  	v60 =	vmov s18;
	v8 =	vadd.f32 v8, v20;
	[tilespmem:s12+$0x16830] =	vst v9  }
0x204: {  	v61 =	vsub.f32 v39, v60;
	v10 =	vadd.f32 v10, v22;
	[tilespmem:s12+$0x16800] =	vst v11;
	s2 =	smul.f32 s2, s5  }
0x205: {  	[tilespmem:s12+$0x16810] =	vst v8;
	v8 =	vsub.f32 v16, v60  }
0x206: {  	v62 =	vsub.f32 v32, v60;
	[tilespmem:s12+$0x16820] =	vst v10;
	v11 =	vmul.f32 s2, v61  }
0x207: {  	v9 =	vsub.f32 v37, v60;
	v63 =	vld [tilespmem:s14+$0x12830];
	v8 =	vmul.f32 s2, v8  }
0x208: {  	v10 =	vmul.f32 s2, v62;
	v11 =	vmul.f32 v11, v6  }
0x209: {  	v9 =	vmul.f32 s2, v9;
	v8 =	vmul.f32 v8, v2  }
0x20a: {  	v10 =	vmul.f32 v10, v3;
	v11 =	vadd.f32 v11, v7  }
0x20b: {  	v9 =	vmul.f32 v9, v0;
	v8 =	vadd.f32 v8, v4  }
0x20c: {  	v10 =	vadd.f32 v10, v5;
	v11 =	vadd.f32 v11, v63  }
0x20d: {  	v9 =	vadd.f32 v9, v1;
	v8 =	vadd.f32 v8, v15  }
0x20e: {  	v10 =	vadd.f32 v10, v23;
	[tilespmem:s14+$0x16830] =	vst v11  }
0x20f: {  	[tilespmem:s14+$0x16800] =	vst v8;
	v8 =	vadd.f32 v9, v29  }
0x210: {  	[tilespmem:s14+$0x16810] =	vst v10  }
0x211: {  	s22 =	rddreg [dreg:$0xe];
	s24 =	simm.s32 $0x16800;
	[tilespmem:s14+$0x16820] =	vst v8  }
0x212: {  	[hbm4b:s22+s10] =	stream.linear.scatter [tilespmem:s24], [sflag:$0x6], $0x2000, $0x38;
	[tilespmem:$0x1C880] =	vst v63  }
0x213: {  	s25 =	simm.s32 $0xE800;
	s28 =	simm.s32 $0x180  }
0x214: {  	[tilespmem:s25], [sflag:$0x2] =	stream.indirect.gather [hbm4b:s9+s26], $0x40, s28, s26, $0xb8;
	[tilespmem:$0x1C880] =	vst v63  }
0x215: {  	s29 =	simm.s32 $0x12800;
	s30 =	simm.s32 $0x6580;
	s25 =	simm.s32 $0x1  }
0x216: {  	[tilespmem:s29], [sflag:$0x4] =	stream.indirect.gather [spmem:s7], $0x40, s30, s26, $0xb8;
	[tilespmem:$0x1C880] =	vst v63  }
.LBB2_8:
0x217: {  	_ =	swait.ge [sflag:s0], $0x2000  }
0x218: {  	[sflag:s0] =	ssyncset.done $0x0  }
0x219: {  	[sflag:s0] =	ssyncadd.s32 $0xFFFFE000  }
0x21a: {  	_ =	swait.ge [sflag:s1], $0x2000  }
0x21b: {  	[sflag:s1] =	ssyncset.done $0x0  }
0x21c: {  	[sflag:s1] =	ssyncadd.s32 $0xFFFFE000  }
0x21d: {  	_ =	swait.ge [sflag:s21], $0x2000  }
0x21e: {  	[sflag:s21] =	ssyncset.done $0x0  }
0x21f: {  	s18 =	simm.s32 $0x0;
	[sflag:s21] =	ssyncadd.s32 $0xFFFFE000  }
0x220: {  	v24 =	vld [tilespmem:s18+$0xC800]  }
0x221: {  	v29 =	vld [tilespmem:s18+$0xC810];
	_ =	sdelay $0x1  }
0x222: {  	v39 =	vld [tilespmem:s18+$0xC820];
	_ =	sdelay $0x1  }
0x223: {  	v46 =	vld [tilespmem:s18+$0xC830]  }
0x224: {  	v8 =	vadd.f32 v29, v24  }
0x225: {  	v9 =	vmul.f32 v24, v24;
	v10 =	vmul.f32 v29, v29  }
0x226: {  	v8 =	vadd.f32 v39, v8  }
0x227: {  	v9 =	vadd.f32 v10, v9;
	v10 =	vmul.f32 v39, v39  }
0x228: {  	v8 =	vadd.f32 v46, v8  }
0x229: {  	v9 =	vadd.f32 v10, v9;
	v10 =	vmul.f32 v46, v46  }
0x22a: {  	(xrf2) =	vadd.scan.msk.f32 $0xffff, v8  }
0x22b: {  	v8 =	vadd.f32 v10, v9;
	_ =	sdelay $0x1  }
0x22c: {  	s16 =	simm.s32 $0x40;
	(xrf2) =	vadd.scan.msk.f32 $0xffff, v8  }
0x22d: {  	v34 =	vld [tilespmem:s16+$0xC810]  }
0x22e: {  	v31 =	vld [tilespmem:s16+$0xC800];
	_ =	sdelay $0x1  }
0x22f: {  	v26 =	vld [tilespmem:s16+$0xC820];
	_ =	sdelay $0x1  }
0x230: {  	v33 =	vld [tilespmem:s16+$0xC830];
	v11 =	vmul.f32 v34, v34  }
0x231: {  	v8 =	vadd.f32 v34, v31;
	v9, _, _ =	vpop (xrf2)  }
0x232: {  	s13 =	simm.s32 $0x80;
	v10 =	vmul.f32 v31, v31;
	(v2sf) =	vpush v9, $0xF  }
0x233: {  	v15 =	vld [tilespmem:s13+$0xC800];
	v8 =	vadd.f32 v26, v8  }
0x234: {  	v22 =	vld [tilespmem:s13+$0xC810];
	v9 =	vadd.f32 v11, v10;
	v11, _, _ =	vpop (xrf2)  }
0x235: {  	v8 =	vadd.f32 v33, v8;
	v10 =	vmul.f32 v26, v26;
	(v2sf) =	vpush v11, $0xF  }
0x236: {  	v16 =	vld [tilespmem:s13+$0xC820]  }
0x237: {  	(xrf2) =	vadd.scan.msk.f32 $0xffff, v8;
	v8 =	vadd.f32 v10, v9;
	v9 =	vmul.f32 v33, v33  }
0x238: {  	v25 =	vld [tilespmem:s13+$0xC830]  }
0x239: {  	v8 =	vadd.f32 v9, v8;
	v9 =	vadd.f32 v22, v15;
	_ =	sdelay $0x1  }
0x23a: {  	(xrf2) =	vadd.scan.msk.f32 $0xffff, v8;
	v8 =	vadd.f32 v16, v9;
	_ =	sdelay $0x1  }
0x23b: {  	v8 =	vadd.f32 v25, v8;
	_ =	sdelay $0x1  }
0x23c: {  	(xrf2) =	vadd.scan.msk.f32 $0xffff, v8  }
0x23d: {  	v10 =	vmul.f32 v22, v22;
	v9 =	vmul.f32 v15, v15  }
0x23e: {  	v8, _, _ =	vpop (xrf2);
	s2 =	spop (v2sf)  }
0x23f: {  	s11 =	simm.s32 $0xC0;
	v11 =	vmul.f32 v16, v16;
	v10 =	vadd.f32 v10, v9;
	(v2sf) =	vpush v8, $0xF;
	s22 =	smul.f32 $1.562500000e-02, s2  }
0x240: {  	v9 =	vld [tilespmem:s11+$0xC800]  }
0x241: {  	v8 =	vadd.f32 v11, v10;
	v10 =	vmul.f32 v25, v25;
	v11 =	vld [tilespmem:s11+$0xC810];
	s30 =	spop (v2sf);
	s4 =	smul.f32 s22, s22  }
0x242: {  	v12, _, _ =	vpop (xrf2);
	s2 =	smul.f32 $1.562500000e-02, s30  }
0x243: {  	v8 =	vadd.f32 v10, v8;
	(v2sf) =	vpush v12, $0xF;
	v12 =	vld [tilespmem:s11+$0xC820]  }
0x244: {  	s2 =	ssub.f32 s2, s4  }
0x245: {  	v19 =	vld [tilespmem:s11+$0xC830];
	(xrf2) =	vadd.scan.msk.f32 $0xffff, v8  }
0x246: {  	v8 =	vadd.f32 v11, v9;
	v10, _, _ =	vpop (xrf2);
	s2 =	sadd.f32 $9.999999740e-06, s2  }
0x247: {  	(v2sf) =	vpush v10, $0xF  }
0x248: {  	v8 =	vadd.f32 v12, v8;
	s5 =	sshra.s32 s2, $0x1;
	s2 =	smul.f32 $5.000000000e-01, s2  }
0x249: {  	s4 =	ssub.s32 $0x5F3759DF, s5  }
0x24a: {  	v8 =	vadd.f32 v19, v8;
	s5 =	smul.f32 s4, s2;
	_ =	sdelay $0x1  }
0x24b: {  	v43 =	vld [tilespmem:s18+$0x10800];
	(xrf2) =	vadd.scan.msk.f32 $0xffff, v8;
	s5 =	smul.f32 s4, s5  }
0x24c: {  	v45 =	vld [tilespmem:s18+$0x10810];
	v14 =	vmul.f32 v9, v9;
	v17 =	vmul.f32 v11, v11  }
0x24d: {  	s12 =	simm.s32 $0x100;
	v44 =	vld [tilespmem:s18+$0x10820];
	s8 =	spop (v2sf);
	s5 =	ssub.f32 $1.500000000e+00, s5  }
0x24e: {  	v13 =	vld [tilespmem:s12+$0xC800];
	v17 =	vadd.f32 v17, v14;
	v18 =	vmul.f32 v12, v12;
	v8, _, _ =	vpop (xrf2);
	s20 =	smul.f32 $1.562500000e-02, s8  }
0x24f: {  	(v2sf) =	vpush v8, $0xF;
	v8 =	vld [tilespmem:s12+$0xC810];
	s4 =	smul.f32 s4, s5  }
0x250: {  	v41 =	vld [tilespmem:s16+$0x10800];
	v17 =	vadd.f32 v18, v17;
	v18 =	vmul.f32 v19, v19;
	s8 =	smul.f32 s20, s20  }
0x251: {  	v10 =	vld [tilespmem:s12+$0xC820];
	s14 =	spop (v2sf);
	s10 =	smul.f32 s4, s2  }
0x252: {  	v40 =	vld [tilespmem:s16+$0x10810];
	v17 =	vadd.f32 v18, v17;
	s6 =	smul.f32 $1.562500000e-02, s14  }
0x253: {  	v14 =	vld [tilespmem:s12+$0xC830];
	s15 =	smul.f32 s10, s4  }
0x254: {  	v42 =	vld [tilespmem:s16+$0x10820];
	(xrf2) =	vadd.scan.msk.f32 $0xffff, v17;
	v20 =	vadd.f32 v8, v13;
	s5 =	ssub.f32 s6, s8  }
0x255: {  	v35 =	vld [tilespmem:s13+$0x10800];
	v21, _, _ =	vpop (xrf2);
	s24 =	spop (v2sf);
	s8 =	ssub.f32 $1.500000000e+00, s15  }
0x256: {  	v38 =	vld [tilespmem:s13+$0x10810];
	v20 =	vadd.f32 v10, v20;
	(v2sf) =	vpush v21, $0xF;
	s5 =	sadd.f32 $9.999999740e-06, s5;
	s19 =	smul.f32 $1.562500000e-02, s24  }
0x257: {  	v36 =	vld [tilespmem:s13+$0x10820];
	s4 =	smul.f32 s8, s4  }
0x258: {  	v30 =	vld [tilespmem:s11+$0x10800];
	v18 =	vadd.f32 v14, v20;
	s30 =	sshra.s32 s5, $0x1;
	s15 =	smul.f32 $5.000000000e-01, s5  }
0x259: {  	v28 =	vld [tilespmem:s11+$0x10810];
	v17 =	vmul.f32 v13, v13;
	v23 =	vmul.f32 v8, v8;
	s6 =	ssub.s32 $0x5F3759DF, s30;
	s2 =	smul.f32 s4, s2  }
0x25a: {  	v27 =	vld [tilespmem:s11+$0x10820];
	s14 =	simm.s32 $0x140;
	(xrf2) =	vadd.scan.msk.f32 $0xffff, v18;
	s10 =	smul.f32 s6, s15  }
0x25b: {  	v48 =	vmov s22;
	v32 =	vld [tilespmem:s14+$0xC810];
	v18 =	vadd.f32 v23, v17;
	v23 =	vmul.f32 v10, v10;
	s2 =	smul.f32 s2, s4  }
0x25c: {  	v49 =	vsub.f32 v24, v48;
	v24 =	vld [tilespmem:s14+$0x10810];
	s8 =	smul.f32 s6, s10  }
0x25d: {  	v46 =	vsub.f32 v46, v48;
	v37 =	vmul.f32 v14, v14;
	v17 =	vld [tilespmem:s14+$0xC800];
	v18 =	vadd.f32 v23, v18;
	s2 =	ssub.f32 $1.500000000e+00, s2  }
0x25e: {  	v50 =	vsub.f32 v29, v48;
	v51 =	vsub.f32 v39, v48;
	v39 =	vld [tilespmem:s14+$0xC830];
	v29, _, _ =	vpop (xrf2);
	s29 =	smul.f32 s19, s19;
	s8 =	ssub.f32 $1.500000000e+00, s8  }
0x25f: {  	(v2sf) =	vpush v29, $0xF;
	v47 =	vadd.f32 v37, v18;
	v37 =	vld [tilespmem:s14+$0xC820];
	s2 =	smul.f32 s2, s4  }
0x260: {  	v21 =	vld [tilespmem:s12+$0x10810];
	s24 =	spop (v2sf);
	s28 =	smul.f32 s6, s8  }
0x261: {  	v20 =	vld [tilespmem:s12+$0x10800];
	s24 =	smul.f32 $1.562500000e-02, s24;
	v46 =	vmul.f32 s2, v46  }
0x262: {  	v29 =	vld [tilespmem:s14+$0x10820];
	v52 =	vadd.f32 v32, v17;
	s22 =	smul.f32 s28, s15  }
0x263: {  	v23 =	vld [tilespmem:s12+$0x10820];
	(xrf2) =	vadd.scan.msk.f32 $0xffff, v47;
	s30 =	ssub.f32 s24, s29  }
0x264: {  	v18 =	vld [tilespmem:s14+$0x10800];
	v52 =	vadd.f32 v37, v52;
	v48 =	vmul.f32 s2, v49;
	v53, _, _ =	vpop (xrf2);
	v50 =	vmul.f32 s2, v50;
	s5 =	smul.f32 s22, s28  }
0x265: {  	v47 =	vld [tilespmem:s18+$0x10830];
	s24 =	simm.s32 $0x600;
	s29 =	sadd.f32 $9.999999740e-06, s30;
	v49 =	vmul.f32 s2, v51;
	(v2sf) =	vpush v53, $0xF;
	s22 =	spop (v2sf);
	v51 =	vmul.f32 v46, v6;
	v46 =	vmovc v17  }
.LBB2_9:
0x266: {  	s22 =	smul.f32 $1.562500000e-02, s22;
	s2 =	ssub.f32 $1.500000000e+00, s5  }
0x267: {  	v48 =	vmul.f32 v48, v2;
	v50 =	vmul.f32 v50, v3;
	v53 =	vmovc v8;
	v8 =	vmovc v32;
	v54 =	vmov v26;
	s5 =	smul.f32 $5.000000000e-01, s29  }
0x268: {  	p0 =	sne.s32 s24, $0x7F00;
	v26 =	vmovc v16;
	v16 =	vmovc v12;
	v12 =	vmov v10;
	v10 =	vmov v37;
	v55 =	vmov v33;
	s4 =	sshra.s32 s29, $0x1;
	s30 =	smul.f32 s2, s28  }
0x269: {  	v49 =	vmul.f32 v49, v0;
	v33 =	vmovc v25;
	v52 =	vadd.f32 v39, v52;
	v51 =	vadd.f32 v51, v7;
	s4 =	ssub.s32 $0x5F3759DF, s4;
	s6 =	smul.f32 s22, s22  }
0x26a: {  	v46 =	vmul.f32 v46, v17;
	v25 =	vmovc v19;
	v32 =	vmul.f32 v32, v8;
	v48 =	vadd.f32 v48, v4;
	s2 =	smul.f32 s4, s5  }
0x26b: {  	v19 =	vmovc v14;
	v14 =	vmov v39;
	v50 =	vadd.f32 v50, v5;
	(xrf2) =	vadd.scan.msk.f32 $0xffff, v52;
	v47 =	vadd.f32 v51, v47;
	s8 =	smul.f32 s30, s15  }
0x26c: {  	v37 =	vmul.f32 v37, v10;
	v49 =	vadd.f32 v49, v1;
	v32 =	vadd.f32 v32, v46;
	s15 =	smov.u32 s5;
	s2 =	smul.f32 s4, s2  }
0x26d: {  	s29 =	sshra.s32 s24, $0x2;
	v48 =	vadd.f32 v48, v43;
	v50 =	vadd.f32 v50, v45;
	v43 =	vmov v41;
	v51, _, _ =	vpop (xrf2);
	[tilespmem:s18+$0x14830] =	vst v47;
	s8 =	smul.f32 s8, s30  }
0x26e: {  	v39 =	vmul.f32 v39, v14;
	v41 =	vmovc v35;
	v35 =	vmovc v30;
	v37 =	vadd.f32 v37, v32;
	v46 =	vld [tilespmem:s29+$0xC800];
	(v2sf) =	vpush v51, $0xF;
	s5 =	spop (v2sf);
	s2 =	ssub.f32 $1.500000000e+00, s2  }
0x26f: {  	v30 =	vmovc v20;
	v20 =	vmovc v18;
	v45 =	vmov v40;
	v40 =	vmov v38;
	v47 =	vadd.f32 v49, v44;
	v32 =	vld [tilespmem:s29+$0xC810];
	[tilespmem:s18+$0x14800] =	vst v48;
	s5 =	smul.f32 $1.562500000e-02, s5;
	s8 =	ssub.f32 $1.500000000e+00, s8  }
0x270: {  	v38 =	vmovc v28;
	v28 =	vmovc v21;
	v21 =	vmov v24;
	v44 =	vmov v42;
	v39 =	vadd.f32 v39, v37;
	v18 =	vld [tilespmem:s29+$0x10800];
	[tilespmem:s18+$0x14810] =	vst v50;
	s28 =	smul.f32 s4, s2  }
0x271: {  	v42 =	vmovc v36;
	v36 =	vmovc v27;
	v27 =	vmov v23;
	v23 =	vmov v29;
	v48 =	vmov s20;
	s20 =	smov.u32 s19;
	s19 =	smov.u32 s22;
	v37 =	vld [tilespmem:s29+$0xC820];
	[tilespmem:s18+$0x14820] =	vst v47;
	s2 =	smul.f32 s8, s30  }
.Ltmp3:
0x272: {  	v49 =	vsub.f32 v55, v48;
	v47 =	vsub.f32 v31, v48;
	v24 =	vld [tilespmem:s29+$0x10810];
	(xrf2) =	vadd.scan.msk.f32 $0xffff, v39;
	(pc) =	sbr.rel @p0 .LBB2_9-.Ltmp3, $4  }
0x273: {  	v56 =	vsub.f32 v34, v48;
	v51 =	vsub.f32 v54, v48;
	v31 =	vmovc v15;
	v15 =	vmovc v9;
	v9 =	vmov v13;
	s18 =	smov.u32 s16;
	s16 =	smov.u32 s13;
	v39 =	vld [tilespmem:s29+$0xC830];
	s4 =	smul.f32 s28, s15  }
0x274: {  	s6 =	ssub.f32 s5, s6;
	v13 =	vmovc v17;
	s13 =	smov.u32 s11;
	s11 =	smov.u32 s12;
	v17 =	vmovc v46;
	v52 =	vadd.f32 v32, v46;
	v29 =	vld [tilespmem:s29+$0x10820];
	v48 =	vmul.f32 s2, v47;
	v54 =	vmul.f32 s2, v49  }
0x275: {  	v34 =	vmov v22;
	s12 =	smov.u32 s14;
	s14 =	smov.u32 s29;
	v50 =	vmul.f32 s2, v56;
	v49 =	vmul.f32 s2, v51;
	v55, _, _ =	vpop (xrf2);
	s5 =	smul.f32 s4, s28;
	v47 =	vld [tilespmem:s18+$0x10830]  }
0x276: {  	s24 =	sadd.s32 $0x100, s24;
	v22 =	vmovc v11;
	v11 =	vmovc v53;
	s29 =	sadd.f32 $9.999999740e-06, s6;
	v52 =	vadd.f32 v37, v52;
	(v2sf) =	vpush v55, $0xF;
	s22 =	spop (v2sf);
	v51 =	vmul.f32 v54, v6  }
0x277: {  	s22 =	smul.f32 $1.562500000e-02, s22;
	s5 =	ssub.f32 $1.500000000e+00, s5  }
0x278: {  	s2 =	sshra.s32 s29, $0x1;
	s4 =	smul.f32 $5.000000000e-01, s29  }
0x279: {  	v52 =	vadd.f32 v39, v52;
	s2 =	ssub.s32 $0x5F3759DF, s2;
	s5 =	smul.f32 s5, s28  }
0x27a: {  	v46 =	vmul.f32 v46, v17;
	v53 =	vmul.f32 v32, v32;
	s6 =	smul.f32 s2, s4  }
0x27b: {  	s24 =	smul.f32 s22, s22;
	(xrf2) =	vadd.scan.msk.f32 $0xffff, v52  }
0x27c: {  	v56 =	vmul.f32 v37, v37;
	v46 =	vadd.f32 v53, v46;
	s6 =	smul.f32 s2, s6  }
0x27d: {  	s8 =	smul.f32 s5, s15;
	v58, _, _ =	vpop (xrf2)  }
0x27e: {  	v57 =	vmul.f32 v39, v39;
	v46 =	vadd.f32 v56, v46;
	s10 =	spop (v2sf);
	(v2sf) =	vpush v58, $0xF;
	s6 =	ssub.f32 $1.500000000e+00, s6  }
0x27f: {  	s15 =	smul.f32 $1.562500000e-02, s10  }
0x280: {  	v46 =	vadd.f32 v57, v46;
	s2 =	smul.f32 s2, s6  }
0x281: {  	s6 =	smul.f32 s8, s5;
	s24 =	ssub.f32 s15, s24  }
0x282: {  	(xrf2) =	vadd.scan.msk.f32 $0xffff, v46;
	s10 =	smul.f32 s2, s4  }
0x283: {  	s8 =	sadd.f32 $9.999999740e-06, s24  }
0x284: {  	s6 =	ssub.f32 $1.500000000e+00, s6;
	s15 =	smul.f32 s10, s2  }
0x285: {  	v59, _, _ =	vpop (xrf2);
	s28 =	sshra.s32 s8, $0x1;
	s24 =	smul.f32 $5.000000000e-01, s8  }
0x286: {  	s5 =	smul.f32 s6, s5;
	(v2sf) =	vpush v59, $0xF;
	s8 =	ssub.s32 $0x5F3759DF, s28;
	s15 =	ssub.f32 $1.500000000e+00, s15  }
0x287: {  	s10 =	smul.f32 s8, s24  }
0x288: {  	v61 =	vmul.f32 v50, v3;
	s2 =	smul.f32 s15, s2  }
0x289: {  	v49 =	vmul.f32 v49, v0;
	s6 =	smul.f32 s8, s10  }
0x28a: {  	v60 =	vmul.f32 v48, v2;
	v62 =	vadd.f32 v51, v7;
	v48 =	vadd.f32 v61, v5;
	s10 =	spop (v2sf);
	s4 =	smul.f32 s2, s4  }
0x28b: {  	v49 =	vadd.f32 v49, v1;
	s15 =	smul.f32 $1.562500000e-02, s10;
	s6 =	ssub.f32 $1.500000000e+00, s6  }
0x28c: {  	v47 =	vadd.f32 v62, v47;
	v45 =	vadd.f32 v48, v45;
	v63, _, _ =	vpop (xrf2);
	s4 =	smul.f32 s4, s2  }
0x28d: {  	v46 =	vadd.f32 v60, v4;
	(v2sf) =	vpush v63, $0xF;
	s6 =	smul.f32 s8, s6;
	s10 =	spop (v2sf)  }
0x28e: {  	v52 =	vmov s20;
	v53 =	vadd.f32 v49, v44;
	[tilespmem:s18+$0x14830] =	vst v47;
	s8 =	smul.f32 $1.562500000e-02, s10  }
0x28f: {  	v33 =	vsub.f32 v33, v52;
	[tilespmem:s18+$0x14810] =	vst v45;
	v43 =	vadd.f32 v46, v43;
	s10 =	smul.f32 s6, s24  }
0x290: {  	v31 =	vsub.f32 v31, v52;
	v34 =	vsub.f32 v34, v52;
	[tilespmem:s18+$0x14820] =	vst v53;
	s20 =	smul.f32 s15, s15  }
0x291: {  	v26 =	vsub.f32 v26, v52;
	[tilespmem:s18+$0x14800] =	vst v43;
	v33 =	vmul.f32 s5, v33;
	s4 =	ssub.f32 $1.500000000e+00, s4;
	s10 =	smul.f32 s10, s6  }
0x292: {  	v43 =	vld [tilespmem:s16+$0x10830];
	v31 =	vmul.f32 s5, v31;
	v34 =	vmul.f32 s5, v34;
	s8 =	ssub.f32 s8, s20  }
0x293: {  	v26 =	vmul.f32 s5, v26;
	v33 =	vmul.f32 v33, v6;
	s5 =	ssub.f32 $1.500000000e+00, s10  }
0x294: {  	v31 =	vmul.f32 v31, v2;
	s2 =	smul.f32 s4, s2;
	s4 =	sadd.f32 $9.999999740e-06, s8  }
0x295: {  	v34 =	vmul.f32 v34, v3;
	v33 =	vadd.f32 v33, v7;
	s20 =	spop (v2sf);
	s5 =	smul.f32 s5, s6  }
0x296: {  	v26 =	vmul.f32 v26, v0;
	v31 =	vadd.f32 v31, v4;
	s18 =	smul.f32 $1.562500000e-02, s20  }
0x297: {  	v34 =	vadd.f32 v34, v5;
	v33 =	vadd.f32 v33, v43;
	s10 =	sshra.s32 s4, $0x1;
	s20 =	smul.f32 $5.000000000e-01, s4  }
0x298: {  	v54 =	vmov s19;
	v26 =	vadd.f32 v26, v1;
	v31 =	vadd.f32 v31, v41;
	s4 =	ssub.s32 $0x5F3759DF, s10;
	s19 =	smul.f32 s5, s24  }
0x299: {  	v34 =	vadd.f32 v34, v40;
	[tilespmem:s16+$0x14830] =	vst v33;
	s10 =	smul.f32 s4, s20  }
0x29a: {  	v25 =	vsub.f32 v25, v54;
	v26 =	vadd.f32 v26, v42;
	[tilespmem:s16+$0x14800] =	vst v31;
	s8 =	smul.f32 s19, s5  }
0x29b: {  	v15 =	vsub.f32 v15, v54;
	[tilespmem:s16+$0x14810] =	vst v34;
	s6 =	smul.f32 s4, s10  }
0x29c: {  	v22 =	vsub.f32 v22, v54;
	[tilespmem:s16+$0x14820] =	vst v26;
	v25 =	vmul.f32 s2, v25;
	s24 =	spop (v2sf);
	s10 =	smul.f32 s18, s18  }
0x29d: {  	v16 =	vsub.f32 v16, v54;
	v26 =	vld [tilespmem:s13+$0x10830];
	v15 =	vmul.f32 s2, v15;
	s16 =	smul.f32 $1.562500000e-02, s24;
	s8 =	ssub.f32 $1.500000000e+00, s8  }
0x29e: {  	v22 =	vmul.f32 s2, v22;
	v25 =	vmul.f32 v25, v6;
	s6 =	ssub.f32 $1.500000000e+00, s6  }
0x29f: {  	v16 =	vmul.f32 s2, v16;
	v15 =	vmul.f32 v15, v2;
	s19 =	ssub.f32 s16, s10  }
0x2a0: {  	v22 =	vmul.f32 v22, v3;
	v25 =	vadd.f32 v25, v7;
	s4 =	smul.f32 s4, s6  }
0x2a1: {  	v16 =	vmul.f32 v16, v0;
	v15 =	vadd.f32 v15, v4;
	s5 =	smul.f32 s8, s5;
	s2 =	sadd.f32 $9.999999740e-06, s19  }
0x2a2: {  	v22 =	vadd.f32 v22, v5;
	v25 =	vadd.f32 v25, v26;
	s6 =	smul.f32 s4, s20  }
0x2a3: {  	v16 =	vadd.f32 v16, v1;
	v15 =	vadd.f32 v15, v35;
	s24 =	sshra.s32 s2, $0x1;
	s2 =	smul.f32 $5.000000000e-01, s2  }
0x2a4: {  	v22 =	vadd.f32 v22, v38;
	[tilespmem:s13+$0x14830] =	vst v25;
	v25 =	vmov s22;
	s6 =	smul.f32 s6, s4;
	s8 =	ssub.s32 $0x5F3759DF, s24  }
0x2a5: {  	[tilespmem:s13+$0x14800] =	vst v15;
	v15 =	vadd.f32 v16, v36;
	v16 =	vsub.f32 v19, v25;
	s10 =	smul.f32 s8, s2  }
0x2a6: {  	[tilespmem:s13+$0x14810] =	vst v22;
	v9 =	vsub.f32 v9, v25;
	s6 =	ssub.f32 $1.500000000e+00, s6  }
0x2a7: {  	v11 =	vsub.f32 v11, v25;
	[tilespmem:s13+$0x14820] =	vst v15;
	v15 =	vmul.f32 s5, v16;
	s19 =	smul.f32 s8, s10  }
0x2a8: {  	v12 =	vsub.f32 v12, v25;
	v9 =	vmul.f32 s5, v9;
	v16 =	vld [tilespmem:s11+$0x10830];
	s4 =	smul.f32 s6, s4  }
0x2a9: {  	v11 =	vmul.f32 s5, v11;
	v15 =	vmul.f32 v15, v6;
	s22 =	ssub.f32 $1.500000000e+00, s19  }
0x2aa: {  	v12 =	vmul.f32 s5, v12;
	v9 =	vmul.f32 v9, v2;
	s24 =	smul.f32 s4, s20  }
0x2ab: {  	v11 =	vmul.f32 v11, v3;
	v15 =	vadd.f32 v15, v7;
	s6 =	smul.f32 s8, s22  }
0x2ac: {  	v12 =	vmul.f32 v12, v0;
	v9 =	vadd.f32 v9, v4;
	s5 =	smul.f32 s24, s4  }
0x2ad: {  	v11 =	vadd.f32 v11, v5;
	v15 =	vadd.f32 v15, v16;
	s8 =	smul.f32 s6, s2  }
0x2ae: {  	v12 =	vadd.f32 v12, v1;
	v9 =	vadd.f32 v9, v30;
	s5 =	ssub.f32 $1.500000000e+00, s5  }
0x2af: {  	v11 =	vadd.f32 v11, v28;
	[tilespmem:s11+$0x14830] =	vst v15;
	v15 =	vmov s15;
	s8 =	smul.f32 s8, s6  }
0x2b0: {  	[tilespmem:s11+$0x14800] =	vst v9;
	v9 =	vadd.f32 v12, v27;
	v12 =	vsub.f32 v14, v15;
	s4 =	smul.f32 s5, s4  }
0x2b1: {  	[tilespmem:s11+$0x14810] =	vst v11;
	v11 =	vsub.f32 v13, v15;
	s10 =	ssub.f32 $1.500000000e+00, s8  }
0x2b2: {  	v8 =	vsub.f32 v8, v15;
	[tilespmem:s11+$0x14820] =	vst v9;
	v9 =	vmul.f32 s4, v12  }
0x2b3: {  	v10 =	vsub.f32 v10, v15;
	v11 =	vmul.f32 s4, v11;
	v12 =	vld [tilespmem:s12+$0x10830];
	s5 =	smul.f32 s10, s6  }
0x2b4: {  	v8 =	vmul.f32 s4, v8;
	v9 =	vmul.f32 v9, v6  }
0x2b5: {  	v10 =	vmul.f32 s4, v10;
	v11 =	vmul.f32 v11, v2;
	s2 =	smul.f32 s5, s2  }
0x2b6: {  	v8 =	vmul.f32 v8, v3;
	v9 =	vadd.f32 v9, v7  }
0x2b7: {  	v10 =	vmul.f32 v10, v0;
	v11 =	vadd.f32 v11, v4;
	s2 =	smul.f32 s2, s5  }
0x2b8: {  	v8 =	vadd.f32 v8, v5;
	v9 =	vadd.f32 v9, v12  }
0x2b9: {  	v10 =	vadd.f32 v10, v1;
	v11 =	vadd.f32 v11, v20;
	s2 =	ssub.f32 $1.500000000e+00, s2  }
0x2ba: {  	v8 =	vadd.f32 v8, v21;
	[tilespmem:s12+$0x14830] =	vst v9;
	v9 =	vmov s18  }
0x2bb: {  	v10 =	vadd.f32 v10, v23;
	[tilespmem:s12+$0x14800] =	vst v11;
	s2 =	smul.f32 s2, s5;
	v11 =	vsub.f32 v39, v9  }
0x2bc: {  	[tilespmem:s12+$0x14810] =	vst v8;
	v8 =	vsub.f32 v17, v9  }
0x2bd: {  	[tilespmem:s12+$0x14820] =	vst v10;
	v10 =	vsub.f32 v32, v9;
	v11 =	vmul.f32 s2, v11  }
0x2be: {  	v9 =	vsub.f32 v37, v9;
	v12 =	vld [tilespmem:s14+$0x10830];
	v8 =	vmul.f32 s2, v8  }
0x2bf: {  	v10 =	vmul.f32 s2, v10;
	v11 =	vmul.f32 v11, v6  }
0x2c0: {  	v9 =	vmul.f32 s2, v9;
	v8 =	vmul.f32 v8, v2  }
0x2c1: {  	v10 =	vmul.f32 v10, v3;
	v11 =	vadd.f32 v11, v7  }
0x2c2: {  	v9 =	vmul.f32 v9, v0;
	v8 =	vadd.f32 v8, v4  }
0x2c3: {  	v10 =	vadd.f32 v10, v5;
	v11 =	vadd.f32 v11, v12  }
0x2c4: {  	v9 =	vadd.f32 v9, v1;
	v8 =	vadd.f32 v8, v18  }
0x2c5: {  	s13 =	rddreg [dreg:$0x8];
	s12 =	sshll.u32 s25, $0xE;
	v10 =	vadd.f32 v10, v24;
	[tilespmem:s14+$0x14830] =	vst v11  }
0x2c6: {  	s2 =	sadd.s32 s13, s12;
	[tilespmem:s14+$0x14800] =	vst v8;
	v8 =	vadd.f32 v9, v29  }
0x2c7: {  	s16 =	simm.s32 $0x14800;
	s2 =	sshrl.u32 s2, $0x3;
	[tilespmem:s14+$0x14810] =	vst v10  }
0x2c8: {  	s15 =	simm.s32 $0x0;
	s11 =	sshll.u32 s25, $0x8;
	s2 =	sadd.s32 s17, s2;
	[tilespmem:s14+$0x14820] =	vst v8  }
0x2c9: {  	[hbm4b:s2+s15] =	stream.linear.scatter [tilespmem:s16], [sflag:$0x5], $0x2000, $0x38;
	[tilespmem:$0x1C880] =	vst v63  }
0x2ca: {  	s19 =	simm.s32 $0xC800;
	s18 =	sadd.s32 $0x100, s11  }
0x2cb: {  	[tilespmem:s19], [sflag:$0x1] =	stream.indirect.gather [hbm4b:s9+s26], $0x40, s18, s26, $0xb8;
	[tilespmem:$0x1C880] =	vst v63  }
0x2cc: {  	s22 =	simm.s32 $0x10800;
	s20 =	sadd.s32 $0x6500, s11  }
0x2cd: {  	[tilespmem:s22], [sflag:$0x3] =	stream.indirect.gather [spmem:s7], $0x40, s20, s26, $0xb8;
	[tilespmem:$0x1C880] =	vst v63  }
0x2ce: {  	_ =	swait.ge [sflag:s31], $0x2000  }
0x2cf: {  	[sflag:s31] =	ssyncset.done $0x0  }
0x2d0: {  	[sflag:s31] =	ssyncadd.s32 $0xFFFFE000  }
0x2d1: {  	_ =	swait.ge [sflag:s3], $0x2000  }
0x2d2: {  	[sflag:s3] =	ssyncset.done $0x0  }
0x2d3: {  	[sflag:s3] =	ssyncadd.s32 $0xFFFFE000  }
0x2d4: {  	_ =	swait.ge [sflag:s23], $0x2000  }
0x2d5: {  	[sflag:s23] =	ssyncset.done $0x0  }
0x2d6: {  	s19 =	simm.s32 $0x0;
	[sflag:s23] =	ssyncadd.s32 $0xFFFFE000  }
0x2d7: {  	v24 =	vld [tilespmem:s19+$0xE800]  }
0x2d8: {  	v29 =	vld [tilespmem:s19+$0xE810];
	_ =	sdelay $0x1  }
0x2d9: {  	v55 =	vld [tilespmem:s19+$0xE820];
	_ =	sdelay $0x1  }
0x2da: {  	v56 =	vld [tilespmem:s19+$0xE830]  }
0x2db: {  	v8 =	vadd.f32 v29, v24  }
0x2dc: {  	v9 =	vmul.f32 v24, v24;
	v10 =	vmul.f32 v29, v29  }
0x2dd: {  	v8 =	vadd.f32 v55, v8  }
0x2de: {  	v9 =	vadd.f32 v10, v9;
	v10 =	vmul.f32 v55, v55  }
0x2df: {  	s18 =	simm.s32 $0x40;
	v8 =	vadd.f32 v56, v8  }
0x2e0: {  	v31 =	vld [tilespmem:s18+$0xE800];
	v9 =	vadd.f32 v10, v9;
	v10 =	vmul.f32 v56, v56  }
0x2e1: {  	v34 =	vld [tilespmem:s18+$0xE810];
	(xrf2) =	vadd.scan.msk.f32 $0xffff, v8  }
0x2e2: {  	v8 =	vadd.f32 v10, v9  }
0x2e3: {  	v27 =	vld [tilespmem:s18+$0xE820]  }
0x2e4: {  	(xrf2) =	vadd.scan.msk.f32 $0xffff, v8  }
0x2e5: {  	v33 =	vld [tilespmem:s18+$0xE830]  }
0x2e6: {  	v8 =	vadd.f32 v34, v31;
	_ =	sdelay $0x1  }
0x2e7: {  	v8 =	vadd.f32 v27, v8  }
0x2e8: {  	v9 =	vmul.f32 v31, v31;
	v10 =	vmul.f32 v34, v34  }
0x2e9: {  	v8 =	vadd.f32 v33, v8  }
0x2ea: {  	v9 =	vadd.f32 v10, v9;
	v10 =	vmul.f32 v27, v27;
	v11, _, _ =	vpop (xrf2)  }
0x2eb: {  	(v2sf) =	vpush v11, $0xF  }
0x2ec: {  	v9 =	vadd.f32 v10, v9;
	v10 =	vmul.f32 v33, v33;
	(xrf2) =	vadd.scan.msk.f32 $0xffff, v8  }
0x2ed: {  	v8, _, _ =	vpop (xrf2)  }
0x2ee: {  	v9 =	vadd.f32 v10, v9;
	(v2sf) =	vpush v8, $0xF  }
0x2ef: {  	s14 =	simm.s32 $0x80  }
0x2f0: {  	v21 =	vld [tilespmem:s14+$0xE800];
	(xrf2) =	vadd.scan.msk.f32 $0xffff, v9  }
0x2f1: {  	v23 =	vld [tilespmem:s14+$0xE810];
	_ =	sdelay $0x1  }
0x2f2: {  	v16 =	vld [tilespmem:s14+$0xE820];
	_ =	sdelay $0x1  }
0x2f3: {  	v25 =	vld [tilespmem:s14+$0xE830]  }
0x2f4: {  	v8 =	vadd.f32 v23, v21;
	v9, _, _ =	vpop (xrf2)  }
0x2f5: {  	(v2sf) =	vpush v9, $0xF  }
0x2f6: {  	v10 =	vmul.f32 v23, v23;
	v8 =	vadd.f32 v16, v8;
	v9 =	vmul.f32 v21, v21;
	_ =	sdelay $0x1  }
0x2f7: {  	s12 =	simm.s32 $0xC0;
	v11 =	vmul.f32 v16, v16;
	v8 =	vadd.f32 v25, v8;
	v12, _, _ =	vpop (xrf2);
	v10 =	vadd.f32 v10, v9;
	s24 =	spop (v2sf)  }
0x2f8: {  	v9 =	vld [tilespmem:s12+$0xE800];
	(v2sf) =	vpush v12, $0xF;
	s22 =	smul.f32 $1.562500000e-02, s24  }
0x2f9: {  	(xrf2) =	vadd.scan.msk.f32 $0xffff, v8;
	v10 =	vadd.f32 v11, v10;
	v11 =	vld [tilespmem:s12+$0xE810];
	v12 =	vmul.f32 v25, v25  }
0x2fa: {  	s4 =	spop (v2sf);
	s5 =	smul.f32 s22, s22  }
0x2fb: {  	v8 =	vadd.f32 v12, v10;
	v12 =	vld [tilespmem:s12+$0xE820];
	s2 =	smul.f32 $1.562500000e-02, s4;
	_ =	sdelay $0x1  }
0x2fc: {  	v18 =	vld [tilespmem:s12+$0xE830];
	s2 =	ssub.f32 s2, s5  }
0x2fd: {  	(xrf2) =	vadd.scan.msk.f32 $0xffff, v8;
	v8 =	vadd.f32 v11, v9  }
0x2fe: {  	s2 =	sadd.f32 $9.999999740e-06, s2  }
0x2ff: {  	v8 =	vadd.f32 v12, v8  }
0x300: {  	s6 =	sshra.s32 s2, $0x1;
	s2 =	smul.f32 $5.000000000e-01, s2  }
0x301: {  	v8 =	vadd.f32 v18, v8;
	s4 =	ssub.s32 $0x5F3759DF, s6  }
0x302: {  	v10, _, _ =	vpop (xrf2);
	s8 =	spop (v2sf);
	s10 =	smul.f32 s4, s2  }
0x303: {  	(v2sf) =	vpush v10, $0xF;
	(xrf2) =	vadd.scan.msk.f32 $0xffff, v8;
	s20 =	smul.f32 $1.562500000e-02, s8  }
0x304: {  	v43 =	vld [tilespmem:s19+$0x12800];
	s15 =	smul.f32 s4, s10  }
0x305: {  	v45 =	vld [tilespmem:s19+$0x12810];
	v14 =	vmul.f32 v9, v9;
	v15 =	vmul.f32 v11, v11;
	s24 =	smul.f32 s20, s20  }
0x306: {  	s13 =	simm.s32 $0x100;
	v44 =	vld [tilespmem:s19+$0x12820];
	s16 =	spop (v2sf);
	s5 =	ssub.f32 $1.500000000e+00, s15  }
0x307: {  	v13 =	vld [tilespmem:s13+$0xE800];
	v15 =	vadd.f32 v15, v14;
	v17 =	vmul.f32 v12, v12;
	v8, _, _ =	vpop (xrf2);
	s6 =	smul.f32 $1.562500000e-02, s16  }
0x308: {  	(v2sf) =	vpush v8, $0xF;
	v8 =	vld [tilespmem:s13+$0xE810];
	s4 =	smul.f32 s4, s5  }
0x309: {  	v41 =	vld [tilespmem:s18+$0x12800];
	v15 =	vadd.f32 v17, v15;
	v17 =	vmul.f32 v18, v18;
	s8 =	ssub.f32 s6, s24  }
0x30a: {  	v10 =	vld [tilespmem:s13+$0xE820];
	s10 =	smul.f32 s4, s2  }
0x30b: {  	v40 =	vld [tilespmem:s18+$0x12810];
	v15 =	vadd.f32 v17, v15;
	s5 =	sadd.f32 $9.999999740e-06, s8  }
0x30c: {  	v14 =	vld [tilespmem:s13+$0xE830];
	s6 =	smul.f32 s10, s4  }
0x30d: {  	v42 =	vld [tilespmem:s18+$0x12820];
	v19 =	vadd.f32 v8, v13;
	v20, _, _ =	vpop (xrf2);
	(xrf2) =	vadd.scan.msk.f32 $0xffff, v15;
	s15 =	sshra.s32 s5, $0x1;
	s24 =	smul.f32 $5.000000000e-01, s5  }
0x30e: {  	v35 =	vld [tilespmem:s14+$0x12800];
	s16 =	ssub.f32 $1.500000000e+00, s6;
	s6 =	ssub.s32 $0x5F3759DF, s15  }
0x30f: {  	v38 =	vld [tilespmem:s14+$0x12810];
	v19 =	vadd.f32 v10, v19;
	(v2sf) =	vpush v20, $0xF;
	s8 =	smul.f32 s6, s24  }
0x310: {  	v36 =	vld [tilespmem:s14+$0x12820];
	s4 =	smul.f32 s16, s4  }
0x311: {  	v30 =	vld [tilespmem:s12+$0x12800];
	v17 =	vadd.f32 v14, v19;
	s10 =	smul.f32 s6, s8  }
0x312: {  	v28 =	vld [tilespmem:s12+$0x12810];
	s16 =	spop (v2sf);
	s2 =	smul.f32 s4, s2  }
0x313: {  	v26 =	vld [tilespmem:s12+$0x12820];
	(xrf2) =	vadd.scan.msk.f32 $0xffff, v17;
	s15 =	smul.f32 $1.562500000e-02, s16  }
0x314: {  	v22 =	vmul.f32 v8, v8;
	v15 =	vmul.f32 v13, v13;
	v20 =	vld [tilespmem:s13+$0x12810];
	s16 =	simm.s32 $0x140;
	s2 =	smul.f32 s2, s4  }
0x315: {  	v17 =	vld [tilespmem:s16+$0xE800];
	s5 =	ssub.f32 $1.500000000e+00, s10  }
0x316: {  	v58 =	vmov s22;
	v15 =	vadd.f32 v22, v15;
	v22 =	vmul.f32 v10, v10;
	v32 =	vld [tilespmem:s16+$0xE810];
	s2 =	ssub.f32 $1.500000000e+00, s2  }
0x317: {  	v46 =	vsub.f32 v56, v58;
	v61 =	vsub.f32 v29, v58;
	v19 =	vld [tilespmem:s13+$0x12800];
	s28 =	smul.f32 s6, s5;
	v29, _, _ =	vpop (xrf2)  }
0x318: {  	v57 =	vmul.f32 v14, v14;
	v15 =	vadd.f32 v22, v15;
	v37 =	vld [tilespmem:s16+$0xE820];
	(v2sf) =	vpush v29, $0xF;
	s2 =	smul.f32 s2, s4  }
0x319: {  	v22 =	vld [tilespmem:s13+$0x12820];
	s10 =	spop (v2sf);
	s6 =	smul.f32 s15, s15  }
0x31a: {  	v59 =	vadd.f32 v57, v15;
	v15 =	vld [tilespmem:s16+$0x12800];
	s10 =	smul.f32 $1.562500000e-02, s10;
	v46 =	vmul.f32 s2, v46  }
0x31b: {  	v60 =	vsub.f32 v24, v58;
	v24 =	vld [tilespmem:s16+$0x12810];
	s22 =	smul.f32 s28, s24;
	v62 =	vadd.f32 v32, v17  }
0x31c: {  	v47 =	vsub.f32 v55, v58;
	v39 =	vld [tilespmem:s16+$0xE830];
	(xrf2) =	vadd.scan.msk.f32 $0xffff, v59;
	s6 =	ssub.f32 s10, s6  }
0x31d: {  	v29 =	vld [tilespmem:s16+$0x12820];
	s5 =	smul.f32 s22, s28;
	v52 =	vadd.f32 v37, v62;
	v49 =	vmul.f32 s2, v60;
	v50 =	vmul.f32 s2, v61;
	v63, _, _ =	vpop (xrf2)  }
0x31e: {  	s22 =	simm.s32 $0x600;
	v48 =	vmul.f32 s2, v47;
	v47 =	vld [tilespmem:s19+$0x12830];
	s30 =	sadd.f32 $9.999999740e-06, s6;
	(v2sf) =	vpush v63, $0xF;
	s29 =	spop (v2sf);
	v51 =	vmul.f32 v46, v6;
	v46 =	vmovc v17  }
.LBB2_11:
0x31f: {  	s29 =	smul.f32 $1.562500000e-02, s29;
	s2 =	ssub.f32 $1.500000000e+00, s5  }
0x320: {  	v49 =	vmul.f32 v49, v2;
	v50 =	vmul.f32 v50, v3;
	v53 =	vmovc v8;
	v8 =	vmovc v32;
	v54 =	vmov v27;
	s6 =	smul.f32 $5.000000000e-01, s30  }
0x321: {  	p0 =	sne.s32 s22, $0x7F00;
	v27 =	vmovc v16;
	v16 =	vmovc v12;
	v12 =	vmov v10;
	v10 =	vmov v37;
	v55 =	vmov v33;
	s4 =	sshra.s32 s30, $0x1;
	s5 =	smul.f32 s2, s28  }
0x322: {  	v48 =	vmul.f32 v48, v0;
	v33 =	vmovc v25;
	v52 =	vadd.f32 v39, v52;
	v51 =	vadd.f32 v51, v7;
	s4 =	ssub.s32 $0x5F3759DF, s4;
	s10 =	smul.f32 s29, s29  }
0x323: {  	v46 =	vmul.f32 v46, v17;
	v25 =	vmovc v18;
	v32 =	vmul.f32 v32, v8;
	v49 =	vadd.f32 v49, v4;
	s2 =	smul.f32 s4, s6  }
0x324: {  	v18 =	vmovc v14;
	v14 =	vmov v39;
	v50 =	vadd.f32 v50, v5;
	(xrf2) =	vadd.scan.msk.f32 $0xffff, v52;
	v47 =	vadd.f32 v51, v47;
	s8 =	smul.f32 s5, s24  }
0x325: {  	v37 =	vmul.f32 v37, v10;
	v48 =	vadd.f32 v48, v1;
	v32 =	vadd.f32 v32, v46;
	s24 =	smov.u32 s6;
	s2 =	smul.f32 s4, s2  }
0x326: {  	s30 =	sshra.s32 s22, $0x2;
	v49 =	vadd.f32 v49, v43;
	v50 =	vadd.f32 v50, v45;
	v43 =	vmov v41;
	v51, _, _ =	vpop (xrf2);
	[tilespmem:s19+$0x16830] =	vst v47;
	s8 =	smul.f32 s8, s5  }
0x327: {  	v39 =	vmul.f32 v39, v14;
	v41 =	vmovc v35;
	v35 =	vmovc v30;
	v37 =	vadd.f32 v37, v32;
	v46 =	vld [tilespmem:s30+$0xE800];
	(v2sf) =	vpush v51, $0xF;
	s6 =	spop (v2sf);
	s2 =	ssub.f32 $1.500000000e+00, s2  }
0x328: {  	v30 =	vmovc v19;
	v19 =	vmovc v15;
	v45 =	vmov v40;
	v40 =	vmov v38;
	v47 =	vadd.f32 v48, v44;
	v32 =	vld [tilespmem:s30+$0xE810];
	[tilespmem:s19+$0x16800] =	vst v49;
	s6 =	smul.f32 $1.562500000e-02, s6;
	s8 =	ssub.f32 $1.500000000e+00, s8  }
0x329: {  	v38 =	vmovc v28;
	v28 =	vmovc v20;
	v20 =	vmov v24;
	v44 =	vmov v42;
	v39 =	vadd.f32 v39, v37;
	v15 =	vld [tilespmem:s30+$0x12800];
	[tilespmem:s19+$0x16810] =	vst v50;
	s28 =	smul.f32 s4, s2  }
0x32a: {  	v48 =	vmov s20;
	v42 =	vmovc v36;
	v36 =	vmovc v26;
	v26 =	vmov v22;
	v22 =	vmov v29;
	s20 =	smov.u32 s15;
	s15 =	smov.u32 s29;
	v37 =	vld [tilespmem:s30+$0xE820];
	[tilespmem:s19+$0x16820] =	vst v47;
	s2 =	smul.f32 s8, s5  }
.Ltmp4:
0x32b: {  	v50 =	vsub.f32 v55, v48;
	v47 =	vsub.f32 v31, v48;
	v24 =	vld [tilespmem:s30+$0x12810];
	(xrf2) =	vadd.scan.msk.f32 $0xffff, v39;
	(pc) =	sbr.rel @p0 .LBB2_11-.Ltmp4, $4  }
0x32c: {  	v52 =	vsub.f32 v34, v48;
	v48 =	vsub.f32 v54, v48;
	v31 =	vmovc v21;
	v21 =	vmovc v9;
	v9 =	vmov v13;
	s19 =	smov.u32 s18;
	s18 =	smov.u32 s14;
	v39 =	vld [tilespmem:s30+$0xE830];
	s4 =	smul.f32 s28, s24  }
0x32d: {  	s6 =	ssub.f32 s6, s10;
	v13 =	vmovc v17;
	s14 =	smov.u32 s12;
	s12 =	smov.u32 s13;
	v17 =	vmovc v46;
	v51 =	vadd.f32 v32, v46;
	v29 =	vld [tilespmem:s30+$0x12820];
	v49 =	vmul.f32 s2, v47;
	v54 =	vmul.f32 s2, v50  }
0x32e: {  	v34 =	vmov v23;
	s13 =	smov.u32 s16;
	s16 =	smov.u32 s30;
	v50 =	vmul.f32 s2, v52;
	v48 =	vmul.f32 s2, v48;
	v55, _, _ =	vpop (xrf2);
	s5 =	smul.f32 s4, s28;
	v47 =	vld [tilespmem:s19+$0x12830]  }
0x32f: {  	s22 =	sadd.s32 $0x100, s22;
	v23 =	vmovc v11;
	v11 =	vmovc v53;
	s30 =	sadd.f32 $9.999999740e-06, s6;
	v52 =	vadd.f32 v37, v51;
	(v2sf) =	vpush v55, $0xF;
	s29 =	spop (v2sf);
	v51 =	vmul.f32 v54, v6  }
0x330: {  	s22 =	smul.f32 $1.562500000e-02, s29;
	s5 =	ssub.f32 $1.500000000e+00, s5  }
0x331: {  	v52 =	vadd.f32 v39, v52;
	s2 =	sshra.s32 s30, $0x1;
	s4 =	smul.f32 $5.000000000e-01, s30  }
0x332: {  	v46 =	vmul.f32 v46, v17;
	v53 =	vmul.f32 v32, v32;
	s2 =	ssub.s32 $0x5F3759DF, s2;
	s5 =	smul.f32 s5, s28  }
0x333: {  	(xrf2) =	vadd.scan.msk.f32 $0xffff, v52;
	s6 =	smul.f32 s2, s4  }
0x334: {  	v63 =	vmul.f32 v37, v37;
	v46 =	vadd.f32 v53, v46;
	s29 =	smul.f32 s22, s22  }
0x335: {  	s6 =	smul.f32 s2, s6;
	v57, _, _ =	vpop (xrf2)  }
0x336: {  	v56 =	vmul.f32 v39, v39;
	v46 =	vadd.f32 v63, v46;
	s8 =	smul.f32 s5, s24;
	s10 =	spop (v2sf);
	(v2sf) =	vpush v57, $0xF  }
0x337: {  	s6 =	ssub.f32 $1.500000000e+00, s6;
	s10 =	smul.f32 $1.562500000e-02, s10  }
0x338: {  	v46 =	vadd.f32 v56, v46;
	s30 =	smul.f32 s8, s5  }
0x339: {  	s2 =	smul.f32 s2, s6;
	s28 =	ssub.f32 s10, s29  }
0x33a: {  	(xrf2) =	vadd.scan.msk.f32 $0xffff, v46;
	s6 =	ssub.f32 $1.500000000e+00, s30  }
0x33b: {  	s29 =	smul.f32 s2, s4;
	s8 =	sadd.f32 $9.999999740e-06, s28  }
0x33c: {  	s5 =	smul.f32 s6, s5  }
0x33d: {  	v58, _, _ =	vpop (xrf2);
	s30 =	sshra.s32 s8, $0x1;
	s28 =	smul.f32 $5.000000000e-01, s8  }
0x33e: {  	s10 =	smul.f32 s29, s2;
	(v2sf) =	vpush v58, $0xF;
	s8 =	ssub.s32 $0x5F3759DF, s30  }
0x33f: {  	s24 =	spop (v2sf);
	s29 =	smul.f32 s8, s28  }
0x340: {  	v60 =	vmul.f32 v50, v3;
	s10 =	ssub.f32 $1.500000000e+00, s10;
	s24 =	smul.f32 $1.562500000e-02, s24  }
0x341: {  	v48 =	vmul.f32 v48, v0;
	s30 =	smul.f32 s8, s29  }
0x342: {  	v59 =	vmul.f32 v49, v2;
	v61 =	vadd.f32 v51, v7;
	v49 =	vadd.f32 v60, v5;
	s2 =	smul.f32 s10, s2  }
0x343: {  	v48 =	vadd.f32 v48, v1;
	s10 =	smul.f32 s24, s24;
	s6 =	ssub.f32 $1.500000000e+00, s30  }
0x344: {  	v47 =	vadd.f32 v61, v47;
	v45 =	vadd.f32 v49, v45;
	v62, _, _ =	vpop (xrf2);
	s4 =	smul.f32 s2, s4  }
0x345: {  	v46 =	vadd.f32 v59, v4;
	(v2sf) =	vpush v62, $0xF;
	s6 =	smul.f32 s8, s6;
	s29 =	spop (v2sf)  }
0x346: {  	v63 =	vmov s20;
	[tilespmem:s19+$0x16830] =	vst v47;
	v47 =	vadd.f32 v48, v44;
	s8 =	smul.f32 $1.562500000e-02, s29  }
0x347: {  	v33 =	vsub.f32 v33, v63;
	[tilespmem:s19+$0x16810] =	vst v45;
	v43 =	vadd.f32 v46, v43;
	s30 =	smul.f32 s6, s28  }
0x348: {  	v31 =	vsub.f32 v31, v63;
	[tilespmem:s19+$0x16820] =	vst v47;
	s4 =	smul.f32 s4, s2  }
0x349: {  	v34 =	vsub.f32 v34, v63;
	[tilespmem:s19+$0x16800] =	vst v43;
	v33 =	vmul.f32 s5, v33;
	s8 =	ssub.f32 s8, s10;
	s10 =	smul.f32 s30, s6  }
0x34a: {  	v27 =	vsub.f32 v27, v63;
	v31 =	vmul.f32 s5, v31;
	v43 =	vld [tilespmem:s18+$0x12830];
	s4 =	ssub.f32 $1.500000000e+00, s4  }
0x34b: {  	v34 =	vmul.f32 s5, v34;
	v33 =	vmul.f32 v33, v6;
	s29 =	ssub.f32 $1.500000000e+00, s10  }
0x34c: {  	v27 =	vmul.f32 s5, v27;
	v31 =	vmul.f32 v31, v2;
	s2 =	smul.f32 s4, s2;
	s4 =	sadd.f32 $9.999999740e-06, s8  }
0x34d: {  	v34 =	vmul.f32 v34, v3;
	v33 =	vadd.f32 v33, v7;
	s20 =	spop (v2sf);
	s5 =	smul.f32 s29, s6  }
0x34e: {  	v27 =	vmul.f32 v27, v0;
	v31 =	vadd.f32 v31, v4;
	s19 =	smul.f32 $1.562500000e-02, s20  }
0x34f: {  	v34 =	vadd.f32 v34, v5;
	v33 =	vadd.f32 v33, v43;
	s30 =	sshra.s32 s4, $0x1;
	s20 =	smul.f32 $5.000000000e-01, s4  }
0x350: {  	v27 =	vadd.f32 v27, v1;
	v31 =	vadd.f32 v31, v41;
	s4 =	ssub.s32 $0x5F3759DF, s30;
	s28 =	smul.f32 s5, s28  }
0x351: {  	v48 =	vmov s15;
	v34 =	vadd.f32 v34, v40;
	[tilespmem:s18+$0x16830] =	vst v33;
	s8 =	smul.f32 s4, s20  }
0x352: {  	v25 =	vsub.f32 v25, v48;
	v27 =	vadd.f32 v27, v42;
	[tilespmem:s18+$0x16800] =	vst v31;
	s30 =	smul.f32 s19, s19  }
0x353: {  	v21 =	vsub.f32 v21, v48;
	[tilespmem:s18+$0x16810] =	vst v34;
	s6 =	smul.f32 s4, s8  }
0x354: {  	v23 =	vsub.f32 v23, v48;
	[tilespmem:s18+$0x16820] =	vst v27;
	v25 =	vmul.f32 s2, v25;
	s29 =	spop (v2sf);
	s8 =	smul.f32 s28, s5  }
0x355: {  	v16 =	vsub.f32 v16, v48;
	v27 =	vld [tilespmem:s14+$0x12830];
	v21 =	vmul.f32 s2, v21;
	s10 =	smul.f32 $1.562500000e-02, s29;
	s6 =	ssub.f32 $1.500000000e+00, s6  }
0x356: {  	v23 =	vmul.f32 s2, v23;
	v25 =	vmul.f32 v25, v6;
	s18 =	ssub.f32 $1.500000000e+00, s8  }
0x357: {  	v16 =	vmul.f32 s2, v16;
	v21 =	vmul.f32 v21, v2;
	s10 =	ssub.f32 s10, s30  }
0x358: {  	v23 =	vmul.f32 v23, v3;
	v25 =	vadd.f32 v25, v7;
	s4 =	smul.f32 s4, s6  }
0x359: {  	v16 =	vmul.f32 v16, v0;
	v21 =	vadd.f32 v21, v4;
	s2 =	smul.f32 s18, s5;
	s28 =	sadd.f32 $9.999999740e-06, s10  }
0x35a: {  	v23 =	vadd.f32 v23, v5;
	v25 =	vadd.f32 v25, v27;
	s6 =	smul.f32 s4, s20  }
0x35b: {  	v16 =	vadd.f32 v16, v1;
	v21 =	vadd.f32 v21, v35;
	s29 =	sshra.s32 s28, $0x1;
	s5 =	smul.f32 $5.000000000e-01, s28  }
0x35c: {  	v49 =	vmov s22;
	v23 =	vadd.f32 v23, v38;
	[tilespmem:s14+$0x16830] =	vst v25;
	s6 =	smul.f32 s6, s4;
	s8 =	ssub.s32 $0x5F3759DF, s29  }
0x35d: {  	v18 =	vsub.f32 v18, v49;
	v16 =	vadd.f32 v16, v36;
	[tilespmem:s14+$0x16800] =	vst v21;
	s30 =	smul.f32 s8, s5  }
0x35e: {  	v9 =	vsub.f32 v9, v49;
	[tilespmem:s14+$0x16810] =	vst v23;
	s6 =	ssub.f32 $1.500000000e+00, s6  }
0x35f: {  	v11 =	vsub.f32 v11, v49;
	[tilespmem:s14+$0x16820] =	vst v16;
	v50 =	vmul.f32 s2, v18;
	s10 =	smul.f32 s8, s30  }
0x360: {  	v12 =	vsub.f32 v12, v49;
	v51 =	vld [tilespmem:s12+$0x12830];
	v9 =	vmul.f32 s2, v9;
	s4 =	smul.f32 s6, s4  }
0x361: {  	v11 =	vmul.f32 s2, v11;
	v16 =	vmul.f32 v50, v6;
	s10 =	ssub.f32 $1.500000000e+00, s10  }
0x362: {  	v12 =	vmul.f32 s2, v12;
	v9 =	vmul.f32 v9, v2;
	s14 =	smul.f32 s4, s20  }
0x363: {  	v11 =	vmul.f32 v11, v3;
	v16 =	vadd.f32 v16, v7;
	s6 =	smul.f32 s8, s10  }
0x364: {  	v12 =	vmul.f32 v12, v0;
	v9 =	vadd.f32 v9, v4;
	s2 =	smul.f32 s14, s4  }
0x365: {  	v11 =	vadd.f32 v11, v5;
	v16 =	vadd.f32 v16, v51;
	s8 =	smul.f32 s6, s5  }
0x366: {  	v12 =	vadd.f32 v12, v1;
	v9 =	vadd.f32 v9, v30;
	s2 =	ssub.f32 $1.500000000e+00, s2  }
0x367: {  	v52 =	vmov s24;
	v11 =	vadd.f32 v11, v28;
	[tilespmem:s12+$0x16830] =	vst v16;
	s8 =	smul.f32 s8, s6  }
0x368: {  	v54 =	vsub.f32 v14, v52;
	v53 =	vadd.f32 v12, v26;
	[tilespmem:s12+$0x16800] =	vst v9;
	s2 =	smul.f32 s2, s4  }
0x369: {  	v55 =	vsub.f32 v13, v52;
	[tilespmem:s12+$0x16810] =	vst v11;
	s15 =	ssub.f32 $1.500000000e+00, s8  }
0x36a: {  	v8 =	vsub.f32 v8, v52;
	[tilespmem:s12+$0x16820] =	vst v53;
	v56 =	vmul.f32 s2, v54  }
0x36b: {  	v10 =	vsub.f32 v10, v52;
	v57 =	vld [tilespmem:s13+$0x12830];
	v11 =	vmul.f32 s2, v55;
	s4 =	smul.f32 s15, s6  }
0x36c: {  	v8 =	vmul.f32 s2, v8;
	v9 =	vmul.f32 v56, v6  }
0x36d: {  	v10 =	vmul.f32 s2, v10;
	v11 =	vmul.f32 v11, v2;
	s18 =	smul.f32 s4, s5  }
0x36e: {  	v8 =	vmul.f32 v8, v3;
	v9 =	vadd.f32 v9, v7  }
0x36f: {  	v10 =	vmul.f32 v10, v0;
	v11 =	vadd.f32 v11, v4;
	s2 =	smul.f32 s18, s4  }
0x370: {  	v8 =	vadd.f32 v8, v5;
	v9 =	vadd.f32 v9, v57  }
0x371: {  	v10 =	vadd.f32 v10, v1;
	v11 =	vadd.f32 v11, v19;
	s2 =	ssub.f32 $1.500000000e+00, s2  }
0x372: {  	v58 =	vmov s19;
	v8 =	vadd.f32 v8, v20;
	[tilespmem:s13+$0x16830] =	vst v9  }
0x373: {  	v60 =	vsub.f32 v39, v58;
	v59 =	vadd.f32 v10, v22;
	[tilespmem:s13+$0x16800] =	vst v11;
	s2 =	smul.f32 s2, s4  }
0x374: {  	[tilespmem:s13+$0x16810] =	vst v8;
	v8 =	vsub.f32 v17, v58  }
0x375: {  	v61 =	vsub.f32 v32, v58;
	[tilespmem:s13+$0x16820] =	vst v59;
	v10 =	vmul.f32 s2, v60  }
0x376: {  	v62 =	vsub.f32 v37, v58;
	v63 =	vld [tilespmem:s16+$0x12830];
	v8 =	vmul.f32 s2, v8  }
0x377: {  	v9 =	vmul.f32 s2, v61;
	v10 =	vmul.f32 v10, v6  }
0x378: {  	v11 =	vmul.f32 s2, v62;
	v8 =	vmul.f32 v8, v2  }
0x379: {  	v9 =	vmul.f32 v9, v3;
	v10 =	vadd.f32 v10, v7  }
0x37a: {  	v11 =	vmul.f32 v11, v0;
	v8 =	vadd.f32 v8, v4  }
0x37b: {  	v9 =	vadd.f32 v9, v5;
	v10 =	vadd.f32 v10, v63  }
0x37c: {  	s19 =	rddreg [dreg:$0xf];
	v11 =	vadd.f32 v11, v1;
	v8 =	vadd.f32 v8, v15  }
0x37d: {  	s2 =	sadd.s32 s11, s19;
	v9 =	vadd.f32 v9, v24;
	[tilespmem:s16+$0x16830] =	vst v10  }
0x37e: {  	s25 =	sadd.s32 $0x1, s25;
	s2 =	sshll.u32 s2, $0x3;
	[tilespmem:s16+$0x16800] =	vst v8;
	v8 =	vadd.f32 v11, v29  }
0x37f: {  	p0 =	sne.s32 s25, $0x63;
	s2 =	sand.u32 $0x1FFFFC00, s2;
	[tilespmem:s16+$0x16810] =	vst v9  }
0x380: {  	s22 =	simm.s32 $0x16800;
	s20 =	simm.s32 $0x0;
	s2 =	sadd.s32 s17, s2;
	[tilespmem:s16+$0x16820] =	vst v8  }
0x381: {  	[hbm4b:s2+s20] =	stream.linear.scatter [tilespmem:s22], [sflag:$0x6], $0x2000, $0x38;
	[tilespmem:$0x1C880] =	vst v63  }
.Ltmp5:
0x382: {  	_ = 	snop;
	(pc) =	sbr.rel @p0 .LBB2_8-.Ltmp5, $4  }
0x383: {  	s24 =	sadd.s32 $0x180, s11;
	s28 =	simm.s32 $0xE800  }
0x384: {  	[tilespmem:s28], [sflag:$0x2] =	stream.indirect.gather [hbm4b:s9+s26], $0x40, s24, s26, $0xb8;
	[tilespmem:$0x1C880] =	vst v63  }
0x385: {  	s29 =	sadd.s32 $0x6580, s11;
	s30 =	simm.s32 $0x12800  }
0x386: {  	[tilespmem:s30], [sflag:$0x4] =	stream.indirect.gather [spmem:s7], $0x40, s29, s26, $0xb8;
	[tilespmem:$0x1C880] =	vst v63  }
0x387: {  	_ =	swait.ge [sflag:s0], $0x2000  }
0x388: {  	[sflag:s0] =	ssyncset.done $0x0  }
0x389: {  	[sflag:s0] =	ssyncadd.s32 $0xFFFFE000  }
0x38a: {  	_ =	swait.ge [sflag:s1], $0x2000  }
0x38b: {  	[sflag:s1] =	ssyncset.done $0x0  }
0x38c: {  	[sflag:s1] =	ssyncadd.s32 $0xFFFFE000  }
0x38d: {  	_ =	swait.ge [sflag:s21], $0x2000  }
0x38e: {  	[sflag:s21] =	ssyncset.done $0x0  }
0x38f: {  	s18 =	simm.s32 $0x0;
	[sflag:s21] =	ssyncadd.s32 $0xFFFFE000  }
0x390: {  	v24 =	vld [tilespmem:s18+$0xC800]  }
0x391: {  	v29 =	vld [tilespmem:s18+$0xC810];
	_ =	sdelay $0x1  }
0x392: {  	v39 =	vld [tilespmem:s18+$0xC820];
	_ =	sdelay $0x1  }
0x393: {  	v46 =	vld [tilespmem:s18+$0xC830]  }
0x394: {  	v8 =	vadd.f32 v29, v24  }
0x395: {  	v9 =	vmul.f32 v24, v24;
	v10 =	vmul.f32 v29, v29  }
0x396: {  	v8 =	vadd.f32 v39, v8  }
0x397: {  	v9 =	vadd.f32 v10, v9;
	v10 =	vmul.f32 v39, v39  }
0x398: {  	v8 =	vadd.f32 v46, v8  }
0x399: {  	v9 =	vadd.f32 v10, v9;
	v10 =	vmul.f32 v46, v46  }
0x39a: {  	(xrf2) =	vadd.scan.msk.f32 $0xffff, v8  }
0x39b: {  	v8 =	vadd.f32 v10, v9;
	_ =	sdelay $0x1  }
0x39c: {  	s16 =	simm.s32 $0x40;
	(xrf2) =	vadd.scan.msk.f32 $0xffff, v8  }
0x39d: {  	v34 =	vld [tilespmem:s16+$0xC810]  }
0x39e: {  	v31 =	vld [tilespmem:s16+$0xC800];
	_ =	sdelay $0x1  }
0x39f: {  	v26 =	vld [tilespmem:s16+$0xC820];
	_ =	sdelay $0x1  }
0x3a0: {  	v33 =	vld [tilespmem:s16+$0xC830];
	v11 =	vmul.f32 v34, v34  }
0x3a1: {  	v8 =	vadd.f32 v34, v31;
	v9, _, _ =	vpop (xrf2)  }
0x3a2: {  	s13 =	simm.s32 $0x80;
	v10 =	vmul.f32 v31, v31;
	(v2sf) =	vpush v9, $0xF  }
0x3a3: {  	v15 =	vld [tilespmem:s13+$0xC800];
	v8 =	vadd.f32 v26, v8  }
0x3a4: {  	v22 =	vld [tilespmem:s13+$0xC810];
	v9 =	vadd.f32 v11, v10;
	v11, _, _ =	vpop (xrf2)  }
0x3a5: {  	v8 =	vadd.f32 v33, v8;
	v10 =	vmul.f32 v26, v26;
	(v2sf) =	vpush v11, $0xF  }
0x3a6: {  	v16 =	vld [tilespmem:s13+$0xC820]  }
0x3a7: {  	(xrf2) =	vadd.scan.msk.f32 $0xffff, v8;
	v8 =	vadd.f32 v10, v9;
	v9 =	vmul.f32 v33, v33  }
0x3a8: {  	v25 =	vld [tilespmem:s13+$0xC830]  }
0x3a9: {  	v8 =	vadd.f32 v9, v8;
	v9 =	vadd.f32 v22, v15;
	_ =	sdelay $0x1  }
0x3aa: {  	(xrf2) =	vadd.scan.msk.f32 $0xffff, v8;
	v8 =	vadd.f32 v16, v9;
	_ =	sdelay $0x1  }
0x3ab: {  	v8 =	vadd.f32 v25, v8;
	_ =	sdelay $0x1  }
0x3ac: {  	(xrf2) =	vadd.scan.msk.f32 $0xffff, v8  }
0x3ad: {  	v10 =	vmul.f32 v22, v22;
	v9 =	vmul.f32 v15, v15  }
0x3ae: {  	v8, _, _ =	vpop (xrf2);
	s2 =	spop (v2sf)  }
0x3af: {  	s11 =	simm.s32 $0xC0;
	v11 =	vmul.f32 v16, v16;
	v10 =	vadd.f32 v10, v9;
	(v2sf) =	vpush v8, $0xF;
	s22 =	smul.f32 $1.562500000e-02, s2  }
0x3b0: {  	v9 =	vld [tilespmem:s11+$0xC800]  }
0x3b1: {  	v8 =	vadd.f32 v11, v10;
	v10 =	vmul.f32 v25, v25;
	v11 =	vld [tilespmem:s11+$0xC810];
	s12 =	spop (v2sf);
	s4 =	smul.f32 s22, s22  }
0x3b2: {  	v12, _, _ =	vpop (xrf2);
	s2 =	smul.f32 $1.562500000e-02, s12  }
0x3b3: {  	v8 =	vadd.f32 v10, v8;
	(v2sf) =	vpush v12, $0xF;
	v12 =	vld [tilespmem:s11+$0xC820]  }
0x3b4: {  	s2 =	ssub.f32 s2, s4  }
0x3b5: {  	v19 =	vld [tilespmem:s11+$0xC830];
	(xrf2) =	vadd.scan.msk.f32 $0xffff, v8  }
0x3b6: {  	v8 =	vadd.f32 v11, v9;
	v10, _, _ =	vpop (xrf2);
	s2 =	sadd.f32 $9.999999740e-06, s2  }
0x3b7: {  	(v2sf) =	vpush v10, $0xF  }
0x3b8: {  	v8 =	vadd.f32 v12, v8;
	s14 =	sshra.s32 s2, $0x1;
	s2 =	smul.f32 $5.000000000e-01, s2  }
0x3b9: {  	s4 =	ssub.s32 $0x5F3759DF, s14  }
0x3ba: {  	v8 =	vadd.f32 v19, v8;
	s5 =	smul.f32 s4, s2;
	_ =	sdelay $0x1  }
0x3bb: {  	v43 =	vld [tilespmem:s18+$0x10800];
	(xrf2) =	vadd.scan.msk.f32 $0xffff, v8;
	s5 =	smul.f32 s4, s5  }
0x3bc: {  	v45 =	vld [tilespmem:s18+$0x10810];
	v14 =	vmul.f32 v9, v9;
	v17 =	vmul.f32 v11, v11  }
0x3bd: {  	v44 =	vld [tilespmem:s18+$0x10820];
	s12 =	simm.s32 $0x100;
	s6 =	spop (v2sf);
	s5 =	ssub.f32 $1.500000000e+00, s5  }
0x3be: {  	v13 =	vld [tilespmem:s12+$0xC800];
	v17 =	vadd.f32 v17, v14;
	v18 =	vmul.f32 v12, v12;
	v8, _, _ =	vpop (xrf2);
	s20 =	smul.f32 $1.562500000e-02, s6  }
0x3bf: {  	(v2sf) =	vpush v8, $0xF;
	v8 =	vld [tilespmem:s12+$0xC810];
	s4 =	smul.f32 s4, s5  }
0x3c0: {  	v41 =	vld [tilespmem:s16+$0x10800];
	v17 =	vadd.f32 v18, v17;
	v18 =	vmul.f32 v19, v19;
	s6 =	smul.f32 s20, s20  }
0x3c1: {  	v10 =	vld [tilespmem:s12+$0xC820];
	s8 =	spop (v2sf);
	s19 =	smul.f32 s4, s2  }
0x3c2: {  	v40 =	vld [tilespmem:s16+$0x10810];
	v17 =	vadd.f32 v18, v17;
	s15 =	smul.f32 $1.562500000e-02, s8  }
0x3c3: {  	v14 =	vld [tilespmem:s12+$0xC830];
	s24 =	smul.f32 s19, s4  }
0x3c4: {  	v42 =	vld [tilespmem:s16+$0x10820];
	(xrf2) =	vadd.scan.msk.f32 $0xffff, v17;
	v20 =	vadd.f32 v8, v13;
	s5 =	ssub.f32 s15, s6  }
0x3c5: {  	v35 =	vld [tilespmem:s13+$0x10800];
	v21, _, _ =	vpop (xrf2);
	s25 =	spop (v2sf);
	s6 =	ssub.f32 $1.500000000e+00, s24  }
0x3c6: {  	v38 =	vld [tilespmem:s13+$0x10810];
	v20 =	vadd.f32 v10, v20;
	(v2sf) =	vpush v21, $0xF;
	s5 =	sadd.f32 $9.999999740e-06, s5;
	s19 =	smul.f32 $1.562500000e-02, s25  }
0x3c7: {  	v36 =	vld [tilespmem:s13+$0x10820];
	s4 =	smul.f32 s6, s4  }
0x3c8: {  	v30 =	vld [tilespmem:s11+$0x10800];
	v18 =	vadd.f32 v14, v20;
	s29 =	sshra.s32 s5, $0x1;
	s15 =	smul.f32 $5.000000000e-01, s5  }
0x3c9: {  	v28 =	vld [tilespmem:s11+$0x10810];
	v17 =	vmul.f32 v13, v13;
	v23 =	vmul.f32 v8, v8;
	s30 =	ssub.s32 $0x5F3759DF, s29;
	s2 =	smul.f32 s4, s2  }
0x3ca: {  	v27 =	vld [tilespmem:s11+$0x10820];
	s14 =	simm.s32 $0x140;
	(xrf2) =	vadd.scan.msk.f32 $0xffff, v18;
	s24 =	smul.f32 s30, s15  }
0x3cb: {  	v48 =	vmov s22;
	v32 =	vld [tilespmem:s14+$0xC810];
	v18 =	vadd.f32 v23, v17;
	v23 =	vmul.f32 v10, v10;
	s2 =	smul.f32 s2, s4  }
0x3cc: {  	v49 =	vsub.f32 v24, v48;
	v24 =	vld [tilespmem:s14+$0x10810];
	s6 =	smul.f32 s30, s24  }
0x3cd: {  	v46 =	vsub.f32 v46, v48;
	v37 =	vmul.f32 v14, v14;
	v17 =	vld [tilespmem:s14+$0xC800];
	v18 =	vadd.f32 v23, v18;
	s2 =	ssub.f32 $1.500000000e+00, s2  }
0x3ce: {  	v50 =	vsub.f32 v29, v48;
	v51 =	vsub.f32 v39, v48;
	v39 =	vld [tilespmem:s14+$0xC830];
	v29, _, _ =	vpop (xrf2);
	s10 =	smul.f32 s19, s19;
	s6 =	ssub.f32 $1.500000000e+00, s6  }
0x3cf: {  	(v2sf) =	vpush v29, $0xF;
	v47 =	vadd.f32 v37, v18;
	v37 =	vld [tilespmem:s14+$0xC820];
	s2 =	smul.f32 s2, s4  }
0x3d0: {  	v21 =	vld [tilespmem:s12+$0x10810];
	s25 =	spop (v2sf);
	s24 =	smul.f32 s30, s6  }
0x3d1: {  	v20 =	vld [tilespmem:s12+$0x10800];
	s8 =	smul.f32 $1.562500000e-02, s25;
	v46 =	vmul.f32 s2, v46  }
0x3d2: {  	v29 =	vld [tilespmem:s14+$0x10820];
	v52 =	vadd.f32 v32, v17;
	s29 =	smul.f32 s24, s15  }
0x3d3: {  	v23 =	vld [tilespmem:s12+$0x10820];
	(xrf2) =	vadd.scan.msk.f32 $0xffff, v47;
	s30 =	ssub.f32 s8, s10  }
0x3d4: {  	v18 =	vld [tilespmem:s14+$0x10800];
	v52 =	vadd.f32 v37, v52;
	v48 =	vmul.f32 s2, v49;
	v53, _, _ =	vpop (xrf2);
	v50 =	vmul.f32 s2, v50;
	s5 =	smul.f32 s29, s24  }
0x3d5: {  	s22 =	simm.s32 $0x600;
	v47 =	vld [tilespmem:s18+$0x10830];
	s28 =	sadd.f32 $9.999999740e-06, s30;
	v49 =	vmul.f32 s2, v51;
	(v2sf) =	vpush v53, $0xF;
	s25 =	spop (v2sf);
	v51 =	vmul.f32 v46, v6;
	v46 =	vmovc v17  }
.LBB2_14:
0x3d6: {  	s25 =	smul.f32 $1.562500000e-02, s25;
	s2 =	ssub.f32 $1.500000000e+00, s5  }
0x3d7: {  	v48 =	vmul.f32 v48, v2;
	v50 =	vmul.f32 v50, v3;
	v53 =	vmovc v8;
	v8 =	vmovc v32;
	v54 =	vmov v26;
	s6 =	smul.f32 $5.000000000e-01, s28  }
0x3d8: {  	p0 =	sne.s32 s22, $0x7F00;
	v26 =	vmovc v16;
	v16 =	vmovc v12;
	v12 =	vmov v10;
	v10 =	vmov v37;
	v55 =	vmov v33;
	s4 =	sshra.s32 s28, $0x1;
	s5 =	smul.f32 s2, s24  }
0x3d9: {  	v49 =	vmul.f32 v49, v0;
	v33 =	vmovc v25;
	v52 =	vadd.f32 v39, v52;
	v51 =	vadd.f32 v51, v7;
	s4 =	ssub.s32 $0x5F3759DF, s4;
	s10 =	smul.f32 s25, s25  }
0x3da: {  	v46 =	vmul.f32 v46, v17;
	v25 =	vmovc v19;
	v32 =	vmul.f32 v32, v8;
	v48 =	vadd.f32 v48, v4;
	s2 =	smul.f32 s4, s6  }
0x3db: {  	v19 =	vmovc v14;
	v14 =	vmov v39;
	v50 =	vadd.f32 v50, v5;
	(xrf2) =	vadd.scan.msk.f32 $0xffff, v52;
	v47 =	vadd.f32 v51, v47;
	s8 =	smul.f32 s5, s15  }
0x3dc: {  	v37 =	vmul.f32 v37, v10;
	v49 =	vadd.f32 v49, v1;
	v32 =	vadd.f32 v32, v46;
	s15 =	smov.u32 s6;
	s2 =	smul.f32 s4, s2  }
0x3dd: {  	s28 =	sshra.s32 s22, $0x2;
	v48 =	vadd.f32 v48, v43;
	v50 =	vadd.f32 v50, v45;
	v43 =	vmov v41;
	v51, _, _ =	vpop (xrf2);
	[tilespmem:s18+$0x14830] =	vst v47;
	s8 =	smul.f32 s8, s5  }
0x3de: {  	v39 =	vmul.f32 v39, v14;
	v41 =	vmovc v35;
	v35 =	vmovc v30;
	v37 =	vadd.f32 v37, v32;
	v46 =	vld [tilespmem:s28+$0xC800];
	(v2sf) =	vpush v51, $0xF;
	s6 =	spop (v2sf);
	s2 =	ssub.f32 $1.500000000e+00, s2  }
0x3df: {  	v30 =	vmovc v20;
	v20 =	vmovc v18;
	v45 =	vmov v40;
	v40 =	vmov v38;
	v47 =	vadd.f32 v49, v44;
	v32 =	vld [tilespmem:s28+$0xC810];
	[tilespmem:s18+$0x14800] =	vst v48;
	s6 =	smul.f32 $1.562500000e-02, s6;
	s8 =	ssub.f32 $1.500000000e+00, s8  }
0x3e0: {  	v38 =	vmovc v28;
	v28 =	vmovc v21;
	v21 =	vmov v24;
	v44 =	vmov v42;
	v39 =	vadd.f32 v39, v37;
	v18 =	vld [tilespmem:s28+$0x10800];
	[tilespmem:s18+$0x14810] =	vst v50;
	s24 =	smul.f32 s4, s2  }
0x3e1: {  	v42 =	vmovc v36;
	v36 =	vmovc v27;
	v27 =	vmov v23;
	v23 =	vmov v29;
	v48 =	vmov s20;
	s20 =	smov.u32 s19;
	s19 =	smov.u32 s25;
	v37 =	vld [tilespmem:s28+$0xC820];
	[tilespmem:s18+$0x14820] =	vst v47;
	s2 =	smul.f32 s8, s5  }
.Ltmp6:
0x3e2: {  	v49 =	vsub.f32 v55, v48;
	v47 =	vsub.f32 v31, v48;
	v24 =	vld [tilespmem:s28+$0x10810];
	(xrf2) =	vadd.scan.msk.f32 $0xffff, v39;
	(pc) =	sbr.rel @p0 .LBB2_14-.Ltmp6, $4  }
0x3e3: {  	v56 =	vsub.f32 v34, v48;
	v51 =	vsub.f32 v54, v48;
	v31 =	vmovc v15;
	v15 =	vmovc v9;
	v9 =	vmov v13;
	s18 =	smov.u32 s16;
	s16 =	smov.u32 s13;
	v39 =	vld [tilespmem:s28+$0xC830];
	s4 =	smul.f32 s24, s15  }
0x3e4: {  	s6 =	ssub.f32 s6, s10;
	v13 =	vmovc v17;
	s13 =	smov.u32 s11;
	s11 =	smov.u32 s12;
	v17 =	vmovc v46;
	v52 =	vadd.f32 v32, v46;
	v29 =	vld [tilespmem:s28+$0x10820];
	v48 =	vmul.f32 s2, v47;
	v54 =	vmul.f32 s2, v49  }
0x3e5: {  	v34 =	vmov v22;
	s12 =	smov.u32 s14;
	s14 =	smov.u32 s28;
	v50 =	vmul.f32 s2, v56;
	v49 =	vmul.f32 s2, v51;
	v55, _, _ =	vpop (xrf2);
	s5 =	smul.f32 s4, s24;
	v47 =	vld [tilespmem:s18+$0x10830]  }
0x3e6: {  	s22 =	sadd.s32 $0x100, s22;
	v22 =	vmovc v11;
	v11 =	vmovc v53;
	s28 =	sadd.f32 $9.999999740e-06, s6;
	v52 =	vadd.f32 v37, v52;
	(v2sf) =	vpush v55, $0xF;
	s25 =	spop (v2sf);
	v51 =	vmul.f32 v54, v6  }
0x3e7: {  	s22 =	smul.f32 $1.562500000e-02, s25;
	s5 =	ssub.f32 $1.500000000e+00, s5  }
0x3e8: {  	s2 =	sshra.s32 s28, $0x1;
	s4 =	smul.f32 $5.000000000e-01, s28  }
0x3e9: {  	s2 =	ssub.s32 $0x5F3759DF, s2;
	s5 =	smul.f32 s5, s24  }
0x3ea: {  	v46 =	vmul.f32 v46, v17;
	v53 =	vmul.f32 v32, v32;
	v52 =	vadd.f32 v39, v52;
	s6 =	smul.f32 s2, s4  }
0x3eb: {  	s30 =	smul.f32 s22, s22  }
0x3ec: {  	v56 =	vmul.f32 v37, v37;
	v46 =	vadd.f32 v53, v46;
	(xrf2) =	vadd.scan.msk.f32 $0xffff, v52;
	s6 =	smul.f32 s2, s6  }
0x3ed: {  	s8 =	smul.f32 s5, s15  }
0x3ee: {  	v57 =	vmul.f32 v39, v39;
	v46 =	vadd.f32 v56, v46;
	v58, _, _ =	vpop (xrf2);
	s10 =	spop (v2sf);
	s6 =	ssub.f32 $1.500000000e+00, s6  }
0x3ef: {  	(v2sf) =	vpush v58, $0xF;
	s10 =	smul.f32 $1.562500000e-02, s10  }
0x3f0: {  	v46 =	vadd.f32 v57, v46;
	s2 =	smul.f32 s2, s6  }
0x3f1: {  	s24 =	smul.f32 s8, s5;
	s25 =	ssub.f32 s10, s30  }
0x3f2: {  	(xrf2) =	vadd.scan.msk.f32 $0xffff, v46;
	s29 =	smul.f32 s2, s4  }
0x3f3: {  	s8 =	sadd.f32 $9.999999740e-06, s25  }
0x3f4: {  	s6 =	ssub.f32 $1.500000000e+00, s24;
	s10 =	smul.f32 s29, s2  }
0x3f5: {  	s30 =	sshra.s32 s8, $0x1;
	s24 =	smul.f32 $5.000000000e-01, s8  }
0x3f6: {  	s5 =	smul.f32 s6, s5;
	v59, _, _ =	vpop (xrf2);
	s8 =	ssub.s32 $0x5F3759DF, s30;
	s25 =	ssub.f32 $1.500000000e+00, s10  }
0x3f7: {  	(v2sf) =	vpush v59, $0xF;
	s29 =	smul.f32 s8, s24  }
0x3f8: {  	v61 =	vmul.f32 v50, v3;
	s2 =	smul.f32 s25, s2  }
0x3f9: {  	v49 =	vmul.f32 v49, v0;
	s30 =	smul.f32 s8, s29;
	s25 =	spop (v2sf)  }
0x3fa: {  	v60 =	vmul.f32 v48, v2;
	v62 =	vadd.f32 v51, v7;
	v48 =	vadd.f32 v61, v5;
	s15 =	smul.f32 $1.562500000e-02, s25  }
0x3fb: {  	v49 =	vadd.f32 v49, v1;
	s4 =	smul.f32 s2, s4  }
0x3fc: {  	v47 =	vadd.f32 v62, v47;
	v45 =	vadd.f32 v48, v45;
	v63, _, _ =	vpop (xrf2);
	s6 =	ssub.f32 $1.500000000e+00, s30;
	s10 =	smul.f32 s15, s15  }
0x3fd: {  	v46 =	vadd.f32 v60, v4;
	(v2sf) =	vpush v63, $0xF;
	s4 =	smul.f32 s4, s2  }
0x3fe: {  	v51 =	vmov s20;
	v52 =	vadd.f32 v49, v44;
	[tilespmem:s18+$0x14830] =	vst v47;
	s6 =	smul.f32 s8, s6;
	s29 =	spop (v2sf)  }
0x3ff: {  	v33 =	vsub.f32 v33, v51;
	[tilespmem:s18+$0x14810] =	vst v45;
	v43 =	vadd.f32 v46, v43;
	s8 =	smul.f32 $1.562500000e-02, s29  }
0x400: {  	v31 =	vsub.f32 v31, v51;
	[tilespmem:s18+$0x14820] =	vst v52;
	s4 =	ssub.f32 $1.500000000e+00, s4;
	s30 =	smul.f32 s6, s24  }
0x401: {  	v34 =	vsub.f32 v34, v51;
	[tilespmem:s18+$0x14800] =	vst v43;
	v33 =	vmul.f32 s5, v33;
	s10 =	ssub.f32 s8, s10  }
0x402: {  	v26 =	vsub.f32 v26, v51;
	v31 =	vmul.f32 s5, v31;
	v43 =	vld [tilespmem:s16+$0x10830];
	s20 =	smul.f32 s30, s6  }
0x403: {  	v34 =	vmul.f32 s5, v34;
	v33 =	vmul.f32 v33, v6;
	s2 =	smul.f32 s4, s2;
	s4 =	sadd.f32 $9.999999740e-06, s10  }
0x404: {  	v26 =	vmul.f32 s5, v26;
	v31 =	vmul.f32 v31, v2;
	s29 =	ssub.f32 $1.500000000e+00, s20  }
0x405: {  	v34 =	vmul.f32 v34, v3;
	v33 =	vadd.f32 v33, v7;
	s20 =	smul.f32 $5.000000000e-01, s4  }
0x406: {  	v26 =	vmul.f32 v26, v0;
	v31 =	vadd.f32 v31, v4;
	s30 =	sshra.s32 s4, $0x1;
	s25 =	spop (v2sf);
	s5 =	smul.f32 s29, s6  }
0x407: {  	v34 =	vadd.f32 v34, v5;
	v33 =	vadd.f32 v33, v43;
	s4 =	ssub.s32 $0x5F3759DF, s30;
	s18 =	smul.f32 $1.562500000e-02, s25  }
0x408: {  	v26 =	vadd.f32 v26, v1;
	v31 =	vadd.f32 v31, v41;
	s10 =	smul.f32 s4, s20  }
0x409: {  	v53 =	vmov s19;
	v34 =	vadd.f32 v34, v40;
	[tilespmem:s16+$0x14830] =	vst v33;
	s24 =	smul.f32 s5, s24  }
0x40a: {  	v25 =	vsub.f32 v25, v53;
	v26 =	vadd.f32 v26, v42;
	[tilespmem:s16+$0x14800] =	vst v31;
	s6 =	smul.f32 s4, s10  }
0x40b: {  	v15 =	vsub.f32 v15, v53;
	[tilespmem:s16+$0x14810] =	vst v34;
	s29 =	smul.f32 s18, s18  }
0x40c: {  	v22 =	vsub.f32 v22, v53;
	[tilespmem:s16+$0x14820] =	vst v26;
	v25 =	vmul.f32 s2, v25;
	s8 =	smul.f32 s24, s5;
	s25 =	spop (v2sf)  }
0x40d: {  	v16 =	vsub.f32 v16, v53;
	v26 =	vld [tilespmem:s13+$0x10830];
	v15 =	vmul.f32 s2, v15;
	s6 =	ssub.f32 $1.500000000e+00, s6;
	s10 =	smul.f32 $1.562500000e-02, s25  }
0x40e: {  	v22 =	vmul.f32 s2, v22;
	v25 =	vmul.f32 v25, v6;
	s8 =	ssub.f32 $1.500000000e+00, s8  }
0x40f: {  	v16 =	vmul.f32 s2, v16;
	v15 =	vmul.f32 v15, v2;
	s30 =	ssub.f32 s10, s29  }
0x410: {  	v22 =	vmul.f32 v22, v3;
	v25 =	vadd.f32 v25, v7;
	s4 =	smul.f32 s4, s6  }
0x411: {  	v16 =	vmul.f32 v16, v0;
	v15 =	vadd.f32 v15, v4;
	s5 =	smul.f32 s8, s5;
	s2 =	sadd.f32 $9.999999740e-06, s30  }
0x412: {  	v22 =	vadd.f32 v22, v5;
	v25 =	vadd.f32 v25, v26;
	s6 =	smul.f32 s4, s20  }
0x413: {  	v16 =	vadd.f32 v16, v1;
	v15 =	vadd.f32 v15, v35;
	s10 =	sshra.s32 s2, $0x1;
	s2 =	smul.f32 $5.000000000e-01, s2  }
0x414: {  	v22 =	vadd.f32 v22, v38;
	[tilespmem:s13+$0x14830] =	vst v25;
	v25 =	vmov s22;
	s6 =	smul.f32 s6, s4;
	s8 =	ssub.s32 $0x5F3759DF, s10  }
0x415: {  	[tilespmem:s13+$0x14800] =	vst v15;
	v15 =	vadd.f32 v16, v36;
	v16 =	vsub.f32 v19, v25;
	s16 =	smul.f32 s8, s2  }
0x416: {  	[tilespmem:s13+$0x14810] =	vst v22;
	v9 =	vsub.f32 v9, v25;
	s6 =	ssub.f32 $1.500000000e+00, s6  }
0x417: {  	v11 =	vsub.f32 v11, v25;
	[tilespmem:s13+$0x14820] =	vst v15;
	v15 =	vmul.f32 s5, v16;
	s10 =	smul.f32 s8, s16  }
0x418: {  	v12 =	vsub.f32 v12, v25;
	v9 =	vmul.f32 s5, v9;
	v16 =	vld [tilespmem:s11+$0x10830];
	s4 =	smul.f32 s6, s4  }
0x419: {  	v11 =	vmul.f32 s5, v11;
	v15 =	vmul.f32 v15, v6;
	s19 =	ssub.f32 $1.500000000e+00, s10  }
0x41a: {  	v12 =	vmul.f32 s5, v12;
	v9 =	vmul.f32 v9, v2;
	s20 =	smul.f32 s4, s20  }
0x41b: {  	v11 =	vmul.f32 v11, v3;
	v15 =	vadd.f32 v15, v7;
	s6 =	smul.f32 s8, s19  }
0x41c: {  	v12 =	vmul.f32 v12, v0;
	v9 =	vadd.f32 v9, v4;
	s5 =	smul.f32 s20, s4  }
0x41d: {  	v11 =	vadd.f32 v11, v5;
	v15 =	vadd.f32 v15, v16;
	s8 =	smul.f32 s6, s2  }
0x41e: {  	v12 =	vadd.f32 v12, v1;
	v9 =	vadd.f32 v9, v30;
	s5 =	ssub.f32 $1.500000000e+00, s5  }
0x41f: {  	v11 =	vadd.f32 v11, v28;
	[tilespmem:s11+$0x14830] =	vst v15;
	v15 =	vmov s15;
	s8 =	smul.f32 s8, s6  }
0x420: {  	[tilespmem:s11+$0x14800] =	vst v9;
	v9 =	vadd.f32 v12, v27;
	v12 =	vsub.f32 v14, v15;
	s4 =	smul.f32 s5, s4  }
0x421: {  	[tilespmem:s11+$0x14810] =	vst v11;
	v11 =	vsub.f32 v13, v15;
	s22 =	ssub.f32 $1.500000000e+00, s8  }
0x422: {  	v8 =	vsub.f32 v8, v15;
	[tilespmem:s11+$0x14820] =	vst v9;
	v9 =	vmul.f32 s4, v12  }
0x423: {  	v10 =	vsub.f32 v10, v15;
	v11 =	vmul.f32 s4, v11;
	v12 =	vld [tilespmem:s12+$0x10830];
	s5 =	smul.f32 s22, s6  }
0x424: {  	v8 =	vmul.f32 s4, v8;
	v9 =	vmul.f32 v9, v6  }
0x425: {  	v10 =	vmul.f32 s4, v10;
	v11 =	vmul.f32 v11, v2;
	s2 =	smul.f32 s5, s2  }
0x426: {  	v8 =	vmul.f32 v8, v3;
	v9 =	vadd.f32 v9, v7  }
0x427: {  	v10 =	vmul.f32 v10, v0;
	v11 =	vadd.f32 v11, v4;
	s2 =	smul.f32 s2, s5  }
0x428: {  	v8 =	vadd.f32 v8, v5;
	v9 =	vadd.f32 v9, v12  }
0x429: {  	v10 =	vadd.f32 v10, v1;
	v11 =	vadd.f32 v11, v20;
	s2 =	ssub.f32 $1.500000000e+00, s2  }
0x42a: {  	v8 =	vadd.f32 v8, v21;
	[tilespmem:s12+$0x14830] =	vst v9;
	v9 =	vmov s18  }
0x42b: {  	v10 =	vadd.f32 v10, v23;
	[tilespmem:s12+$0x14800] =	vst v11;
	v11 =	vsub.f32 v39, v9;
	s2 =	smul.f32 s2, s5  }
0x42c: {  	[tilespmem:s12+$0x14810] =	vst v8;
	v8 =	vsub.f32 v17, v9  }
0x42d: {  	[tilespmem:s12+$0x14820] =	vst v10;
	v10 =	vsub.f32 v32, v9;
	v11 =	vmul.f32 s2, v11  }
0x42e: {  	v9 =	vsub.f32 v37, v9;
	v12 =	vld [tilespmem:s14+$0x10830];
	v8 =	vmul.f32 s2, v8  }
0x42f: {  	v10 =	vmul.f32 s2, v10;
	v11 =	vmul.f32 v11, v6  }
0x430: {  	v9 =	vmul.f32 s2, v9;
	v8 =	vmul.f32 v8, v2  }
0x431: {  	v10 =	vmul.f32 v10, v3;
	v11 =	vadd.f32 v11, v7  }
0x432: {  	v9 =	vmul.f32 v9, v0;
	v8 =	vadd.f32 v8, v4  }
0x433: {  	v10 =	vadd.f32 v10, v5;
	v11 =	vadd.f32 v11, v12  }
0x434: {  	v9 =	vadd.f32 v9, v1;
	v8 =	vadd.f32 v8, v18  }
0x435: {  	v10 =	vadd.f32 v10, v24;
	[tilespmem:s14+$0x14830] =	vst v11  }
0x436: {  	[tilespmem:s14+$0x14800] =	vst v8;
	v8 =	vadd.f32 v9, v29  }
0x437: {  	[tilespmem:s14+$0x14810] =	vst v10  }
0x438: {  	s24 =	simm.s32 $0x0;
	s25 =	rddreg [dreg:$0x10];
	s29 =	simm.s32 $0x14800;
	[tilespmem:s14+$0x14820] =	vst v8  }
0x439: {  	[hbm4b:s25+s24] =	stream.linear.scatter [tilespmem:s29], [sflag:$0x5], $0x2000, $0x38;
	[tilespmem:$0x1C880] =	vst v63  }
0x43a: {  	_ =	swait.ge [sflag:s31], $0x2000  }
0x43b: {  	[sflag:s31] =	ssyncset.done $0x0  }
0x43c: {  	[sflag:s31] =	ssyncadd.s32 $0xFFFFE000  }
0x43d: {  	_ =	swait.ge [sflag:s3], $0x2000  }
0x43e: {  	[sflag:s3] =	ssyncset.done $0x0  }
0x43f: {  	[sflag:s3] =	ssyncadd.s32 $0xFFFFE000  }
0x440: {  	_ =	swait.ge [sflag:s23], $0x2000  }
0x441: {  	[sflag:s23] =	ssyncset.done $0x0  }
0x442: {  	s18 =	simm.s32 $0x0;
	[sflag:s23] =	ssyncadd.s32 $0xFFFFE000  }
0x443: {  	v24 =	vld [tilespmem:s18+$0xE800]  }
0x444: {  	v29 =	vld [tilespmem:s18+$0xE810];
	_ =	sdelay $0x1  }
0x445: {  	v54 =	vld [tilespmem:s18+$0xE820];
	_ =	sdelay $0x1  }
0x446: {  	v55 =	vld [tilespmem:s18+$0xE830]  }
0x447: {  	v8 =	vadd.f32 v29, v24  }
0x448: {  	v9 =	vmul.f32 v24, v24;
	v10 =	vmul.f32 v29, v29  }
0x449: {  	v8 =	vadd.f32 v54, v8  }
0x44a: {  	v9 =	vadd.f32 v10, v9;
	v10 =	vmul.f32 v54, v54  }
0x44b: {  	v8 =	vadd.f32 v55, v8  }
0x44c: {  	v9 =	vadd.f32 v10, v9;
	v10 =	vmul.f32 v55, v55  }
0x44d: {  	(xrf2) =	vadd.scan.msk.f32 $0xffff, v8  }
0x44e: {  	v8 =	vadd.f32 v10, v9;
	_ =	sdelay $0x1  }
0x44f: {  	s16 =	simm.s32 $0x40;
	(xrf2) =	vadd.scan.msk.f32 $0xffff, v8  }
0x450: {  	v34 =	vld [tilespmem:s16+$0xE810]  }
0x451: {  	v31 =	vld [tilespmem:s16+$0xE800];
	_ =	sdelay $0x1  }
0x452: {  	v26 =	vld [tilespmem:s16+$0xE820];
	_ =	sdelay $0x1  }
0x453: {  	v33 =	vld [tilespmem:s16+$0xE830];
	v11 =	vmul.f32 v34, v34  }
0x454: {  	v8 =	vadd.f32 v34, v31;
	v9, _, _ =	vpop (xrf2)  }
0x455: {  	s13 =	simm.s32 $0x80;
	v10 =	vmul.f32 v31, v31;
	(v2sf) =	vpush v9, $0xF  }
0x456: {  	v15 =	vld [tilespmem:s13+$0xE800];
	v8 =	vadd.f32 v26, v8  }
0x457: {  	v22 =	vld [tilespmem:s13+$0xE810];
	v9 =	vadd.f32 v11, v10;
	v11, _, _ =	vpop (xrf2)  }
0x458: {  	v8 =	vadd.f32 v33, v8;
	v10 =	vmul.f32 v26, v26;
	(v2sf) =	vpush v11, $0xF  }
0x459: {  	v16 =	vld [tilespmem:s13+$0xE820]  }
0x45a: {  	(xrf2) =	vadd.scan.msk.f32 $0xffff, v8;
	v8 =	vadd.f32 v10, v9;
	v9 =	vmul.f32 v33, v33  }
0x45b: {  	v25 =	vld [tilespmem:s13+$0xE830]  }
0x45c: {  	v8 =	vadd.f32 v9, v8;
	v9 =	vadd.f32 v22, v15;
	_ =	sdelay $0x1  }
0x45d: {  	(xrf2) =	vadd.scan.msk.f32 $0xffff, v8;
	v8 =	vadd.f32 v16, v9;
	_ =	sdelay $0x1  }
0x45e: {  	v8 =	vadd.f32 v25, v8;
	_ =	sdelay $0x1  }
0x45f: {  	v10 =	vmul.f32 v22, v22;
	v9 =	vmul.f32 v15, v15;
	(xrf2) =	vadd.scan.msk.f32 $0xffff, v8;
	_ =	sdelay $0x1  }
0x460: {  	v11 =	vmul.f32 v16, v16;
	v10 =	vadd.f32 v10, v9;
	v8, _, _ =	vpop (xrf2);
	s30 =	spop (v2sf)  }
0x461: {  	s11 =	simm.s32 $0xC0;
	(v2sf) =	vpush v8, $0xF;
	s22 =	smul.f32 $1.562500000e-02, s30  }
0x462: {  	v9 =	vld [tilespmem:s11+$0xE800];
	v8 =	vadd.f32 v11, v10;
	v10 =	vmul.f32 v25, v25  }
0x463: {  	v11 =	vld [tilespmem:s11+$0xE810];
	s4 =	spop (v2sf);
	s5 =	smul.f32 s22, s22  }
0x464: {  	v8 =	vadd.f32 v10, v8;
	v12, _, _ =	vpop (xrf2);
	s2 =	smul.f32 $1.562500000e-02, s4  }
0x465: {  	(v2sf) =	vpush v12, $0xF;
	v12 =	vld [tilespmem:s11+$0xE820]  }
0x466: {  	(xrf2) =	vadd.scan.msk.f32 $0xffff, v8;
	s2 =	ssub.f32 s2, s5  }
0x467: {  	v19 =	vld [tilespmem:s11+$0xE830]  }
0x468: {  	v8 =	vadd.f32 v11, v9;
	v10, _, _ =	vpop (xrf2);
	s2 =	sadd.f32 $9.999999740e-06, s2  }
0x469: {  	(v2sf) =	vpush v10, $0xF  }
0x46a: {  	v8 =	vadd.f32 v12, v8;
	s6 =	sshra.s32 s2, $0x1;
	s2 =	smul.f32 $5.000000000e-01, s2  }
0x46b: {  	s4 =	ssub.s32 $0x5F3759DF, s6  }
0x46c: {  	v8 =	vadd.f32 v19, v8;
	s8 =	smul.f32 s4, s2;
	_ =	sdelay $0x1  }
0x46d: {  	v43 =	vld [tilespmem:s18+$0x12800];
	(xrf2) =	vadd.scan.msk.f32 $0xffff, v8;
	s5 =	smul.f32 s4, s8  }
0x46e: {  	v45 =	vld [tilespmem:s18+$0x12810];
	v14 =	vmul.f32 v9, v9;
	v17 =	vmul.f32 v11, v11  }
0x46f: {  	s12 =	simm.s32 $0x100;
	v44 =	vld [tilespmem:s18+$0x12820];
	s10 =	spop (v2sf);
	v8, _, _ =	vpop (xrf2);
	s5 =	ssub.f32 $1.500000000e+00, s5  }
0x470: {  	v13 =	vld [tilespmem:s12+$0xE800];
	v17 =	vadd.f32 v17, v14;
	v18 =	vmul.f32 v12, v12;
	s20 =	smul.f32 $1.562500000e-02, s10;
	(v2sf) =	vpush v8, $0xF  }
0x471: {  	v8 =	vld [tilespmem:s12+$0xE810];
	s4 =	smul.f32 s4, s5  }
0x472: {  	v41 =	vld [tilespmem:s16+$0x12800];
	v17 =	vadd.f32 v18, v17;
	v18 =	vmul.f32 v19, v19;
	s6 =	smul.f32 s20, s20  }
0x473: {  	v10 =	vld [tilespmem:s12+$0xE820];
	s14 =	spop (v2sf);
	s19 =	smul.f32 s4, s2  }
0x474: {  	v40 =	vld [tilespmem:s16+$0x12810];
	v17 =	vadd.f32 v18, v17;
	s15 =	smul.f32 $1.562500000e-02, s14  }
0x475: {  	v14 =	vld [tilespmem:s12+$0xE830];
	s24 =	smul.f32 s19, s4  }
0x476: {  	v42 =	vld [tilespmem:s16+$0x12820];
	(xrf2) =	vadd.scan.msk.f32 $0xffff, v17;
	v20 =	vadd.f32 v8, v13;
	s5 =	ssub.f32 s15, s6  }
0x477: {  	v35 =	vld [tilespmem:s13+$0x12800];
	v21, _, _ =	vpop (xrf2);
	s25 =	spop (v2sf);
	s6 =	ssub.f32 $1.500000000e+00, s24  }
0x478: {  	v38 =	vld [tilespmem:s13+$0x12810];
	v20 =	vadd.f32 v10, v20;
	(v2sf) =	vpush v21, $0xF;
	s5 =	sadd.f32 $9.999999740e-06, s5;
	s19 =	smul.f32 $1.562500000e-02, s25  }
0x479: {  	v36 =	vld [tilespmem:s13+$0x12820];
	s4 =	smul.f32 s6, s4  }
0x47a: {  	v30 =	vld [tilespmem:s11+$0x12800];
	v18 =	vadd.f32 v14, v20;
	s29 =	sshra.s32 s5, $0x1;
	s15 =	smul.f32 $5.000000000e-01, s5  }
0x47b: {  	v28 =	vld [tilespmem:s11+$0x12810];
	s30 =	ssub.s32 $0x5F3759DF, s29;
	s2 =	smul.f32 s4, s2  }
0x47c: {  	v27 =	vld [tilespmem:s11+$0x12820];
	(xrf2) =	vadd.scan.msk.f32 $0xffff, v18;
	s10 =	smul.f32 s30, s15  }
0x47d: {  	v47 =	vld [tilespmem:s18+$0x12830];
	v17 =	vmul.f32 v13, v13;
	s14 =	simm.s32 $0x140;
	v23 =	vmul.f32 v8, v8;
	s2 =	smul.f32 s2, s4  }
0x47e: {  	v58 =	vmov s22;
	v32 =	vld [tilespmem:s14+$0xE810];
	s6 =	smul.f32 s30, s10  }
0x47f: {  	v59 =	vsub.f32 v24, v58;
	v18 =	vadd.f32 v23, v17;
	v23 =	vmul.f32 v10, v10;
	v17 =	vld [tilespmem:s14+$0xE800];
	s24 =	spop (v2sf);
	s2 =	ssub.f32 $1.500000000e+00, s2  }
0x480: {  	v46 =	vsub.f32 v55, v58;
	v60 =	vsub.f32 v29, v58;
	v37 =	vld [tilespmem:s14+$0xE820];
	v29, _, _ =	vpop (xrf2);
	s6 =	ssub.f32 $1.500000000e+00, s6;
	s8 =	smul.f32 $1.562500000e-02, s24  }
0x481: {  	v56 =	vmul.f32 v14, v14;
	v24 =	vld [tilespmem:s14+$0x12810];
	(v2sf) =	vpush v29, $0xF;
	v18 =	vadd.f32 v23, v18;
	s2 =	smul.f32 s2, s4  }
0x482: {  	v39 =	vld [tilespmem:s14+$0xE830];
	s24 =	smul.f32 s30, s6  }
0x483: {  	v21 =	vld [tilespmem:s12+$0x12810];
	s25 =	smul.f32 s19, s19;
	v57 =	vadd.f32 v56, v18;
	v46 =	vmul.f32 s2, v46  }
0x484: {  	v20 =	vld [tilespmem:s12+$0x12800];
	v62 =	vadd.f32 v32, v17;
	s29 =	smul.f32 s24, s15  }
0x485: {  	v61 =	vsub.f32 v54, v58;
	v29 =	vld [tilespmem:s14+$0x12820];
	(xrf2) =	vadd.scan.msk.f32 $0xffff, v57;
	s30 =	ssub.f32 s8, s25  }
0x486: {  	v23 =	vld [tilespmem:s12+$0x12820];
	v52 =	vadd.f32 v37, v62;
	v48 =	vmul.f32 s2, v59;
	v63, _, _ =	vpop (xrf2);
	v50 =	vmul.f32 s2, v60;
	s5 =	smul.f32 s29, s24  }
0x487: {  	s22 =	simm.s32 $0x600;
	v18 =	vld [tilespmem:s14+$0x12800];
	s28 =	sadd.f32 $9.999999740e-06, s30;
	v49 =	vmul.f32 s2, v61;
	(v2sf) =	vpush v63, $0xF;
	s25 =	spop (v2sf);
	v51 =	vmul.f32 v46, v6;
	v46 =	vmovc v17  }
.LBB2_16:
0x488: {  	s25 =	smul.f32 $1.562500000e-02, s25;
	s2 =	ssub.f32 $1.500000000e+00, s5  }
0x489: {  	v48 =	vmul.f32 v48, v2;
	v50 =	vmul.f32 v50, v3;
	v53 =	vmovc v8;
	v8 =	vmovc v32;
	v54 =	vmov v26;
	s6 =	smul.f32 $5.000000000e-01, s28  }
0x48a: {  	p0 =	sne.s32 s22, $0x7F00;
	v26 =	vmovc v16;
	v16 =	vmovc v12;
	v12 =	vmov v10;
	v10 =	vmov v37;
	v55 =	vmov v33;
	s4 =	sshra.s32 s28, $0x1;
	s5 =	smul.f32 s2, s24  }
0x48b: {  	v49 =	vmul.f32 v49, v0;
	v33 =	vmovc v25;
	v52 =	vadd.f32 v39, v52;
	v51 =	vadd.f32 v51, v7;
	s4 =	ssub.s32 $0x5F3759DF, s4;
	s10 =	smul.f32 s25, s25  }
0x48c: {  	v46 =	vmul.f32 v46, v17;
	v25 =	vmovc v19;
	v32 =	vmul.f32 v32, v8;
	v48 =	vadd.f32 v48, v4;
	s2 =	smul.f32 s4, s6  }
0x48d: {  	v19 =	vmovc v14;
	v14 =	vmov v39;
	v50 =	vadd.f32 v50, v5;
	(xrf2) =	vadd.scan.msk.f32 $0xffff, v52;
	v47 =	vadd.f32 v51, v47;
	s8 =	smul.f32 s5, s15  }
0x48e: {  	v37 =	vmul.f32 v37, v10;
	v49 =	vadd.f32 v49, v1;
	v32 =	vadd.f32 v32, v46;
	s15 =	smov.u32 s6;
	s2 =	smul.f32 s4, s2  }
0x48f: {  	s28 =	sshra.s32 s22, $0x2;
	v48 =	vadd.f32 v48, v43;
	v50 =	vadd.f32 v50, v45;
	v43 =	vmov v41;
	v51, _, _ =	vpop (xrf2);
	[tilespmem:s18+$0x16830] =	vst v47;
	s8 =	smul.f32 s8, s5  }
0x490: {  	v39 =	vmul.f32 v39, v14;
	v41 =	vmovc v35;
	v35 =	vmovc v30;
	v37 =	vadd.f32 v37, v32;
	v46 =	vld [tilespmem:s28+$0xE800];
	(v2sf) =	vpush v51, $0xF;
	s6 =	spop (v2sf);
	s2 =	ssub.f32 $1.500000000e+00, s2  }
0x491: {  	v30 =	vmovc v20;
	v20 =	vmovc v18;
	v45 =	vmov v40;
	v40 =	vmov v38;
	v47 =	vadd.f32 v49, v44;
	v32 =	vld [tilespmem:s28+$0xE810];
	[tilespmem:s18+$0x16800] =	vst v48;
	s6 =	smul.f32 $1.562500000e-02, s6;
	s8 =	ssub.f32 $1.500000000e+00, s8  }
0x492: {  	v38 =	vmovc v28;
	v28 =	vmovc v21;
	v21 =	vmov v24;
	v44 =	vmov v42;
	v39 =	vadd.f32 v39, v37;
	v18 =	vld [tilespmem:s28+$0x12800];
	[tilespmem:s18+$0x16810] =	vst v50;
	s24 =	smul.f32 s4, s2  }
0x493: {  	v42 =	vmovc v36;
	v36 =	vmovc v27;
	v27 =	vmov v23;
	v23 =	vmov v29;
	v48 =	vmov s20;
	s20 =	smov.u32 s19;
	s19 =	smov.u32 s25;
	v37 =	vld [tilespmem:s28+$0xE820];
	[tilespmem:s18+$0x16820] =	vst v47;
	s2 =	smul.f32 s8, s5  }
.Ltmp7:
0x494: {  	v49 =	vsub.f32 v55, v48;
	v47 =	vsub.f32 v31, v48;
	v24 =	vld [tilespmem:s28+$0x12810];
	(xrf2) =	vadd.scan.msk.f32 $0xffff, v39;
	(pc) =	sbr.rel @p0 .LBB2_16-.Ltmp7, $4  }
0x495: {  	v56 =	vsub.f32 v34, v48;
	v51 =	vsub.f32 v54, v48;
	v31 =	vmovc v15;
	v15 =	vmovc v9;
	v9 =	vmov v13;
	s18 =	smov.u32 s16;
	s16 =	smov.u32 s13;
	v39 =	vld [tilespmem:s28+$0xE830];
	s4 =	smul.f32 s24, s15  }
0x496: {  	s6 =	ssub.f32 s6, s10;
	v13 =	vmovc v17;
	s13 =	smov.u32 s11;
	s11 =	smov.u32 s12;
	v17 =	vmovc v46;
	v52 =	vadd.f32 v32, v46;
	v29 =	vld [tilespmem:s28+$0x12820];
	v48 =	vmul.f32 s2, v47;
	v54 =	vmul.f32 s2, v49  }
0x497: {  	v34 =	vmov v22;
	s12 =	smov.u32 s14;
	s14 =	smov.u32 s28;
	v50 =	vmul.f32 s2, v56;
	v49 =	vmul.f32 s2, v51;
	v55, _, _ =	vpop (xrf2);
	s5 =	smul.f32 s4, s24;
	v47 =	vld [tilespmem:s18+$0x12830]  }
0x498: {  	s22 =	sadd.s32 $0x100, s22;
	v22 =	vmovc v11;
	v11 =	vmovc v53;
	s28 =	sadd.f32 $9.999999740e-06, s6;
	v52 =	vadd.f32 v37, v52;
	(v2sf) =	vpush v55, $0xF;
	s25 =	spop (v2sf);
	v51 =	vmul.f32 v54, v6  }
0x499: {  	s22 =	smul.f32 $1.562500000e-02, s25;
	s5 =	ssub.f32 $1.500000000e+00, s5  }
0x49a: {  	s2 =	sshra.s32 s28, $0x1;
	s4 =	smul.f32 $5.000000000e-01, s28  }
0x49b: {  	s2 =	ssub.s32 $0x5F3759DF, s2;
	s5 =	smul.f32 s5, s24  }
0x49c: {  	v46 =	vmul.f32 v46, v17;
	v53 =	vmul.f32 v32, v32;
	v52 =	vadd.f32 v39, v52;
	s6 =	smul.f32 s2, s4  }
0x49d: {  	s29 =	smul.f32 s22, s22  }
0x49e: {  	v62 =	vmul.f32 v37, v37;
	v46 =	vadd.f32 v53, v46;
	(xrf2) =	vadd.scan.msk.f32 $0xffff, v52;
	s6 =	smul.f32 s2, s6  }
0x49f: {  	s8 =	smul.f32 s5, s15  }
0x4a0: {  	v63 =	vmul.f32 v39, v39;
	v46 =	vadd.f32 v62, v46;
	v56, _, _ =	vpop (xrf2);
	s10 =	spop (v2sf);
	s6 =	ssub.f32 $1.500000000e+00, s6  }
0x4a1: {  	(v2sf) =	vpush v56, $0xF;
	s10 =	smul.f32 $1.562500000e-02, s10  }
0x4a2: {  	v46 =	vadd.f32 v63, v46;
	s2 =	smul.f32 s2, s6  }
0x4a3: {  	s30 =	smul.f32 s8, s5;
	s24 =	ssub.f32 s10, s29  }
0x4a4: {  	(xrf2) =	vadd.scan.msk.f32 $0xffff, v46;
	s25 =	smul.f32 s2, s4  }
0x4a5: {  	s8 =	sadd.f32 $9.999999740e-06, s24  }
0x4a6: {  	s6 =	ssub.f32 $1.500000000e+00, s30;
	s10 =	smul.f32 s25, s2  }
0x4a7: {  	s28 =	sshra.s32 s8, $0x1;
	s24 =	smul.f32 $5.000000000e-01, s8  }
0x4a8: {  	s5 =	smul.f32 s6, s5;
	v57, _, _ =	vpop (xrf2);
	s30 =	ssub.s32 $0x5F3759DF, s28;
	s29 =	ssub.f32 $1.500000000e+00, s10  }
0x4a9: {  	(v2sf) =	vpush v57, $0xF;
	s15 =	smul.f32 s30, s24  }
0x4aa: {  	v59 =	vmul.f32 v50, v3;
	s2 =	smul.f32 s29, s2  }
0x4ab: {  	v49 =	vmul.f32 v49, v0;
	s28 =	spop (v2sf);
	s25 =	smul.f32 s30, s15  }
0x4ac: {  	v58 =	vmul.f32 v48, v2;
	v60 =	vadd.f32 v51, v7;
	v48 =	vadd.f32 v59, v5;
	s15 =	smul.f32 $1.562500000e-02, s28  }
0x4ad: {  	v49 =	vadd.f32 v49, v1;
	s4 =	smul.f32 s2, s4  }
0x4ae: {  	v47 =	vadd.f32 v60, v47;
	v45 =	vadd.f32 v48, v45;
	v61, _, _ =	vpop (xrf2);
	s6 =	ssub.f32 $1.500000000e+00, s25;
	s10 =	smul.f32 s15, s15  }
0x4af: {  	v46 =	vadd.f32 v58, v4;
	(v2sf) =	vpush v61, $0xF;
	s4 =	smul.f32 s4, s2  }
0x4b0: {  	v62 =	vmov s20;
	[tilespmem:s18+$0x16830] =	vst v47;
	v63 =	vadd.f32 v49, v44;
	s6 =	smul.f32 s30, s6;
	s29 =	spop (v2sf)  }
0x4b1: {  	v33 =	vsub.f32 v33, v62;
	[tilespmem:s18+$0x16810] =	vst v45;
	v43 =	vadd.f32 v46, v43;
	s8 =	smul.f32 $1.562500000e-02, s29  }
0x4b2: {  	v31 =	vsub.f32 v31, v62;
	[tilespmem:s18+$0x16820] =	vst v63;
	s4 =	ssub.f32 $1.500000000e+00, s4;
	s30 =	smul.f32 s6, s24  }
0x4b3: {  	v34 =	vsub.f32 v34, v62;
	[tilespmem:s18+$0x16800] =	vst v43;
	v33 =	vmul.f32 s5, v33;
	s20 =	ssub.f32 s8, s10  }
0x4b4: {  	v26 =	vsub.f32 v26, v62;
	v31 =	vmul.f32 s5, v31;
	v43 =	vld [tilespmem:s16+$0x12830];
	s25 =	smul.f32 s30, s6  }
0x4b5: {  	v34 =	vmul.f32 s5, v34;
	v33 =	vmul.f32 v33, v6;
	s2 =	smul.f32 s4, s2;
	s4 =	sadd.f32 $9.999999740e-06, s20  }
0x4b6: {  	v26 =	vmul.f32 s5, v26;
	v31 =	vmul.f32 v31, v2;
	s29 =	ssub.f32 $1.500000000e+00, s25  }
0x4b7: {  	v34 =	vmul.f32 v34, v3;
	v33 =	vadd.f32 v33, v7;
	s20 =	smul.f32 $5.000000000e-01, s4  }
0x4b8: {  	v26 =	vmul.f32 v26, v0;
	v31 =	vadd.f32 v31, v4;
	s30 =	sshra.s32 s4, $0x1;
	s28 =	spop (v2sf);
	s5 =	smul.f32 s29, s6  }
0x4b9: {  	v34 =	vadd.f32 v34, v5;
	v33 =	vadd.f32 v33, v43;
	s4 =	ssub.s32 $0x5F3759DF, s30;
	s18 =	smul.f32 $1.562500000e-02, s28  }
0x4ba: {  	v26 =	vadd.f32 v26, v1;
	v31 =	vadd.f32 v31, v41;
	s10 =	smul.f32 s4, s20  }
0x4bb: {  	v34 =	vadd.f32 v34, v40;
	v40 =	vmov s19;
	[tilespmem:s16+$0x16830] =	vst v33;
	s25 =	smul.f32 s5, s24  }
0x4bc: {  	v26 =	vadd.f32 v26, v42;
	v25 =	vsub.f32 v25, v40;
	[tilespmem:s16+$0x16800] =	vst v31;
	s6 =	smul.f32 s4, s10  }
0x4bd: {  	v15 =	vsub.f32 v15, v40;
	[tilespmem:s16+$0x16810] =	vst v34;
	s29 =	smul.f32 s18, s18  }
0x4be: {  	v22 =	vsub.f32 v22, v40;
	[tilespmem:s16+$0x16820] =	vst v26;
	v25 =	vmul.f32 s2, v25;
	s8 =	smul.f32 s25, s5;
	s28 =	spop (v2sf)  }
0x4bf: {  	v16 =	vsub.f32 v16, v40;
	v26 =	vld [tilespmem:s13+$0x12830];
	v15 =	vmul.f32 s2, v15;
	s6 =	ssub.f32 $1.500000000e+00, s6;
	s10 =	smul.f32 $1.562500000e-02, s28  }
0x4c0: {  	v22 =	vmul.f32 s2, v22;
	v25 =	vmul.f32 v25, v6;
	s8 =	ssub.f32 $1.500000000e+00, s8  }
0x4c1: {  	v16 =	vmul.f32 s2, v16;
	v15 =	vmul.f32 v15, v2;
	s30 =	ssub.f32 s10, s29  }
0x4c2: {  	v22 =	vmul.f32 v22, v3;
	v25 =	vadd.f32 v25, v7;
	s4 =	smul.f32 s4, s6  }
0x4c3: {  	v16 =	vmul.f32 v16, v0;
	v15 =	vadd.f32 v15, v4;
	s5 =	smul.f32 s8, s5;
	s2 =	sadd.f32 $9.999999740e-06, s30  }
0x4c4: {  	v22 =	vadd.f32 v22, v5;
	v25 =	vadd.f32 v25, v26;
	s6 =	smul.f32 s4, s20  }
0x4c5: {  	v16 =	vadd.f32 v16, v1;
	v15 =	vadd.f32 v15, v35;
	s10 =	sshra.s32 s2, $0x1;
	s2 =	smul.f32 $5.000000000e-01, s2  }
0x4c6: {  	v41 =	vmov s22;
	v22 =	vadd.f32 v22, v38;
	[tilespmem:s13+$0x16830] =	vst v25;
	s6 =	smul.f32 s6, s4;
	s8 =	ssub.s32 $0x5F3759DF, s10  }
0x4c7: {  	v43 =	vsub.f32 v19, v41;
	v42 =	vadd.f32 v16, v36;
	[tilespmem:s13+$0x16800] =	vst v15;
	s16 =	smul.f32 s8, s2  }
0x4c8: {  	v9 =	vsub.f32 v9, v41;
	[tilespmem:s13+$0x16810] =	vst v22;
	s6 =	ssub.f32 $1.500000000e+00, s6  }
0x4c9: {  	v11 =	vsub.f32 v11, v41;
	[tilespmem:s13+$0x16820] =	vst v42;
	v44 =	vmul.f32 s5, v43;
	s10 =	smul.f32 s8, s16  }
0x4ca: {  	v12 =	vsub.f32 v12, v41;
	v45 =	vld [tilespmem:s11+$0x12830];
	v9 =	vmul.f32 s5, v9;
	s4 =	smul.f32 s6, s4  }
0x4cb: {  	v11 =	vmul.f32 s5, v11;
	v15 =	vmul.f32 v44, v6;
	s19 =	ssub.f32 $1.500000000e+00, s10  }
0x4cc: {  	v12 =	vmul.f32 s5, v12;
	v9 =	vmul.f32 v9, v2;
	s22 =	smul.f32 s4, s20  }
0x4cd: {  	v11 =	vmul.f32 v11, v3;
	v15 =	vadd.f32 v15, v7;
	s6 =	smul.f32 s8, s19  }
0x4ce: {  	v12 =	vmul.f32 v12, v0;
	v9 =	vadd.f32 v9, v4;
	s5 =	smul.f32 s22, s4  }
0x4cf: {  	v11 =	vadd.f32 v11, v5;
	v15 =	vadd.f32 v15, v45;
	s8 =	smul.f32 s6, s2  }
0x4d0: {  	v12 =	vadd.f32 v12, v1;
	v9 =	vadd.f32 v9, v30;
	s5 =	ssub.f32 $1.500000000e+00, s5  }
0x4d1: {  	v46 =	vmov s15;
	v11 =	vadd.f32 v11, v28;
	[tilespmem:s11+$0x16830] =	vst v15;
	s8 =	smul.f32 s8, s6  }
0x4d2: {  	v48 =	vsub.f32 v14, v46;
	v47 =	vadd.f32 v12, v27;
	[tilespmem:s11+$0x16800] =	vst v9;
	s4 =	smul.f32 s5, s4  }
0x4d3: {  	v49 =	vsub.f32 v13, v46;
	[tilespmem:s11+$0x16810] =	vst v11;
	s24 =	ssub.f32 $1.500000000e+00, s8  }
0x4d4: {  	v8 =	vsub.f32 v8, v46;
	[tilespmem:s11+$0x16820] =	vst v47;
	v50 =	vmul.f32 s4, v48  }
0x4d5: {  	v10 =	vsub.f32 v10, v46;
	v51 =	vld [tilespmem:s12+$0x12830];
	v11 =	vmul.f32 s4, v49;
	s5 =	smul.f32 s24, s6  }
0x4d6: {  	v8 =	vmul.f32 s4, v8;
	v9 =	vmul.f32 v50, v6  }
0x4d7: {  	v10 =	vmul.f32 s4, v10;
	v11 =	vmul.f32 v11, v2;
	s2 =	smul.f32 s5, s2  }
0x4d8: {  	v8 =	vmul.f32 v8, v3;
	v9 =	vadd.f32 v9, v7  }
0x4d9: {  	v10 =	vmul.f32 v10, v0;
	v11 =	vadd.f32 v11, v4;
	s2 =	smul.f32 s2, s5  }
0x4da: {  	v8 =	vadd.f32 v8, v5;
	v9 =	vadd.f32 v9, v51  }
0x4db: {  	v10 =	vadd.f32 v10, v1;
	v11 =	vadd.f32 v11, v20;
	s2 =	ssub.f32 $1.500000000e+00, s2  }
0x4dc: {  	v52 =	vmov s18;
	v8 =	vadd.f32 v8, v21;
	[tilespmem:s12+$0x16830] =	vst v9  }
0x4dd: {  	v53 =	vsub.f32 v39, v52;
	v10 =	vadd.f32 v10, v23;
	[tilespmem:s12+$0x16800] =	vst v11;
	s2 =	smul.f32 s2, s5  }
0x4de: {  	v54 =	vsub.f32 v17, v52;
	[tilespmem:s12+$0x16810] =	vst v8  }
0x4df: {  	v55 =	vsub.f32 v32, v52;
	[tilespmem:s12+$0x16820] =	vst v10;
	v11 =	vmul.f32 s2, v53  }
0x4e0: {  	v9 =	vsub.f32 v37, v52;
	v56 =	vld [tilespmem:s14+$0x12830];
	v8 =	vmul.f32 s2, v54  }
0x4e1: {  	v10 =	vmul.f32 s2, v55;
	v57 =	vmul.f32 v11, v6  }
0x4e2: {  	v9 =	vmul.f32 s2, v9;
	v58 =	vmul.f32 v8, v2  }
0x4e3: {  	v59 =	vmul.f32 v10, v3;
	v6 =	vadd.f32 v57, v7  }
0x4e4: {  	v60 =	vmul.f32 v9, v0;
	v2 =	vadd.f32 v58, v4  }
0x4e5: {  	v3 =	vadd.f32 v59, v5;
	v61 =	vadd.f32 v6, v56  }
0x4e6: {  	v0 =	vadd.f32 v60, v1;
	v62 =	vadd.f32 v2, v18  }
0x4e7: {  	v63 =	vadd.f32 v3, v24;
	[tilespmem:s14+$0x16830] =	vst v61  }
0x4e8: {  	v0 =	vadd.f32 v0, v29;
	[tilespmem:s14+$0x16800] =	vst v62  }
0x4e9: {  	[tilespmem:s14+$0x16810] =	vst v63  }
0x4ea: {  	s25 =	rddreg [dreg:$0x11];
	s28 =	simm.s32 $0x16800;
	s10 =	simm.s32 $0x0;
	[tilespmem:s14+$0x16820] =	vst v0  }
0x4eb: {  	[hbm4b:s25+s10] =	stream.linear.scatter [tilespmem:s28], [sflag:$0x6], $0x2000, $0x38;
	[tilespmem:$0x1C880] =	vst v63  }
0x4ec: {  	_ =	swait.ge [sflag:s21], $0x2000  }
0x4ed: {  	[sflag:s21] =	ssyncset.done $0x0  }
0x4ee: {  	[sflag:s21] =	ssyncadd.s32 $0xFFFFE000  }
0x4ef: {  	_ =	swait.ge [sflag:s23], $0x2000  }
0x4f0: {  	s29 =	rddreg [dreg:$0x13]  }
0x4f1: {  	s30 =	rddreg [dreg:$0x12];
	s5 =	sadd.s32 $0x1, s29  }
0x4f2: {  	p0 =	sne.s32 s5, s30  }
.Ltmp8:
0x4f3: {  	_ = 	snop;
	(pc) =	sbr.rel @p0 .LBB2_1-.Ltmp8, $3  }
0x4f4: {  	_ =	sdelay $0x1  }
0x4f5: {  	s16 =	simm.s32 $0x18800;
	s4 =	simm.s32 $0x1A800;
	[sflag:s23] =	ssyncset.done $0x0  }
0x4f6: {  	s8 =	simm.s32 $0x1A840;
	s6 =	simm.s32 $0x7;
	[sflag:s23] =	ssyncadd.s32 $0xFFFFE000  }
0x4f7: {  	_ =	sfence.sel $0x180000  }
0x4f8: {  	[bflag:$0x0] =	sbarrier.arrive $0xFFFF  }
0x4f9: {  	_ =	strace $0x90000047  }
0x4fa: {  	s0 =	stileid.u32;
	[bflag:$0x2] =	sbarrier.arrive $0xFFFF  }
0x4fb: {  	p0 =	sne.s32 s0, $0x0;
	s0 =	rddreg [dreg:$0x7]  }
0x4fc: {  	s0 =	sadd.s32 @!p0 $0x100000, s0  }
0x4fd: {  	[sflag:s0] =	ssyncadd.tile.s32 @!p0 $0x1;
	_ =	shalt  }
.Lfunc_end2:
_tile_overlayer_lowered:
.L_overlay_start_2:
0x4fe: {  	(tag) =	ssettag $0x2  }
0x4ff: {  	s0 =	rddreg [dreg:$0x0];
	s2 =	stileid.u32  }
0x500: {  	s1 =	rddreg [dreg:$0x1];
	p0 =	sne.s32 s2, $0x0  }
0x501: {  	s3 =	rddreg [dreg:$0x2];
	[bflag:$0x3] =	sbarrier.arrive $0xFFFF;
	s2 =	simm.s32 @!p0 $0x1C07  }
0x502: {  	[timem:s3], [sflag:s2] =	dma.local @!p0 [hbm:s0], s1  }
0x503: {  	s0 =	simm.s32 @!p0 $0x7  }
0x504: {  	_ =	swait.ge @!p0 [sflag:s0], s1  }
0x505: {  	s1 =	ssub.s32 @!p0 $0x0, s1;
	[sflag:s0] =	ssyncset.done @!p0 $0x0  }
0x506: {  	[sflag:s0] =	ssyncadd.s32 @!p0 s1  }
0x507: {  	[bflag:$0x3] =	sbarrier.arrive $0xFFFF  }
0x508: {  	_ =	shalt  }

// kernel: sparse-core-data-format-call.cloned.1.call-start
scs
called_computation_lowered:
.L_overlay_start_0:
0x0: {  	s2 =	sld [smem:$0x3FD9]  }
0x1: {  	s3 =	sld [smem:$0x3FFE];
	_ =	sdelay $0x1  }
0x2: {  	s1 =	srdreg.scid  }
0x3: {  	s0 =	sand.u32 $0x1, s1  }
0x4: {  	s18 =	sshll.u32 s0, $0xA;
	s2 =	sadd.s32 s3, s2  }
0x5: {  	s2 =	sadd.s32 s2, s18  }
0x6: {  	[smem:$0x3FC0] =	sst s2  }
0x7: {  	_ = 	snop  }
0x8: {  	s2 =	sld [smem:$0x3FD0];
	(tm) =	ssettm $0x1  }
0x9: {  	s19 =	sld [smem:$0x3FFB];
	_ =	sdelay $0x3  }
0xa: {  	_ =	strace s19  }
0xb: {  	s3 =	sld [smem:$0x3FFC];
	_ =	sdelay $0x3  }
0xc: {  	_ =	strace s3  }
0xd: {  	s3 =	sld [smem:$0x3FFD];
	_ =	sdelay $0x3  }
0xe: {  	_ =	strace s3  }
0xf: {  	_ =	strace $0x8FFFFFFF  }
0x10: {  	s20 =	sld [smem:$0x3FDB];
	_ =	sdelay $0x1  }
0x11: {  	s4 =	simm.s32 $_scs_section_size  }
0x12: {  	s5 =	simm.s32 $_size__tile_overlayer_lowered;
	s6 =	simm.s32 $_tile_overlayer_lowered  }
0x13: {  	s23 =	simm.s32 $0x1BFF;
	s22 =	sshll.u32 s6, $0x1;
	s3 =	sadd.s32 s4, s20  }
0x14: {  	s7 =	simm.s32 $0x0;
	s21 =	sshll.u32 s5, $0x1;
	s5 =	sadd.s32 s22, s3  }
0x15: {  	[timem:s7], [sflag:s23] =	dma.local [hbm:s5], s21  }
0x16: {  	_ =	swait.ge [sflag:s23], s21  }
0x17: {  	s4 =	ssub.s32 $0x0, s21;
	[sflag:s23] =	ssyncset.done $0x0  }
0x18: {  	[sflag:s23] =	ssyncadd.s32 s4;
	_ =	sdelay $0x1  }
0x19: {  	s24 =	simm.s32 $0x1B8B  }
0x1a: {  	_ =	swait.ge [sflag:s24], $0x1  }
0x1b: {  	[sflag:s24] =	ssyncset.done $0x0  }
0x1c: {  	s26 =	simm.s32 $0x1B8E;
	s25 =	sld [smem:$0x3FFE];
	[sflag:s24] =	ssyncadd.s32 $0xFFFFFFFF  }
0x1d: {  	s27 =	simm.s32 $execute0_lowered;
	[smem:$0x3FD2] =	sst s26  }
0x1e: {  	s5 =	sshll.u32 s27, $0x1;
	_ =	strace $0x80000049;
	[dreg:$0x1] =	wrdreg $0xFFFFFFFF  }
0x1f: {  	s28 =	simm.s32 $_size_execute0_lowered;
	s3 =	sadd.s32 s3, s5;
	[dreg:$0x0] =	wrdreg $0x0  }
0x20: {  	s5 =	sshll.u32 s28, $0x1;
	[dreg:$0x2] =	wrdreg s3  }
0x21: {  	[dreg:$0x3] =	wrdreg s5  }
0x22: {  	[dreg:$0x4] =	wrdreg $0xC0  }
0x23: {  	_ =	task [dreg:s7], $0x5FFFF  }
0x24: {  	[dreg:$0x1] =	wrdreg $0xFFFFFFFF  }
0x25: {  	[dreg:$0x0] =	wrdreg $0x60  }
0x26: {  	[dreg:$0x2] =	wrdreg s25  }
0x27: {  	[dreg:$0x3] =	wrdreg s2  }
0x28: {  	[dreg:$0x4] =	wrdreg $0x9  }
0x29: {  	_ =	task.clear_ibuf [dreg:s7], $0x5FFFF;
	_ =	strace $0x90000049  }
0x2a: {  	s29 =	simm.s32 $0x9;
	_ =	strace $0x8000004B  }
0x2b: {  	_ =	swait.ge [sflag:s29], $0x1  }
0x2c: {  	[sflag:s29] =	ssyncadd.s32 $0xFFFFFFFF  }
0x2d: {  	_ =	strace $0x9000004B  }
0x2e: {  	_ =	sfence  }
0x2f: {  	s30 =	sld [smem:$0x0];
	_ =	sdelay $0x2  }
0x30: {  	s31 =	sshll.u32 s1, $0xD;
	s1 =	sshrl.u32 s1, $0x2  }
0x31: {  	s3 =	sand.u32 $0x4000, s31;
	s1 =	sadd.s32 s1, s30  }
0x32: {  	s0 =	sor.u32 s3, s0;
	s1 =	sshll.u32 s1, $0x11  }
0x33: {  	s0 =	sor.u32 s1, s0  }
0x34: {  	s0 =	sadd.s32 $0x8F2B, s0  }
0x35: {  	[sflag:s0] =	ssyncadd.remote.s32 $0x1  }
0x36: {  	_ =	sfence.sel $0xFFFF  }
0x37: {  	[dreg:$0x0] =	wrdreg $0xFFFFFFFF;
	(pc) =	sbr.abs _section_cstart, $3  }
0x38: {  	[dreg:$0x1] =	wrdreg $0xFFFFFFFF  }
0x39: {  	_ =	task.clear_ibuf [dreg:s7], $0x2FFFF;
	_ =	strace $0x9FFFFFFF  }
0x3a: {  	(tm) =	ssettm $0x7FFFFFFF  }
0x3b: {  	_ =	shalt  }
tec
execute0_lowered:
.L_overlay_start_1:
0x0: {  	(tag) =	ssettag $0x1  }
0x1: {  	s0 =	srdreg.scid  }
0x2: {  	s1 =	sshll.u32 s0, $0x4  }
0x3: {  	s0 =	stileid.u32;
	s1 =	sand.u32 $0x10, s1  }
0x4: {  	s1 =	sor.u32 s0, s1  }
0x5: {  	s6 =	rddreg [dreg:$0x0];
	s4 =	simm.s32 $0x1;
	s2 =	sshll.u32 s1, $0x7  }
0x6: {  	s7 =	simm.s32 $0x2;
	s12 =	simm.s32 $0x0;
	s1 =	ssub.s32 $0x1000, s2  }
0x7: {  	s8 =	simm.s32 $0x8000;
	s13 =	simm.s32 $0x0;
	s3 =	sand.u32 $0xF80, s1  }
0x8: {  	s9 =	simm.s32 $0x0;
	s5 =	sshrl.u32 s1, $0xC;
	p0 =	sne.s32 s3, $0x0  }
.Ltmp0:
0x9: {  	s1 =	rddreg [dreg:$0x2];
	s4 =	simm.s32 @!p0 $0x0;
	(pc) =	sbr.rel .LBB1_1-.Ltmp0, $4  }
0xa: {  	s11 =	simm.s32 $0x0;
	s3 =	rddreg [dreg:$0x1];
	s5 =	sadd.s32 s4, s5  }
0xb: {  	_ =	strace $0x8000004A;
	s4 =	simm.s32 $0x1;
	s5 =	smul.u32 $0xC8, s5  }
0xc: {  	s6 =	sadd.s32 $0xE00, s6;
	s10 =	smov.u32 s2;
	[sflag:s4] =	ssyncpa.u1 $0x0  }
0xd: {  	p0 =	por $0x0, $0x0;
	[sflag:s7] =	ssyncpa.u1 $0x0;
	s7 =	sor.u32 $0x1, s5  }
.LBB1_4:
0xe: {  	s16 =	sshll.u32 s13, $0x3;
	s17 =	sand.u32 $0x78, s13  }
0xf: {  	s30 =	sand.u32 $0x7E00, s13;
	s12 =	sshll.u32 s12, $0xF;
	s16 =	sand.u32 $0xC00, s16  }
0x10: {  	[tilespmem:s15+$0x810 ss:$0x81] =	vst.msk $0xffff, v2;
	s31 =	sand.u32 $0x7, s13;
	s16 =	sor.u32 s17, s16;
	s17 =	sadd.s32 s3, s30  }
0x11: {  	[tilespmem:s15+$0x1020 ss:$0x81] =	vst.msk $0xffff, v0;
	s13 =	sshll.u32 s31, $0x12;
	s12 =	sadd.s32 s12, s17;
	s16 =	sshrl.u32 s16, $0x3  }
0x12: {  	[tilespmem:s15+$0x0 ss:$0x81] =	vst.msk $0xffff, v1;
	s13 =	sor.u32 $0x400, s13;
	s12 =	sadd.s32 s16, s12  }
0x13: {  	[hbm4b:s12+s13] =	stream.strided.scatter [tilespmem:s14], [sflag:$0x2], $0x2000, s8, s13, $0x20;
	[tilespmem:$0x8080] =	vst v63  }
.LBB1_5:
0x14: {  	s14 =	sadd.s32 $0x1, s9  }
0x15: {  	s12 =	sadd.s32 $0x1000, s10;
	s16 =	smov.u32 s10;
	p2 =	sgt.s32 s14, $0xC7  }
0x16: {  	s16 =	smov.u32 @p2 s12  }
0x17: {  	s14 =	simm.s32 @p2 $0x0;
	p2 =	sgt.s32 s16, $0xFFF  }
0x18: {  	s16 =	smov.u32 @p2 s2;
	p2 =	sne.s32 s11, s7  }
.Ltmp1:
0x19: {  	p1 =	slt.u32 s11, $0x2;
	(pc) =	sbr.rel @!p2 .LBB1_6-.Ltmp1, $4  }
0x1a: {  	s15 =	simm.s32 @!p1 $0x2  }
0x1b: {  	s13 =	smov.u32 s10;
	p0 =	por !p0, !p0;
	_ =	swait.ge @!p1 [sflag:s15], $0x2000  }
0x1c: {  	s12 =	smov.u32 s9;
	[sflag:s15] =	ssyncset.done @!p1 $0x0;
	s9 =	smov.u32 s14  }
0x1d: {  	s11 =	sadd.s32 $0x1, s11;
	[sflag:s15] =	ssyncadd.s32 @!p1 $0xFFFFE000;
	s10 =	smov.u32 s16  }
.LBB1_1:
0x1e: {  	p1 =	sge.u32 s11, s5  }
0x1f: {  	s14 =	sand.u32 @!p1 $0x1FFFFFF, s9  }
0x20: {  	s15 =	smulhi.u32 @!p1 $0x147AE15, s14;
	_ =	sdelay $0x1  }
0x21: {  	s15 =	smul.u32 @!p1 $0xC8, s15  }
0x22: {  	s16 =	sxor.u32 @!p1 $0xFFFFFFFF, s11;
	s17 =	smul.u32 @!p1 $0xC80, s10  }
0x23: {  	s31 =	sadd.s32 $0xFFFFFFFF, s11;
	s16 =	sshll.u32 @!p1 s16, $0xD;
	s14 =	ssub.s32 @!p1 s14, s15  }
0x24: {  	s15 =	sand.u32 @!p1 $0x2000, s16;
	s16 =	sadd.s32 @!p1 s6, s17;
	s14 =	sshll.u32 @!p1 s14, $0x4  }
0x25: {  	s17 =	simm.s32 @!p1 $0x6400;
	s14 =	sadd.s32 @!p1 s14, s16;
	s16 =	simm.s32 @!p1 $0x40  }
0x26: {  	[tilespmem:s15], [sflag:$0x1] =	stream.strided.gather @!p1 [hbm4b:s14+s16], $0x2000, s17, s16, $0x38;
	[tilespmem:$0x8080] =	vst v63  }
0x27: {  	p1 =	sge.u32 s31, s5  }
.Ltmp2:
0x28: {  	_ = 	snop;
	(pc) =	sbr.rel @p1 .LBB1_5-.Ltmp2, $1  }
0x29: {  	_ =	sdelay $0x3  }
0x2a: {  	s14 =	simm.s32 $0x1  }
0x2b: {  	_ =	swait.ge [sflag:s4], $0x2000;
	s14 =	simm.s32 @!p0 $0x0  }
0x2c: {  	[sflag:s4] =	ssyncset.done $0x0;
	s15 =	sshll.u32 s14, $0xD  }
0x2d: {  	[sflag:s4] =	ssyncadd.s32 $0xFFFFE000;
	s18 =	sor.u32 $0x20, s15  }
0x2e: {  	s14 =	smul.u32 $0x8100, s14;
	v3 =	vld [tilespmem:s18+$0x10]  }
0x2f: {  	s30 =	sand.u32 $0x1, s11;
	v2 =	vld [tilespmem:s18+$0xFFFFFFF0]  }
0x30: {  	s15 =	smul.u32 $0x8100, s30;
	s14 =	sshrl.u32 s14, $0x2;
	v0 =	vld [tilespmem:s18+$0x0]  }
0x31: {  	v1 =	vld [tilespmem:s18+$0xFFFFFFE0];
	s16 =	sor.u32 $0x4000, s14  }
0x32: {  	s31 =	sshrl.u32 s15, $0x2;
	s15 =	sadd.s32 $0x0, s16  }
0x33: {  	s17 =	simm.s32 $0x4;
	s18 =	sadd.s32 $0x40, s18;
	s14 =	sor.u32 $0x4000, s31;
	[tilespmem:s15+$0x1830 ss:$0x81] =	vst.msk $0xffff, v3  }
.LBB1_3:
0x34: {  	v3 =	vld [tilespmem:s18+$0x10];
	p1 =	sne.s32 s17, $0x1FC;
	[tilespmem:s15+$0x810 ss:$0x81] =	vst.msk $0xffff, v2;
	s19 =	smov.u32 s17;
	s17 =	sadd.s32 $0x4, s17  }
.Ltmp3:
0x35: {  	v2 =	vld [tilespmem:s18+$0xFFFFFFF0];
	[tilespmem:s15+$0x1020 ss:$0x81] =	vst.msk $0xffff, v0;
	(pc) =	sbr.rel @p1 .LBB1_3-.Ltmp3, $4  }
0x36: {  	v0 =	vld [tilespmem:s18+$0x0];
	[tilespmem:s15+$0x0 ss:$0x81] =	vst.msk $0xffff, v1  }
0x37: {  	s15 =	sshra.s32 s19, $0x2;
	v1 =	vld [tilespmem:s18+$0xFFFFFFE0]  }
0x38: {  	s15 =	sadd.s32 s15, s16  }
0x39: {  	s18 =	sadd.s32 $0x40, s18;
	[tilespmem:s15+$0x1830 ss:$0x81] =	vst.msk $0xffff, v3  }
.Ltmp4:
0x3a: {  	_ = 	snop;
	(pc) =	sbr.rel .LBB1_4-.Ltmp4, $1  }
0x3b: {  	_ =	sdelay $0x3  }
.LBB1_6:
0x3c: {  	_ =	sfence.sel $0x180000  }
0x3d: {  	s2 =	simm.s32 $0x1;
	[bflag:$0x0] =	sbarrier.arrive $0xFFFF  }
0x3e: {  	s31 =	simm.s32 $0x2;
	[sflag:s2] =	ssyncpa.u1 $0x1  }
0x3f: {  	[sflag:s31] =	ssyncpa.u1 $0x1  }
0x40: {  	p0 =	sne.s32 s0, $0x0;
	_ =	strace $0x9000004A  }
0x41: {  	s0 =	sadd.s32 @!p0 $0x100000, s1;
	[bflag:$0x2] =	sbarrier.arrive $0xFFFF  }
0x42: {  	[sflag:s0] =	ssyncadd.tile.s32 @!p0 $0x1;
	_ =	shalt  }
.Lfunc_end1:
_tile_overlayer_lowered:
.L_overlay_start_2:
0x43: {  	(tag) =	ssettag $0x2  }
0x44: {  	s0 =	rddreg [dreg:$0x0];
	s2 =	stileid.u32  }
0x45: {  	s1 =	rddreg [dreg:$0x1];
	p0 =	sne.s32 s2, $0x0  }
0x46: {  	s3 =	rddreg [dreg:$0x2];
	[bflag:$0x3] =	sbarrier.arrive $0xFFFF;
	s2 =	simm.s32 @!p0 $0x1C01  }
0x47: {  	[timem:s3], [sflag:s2] =	dma.local @!p0 [hbm:s0], s1  }
0x48: {  	s0 =	simm.s32 @!p0 $0x1  }
0x49: {  	_ =	swait.ge @!p0 [sflag:s0], s1  }
0x4a: {  	s1 =	ssub.s32 @!p0 $0x0, s1;
	[sflag:s0] =	ssyncset.done @!p0 $0x0  }
0x4b: {  	[sflag:s0] =	ssyncadd.s32 @!p0 s1  }
0x4c: {  	[bflag:$0x3] =	sbarrier.arrive $0xFFFF  }
0x4d: {  	_ =	shalt  }

</sc_bundles>
